<compile_context>
chip_gen: v7x
topology: tpu7x:2x2x1
jax: 0.10.2.dev20260603
libtpu: 0.0.44.dev20260713+nightly
codegen_flags: <defaults>
</compile_context>

<pallas_src>
import functools

import jax
import jax.numpy as jnp
from jax import lax
from jax.experimental import pallas as pl
from jax.experimental.pallas import tpu as pltpu
from jax.experimental.pallas import tpu_sc as plsc

L_SEQ = 50
B = 4096
D = 64
NC = 2
NS = 16
NW = NC * NS
BPW = B // NW
NBUF = 4


def _sc_body(title_hbm, table_hbm, sums_hbm, idx_v, dst_v, bufs, acc_sh, *sems):
  gsems = sems[:NBUF]
  ssems = sems[NBUF:]
  c = lax.axis_index("c")
  s = lax.axis_index("s")
  wid = s * NC + c
  base = wid * BPW
  local = s * BPW

  pltpu.sync_copy(title_hbm.at[:, pl.ds(base, BPW)], idx_v)

  for c8 in range(BPW // 16):
    dst_v[pl.ds(c8 * 16, 16)] = (
        local + c8 * 16 + lax.broadcasted_iota(jnp.int32, (16,), 0)
    )

  gdesc = {}
  sdesc = {}

  def gstart(l):
    b = l % NBUF
    d = pltpu.make_async_copy(table_hbm.at[idx_v.at[l]], bufs.at[b], gsems[b])
    d.start()
    gdesc[l] = d

  def sstart(l):
    b = l % NBUF
    d = pltpu.make_async_copy(bufs.at[b], acc_sh.at[dst_v], ssems[b])
    d.start(add=True)
    sdesc[l] = d

  for l in range(NBUF):
    gstart(l)
  gdesc[0].wait()
  init = pltpu.make_async_copy(bufs.at[0], acc_sh.at[pl.ds(local, BPW)],
                               ssems[0])
  init.start()
  init.wait()
  gstart(NBUF)

  for l in range(1, L_SEQ):
    gdesc[l].wait()
    sstart(l)
    if l >= 2:
      sdesc[l - 1].wait()
      nl = l - 1 + NBUF
      if nl < L_SEQ:
        gstart(nl)
  sdesc[L_SEQ - 1].wait()

  pltpu.sync_copy(acc_sh.at[pl.ds(local, BPW)],
                  sums_hbm.at[pl.ds(base, BPW)])


_sc_sums = functools.partial(
    pl.kernel,
    out_type=jax.ShapeDtypeStruct((B, D), jnp.float32),
    mesh=plsc.VectorSubcoreMesh(core_axis_name="c", subcore_axis_name="s"),
    scratch_types=[
        pltpu.VMEM((L_SEQ, BPW), jnp.int32),
        pltpu.VMEM((BPW,), jnp.int32),
        pltpu.VMEM((NBUF, BPW, D), jnp.float32),
        pltpu.VMEM_SHARED((NS * BPW, D), jnp.float32),
    ] + [pltpu.SemaphoreType.DMA] * (2 * NBUF),
    compiler_params=pltpu.CompilerParams(use_tc_tiling_on_sc=False),
)(_sc_body)


def _tc_body(sums_ref, ctx_ref, w_ref, b_ref, out_ref):
  w = w_ref[...]
  w64 = w[:, :D]
  wctx = w[:, D:]
  acc = jnp.sum(sums_ref[...] * w64, axis=1)
  ctxdot = jnp.sum(ctx_ref[...] * wctx, axis=1)
  out_ref[...] = acc * (1.0 / L_SEQ) + ctxdot + b_ref[0]


def _tc_epilogue(sums, ctx, fc_w, fc_b):
  return pl.pallas_call(
      _tc_body,
      out_shape=jax.ShapeDtypeStruct((B,), jnp.float32),
      in_specs=[
          pl.BlockSpec(memory_space=pltpu.VMEM),
          pl.BlockSpec(memory_space=pltpu.VMEM),
          pl.BlockSpec(memory_space=pltpu.VMEM),
          pl.BlockSpec(memory_space=pltpu.SMEM),
      ],
      out_specs=pl.BlockSpec(memory_space=pltpu.VMEM),
  )(sums, ctx, fc_w, fc_b)


@jax.jit
def kernel(title, serious, spoiler, nsfw, num_comments, emb_table, fc_w, fc_b):
  title = title.astype(jnp.int32)
  sums = _sc_sums(title, emb_table)
  ctx = jnp.stack([serious, spoiler, nsfw, num_comments],
                  axis=1).astype(jnp.float32)
  return _tc_epilogue(sums, ctx, fc_w, fc_b)

# --- scband reference (transcript-rebuilt; emitter-appended) ---
"""Pipeline reference for scband-baseline-72370198937701 (READ-ONLY COPY).

The authoritative reference and input builder live on the scoring server;
editing this copy changes nothing except your own understanding.
"""

import jax, jax.numpy as jnp
import numpy as np

L, B, V, D = 50, 4096, 1000000, 64

def setup_inputs(seed: int = 0) -> dict:
    key = jax.random.key(seed)
    ks = jax.random.split(key, 8)
    title = jax.random.randint(ks[0], (L, B), 0, V)
    serious = jax.random.randint(ks[1], (B,), 0, 2)
    spoiler = jax.random.randint(ks[2], (B,), 0, 2)
    nsfw = jax.random.randint(ks[3], (B,), 0, 2)
    num_comments = jax.random.randint(ks[4], (B,), 0, 500)
    emb_table = jax.random.normal(ks[5], (V, D), dtype=jnp.float32)
    fc_w = jax.random.normal(ks[6], (1, D + 4), dtype=jnp.float32) * 0.02
    fc_b = jnp.zeros((1,), dtype=jnp.float32)
    return {"title": title, "serious": serious, "spoiler": spoiler, "nsfw": nsfw,
            "num_comments": num_comments, "emb_table": emb_table, "fc_w": fc_w, "fc_b": fc_b}

def reference(title, serious, spoiler, nsfw, num_comments, emb_table, fc_w, fc_b):
    # embedding lookup: [L, B] -> [L, B, D]
    embedded = jnp.take(emb_table, title, axis=0)
    # mean over sequence dimension (dim 0): [B, D]
    average = embedded.mean(axis=0)
    serious_f = serious[:, None].astype(jnp.float32)
    spoiler_f = spoiler[:, None].astype(jnp.float32)
    nsfw_f = nsfw[:, None].astype(jnp.float32)
    num_comments_f = num_comments[:, None].astype(jnp.float32)
    average_and_context = jnp.concatenate(
        [average, serious_f, spoiler_f, nsfw_f, num_comments_f], axis=1)
    output = (average_and_context @ fc_w.T + fc_b).squeeze(1)
    return output

if __name__ == "__main__":
    import jax
    _d = setup_inputs()
    print(jax.jit(kernel)(*tuple(_d.values())))

</pallas_src>

<mosaic_0001>
#map = affine_map<(d0, d1) -> (0, 0)>
module attributes {stable_mosaic.version = 14 : i64} {
  func.func @_sc_body(%arg0: i32, %arg1: i32, %arg2: memref<50x4096xi32, #tpu.memory_space<hbm>>, %arg3: memref<1000000x64xf32, #tpu.memory_space<hbm>>, %arg4: memref<4096x64xf32, #tpu.memory_space<hbm>>, %arg5: memref<50x128xi32, #tpu.memory_space<vmem>>, %arg6: memref<128xi32, #tpu.memory_space<vmem>>, %arg7: memref<4x128x64xf32, #tpu.memory_space<vmem>>, %arg8: memref<2048x64xf32, #tpu.memory_space<vmem_shared>>, %arg9: memref<!tpu.dma_semaphore, #tpu.memory_space<semaphore_mem>>, %arg10: memref<!tpu.dma_semaphore, #tpu.memory_space<semaphore_mem>>, %arg11: memref<!tpu.dma_semaphore, #tpu.memory_space<semaphore_mem>>, %arg12: memref<!tpu.dma_semaphore, #tpu.memory_space<semaphore_mem>>, %arg13: memref<!tpu.dma_semaphore, #tpu.memory_space<semaphore_mem>>, %arg14: memref<!tpu.dma_semaphore, #tpu.memory_space<semaphore_mem>>, %arg15: memref<!tpu.dma_semaphore, #tpu.memory_space<semaphore_mem>>, %arg16: memref<!tpu.dma_semaphore, #tpu.memory_space<semaphore_mem>>) attributes {dimension_semantics = [#tpu.dimension_semantics<core_parallel>, #tpu.dimension_semantics<subcore_parallel>], iteration_bounds = array<i64: 2, 16>, scalar_prefetch = 0 : i64, scratch_operands = 12 : i64, tpu.core_type = #tpu.core_type<sc_vector_subcore>, window_params = [{transform_indices = #map}, {transform_indices = #map}, {transform_indices = #map}]} {
    %mul3A = arith.constant 2 : i32
    %mul3A_0 = arith.muli %arg1, %mul3A : i32
    %add3A = arith.addi %mul3A_0, %arg0 : i32
    %mul3A_1 = arith.constant 128 : i32
    %mul3A_2 = arith.muli %add3A, %mul3A_1 : i32
    %mul3A_3 = arith.constant 128 : i32
    %mul3A_4 = arith.muli %arg1, %mul3A_3 : i32
    "tpu.region"() ({
      %run_scoped3A = tpu.sem_alloc : memref<!tpu.dma_semaphore, #tpu.memory_space<semaphore_mem>>
      %dma_start3A_2083 = arith.constant 0 : i32
      %dma_start3A_2084 = tpu.memref_slice %arg2[%dma_start3A_2083, %mul3A_2] : memref<50x4096xi32, #tpu.memory_space<hbm>> -> memref<50x128xi32, #tpu.memory_space<hbm>>
      %dma_start3A_2085 = arith.constant 0 : i32
      %dma_start3A_2086 = tpu.memref_slice %arg2[%dma_start3A_2085, %mul3A_2] : memref<50x4096xi32, #tpu.memory_space<hbm>> -> memref<50x128xi32, #tpu.memory_space<hbm>>
      tpu.enqueue_dma source(%dma_start3A_2086 : memref<50x128xi32, #tpu.memory_space<hbm>>) target(%arg5 : memref<50x128xi32, #tpu.memory_space<vmem>>) target_semaphore(%run_scoped3A : memref<!tpu.dma_semaphore, #tpu.memory_space<semaphore_mem>>)
      %dma_wait3A_2087 = arith.constant 0 : i32
      %dma_wait3A_2088 = tpu.memref_slice %arg2[%dma_wait3A_2087, %mul3A_2] : memref<50x4096xi32, #tpu.memory_space<hbm>> -> memref<50x128xi32, #tpu.memory_space<hbm>>
      %dma_wait3A_2089 = arith.constant 0 : i32
      %dma_wait3A_2090 = tpu.memref_slice %arg2[%dma_wait3A_2089, %mul3A_2] : memref<50x4096xi32, #tpu.memory_space<hbm>> -> memref<50x128xi32, #tpu.memory_space<hbm>>
      tpu.wait_dma2 semaphore(%run_scoped3A : memref<!tpu.dma_semaphore, #tpu.memory_space<semaphore_mem>>) src(%dma_wait3A_2090 : memref<50x128xi32, #tpu.memory_space<hbm>>) dst(%arg5 : memref<50x128xi32, #tpu.memory_space<vmem>>)
      tpu.yield
    }) : () -> ()
    %add3A_5 = arith.constant 0 : i32
    %add3A_6 = arith.addi %mul3A_4, %add3A_5 : i32
    %iota3A = tpu.iota {dimensions = array<i32: 0>} : vector<16xi32>
    %add3A_7 = vector.broadcast %add3A_6 : i32 to vector<16xi32>
    %add3A_8 = arith.addi %add3A_7, %iota3A : vector<16xi32>
    %swap3A = arith.constant 0 : index
    %swap3A_9 = tpu.vector_load %arg6[%swap3A] {strides = array<i32>} : memref<128xi32, #tpu.memory_space<vmem>>, vector<16xi32>,
    %swap3A_10 = vector.shape_cast %swap3A_9 : vector<16xi32> to vector<16xi32>
    %swap3A_11 = vector.shape_cast %add3A_8 : vector<16xi32> to vector<16xi32>
    tpu.vector_store %arg6[%swap3A], %swap3A_11 {strides = array<i32>} : memref<128xi32, #tpu.memory_space<vmem>>, vector<16xi32>,
    %add3A_12 = arith.constant 16 : i32
    %add3A_13 = arith.addi %mul3A_4, %add3A_12 : i32
    %iota3A_14 = tpu.iota {dimensions = array<i32: 0>} : vector<16xi32>
    %add3A_15 = vector.broadcast %add3A_13 : i32 to vector<16xi32>
    %add3A_16 = arith.addi %add3A_15, %iota3A_14 : vector<16xi32>
    %swap3A_17 = arith.constant 16 : index
    %swap3A_18 = tpu.vector_load %arg6[%swap3A_17] {strides = array<i32>} : memref<128xi32, #tpu.memory_space<vmem>>, vector<16xi32>,
    %swap3A_19 = vector.shape_cast %swap3A_18 : vector<16xi32> to vector<16xi32>
    %swap3A_20 = vector.shape_cast %add3A_16 : vector<16xi32> to vector<16xi32>
    tpu.vector_store %arg6[%swap3A_17], %swap3A_20 {strides = array<i32>} : memref<128xi32, #tpu.memory_space<vmem>>, vector<16xi32>,
    %add3A_21 = arith.constant 32 : i32
    %add3A_22 = arith.addi %mul3A_4, %add3A_21 : i32
    %iota3A_23 = tpu.iota {dimensions = array<i32: 0>} : vector<16xi32>
    %add3A_24 = vector.broadcast %add3A_22 : i32 to vector<16xi32>
    %add3A_25 = arith.addi %add3A_24, %iota3A_23 : vector<16xi32>
    %swap3A_26 = arith.constant 32 : index
    %swap3A_27 = tpu.vector_load %arg6[%swap3A_26] {strides = array<i32>} : memref<128xi32, #tpu.memory_space<vmem>>, vector<16xi32>,
    %swap3A_28 = vector.shape_cast %swap3A_27 : vector<16xi32> to vector<16xi32>
    %swap3A_29 = vector.shape_cast %add3A_25 : vector<16xi32> to vector<16xi32>
    tpu.vector_store %arg6[%swap3A_26], %swap3A_29 {strides = array<i32>} : memref<128xi32, #tpu.memory_space<vmem>>, vector<16xi32>,
    %add3A_30 = arith.constant 48 : i32
    %add3A_31 = arith.addi %mul3A_4, %add3A_30 : i32
    %iota3A_32 = tpu.iota {dimensions = array<i32: 0>} : vector<16xi32>
    %add3A_33 = vector.broadcast %add3A_31 : i32 to vector<16xi32>
    %add3A_34 = arith.addi %add3A_33, %iota3A_32 : vector<16xi32>
    %swap3A_35 = arith.constant 48 : index
    %swap3A_36 = tpu.vector_load %arg6[%swap3A_35] {strides = array<i32>} : memref<128xi32, #tpu.memory_space<vmem>>, vector<16xi32>,
    %swap3A_37 = vector.shape_cast %swap3A_36 : vector<16xi32> to vector<16xi32>
    %swap3A_38 = vector.shape_cast %add3A_34 : vector<16xi32> to vector<16xi32>
    tpu.vector_store %arg6[%swap3A_35], %swap3A_38 {strides = array<i32>} : memref<128xi32, #tpu.memory_space<vmem>>, vector<16xi32>,
    %add3A_39 = arith.constant 64 : i32
    %add3A_40 = arith.addi %mul3A_4, %add3A_39 : i32
    %iota3A_41 = tpu.iota {dimensions = array<i32: 0>} : vector<16xi32>
    %add3A_42 = vector.broadcast %add3A_40 : i32 to vector<16xi32>
    %add3A_43 = arith.addi %add3A_42, %iota3A_41 : vector<16xi32>
    %swap3A_44 = arith.constant 64 : index
    %swap3A_45 = tpu.vector_load %arg6[%swap3A_44] {strides = array<i32>} : memref<128xi32, #tpu.memory_space<vmem>>, vector<16xi32>,
    %swap3A_46 = vector.shape_cast %swap3A_45 : vector<16xi32> to vector<16xi32>
    %swap3A_47 = vector.shape_cast %add3A_43 : vector<16xi32> to vector<16xi32>
    tpu.vector_store %arg6[%swap3A_44], %swap3A_47 {strides = array<i32>} : memref<128xi32, #tpu.memory_space<vmem>>, vector<16xi32>,
    %add3A_48 = arith.constant 80 : i32
    %add3A_49 = arith.addi %mul3A_4, %add3A_48 : i32
    %iota3A_50 = tpu.iota {dimensions = array<i32: 0>} : vector<16xi32>
    %add3A_51 = vector.broadcast %add3A_49 : i32 to vector<16xi32>
    %add3A_52 = arith.addi %add3A_51, %iota3A_50 : vector<16xi32>
    %swap3A_53 = arith.constant 80 : index
    %swap3A_54 = tpu.vector_load %arg6[%swap3A_53] {strides = array<i32>} : memref<128xi32, #tpu.memory_space<vmem>>, vector<16xi32>,
    %swap3A_55 = vector.shape_cast %swap3A_54 : vector<16xi32> to vector<16xi32>
    %swap3A_56 = vector.shape_cast %add3A_52 : vector<16xi32> to vector<16xi32>
    tpu.vector_store %arg6[%swap3A_53], %swap3A_56 {strides = array<i32>} : memref<128xi32, #tpu.memory_space<vmem>>, vector<16xi32>,
    %add3A_57 = arith.constant 96 : i32
    %add3A_58 = arith.addi %mul3A_4, %add3A_57 : i32
    %iota3A_59 = tpu.iota {dimensions = array<i32: 0>} : vector<16xi32>
    %add3A_60 = vector.broadcast %add3A_58 : i32 to vector<16xi32>
    %add3A_61 = arith.addi %add3A_60, %iota3A_59 : vector<16xi32>
    %swap3A_62 = arith.constant 96 : index
    %swap3A_63 = tpu.vector_load %arg6[%swap3A_62] {strides = array<i32>} : memref<128xi32, #tpu.memory_space<vmem>>, vector<16xi32>,
    %swap3A_64 = vector.shape_cast %swap3A_63 : vector<16xi32> to vector<16xi32>
    %swap3A_65 = vector.shape_cast %add3A_61 : vector<16xi32> to vector<16xi32>
    tpu.vector_store %arg6[%swap3A_62], %swap3A_65 {strides = array<i32>} : memref<128xi32, #tpu.memory_space<vmem>>, vector<16xi32>,
    %add3A_66 = arith.constant 112 : i32
    %add3A_67 = arith.addi %mul3A_4, %add3A_66 : i32
    %iota3A_68 = tpu.iota {dimensions = array<i32: 0>} : vector<16xi32>
    %add3A_69 = vector.broadcast %add3A_67 : i32 to vector<16xi32>
    %add3A_70 = arith.addi %add3A_69, %iota3A_68 : vector<16xi32>
    %swap3A_71 = arith.constant 112 : index
    %swap3A_72 = tpu.vector_load %arg6[%swap3A_71] {strides = array<i32>} : memref<128xi32, #tpu.memory_space<vmem>>, vector<16xi32>,
    %swap3A_73 = vector.shape_cast %swap3A_72 : vector<16xi32> to vector<16xi32>
    %swap3A_74 = vector.shape_cast %add3A_70 : vector<16xi32> to vector<16xi32>
    tpu.vector_store %arg6[%swap3A_71], %swap3A_74 {strides = array<i32>} : memref<128xi32, #tpu.memory_space<vmem>>, vector<16xi32>,
    %dma_start3A = arith.constant 0 : i32
    %dma_start3A_75 = arith.constant 0 : i32
    %dma_start3A_76 = arith.constant 0 : i32
    %dma_start3A_77 = arith.constant 0 : i32
    %dma_start3A_78 = tpu.memref_slice %arg7[%dma_start3A_75, %dma_start3A_76, %dma_start3A_77] : memref<4x128x64xf32, #tpu.memory_space<vmem>> -> memref<1x128x64xf32, #tpu.memory_space<vmem>>
    %dma_start3A_79 = tpu.memref_squeeze %dma_start3A_78 : memref<1x128x64xf32, #tpu.memory_space<vmem>> -> memref<128x64xf32, #tpu.memory_space<vmem>>
    %dma_start3A_80 = arith.constant 0 : i32
    %dma_start3A_81 = tpu.memref_slice %arg5[%dma_start3A, %dma_start3A_80] : memref<50x128xi32, #tpu.memory_space<vmem>> -> memref<1x128xi32, #tpu.memory_space<vmem>>
    %dma_start3A_82 = tpu.memref_squeeze %dma_start3A_81 : memref<1x128xi32, #tpu.memory_space<vmem>> -> memref<128xi32, #tpu.memory_space<vmem>>
    %dma_start3A_83 = arith.constant 0 : i32
    %dma_start3A_84 = arith.constant 0 : i32
    %dma_start3A_85 = tpu.memref_slice %arg3[%dma_start3A_83, %dma_start3A_84] : memref<1000000x64xf32, #tpu.memory_space<hbm>> -> memref<1000000x64xf32, #tpu.memory_space<hbm>>
    tpu.enqueue_indirect_dma source(%dma_start3A_85 : memref<1000000x64xf32, #tpu.memory_space<hbm>>) target(%dma_start3A_79 : memref<128x64xf32, #tpu.memory_space<vmem>>) offsets(%dma_start3A_82 : memref<128xi32, #tpu.memory_space<vmem>>) semaphore(%arg9 : memref<!tpu.dma_semaphore, #tpu.memory_space<semaphore_mem>>)
    %dma_start3A_86 = arith.constant 1 : i32
    %dma_start3A_87 = arith.constant 1 : i32
    %dma_start3A_88 = arith.constant 0 : i32
    %dma_start3A_89 = arith.constant 0 : i32
    %dma_start3A_90 = tpu.memref_slice %arg7[%dma_start3A_87, %dma_start3A_88, %dma_start3A_89] : memref<4x128x64xf32, #tpu.memory_space<vmem>> -> memref<1x128x64xf32, #tpu.memory_space<vmem>>
    %dma_start3A_91 = tpu.memref_squeeze %dma_start3A_90 : memref<1x128x64xf32, #tpu.memory_space<vmem>> -> memref<128x64xf32, #tpu.memory_space<vmem>>
    %dma_start3A_92 = arith.constant 0 : i32
    %dma_start3A_93 = tpu.memref_slice %arg5[%dma_start3A_86, %dma_start3A_92] : memref<50x128xi32, #tpu.memory_space<vmem>> -> memref<1x128xi32, #tpu.memory_space<vmem>>
    %dma_start3A_94 = tpu.memref_squeeze %dma_start3A_93 : memref<1x128xi32, #tpu.memory_space<vmem>> -> memref<128xi32, #tpu.memory_space<vmem>>
    %dma_start3A_95 = arith.constant 0 : i32
    %dma_start3A_96 = arith.constant 0 : i32
    %dma_start3A_97 = tpu.memref_slice %arg3[%dma_start3A_95, %dma_start3A_96] : memref<1000000x64xf32, #tpu.memory_space<hbm>> -> memref<1000000x64xf32, #tpu.memory_space<hbm>>
    tpu.enqueue_indirect_dma source(%dma_start3A_97 : memref<1000000x64xf32, #tpu.memory_space<hbm>>) target(%dma_start3A_91 : memref<128x64xf32, #tpu.memory_space<vmem>>) offsets(%dma_start3A_94 : memref<128xi32, #tpu.memory_space<vmem>>) semaphore(%arg10 : memref<!tpu.dma_semaphore, #tpu.memory_space<semaphore_mem>>)
    %dma_start3A_98 = arith.constant 2 : i32
    %dma_start3A_99 = arith.constant 2 : i32
    %dma_start3A_100 = arith.constant 0 : i32
    %dma_start3A_101 = arith.constant 0 : i32
    %dma_start3A_102 = tpu.memref_slice %arg7[%dma_start3A_99, %dma_start3A_100, %dma_start3A_101] : memref<4x128x64xf32, #tpu.memory_space<vmem>> -> memref<1x128x64xf32, #tpu.memory_space<vmem>>
    %dma_start3A_103 = tpu.memref_squeeze %dma_start3A_102 : memref<1x128x64xf32, #tpu.memory_space<vmem>> -> memref<128x64xf32, #tpu.memory_space<vmem>>
    %dma_start3A_104 = arith.constant 0 : i32
    %dma_start3A_105 = tpu.memref_slice %arg5[%dma_start3A_98, %dma_start3A_104] : memref<50x128xi32, #tpu.memory_space<vmem>> -> memref<1x128xi32, #tpu.memory_space<vmem>>
    %dma_start3A_106 = tpu.memref_squeeze %dma_start3A_105 : memref<1x128xi32, #tpu.memory_space<vmem>> -> memref<128xi32, #tpu.memory_space<vmem>>
    %dma_start3A_107 = arith.constant 0 : i32
    %dma_start3A_108 = arith.constant 0 : i32
    %dma_start3A_109 = tpu.memref_slice %arg3[%dma_start3A_107, %dma_start3A_108] : memref<1000000x64xf32, #tpu.memory_space<hbm>> -> memref<1000000x64xf32, #tpu.memory_space<hbm>>
    tpu.enqueue_indirect_dma source(%dma_start3A_109 : memref<1000000x64xf32, #tpu.memory_space<hbm>>) target(%dma_start3A_103 : memref<128x64xf32, #tpu.memory_space<vmem>>) offsets(%dma_start3A_106 : memref<128xi32, #tpu.memory_space<vmem>>) semaphore(%arg11 : memref<!tpu.dma_semaphore, #tpu.memory_space<semaphore_mem>>)
    %dma_start3A_110 = arith.constant 3 : i32
    %dma_start3A_111 = arith.constant 3 : i32
    %dma_start3A_112 = arith.constant 0 : i32
    %dma_start3A_113 = arith.constant 0 : i32
    %dma_start3A_114 = tpu.memref_slice %arg7[%dma_start3A_111, %dma_start3A_112, %dma_start3A_113] : memref<4x128x64xf32, #tpu.memory_space<vmem>> -> memref<1x128x64xf32, #tpu.memory_space<vmem>>
    %dma_start3A_115 = tpu.memref_squeeze %dma_start3A_114 : memref<1x128x64xf32, #tpu.memory_space<vmem>> -> memref<128x64xf32, #tpu.memory_space<vmem>>
    %dma_start3A_116 = arith.constant 0 : i32
    %dma_start3A_117 = tpu.memref_slice %arg5[%dma_start3A_110, %dma_start3A_116] : memref<50x128xi32, #tpu.memory_space<vmem>> -> memref<1x128xi32, #tpu.memory_space<vmem>>
    %dma_start3A_118 = tpu.memref_squeeze %dma_start3A_117 : memref<1x128xi32, #tpu.memory_space<vmem>> -> memref<128xi32, #tpu.memory_space<vmem>>
    %dma_start3A_119 = arith.constant 0 : i32
    %dma_start3A_120 = arith.constant 0 : i32
    %dma_start3A_121 = tpu.memref_slice %arg3[%dma_start3A_119, %dma_start3A_120] : memref<1000000x64xf32, #tpu.memory_space<hbm>> -> memref<1000000x64xf32, #tpu.memory_space<hbm>>
    tpu.enqueue_indirect_dma source(%dma_start3A_121 : memref<1000000x64xf32, #tpu.memory_space<hbm>>) target(%dma_start3A_115 : memref<128x64xf32, #tpu.memory_space<vmem>>) offsets(%dma_start3A_118 : memref<128xi32, #tpu.memory_space<vmem>>) semaphore(%arg12 : memref<!tpu.dma_semaphore, #tpu.memory_space<semaphore_mem>>)
    %dma_wait3A = arith.constant 0 : i32
    %dma_wait3A_122 = arith.constant 0 : i32
    %dma_wait3A_123 = arith.constant 0 : i32
    %dma_wait3A_124 = arith.constant 0 : i32
    %dma_wait3A_125 = tpu.memref_slice %arg7[%dma_wait3A_122, %dma_wait3A_123, %dma_wait3A_124] : memref<4x128x64xf32, #tpu.memory_space<vmem>> -> memref<1x128x64xf32, #tpu.memory_space<vmem>>
    %dma_wait3A_126 = tpu.memref_squeeze %dma_wait3A_125 : memref<1x128x64xf32, #tpu.memory_space<vmem>> -> memref<128x64xf32, #tpu.memory_space<vmem>>
    %dma_wait3A_127 = arith.constant 0 : i32
    %dma_wait3A_128 = tpu.memref_slice %arg5[%dma_wait3A, %dma_wait3A_127] : memref<50x128xi32, #tpu.memory_space<vmem>> -> memref<1x128xi32, #tpu.memory_space<vmem>>
    %dma_wait3A_129 = tpu.memref_squeeze %dma_wait3A_128 : memref<1x128xi32, #tpu.memory_space<vmem>> -> memref<128xi32, #tpu.memory_space<vmem>>
    %dma_wait3A_130 = arith.constant 0 : i32
    %dma_wait3A_131 = arith.constant 0 : i32
    %dma_wait3A_132 = tpu.memref_slice %arg3[%dma_wait3A_130, %dma_wait3A_131] : memref<1000000x64xf32, #tpu.memory_space<hbm>> -> memref<1000000x64xf32, #tpu.memory_space<hbm>>
    tpu.wait_indirect_dma semaphore(%arg9 : memref<!tpu.dma_semaphore, #tpu.memory_space<semaphore_mem>>) src(%dma_wait3A_132 : memref<1000000x64xf32, #tpu.memory_space<hbm>>) dst(%dma_wait3A_126 : memref<128x64xf32, #tpu.memory_space<vmem>>)
    %dma_start3A_133 = arith.constant 0 : i32
    %dma_start3A_134 = arith.constant 0 : i32
    %dma_start3A_135 = arith.constant 0 : i32
    %dma_start3A_136 = tpu.memref_slice %arg7[%dma_start3A_133, %dma_start3A_134, %dma_start3A_135] : memref<4x128x64xf32, #tpu.memory_space<vmem>> -> memref<1x128x64xf32, #tpu.memory_space<vmem>>
    %dma_start3A_137 = tpu.memref_squeeze %dma_start3A_136 : memref<1x128x64xf32, #tpu.memory_space<vmem>> -> memref<128x64xf32, #tpu.memory_space<vmem>>
    %dma_start3A_138 = arith.constant 0 : i32
    %dma_start3A_139 = tpu.memref_slice %arg8[%mul3A_4, %dma_start3A_138] : memref<2048x64xf32, #tpu.memory_space<vmem_shared>> -> memref<128x64xf32, #tpu.memory_space<vmem_shared>>
    %dma_start3A_140 = arith.constant 0 : i32
    %dma_start3A_141 = tpu.memref_slice %arg8[%mul3A_4, %dma_start3A_140] : memref<2048x64xf32, #tpu.memory_space<vmem_shared>> -> memref<128x64xf32, #tpu.memory_space<vmem_shared>>
    %dma_start3A_142 = arith.constant 0 : i32
    %dma_start3A_143 = arith.constant 0 : i32
    %dma_start3A_144 = tpu.memref_slice %arg7[%dma_start3A_133, %dma_start3A_142, %dma_start3A_143] : memref<4x128x64xf32, #tpu.memory_space<vmem>> -> memref<1x128x64xf32, #tpu.memory_space<vmem>>
    %dma_start3A_145 = tpu.memref_squeeze %dma_start3A_144 : memref<1x128x64xf32, #tpu.memory_space<vmem>> -> memref<128x64xf32, #tpu.memory_space<vmem>>
    tpu.enqueue_dma source(%dma_start3A_145 : memref<128x64xf32, #tpu.memory_space<vmem>>) target(%dma_start3A_141 : memref<128x64xf32, #tpu.memory_space<vmem_shared>>) target_semaphore(%arg13 : memref<!tpu.dma_semaphore, #tpu.memory_space<semaphore_mem>>)
    %dma_wait3A_146 = arith.constant 0 : i32
    %dma_wait3A_147 = arith.constant 0 : i32
    %dma_wait3A_148 = arith.constant 0 : i32
    %dma_wait3A_149 = tpu.memref_slice %arg7[%dma_wait3A_146, %dma_wait3A_147, %dma_wait3A_148] : memref<4x128x64xf32, #tpu.memory_space<vmem>> -> memref<1x128x64xf32, #tpu.memory_space<vmem>>
    %dma_wait3A_150 = tpu.memref_squeeze %dma_wait3A_149 : memref<1x128x64xf32, #tpu.memory_space<vmem>> -> memref<128x64xf32, #tpu.memory_space<vmem>>
    %dma_wait3A_151 = arith.constant 0 : i32
    %dma_wait3A_152 = tpu.memref_slice %arg8[%mul3A_4, %dma_wait3A_151] : memref<2048x64xf32, #tpu.memory_space<vmem_shared>> -> memref<128x64xf32, #tpu.memory_space<vmem_shared>>
    %dma_wait3A_153 = arith.constant 0 : i32
    %dma_wait3A_154 = tpu.memref_slice %arg8[%mul3A_4, %dma_wait3A_153] : memref<2048x64xf32, #tpu.memory_space<vmem_shared>> -> memref<128x64xf32, #tpu.memory_space<vmem_shared>>
    %dma_wait3A_155 = arith.constant 0 : i32
    %dma_wait3A_156 = arith.constant 0 : i32
    %dma_wait3A_157 = tpu.memref_slice %arg7[%dma_wait3A_146, %dma_wait3A_155, %dma_wait3A_156] : memref<4x128x64xf32, #tpu.memory_space<vmem>> -> memref<1x128x64xf32, #tpu.memory_space<vmem>>
    %dma_wait3A_158 = tpu.memref_squeeze %dma_wait3A_157 : memref<1x128x64xf32, #tpu.memory_space<vmem>> -> memref<128x64xf32, #tpu.memory_space<vmem>>
    tpu.wait_dma2 semaphore(%arg13 : memref<!tpu.dma_semaphore, #tpu.memory_space<semaphore_mem>>) src(%dma_wait3A_158 : memref<128x64xf32, #tpu.memory_space<vmem>>) dst(%dma_wait3A_154 : memref<128x64xf32, #tpu.memory_space<vmem_shared>>)
    %dma_start3A_159 = arith.constant 4 : i32
    %dma_start3A_160 = arith.constant 0 : i32
    %dma_start3A_161 = arith.constant 0 : i32
    %dma_start3A_162 = arith.constant 0 : i32
    %dma_start3A_163 = tpu.memref_slice %arg7[%dma_start3A_160, %dma_start3A_161, %dma_start3A_162] : memref<4x128x64xf32, #tpu.memory_space<vmem>> -> memref<1x128x64xf32, #tpu.memory_space<vmem>>
    %dma_start3A_164 = tpu.memref_squeeze %dma_start3A_163 : memref<1x128x64xf32, #tpu.memory_space<vmem>> -> memref<128x64xf32, #tpu.memory_space<vmem>>
    %dma_start3A_165 = arith.constant 0 : i32
    %dma_start3A_166 = tpu.memref_slice %arg5[%dma_start3A_159, %dma_start3A_165] : memref<50x128xi32, #tpu.memory_space<vmem>> -> memref<1x128xi32, #tpu.memory_space<vmem>>
    %dma_start3A_167 = tpu.memref_squeeze %dma_start3A_166 : memref<1x128xi32, #tpu.memory_space<vmem>> -> memref<128xi32, #tpu.memory_space<vmem>>
    %dma_start3A_168 = arith.constant 0 : i32
    %dma_start3A_169 = arith.constant 0 : i32
    %dma_start3A_170 = tpu.memref_slice %arg3[%dma_start3A_168, %dma_start3A_169] : memref<1000000x64xf32, #tpu.memory_space<hbm>> -> memref<1000000x64xf32, #tpu.memory_space<hbm>>
    tpu.enqueue_indirect_dma source(%dma_start3A_170 : memref<1000000x64xf32, #tpu.memory_space<hbm>>) target(%dma_start3A_164 : memref<128x64xf32, #tpu.memory_space<vmem>>) offsets(%dma_start3A_167 : memref<128xi32, #tpu.memory_space<vmem>>) semaphore(%arg9 : memref<!tpu.dma_semaphore, #tpu.memory_space<semaphore_mem>>)
    %dma_wait3A_171 = arith.constant 1 : i32
    %dma_wait3A_172 = arith.constant 1 : i32
    %dma_wait3A_173 = arith.constant 0 : i32
    %dma_wait3A_174 = arith.constant 0 : i32
    %dma_wait3A_175 = tpu.memref_slice %arg7[%dma_wait3A_172, %dma_wait3A_173, %dma_wait3A_174] : memref<4x128x64xf32, #tpu.memory_space<vmem>> -> memref<1x128x64xf32, #tpu.memory_space<vmem>>
    %dma_wait3A_176 = tpu.memref_squeeze %dma_wait3A_175 : memref<1x128x64xf32, #tpu.memory_space<vmem>> -> memref<128x64xf32, #tpu.memory_space<vmem>>
    %dma_wait3A_177 = arith.constant 0 : i32
    %dma_wait3A_178 = tpu.memref_slice %arg5[%dma_wait3A_171, %dma_wait3A_177] : memref<50x128xi32, #tpu.memory_space<vmem>> -> memref<1x128xi32, #tpu.memory_space<vmem>>
    %dma_wait3A_179 = tpu.memref_squeeze %dma_wait3A_178 : memref<1x128xi32, #tpu.memory_space<vmem>> -> memref<128xi32, #tpu.memory_space<vmem>>
    %dma_wait3A_180 = arith.constant 0 : i32
    %dma_wait3A_181 = arith.constant 0 : i32
    %dma_wait3A_182 = tpu.memref_slice %arg3[%dma_wait3A_180, %dma_wait3A_181] : memref<1000000x64xf32, #tpu.memory_space<hbm>> -> memref<1000000x64xf32, #tpu.memory_space<hbm>>
    tpu.wait_indirect_dma semaphore(%arg10 : memref<!tpu.dma_semaphore, #tpu.memory_space<semaphore_mem>>) src(%dma_wait3A_182 : memref<1000000x64xf32, #tpu.memory_space<hbm>>) dst(%dma_wait3A_176 : memref<128x64xf32, #tpu.memory_space<vmem>>)
    %dma_start3A_183 = arith.constant 1 : i32
    %dma_start3A_184 = arith.constant 0 : i32
    %dma_start3A_185 = arith.constant 0 : i32
    %dma_start3A_186 = tpu.memref_slice %arg7[%dma_start3A_183, %dma_start3A_184, %dma_start3A_185] : memref<4x128x64xf32, #tpu.memory_space<vmem>> -> memref<1x128x64xf32, #tpu.memory_space<vmem>>
    %dma_start3A_187 = tpu.memref_squeeze %dma_start3A_186 : memref<1x128x64xf32, #tpu.memory_space<vmem>> -> memref<128x64xf32, #tpu.memory_space<vmem>>
    %dma_start3A_188 = arith.constant 0 : i32
    %dma_start3A_189 = arith.constant 0 : i32
    %dma_start3A_190 = tpu.memref_slice %arg8[%dma_start3A_188, %dma_start3A_189] : memref<2048x64xf32, #tpu.memory_space<vmem_shared>> -> memref<2048x64xf32, #tpu.memory_space<vmem_shared>>
    tpu.enqueue_indirect_dma source(%dma_start3A_187 : memref<128x64xf32, #tpu.memory_space<vmem>>) target(%dma_start3A_190 : memref<2048x64xf32, #tpu.memory_space<vmem_shared>>) offsets(%arg6 : memref<128xi32, #tpu.memory_space<vmem>>) semaphore(%arg14 : memref<!tpu.dma_semaphore, #tpu.memory_space<semaphore_mem>>) {add = true}
    %dma_wait3A_191 = arith.constant 2 : i32
    %dma_wait3A_192 = arith.constant 2 : i32
    %dma_wait3A_193 = arith.constant 0 : i32
    %dma_wait3A_194 = arith.constant 0 : i32
    %dma_wait3A_195 = tpu.memref_slice %arg7[%dma_wait3A_192, %dma_wait3A_193, %dma_wait3A_194] : memref<4x128x64xf32, #tpu.memory_space<vmem>> -> memref<1x128x64xf32, #tpu.memory_space<vmem>>
    %dma_wait3A_196 = tpu.memref_squeeze %dma_wait3A_195 : memref<1x128x64xf32, #tpu.memory_space<vmem>> -> memref<128x64xf32, #tpu.memory_space<vmem>>
    %dma_wait3A_197 = arith.constant 0 : i32
    %dma_wait3A_198 = tpu.memref_slice %arg5[%dma_wait3A_191, %dma_wait3A_197] : memref<50x128xi32, #tpu.memory_space<vmem>> -> memref<1x128xi32, #tpu.memory_space<vmem>>
    %dma_wait3A_199 = tpu.memref_squeeze %dma_wait3A_198 : memref<1x128xi32, #tpu.memory_space<vmem>> -> memref<128xi32, #tpu.memory_space<vmem>>
    %dma_wait3A_200 = arith.constant 0 : i32
    %dma_wait3A_201 = arith.constant 0 : i32
    %dma_wait3A_202 = tpu.memref_slice %arg3[%dma_wait3A_200, %dma_wait3A_201] : memref<1000000x64xf32, #tpu.memory_space<hbm>> -> memref<1000000x64xf32, #tpu.memory_space<hbm>>
    tpu.wait_indirect_dma semaphore(%arg11 : memref<!tpu.dma_semaphore, #tpu.memory_space<semaphore_mem>>) src(%dma_wait3A_202 : memref<1000000x64xf32, #tpu.memory_space<hbm>>) dst(%dma_wait3A_196 : memref<128x64xf32, #tpu.memory_space<vmem>>)
    %dma_start3A_203 = arith.constant 2 : i32
    %dma_start3A_204 = arith.constant 0 : i32
    %dma_start3A_205 = arith.constant 0 : i32
    %dma_start3A_206 = tpu.memref_slice %arg7[%dma_start3A_203, %dma_start3A_204, %dma_start3A_205] : memref<4x128x64xf32, #tpu.memory_space<vmem>> -> memref<1x128x64xf32, #tpu.memory_space<vmem>>
    %dma_start3A_207 = tpu.memref_squeeze %dma_start3A_206 : memref<1x128x64xf32, #tpu.memory_space<vmem>> -> memref<128x64xf32, #tpu.memory_space<vmem>>
    %dma_start3A_208 = arith.constant 0 : i32
    %dma_start3A_209 = arith.constant 0 : i32
    %dma_start3A_210 = tpu.memref_slice %arg8[%dma_start3A_208, %dma_start3A_209] : memref<2048x64xf32, #tpu.memory_space<vmem_shared>> -> memref<2048x64xf32, #tpu.memory_space<vmem_shared>>
    tpu.enqueue_indirect_dma source(%dma_start3A_207 : memref<128x64xf32, #tpu.memory_space<vmem>>) target(%dma_start3A_210 : memref<2048x64xf32, #tpu.memory_space<vmem_shared>>) offsets(%arg6 : memref<128xi32, #tpu.memory_space<vmem>>) semaphore(%arg15 : memref<!tpu.dma_semaphore, #tpu.memory_space<semaphore_mem>>) {add = true}
    %dma_wait3A_211 = arith.constant 1 : i32
    %dma_wait3A_212 = arith.constant 0 : i32
    %dma_wait3A_213 = arith.constant 0 : i32
    %dma_wait3A_214 = tpu.memref_slice %arg7[%dma_wait3A_211, %dma_wait3A_212, %dma_wait3A_213] : memref<4x128x64xf32, #tpu.memory_space<vmem>> -> memref<1x128x64xf32, #tpu.memory_space<vmem>>
    %dma_wait3A_215 = tpu.memref_squeeze %dma_wait3A_214 : memref<1x128x64xf32, #tpu.memory_space<vmem>> -> memref<128x64xf32, #tpu.memory_space<vmem>>
    %dma_wait3A_216 = arith.constant 0 : i32
    %dma_wait3A_217 = arith.constant 0 : i32
    %dma_wait3A_218 = tpu.memref_slice %arg8[%dma_wait3A_216, %dma_wait3A_217] : memref<2048x64xf32, #tpu.memory_space<vmem_shared>> -> memref<2048x64xf32, #tpu.memory_space<vmem_shared>>
    tpu.wait_indirect_dma semaphore(%arg14 : memref<!tpu.dma_semaphore, #tpu.memory_space<semaphore_mem>>) src(%dma_wait3A_215 : memref<128x64xf32, #tpu.memory_space<vmem>>) dst(%dma_wait3A_218 : memref<2048x64xf32, #tpu.memory_space<vmem_shared>>)
    %dma_start3A_219 = arith.constant 5 : i32
    %dma_start3A_220 = arith.constant 1 : i32
    %dma_start3A_221 = arith.constant 0 : i32
    %dma_start3A_222 = arith.constant 0 : i32
    %dma_start3A_223 = tpu.memref_slice %arg7[%dma_start3A_220, %dma_start3A_221, %dma_start3A_222] : memref<4x128x64xf32, #tpu.memory_space<vmem>> -> memref<1x128x64xf32, #tpu.memory_space<vmem>>
    %dma_start3A_224 = tpu.memref_squeeze %dma_start3A_223 : memref<1x128x64xf32, #tpu.memory_space<vmem>> -> memref<128x64xf32, #tpu.memory_space<vmem>>
    %dma_start3A_225 = arith.constant 0 : i32
    %dma_start3A_226 = tpu.memref_slice %arg5[%dma_start3A_219, %dma_start3A_225] : memref<50x128xi32, #tpu.memory_space<vmem>> -> memref<1x128xi32, #tpu.memory_space<vmem>>
    %dma_start3A_227 = tpu.memref_squeeze %dma_start3A_226 : memref<1x128xi32, #tpu.memory_space<vmem>> -> memref<128xi32, #tpu.memory_space<vmem>>
    %dma_start3A_228 = arith.constant 0 : i32
    %dma_start3A_229 = arith.constant 0 : i32
    %dma_start3A_230 = tpu.memref_slice %arg3[%dma_start3A_228, %dma_start3A_229] : memref<1000000x64xf32, #tpu.memory_space<hbm>> -> memref<1000000x64xf32, #tpu.memory_space<hbm>>
    tpu.enqueue_indirect_dma source(%dma_start3A_230 : memref<1000000x64xf32, #tpu.memory_space<hbm>>) target(%dma_start3A_224 : memref<128x64xf32, #tpu.memory_space<vmem>>) offsets(%dma_start3A_227 : memref<128xi32, #tpu.memory_space<vmem>>) semaphore(%arg10 : memref<!tpu.dma_semaphore, #tpu.memory_space<semaphore_mem>>)
    %dma_wait3A_231 = arith.constant 3 : i32
    %dma_wait3A_232 = arith.constant 3 : i32
    %dma_wait3A_233 = arith.constant 0 : i32
    %dma_wait3A_234 = arith.constant 0 : i32
    %dma_wait3A_235 = tpu.memref_slice %arg7[%dma_wait3A_232, %dma_wait3A_233, %dma_wait3A_234] : memref<4x128x64xf32, #tpu.memory_space<vmem>> -> memref<1x128x64xf32, #tpu.memory_space<vmem>>
    %dma_wait3A_236 = tpu.memref_squeeze %dma_wait3A_235 : memref<1x128x64xf32, #tpu.memory_space<vmem>> -> memref<128x64xf32, #tpu.memory_space<vmem>>
    %dma_wait3A_237 = arith.constant 0 : i32
    %dma_wait3A_238 = tpu.memref_slice %arg5[%dma_wait3A_231, %dma_wait3A_237] : memref<50x128xi32, #tpu.memory_space<vmem>> -> memref<1x128xi32, #tpu.memory_space<vmem>>
    %dma_wait3A_239 = tpu.memref_squeeze %dma_wait3A_238 : memref<1x128xi32, #tpu.memory_space<vmem>> -> memref<128xi32, #tpu.memory_space<vmem>>
    %dma_wait3A_240 = arith.constant 0 : i32
    %dma_wait3A_241 = arith.constant 0 : i32
    %dma_wait3A_242 = tpu.memref_slice %arg3[%dma_wait3A_240, %dma_wait3A_241] : memref<1000000x64xf32, #tpu.memory_space<hbm>> -> memref<1000000x64xf32, #tpu.memory_space<hbm>>
    tpu.wait_indirect_dma semaphore(%arg12 : memref<!tpu.dma_semaphore, #tpu.memory_space<semaphore_mem>>) src(%dma_wait3A_242 : memref<1000000x64xf32, #tpu.memory_space<hbm>>) dst(%dma_wait3A_236 : memref<128x64xf32, #tpu.memory_space<vmem>>)
    %dma_start3A_243 = arith.constant 3 : i32
    %dma_start3A_244 = arith.constant 0 : i32
    %dma_start3A_245 = arith.constant 0 : i32
    %dma_start3A_246 = tpu.memref_slice %arg7[%dma_start3A_243, %dma_start3A_244, %dma_start3A_245] : memref<4x128x64xf32, #tpu.memory_space<vmem>> -> memref<1x128x64xf32, #tpu.memory_space<vmem>>
    %dma_start3A_247 = tpu.memref_squeeze %dma_start3A_246 : memref<1x128x64xf32, #tpu.memory_space<vmem>> -> memref<128x64xf32, #tpu.memory_space<vmem>>
    %dma_start3A_248 = arith.constant 0 : i32
    %dma_start3A_249 = arith.constant 0 : i32
    %dma_start3A_250 = tpu.memref_slice %arg8[%dma_start3A_248, %dma_start3A_249] : memref<2048x64xf32, #tpu.memory_space<vmem_shared>> -> memref<2048x64xf32, #tpu.memory_space<vmem_shared>>
    tpu.enqueue_indirect_dma source(%dma_start3A_247 : memref<128x64xf32, #tpu.memory_space<vmem>>) target(%dma_start3A_250 : memref<2048x64xf32, #tpu.memory_space<vmem_shared>>) offsets(%arg6 : memref<128xi32, #tpu.memory_space<vmem>>) semaphore(%arg16 : memref<!tpu.dma_semaphore, #tpu.memory_space<semaphore_mem>>) {add = true}
    %dma_wait3A_251 = arith.constant 2 : i32
    %dma_wait3A_252 = arith.constant 0 : i32
    %dma_wait3A_253 = arith.constant 0 : i32
    %dma_wait3A_254 = tpu.memref_slice %arg7[%dma_wait3A_251, %dma_wait3A_252, %dma_wait3A_253] : memref<4x128x64xf32, #tpu.memory_space<vmem>> -> memref<1x128x64xf32, #tpu.memory_space<vmem>>
    %dma_wait3A_255 = tpu.memref_squeeze %dma_wait3A_254 : memref<1x128x64xf32, #tpu.memory_space<vmem>> -> memref<128x64xf32, #tpu.memory_space<vmem>>
    %dma_wait3A_256 = arith.constant 0 : i32
    %dma_wait3A_257 = arith.constant 0 : i32
    %dma_wait3A_258 = tpu.memref_slice %arg8[%dma_wait3A_256, %dma_wait3A_257] : memref<2048x64xf32, #tpu.memory_space<vmem_shared>> -> memref<2048x64xf32, #tpu.memory_space<vmem_shared>>
    tpu.wait_indirect_dma semaphore(%arg15 : memref<!tpu.dma_semaphore, #tpu.memory_space<semaphore_mem>>) src(%dma_wait3A_255 : memref<128x64xf32, #tpu.memory_space<vmem>>) dst(%dma_wait3A_258 : memref<2048x64xf32, #tpu.memory_space<vmem_shared>>)
    %dma_start3A_259 = arith.constant 6 : i32
    %dma_start3A_260 = arith.constant 2 : i32
    %dma_start3A_261 = arith.constant 0 : i32
    %dma_start3A_262 = arith.constant 0 : i32
    %dma_start3A_263 = tpu.memref_slice %arg7[%dma_start3A_260, %dma_start3A_261, %dma_start3A_262] : memref<4x128x64xf32, #tpu.memory_space<vmem>> -> memref<1x128x64xf32, #tpu.memory_space<vmem>>
    %dma_start3A_264 = tpu.memref_squeeze %dma_start3A_263 : memref<1x128x64xf32, #tpu.memory_space<vmem>> -> memref<128x64xf32, #tpu.memory_space<vmem>>
    %dma_start3A_265 = arith.constant 0 : i32
    %dma_start3A_266 = tpu.memref_slice %arg5[%dma_start3A_259, %dma_start3A_265] : memref<50x128xi32, #tpu.memory_space<vmem>> -> memref<1x128xi32, #tpu.memory_space<vmem>>
    %dma_start3A_267 = tpu.memref_squeeze %dma_start3A_266 : memref<1x128xi32, #tpu.memory_space<vmem>> -> memref<128xi32, #tpu.memory_space<vmem>>
    %dma_start3A_268 = arith.constant 0 : i32
    %dma_start3A_269 = arith.constant 0 : i32
    %dma_start3A_270 = tpu.memref_slice %arg3[%dma_start3A_268, %dma_start3A_269] : memref<1000000x64xf32, #tpu.memory_space<hbm>> -> memref<1000000x64xf32, #tpu.memory_space<hbm>>
    tpu.enqueue_indirect_dma source(%dma_start3A_270 : memref<1000000x64xf32, #tpu.memory_space<hbm>>) target(%dma_start3A_264 : memref<128x64xf32, #tpu.memory_space<vmem>>) offsets(%dma_start3A_267 : memref<128xi32, #tpu.memory_space<vmem>>) semaphore(%arg11 : memref<!tpu.dma_semaphore, #tpu.memory_space<semaphore_mem>>)
    %dma_wait3A_271 = arith.constant 4 : i32
    %dma_wait3A_272 = arith.constant 0 : i32
    %dma_wait3A_273 = arith.constant 0 : i32
    %dma_wait3A_274 = arith.constant 0 : i32
    %dma_wait3A_275 = tpu.memref_slice %arg7[%dma_wait3A_272, %dma_wait3A_273, %dma_wait3A_274] : memref<4x128x64xf32, #tpu.memory_space<vmem>> -> memref<1x128x64xf32, #tpu.memory_space<vmem>>
    %dma_wait3A_276 = tpu.memref_squeeze %dma_wait3A_275 : memref<1x128x64xf32, #tpu.memory_space<vmem>> -> memref<128x64xf32, #tpu.memory_space<vmem>>
    %dma_wait3A_277 = arith.constant 0 : i32
    %dma_wait3A_278 = tpu.memref_slice %arg5[%dma_wait3A_271, %dma_wait3A_277] : memref<50x128xi32, #tpu.memory_space<vmem>> -> memref<1x128xi32, #tpu.memory_space<vmem>>
    %dma_wait3A_279 = tpu.memref_squeeze %dma_wait3A_278 : memref<1x128xi32, #tpu.memory_space<vmem>> -> memref<128xi32, #tpu.memory_space<vmem>>
    %dma_wait3A_280 = arith.constant 0 : i32
    %dma_wait3A_281 = arith.constant 0 : i32
    %dma_wait3A_282 = tpu.memref_slice %arg3[%dma_wait3A_280, %dma_wait3A_281] : memref<1000000x64xf32, #tpu.memory_space<hbm>> -> memref<1000000x64xf32, #tpu.memory_space<hbm>>
    tpu.wait_indirect_dma semaphore(%arg9 : memref<!tpu.dma_semaphore, #tpu.memory_space<semaphore_mem>>) src(%dma_wait3A_282 : memref<1000000x64xf32, #tpu.memory_space<hbm>>) dst(%dma_wait3A_276 : memref<128x64xf32, #tpu.memory_space<vmem>>)
    %dma_start3A_283 = arith.constant 0 : i32
    %dma_start3A_284 = arith.constant 0 : i32
    %dma_start3A_285 = arith.constant 0 : i32
    %dma_start3A_286 = tpu.memref_slice %arg7[%dma_start3A_283, %dma_start3A_284, %dma_start3A_285] : memref<4x128x64xf32, #tpu.memory_space<vmem>> -> memref<1x128x64xf32, #tpu.memory_space<vmem>>
    %dma_start3A_287 = tpu.memref_squeeze %dma_start3A_286 : memref<1x128x64xf32, #tpu.memory_space<vmem>> -> memref<128x64xf32, #tpu.memory_space<vmem>>
    %dma_start3A_288 = arith.constant 0 : i32
    %dma_start3A_289 = arith.constant 0 : i32
    %dma_start3A_290 = tpu.memref_slice %arg8[%dma_start3A_288, %dma_start3A_289] : memref<2048x64xf32, #tpu.memory_space<vmem_shared>> -> memref<2048x64xf32, #tpu.memory_space<vmem_shared>>
    tpu.enqueue_indirect_dma source(%dma_start3A_287 : memref<128x64xf32, #tpu.memory_space<vmem>>) target(%dma_start3A_290 : memref<2048x64xf32, #tpu.memory_space<vmem_shared>>) offsets(%arg6 : memref<128xi32, #tpu.memory_space<vmem>>) semaphore(%arg13 : memref<!tpu.dma_semaphore, #tpu.memory_space<semaphore_mem>>) {add = true}
    %dma_wait3A_291 = arith.constant 3 : i32
    %dma_wait3A_292 = arith.constant 0 : i32
    %dma_wait3A_293 = arith.constant 0 : i32
    %dma_wait3A_294 = tpu.memref_slice %arg7[%dma_wait3A_291, %dma_wait3A_292, %dma_wait3A_293] : memref<4x128x64xf32, #tpu.memory_space<vmem>> -> memref<1x128x64xf32, #tpu.memory_space<vmem>>
    %dma_wait3A_295 = tpu.memref_squeeze %dma_wait3A_294 : memref<1x128x64xf32, #tpu.memory_space<vmem>> -> memref<128x64xf32, #tpu.memory_space<vmem>>
    %dma_wait3A_296 = arith.constant 0 : i32
    %dma_wait3A_297 = arith.constant 0 : i32
    %dma_wait3A_298 = tpu.memref_slice %arg8[%dma_wait3A_296, %dma_wait3A_297] : memref<2048x64xf32, #tpu.memory_space<vmem_shared>> -> memref<2048x64xf32, #tpu.memory_space<vmem_shared>>
    tpu.wait_indirect_dma semaphore(%arg16 : memref<!tpu.dma_semaphore, #tpu.memory_space<semaphore_mem>>) src(%dma_wait3A_295 : memref<128x64xf32, #tpu.memory_space<vmem>>) dst(%dma_wait3A_298 : memref<2048x64xf32, #tpu.memory_space<vmem_shared>>)
    %dma_start3A_299 = arith.constant 7 : i32
    %dma_start3A_300 = arith.constant 3 : i32
    %dma_start3A_301 = arith.constant 0 : i32
    %dma_start3A_302 = arith.constant 0 : i32
    %dma_start3A_303 = tpu.memref_slice %arg7[%dma_start3A_300, %dma_start3A_301, %dma_start3A_302] : memref<4x128x64xf32, #tpu.memory_space<vmem>> -> memref<1x128x64xf32, #tpu.memory_space<vmem>>
    %dma_start3A_304 = tpu.memref_squeeze %dma_start3A_303 : memref<1x128x64xf32, #tpu.memory_space<vmem>> -> memref<128x64xf32, #tpu.memory_space<vmem>>
    %dma_start3A_305 = arith.constant 0 : i32
    %dma_start3A_306 = tpu.memref_slice %arg5[%dma_start3A_299, %dma_start3A_305] : memref<50x128xi32, #tpu.memory_space<vmem>> -> memref<1x128xi32, #tpu.memory_space<vmem>>
    %dma_start3A_307 = tpu.memref_squeeze %dma_start3A_306 : memref<1x128xi32, #tpu.memory_space<vmem>> -> memref<128xi32, #tpu.memory_space<vmem>>
    %dma_start3A_308 = arith.constant 0 : i32
    %dma_start3A_309 = arith.constant 0 : i32
    %dma_start3A_310 = tpu.memref_slice %arg3[%dma_start3A_308, %dma_start3A_309] : memref<1000000x64xf32, #tpu.memory_space<hbm>> -> memref<1000000x64xf32, #tpu.memory_space<hbm>>
    tpu.enqueue_indirect_dma source(%dma_start3A_310 : memref<1000000x64xf32, #tpu.memory_space<hbm>>) target(%dma_start3A_304 : memref<128x64xf32, #tpu.memory_space<vmem>>) offsets(%dma_start3A_307 : memref<128xi32, #tpu.memory_space<vmem>>) semaphore(%arg12 : memref<!tpu.dma_semaphore, #tpu.memory_space<semaphore_mem>>)
    %dma_wait3A_311 = arith.constant 5 : i32
    %dma_wait3A_312 = arith.constant 1 : i32
    %dma_wait3A_313 = arith.constant 0 : i32
    %dma_wait3A_314 = arith.constant 0 : i32
    %dma_wait3A_315 = tpu.memref_slice %arg7[%dma_wait3A_312, %dma_wait3A_313, %dma_wait3A_314] : memref<4x128x64xf32, #tpu.memory_space<vmem>> -> memref<1x128x64xf32, #tpu.memory_space<vmem>>
    %dma_wait3A_316 = tpu.memref_squeeze %dma_wait3A_315 : memref<1x128x64xf32, #tpu.memory_space<vmem>> -> memref<128x64xf32, #tpu.memory_space<vmem>>
    %dma_wait3A_317 = arith.constant 0 : i32
    %dma_wait3A_318 = tpu.memref_slice %arg5[%dma_wait3A_311, %dma_wait3A_317] : memref<50x128xi32, #tpu.memory_space<vmem>> -> memref<1x128xi32, #tpu.memory_space<vmem>>
    %dma_wait3A_319 = tpu.memref_squeeze %dma_wait3A_318 : memref<1x128xi32, #tpu.memory_space<vmem>> -> memref<128xi32, #tpu.memory_space<vmem>>
    %dma_wait3A_320 = arith.constant 0 : i32
    %dma_wait3A_321 = arith.constant 0 : i32
    %dma_wait3A_322 = tpu.memref_slice %arg3[%dma_wait3A_320, %dma_wait3A_321] : memref<1000000x64xf32, #tpu.memory_space<hbm>> -> memref<1000000x64xf32, #tpu.memory_space<hbm>>
    tpu.wait_indirect_dma semaphore(%arg10 : memref<!tpu.dma_semaphore, #tpu.memory_space<semaphore_mem>>) src(%dma_wait3A_322 : memref<1000000x64xf32, #tpu.memory_space<hbm>>) dst(%dma_wait3A_316 : memref<128x64xf32, #tpu.memory_space<vmem>>)
    %dma_start3A_323 = arith.constant 1 : i32
    %dma_start3A_324 = arith.constant 0 : i32
    %dma_start3A_325 = arith.constant 0 : i32
    %dma_start3A_326 = tpu.memref_slice %arg7[%dma_start3A_323, %dma_start3A_324, %dma_start3A_325] : memref<4x128x64xf32, #tpu.memory_space<vmem>> -> memref<1x128x64xf32, #tpu.memory_space<vmem>>
    %dma_start3A_327 = tpu.memref_squeeze %dma_start3A_326 : memref<1x128x64xf32, #tpu.memory_space<vmem>> -> memref<128x64xf32, #tpu.memory_space<vmem>>
    %dma_start3A_328 = arith.constant 0 : i32
    %dma_start3A_329 = arith.constant 0 : i32
    %dma_start3A_330 = tpu.memref_slice %arg8[%dma_start3A_328, %dma_start3A_329] : memref<2048x64xf32, #tpu.memory_space<vmem_shared>> -> memref<2048x64xf32, #tpu.memory_space<vmem_shared>>
    tpu.enqueue_indirect_dma source(%dma_start3A_327 : memref<128x64xf32, #tpu.memory_space<vmem>>) target(%dma_start3A_330 : memref<2048x64xf32, #tpu.memory_space<vmem_shared>>) offsets(%arg6 : memref<128xi32, #tpu.memory_space<vmem>>) semaphore(%arg14 : memref<!tpu.dma_semaphore, #tpu.memory_space<semaphore_mem>>) {add = true}
    %dma_wait3A_331 = arith.constant 0 : i32
    %dma_wait3A_332 = arith.constant 0 : i32
    %dma_wait3A_333 = arith.constant 0 : i32
    %dma_wait3A_334 = tpu.memref_slice %arg7[%dma_wait3A_331, %dma_wait3A_332, %dma_wait3A_333] : memref<4x128x64xf32, #tpu.memory_space<vmem>> -> memref<1x128x64xf32, #tpu.memory_space<vmem>>
    %dma_wait3A_335 = tpu.memref_squeeze %dma_wait3A_334 : memref<1x128x64xf32, #tpu.memory_space<vmem>> -> memref<128x64xf32, #tpu.memory_space<vmem>>
    %dma_wait3A_336 = arith.constant 0 : i32
    %dma_wait3A_337 = arith.constant 0 : i32
    %dma_wait3A_338 = tpu.memref_slice %arg8[%dma_wait3A_336, %dma_wait3A_337] : memref<2048x64xf32, #tpu.memory_space<vmem_shared>> -> memref<2048x64xf32, #tpu.memory_space<vmem_shared>>
    tpu.wait_indirect_dma semaphore(%arg13 : memref<!tpu.dma_semaphore, #tpu.memory_space<semaphore_mem>>) src(%dma_wait3A_335 : memref<128x64xf32, #tpu.memory_space<vmem>>) dst(%dma_wait3A_338 : memref<2048x64xf32, #tpu.memory_space<vmem_shared>>)
    %dma_start3A_339 = arith.constant 8 : i32
    %dma_start3A_340 = arith.constant 0 : i32
    %dma_start3A_341 = arith.constant 0 : i32
    %dma_start3A_342 = arith.constant 0 : i32
    %dma_start3A_343 = tpu.memref_slice %arg7[%dma_start3A_340, %dma_start3A_341, %dma_start3A_342] : memref<4x128x64xf32, #tpu.memory_space<vmem>> -> memref<1x128x64xf32, #tpu.memory_space<vmem>>
    %dma_start3A_344 = tpu.memref_squeeze %dma_start3A_343 : memref<1x128x64xf32, #tpu.memory_space<vmem>> -> memref<128x64xf32, #tpu.memory_space<vmem>>
    %dma_start3A_345 = arith.constant 0 : i32
    %dma_start3A_346 = tpu.memref_slice %arg5[%dma_start3A_339, %dma_start3A_345] : memref<50x128xi32, #tpu.memory_space<vmem>> -> memref<1x128xi32, #tpu.memory_space<vmem>>
    %dma_start3A_347 = tpu.memref_squeeze %dma_start3A_346 : memref<1x128xi32, #tpu.memory_space<vmem>> -> memref<128xi32, #tpu.memory_space<vmem>>
    %dma_start3A_348 = arith.constant 0 : i32
    %dma_start3A_349 = arith.constant 0 : i32
    %dma_start3A_350 = tpu.memref_slice %arg3[%dma_start3A_348, %dma_start3A_349] : memref<1000000x64xf32, #tpu.memory_space<hbm>> -> memref<1000000x64xf32, #tpu.memory_space<hbm>>
    tpu.enqueue_indirect_dma source(%dma_start3A_350 : memref<1000000x64xf32, #tpu.memory_space<hbm>>) target(%dma_start3A_344 : memref<128x64xf32, #tpu.memory_space<vmem>>) offsets(%dma_start3A_347 : memref<128xi32, #tpu.memory_space<vmem>>) semaphore(%arg9 : memref<!tpu.dma_semaphore, #tpu.memory_space<semaphore_mem>>)
    %dma_wait3A_351 = arith.constant 6 : i32
    %dma_wait3A_352 = arith.constant 2 : i32
    %dma_wait3A_353 = arith.constant 0 : i32
    %dma_wait3A_354 = arith.constant 0 : i32
    %dma_wait3A_355 = tpu.memref_slice %arg7[%dma_wait3A_352, %dma_wait3A_353, %dma_wait3A_354] : memref<4x128x64xf32, #tpu.memory_space<vmem>> -> memref<1x128x64xf32, #tpu.memory_space<vmem>>
    %dma_wait3A_356 = tpu.memref_squeeze %dma_wait3A_355 : memref<1x128x64xf32, #tpu.memory_space<vmem>> -> memref<128x64xf32, #tpu.memory_space<vmem>>
    %dma_wait3A_357 = arith.constant 0 : i32
    %dma_wait3A_358 = tpu.memref_slice %arg5[%dma_wait3A_351, %dma_wait3A_357] : memref<50x128xi32, #tpu.memory_space<vmem>> -> memref<1x128xi32, #tpu.memory_space<vmem>>
    %dma_wait3A_359 = tpu.memref_squeeze %dma_wait3A_358 : memref<1x128xi32, #tpu.memory_space<vmem>> -> memref<128xi32, #tpu.memory_space<vmem>>
    %dma_wait3A_360 = arith.constant 0 : i32
    %dma_wait3A_361 = arith.constant 0 : i32
    %dma_wait3A_362 = tpu.memref_slice %arg3[%dma_wait3A_360, %dma_wait3A_361] : memref<1000000x64xf32, #tpu.memory_space<hbm>> -> memref<1000000x64xf32, #tpu.memory_space<hbm>>
    tpu.wait_indirect_dma semaphore(%arg11 : memref<!tpu.dma_semaphore, #tpu.memory_space<semaphore_mem>>) src(%dma_wait3A_362 : memref<1000000x64xf32, #tpu.memory_space<hbm>>) dst(%dma_wait3A_356 : memref<128x64xf32, #tpu.memory_space<vmem>>)
    %dma_start3A_363 = arith.constant 2 : i32
    %dma_start3A_364 = arith.constant 0 : i32
    %dma_start3A_365 = arith.constant 0 : i32
    %dma_start3A_366 = tpu.memref_slice %arg7[%dma_start3A_363, %dma_start3A_364, %dma_start3A_365] : memref<4x128x64xf32, #tpu.memory_space<vmem>> -> memref<1x128x64xf32, #tpu.memory_space<vmem>>
    %dma_start3A_367 = tpu.memref_squeeze %dma_start3A_366 : memref<1x128x64xf32, #tpu.memory_space<vmem>> -> memref<128x64xf32, #tpu.memory_space<vmem>>
    %dma_start3A_368 = arith.constant 0 : i32
    %dma_start3A_369 = arith.constant 0 : i32
    %dma_start3A_370 = tpu.memref_slice %arg8[%dma_start3A_368, %dma_start3A_369] : memref<2048x64xf32, #tpu.memory_space<vmem_shared>> -> memref<2048x64xf32, #tpu.memory_space<vmem_shared>>
    tpu.enqueue_indirect_dma source(%dma_start3A_367 : memref<128x64xf32, #tpu.memory_space<vmem>>) target(%dma_start3A_370 : memref<2048x64xf32, #tpu.memory_space<vmem_shared>>) offsets(%arg6 : memref<128xi32, #tpu.memory_space<vmem>>) semaphore(%arg15 : memref<!tpu.dma_semaphore, #tpu.memory_space<semaphore_mem>>) {add = true}
    %dma_wait3A_371 = arith.constant 1 : i32
    %dma_wait3A_372 = arith.constant 0 : i32
    %dma_wait3A_373 = arith.constant 0 : i32
    %dma_wait3A_374 = tpu.memref_slice %arg7[%dma_wait3A_371, %dma_wait3A_372, %dma_wait3A_373] : memref<4x128x64xf32, #tpu.memory_space<vmem>> -> memref<1x128x64xf32, #tpu.memory_space<vmem>>
    %dma_wait3A_375 = tpu.memref_squeeze %dma_wait3A_374 : memref<1x128x64xf32, #tpu.memory_space<vmem>> -> memref<128x64xf32, #tpu.memory_space<vmem>>
    %dma_wait3A_376 = arith.constant 0 : i32
    %dma_wait3A_377 = arith.constant 0 : i32
    %dma_wait3A_378 = tpu.memref_slice %arg8[%dma_wait3A_376, %dma_wait3A_377] : memref<2048x64xf32, #tpu.memory_space<vmem_shared>> -> memref<2048x64xf32, #tpu.memory_space<vmem_shared>>
    tpu.wait_indirect_dma semaphore(%arg14 : memref<!tpu.dma_semaphore, #tpu.memory_space<semaphore_mem>>) src(%dma_wait3A_375 : memref<128x64xf32, #tpu.memory_space<vmem>>) dst(%dma_wait3A_378 : memref<2048x64xf32, #tpu.memory_space<vmem_shared>>)
    %dma_start3A_379 = arith.constant 9 : i32
    %dma_start3A_380 = arith.constant 1 : i32
    %dma_start3A_381 = arith.constant 0 : i32
    %dma_start3A_382 = arith.constant 0 : i32
    %dma_start3A_383 = tpu.memref_slice %arg7[%dma_start3A_380, %dma_start3A_381, %dma_start3A_382] : memref<4x128x64xf32, #tpu.memory_space<vmem>> -> memref<1x128x64xf32, #tpu.memory_space<vmem>>
    %dma_start3A_384 = tpu.memref_squeeze %dma_start3A_383 : memref<1x128x64xf32, #tpu.memory_space<vmem>> -> memref<128x64xf32, #tpu.memory_space<vmem>>
    %dma_start3A_385 = arith.constant 0 : i32
    %dma_start3A_386 = tpu.memref_slice %arg5[%dma_start3A_379, %dma_start3A_385] : memref<50x128xi32, #tpu.memory_space<vmem>> -> memref<1x128xi32, #tpu.memory_space<vmem>>
    %dma_start3A_387 = tpu.memref_squeeze %dma_start3A_386 : memref<1x128xi32, #tpu.memory_space<vmem>> -> memref<128xi32, #tpu.memory_space<vmem>>
    %dma_start3A_388 = arith.constant 0 : i32
    %dma_start3A_389 = arith.constant 0 : i32
    %dma_start3A_390 = tpu.memref_slice %arg3[%dma_start3A_388, %dma_start3A_389] : memref<1000000x64xf32, #tpu.memory_space<hbm>> -> memref<1000000x64xf32, #tpu.memory_space<hbm>>
    tpu.enqueue_indirect_dma source(%dma_start3A_390 : memref<1000000x64xf32, #tpu.memory_space<hbm>>) target(%dma_start3A_384 : memref<128x64xf32, #tpu.memory_space<vmem>>) offsets(%dma_start3A_387 : memref<128xi32, #tpu.memory_space<vmem>>) semaphore(%arg10 : memref<!tpu.dma_semaphore, #tpu.memory_space<semaphore_mem>>)
    %dma_wait3A_391 = arith.constant 7 : i32
    %dma_wait3A_392 = arith.constant 3 : i32
    %dma_wait3A_393 = arith.constant 0 : i32
    %dma_wait3A_394 = arith.constant 0 : i32
    %dma_wait3A_395 = tpu.memref_slice %arg7[%dma_wait3A_392, %dma_wait3A_393, %dma_wait3A_394] : memref<4x128x64xf32, #tpu.memory_space<vmem>> -> memref<1x128x64xf32, #tpu.memory_space<vmem>>
    %dma_wait3A_396 = tpu.memref_squeeze %dma_wait3A_395 : memref<1x128x64xf32, #tpu.memory_space<vmem>> -> memref<128x64xf32, #tpu.memory_space<vmem>>
    %dma_wait3A_397 = arith.constant 0 : i32
    %dma_wait3A_398 = tpu.memref_slice %arg5[%dma_wait3A_391, %dma_wait3A_397] : memref<50x128xi32, #tpu.memory_space<vmem>> -> memref<1x128xi32, #tpu.memory_space<vmem>>
    %dma_wait3A_399 = tpu.memref_squeeze %dma_wait3A_398 : memref<1x128xi32, #tpu.memory_space<vmem>> -> memref<128xi32, #tpu.memory_space<vmem>>
    %dma_wait3A_400 = arith.constant 0 : i32
    %dma_wait3A_401 = arith.constant 0 : i32
    %dma_wait3A_402 = tpu.memref_slice %arg3[%dma_wait3A_400, %dma_wait3A_401] : memref<1000000x64xf32, #tpu.memory_space<hbm>> -> memref<1000000x64xf32, #tpu.memory_space<hbm>>
    tpu.wait_indirect_dma semaphore(%arg12 : memref<!tpu.dma_semaphore, #tpu.memory_space<semaphore_mem>>) src(%dma_wait3A_402 : memref<1000000x64xf32, #tpu.memory_space<hbm>>) dst(%dma_wait3A_396 : memref<128x64xf32, #tpu.memory_space<vmem>>)
    %dma_start3A_403 = arith.constant 3 : i32
    %dma_start3A_404 = arith.constant 0 : i32
    %dma_start3A_405 = arith.constant 0 : i32
    %dma_start3A_406 = tpu.memref_slice %arg7[%dma_start3A_403, %dma_start3A_404, %dma_start3A_405] : memref<4x128x64xf32, #tpu.memory_space<vmem>> -> memref<1x128x64xf32, #tpu.memory_space<vmem>>
    %dma_start3A_407 = tpu.memref_squeeze %dma_start3A_406 : memref<1x128x64xf32, #tpu.memory_space<vmem>> -> memref<128x64xf32, #tpu.memory_space<vmem>>
    %dma_start3A_408 = arith.constant 0 : i32
    %dma_start3A_409 = arith.constant 0 : i32
    %dma_start3A_410 = tpu.memref_slice %arg8[%dma_start3A_408, %dma_start3A_409] : memref<2048x64xf32, #tpu.memory_space<vmem_shared>> -> memref<2048x64xf32, #tpu.memory_space<vmem_shared>>
    tpu.enqueue_indirect_dma source(%dma_start3A_407 : memref<128x64xf32, #tpu.memory_space<vmem>>) target(%dma_start3A_410 : memref<2048x64xf32, #tpu.memory_space<vmem_shared>>) offsets(%arg6 : memref<128xi32, #tpu.memory_space<vmem>>) semaphore(%arg16 : memref<!tpu.dma_semaphore, #tpu.memory_space<semaphore_mem>>) {add = true}
    %dma_wait3A_411 = arith.constant 2 : i32
    %dma_wait3A_412 = arith.constant 0 : i32
    %dma_wait3A_413 = arith.constant 0 : i32
    %dma_wait3A_414 = tpu.memref_slice %arg7[%dma_wait3A_411, %dma_wait3A_412, %dma_wait3A_413] : memref<4x128x64xf32, #tpu.memory_space<vmem>> -> memref<1x128x64xf32, #tpu.memory_space<vmem>>
    %dma_wait3A_415 = tpu.memref_squeeze %dma_wait3A_414 : memref<1x128x64xf32, #tpu.memory_space<vmem>> -> memref<128x64xf32, #tpu.memory_space<vmem>>
    %dma_wait3A_416 = arith.constant 0 : i32
    %dma_wait3A_417 = arith.constant 0 : i32
    %dma_wait3A_418 = tpu.memref_slice %arg8[%dma_wait3A_416, %dma_wait3A_417] : memref<2048x64xf32, #tpu.memory_space<vmem_shared>> -> memref<2048x64xf32, #tpu.memory_space<vmem_shared>>
    tpu.wait_indirect_dma semaphore(%arg15 : memref<!tpu.dma_semaphore, #tpu.memory_space<semaphore_mem>>) src(%dma_wait3A_415 : memref<128x64xf32, #tpu.memory_space<vmem>>) dst(%dma_wait3A_418 : memref<2048x64xf32, #tpu.memory_space<vmem_shared>>)
    %dma_start3A_419 = arith.constant 10 : i32
    %dma_start3A_420 = arith.constant 2 : i32
    %dma_start3A_421 = arith.constant 0 : i32
    %dma_start3A_422 = arith.constant 0 : i32
    %dma_start3A_423 = tpu.memref_slice %arg7[%dma_start3A_420, %dma_start3A_421, %dma_start3A_422] : memref<4x128x64xf32, #tpu.memory_space<vmem>> -> memref<1x128x64xf32, #tpu.memory_space<vmem>>
    %dma_start3A_424 = tpu.memref_squeeze %dma_start3A_423 : memref<1x128x64xf32, #tpu.memory_space<vmem>> -> memref<128x64xf32, #tpu.memory_space<vmem>>
    %dma_start3A_425 = arith.constant 0 : i32
    %dma_start3A_426 = tpu.memref_slice %arg5[%dma_start3A_419, %dma_start3A_425] : memref<50x128xi32, #tpu.memory_space<vmem>> -> memref<1x128xi32, #tpu.memory_space<vmem>>
    %dma_start3A_427 = tpu.memref_squeeze %dma_start3A_426 : memref<1x128xi32, #tpu.memory_space<vmem>> -> memref<128xi32, #tpu.memory_space<vmem>>
    %dma_start3A_428 = arith.constant 0 : i32
    %dma_start3A_429 = arith.constant 0 : i32
    %dma_start3A_430 = tpu.memref_slice %arg3[%dma_start3A_428, %dma_start3A_429] : memref<1000000x64xf32, #tpu.memory_space<hbm>> -> memref<1000000x64xf32, #tpu.memory_space<hbm>>
    tpu.enqueue_indirect_dma source(%dma_start3A_430 : memref<1000000x64xf32, #tpu.memory_space<hbm>>) target(%dma_start3A_424 : memref<128x64xf32, #tpu.memory_space<vmem>>) offsets(%dma_start3A_427 : memref<128xi32, #tpu.memory_space<vmem>>) semaphore(%arg11 : memref<!tpu.dma_semaphore, #tpu.memory_space<semaphore_mem>>)
    %dma_wait3A_431 = arith.constant 8 : i32
    %dma_wait3A_432 = arith.constant 0 : i32
    %dma_wait3A_433 = arith.constant 0 : i32
    %dma_wait3A_434 = arith.constant 0 : i32
    %dma_wait3A_435 = tpu.memref_slice %arg7[%dma_wait3A_432, %dma_wait3A_433, %dma_wait3A_434] : memref<4x128x64xf32, #tpu.memory_space<vmem>> -> memref<1x128x64xf32, #tpu.memory_space<vmem>>
    %dma_wait3A_436 = tpu.memref_squeeze %dma_wait3A_435 : memref<1x128x64xf32, #tpu.memory_space<vmem>> -> memref<128x64xf32, #tpu.memory_space<vmem>>
    %dma_wait3A_437 = arith.constant 0 : i32
    %dma_wait3A_438 = tpu.memref_slice %arg5[%dma_wait3A_431, %dma_wait3A_437] : memref<50x128xi32, #tpu.memory_space<vmem>> -> memref<1x128xi32, #tpu.memory_space<vmem>>
    %dma_wait3A_439 = tpu.memref_squeeze %dma_wait3A_438 : memref<1x128xi32, #tpu.memory_space<vmem>> -> memref<128xi32, #tpu.memory_space<vmem>>
    %dma_wait3A_440 = arith.constant 0 : i32
    %dma_wait3A_441 = arith.constant 0 : i32
    %dma_wait3A_442 = tpu.memref_slice %arg3[%dma_wait3A_440, %dma_wait3A_441] : memref<1000000x64xf32, #tpu.memory_space<hbm>> -> memref<1000000x64xf32, #tpu.memory_space<hbm>>
    tpu.wait_indirect_dma semaphore(%arg9 : memref<!tpu.dma_semaphore, #tpu.memory_space<semaphore_mem>>) src(%dma_wait3A_442 : memref<1000000x64xf32, #tpu.memory_space<hbm>>) dst(%dma_wait3A_436 : memref<128x64xf32, #tpu.memory_space<vmem>>)
    %dma_start3A_443 = arith.constant 0 : i32
    %dma_start3A_444 = arith.constant 0 : i32
    %dma_start3A_445 = arith.constant 0 : i32
    %dma_start3A_446 = tpu.memref_slice %arg7[%dma_start3A_443, %dma_start3A_444, %dma_start3A_445] : memref<4x128x64xf32, #tpu.memory_space<vmem>> -> memref<1x128x64xf32, #tpu.memory_space<vmem>>
    %dma_start3A_447 = tpu.memref_squeeze %dma_start3A_446 : memref<1x128x64xf32, #tpu.memory_space<vmem>> -> memref<128x64xf32, #tpu.memory_space<vmem>>
    %dma_start3A_448 = arith.constant 0 : i32
    %dma_start3A_449 = arith.constant 0 : i32
    %dma_start3A_450 = tpu.memref_slice %arg8[%dma_start3A_448, %dma_start3A_449] : memref<2048x64xf32, #tpu.memory_space<vmem_shared>> -> memref<2048x64xf32, #tpu.memory_space<vmem_shared>>
    tpu.enqueue_indirect_dma source(%dma_start3A_447 : memref<128x64xf32, #tpu.memory_space<vmem>>) target(%dma_start3A_450 : memref<2048x64xf32, #tpu.memory_space<vmem_shared>>) offsets(%arg6 : memref<128xi32, #tpu.memory_space<vmem>>) semaphore(%arg13 : memref<!tpu.dma_semaphore, #tpu.memory_space<semaphore_mem>>) {add = true}
    %dma_wait3A_451 = arith.constant 3 : i32
    %dma_wait3A_452 = arith.constant 0 : i32
    %dma_wait3A_453 = arith.constant 0 : i32
    %dma_wait3A_454 = tpu.memref_slice %arg7[%dma_wait3A_451, %dma_wait3A_452, %dma_wait3A_453] : memref<4x128x64xf32, #tpu.memory_space<vmem>> -> memref<1x128x64xf32, #tpu.memory_space<vmem>>
    %dma_wait3A_455 = tpu.memref_squeeze %dma_wait3A_454 : memref<1x128x64xf32, #tpu.memory_space<vmem>> -> memref<128x64xf32, #tpu.memory_space<vmem>>
    %dma_wait3A_456 = arith.constant 0 : i32
    %dma_wait3A_457 = arith.constant 0 : i32
    %dma_wait3A_458 = tpu.memref_slice %arg8[%dma_wait3A_456, %dma_wait3A_457] : memref<2048x64xf32, #tpu.memory_space<vmem_shared>> -> memref<2048x64xf32, #tpu.memory_space<vmem_shared>>
    tpu.wait_indirect_dma semaphore(%arg16 : memref<!tpu.dma_semaphore, #tpu.memory_space<semaphore_mem>>) src(%dma_wait3A_455 : memref<128x64xf32, #tpu.memory_space<vmem>>) dst(%dma_wait3A_458 : memref<2048x64xf32, #tpu.memory_space<vmem_shared>>)
    %dma_start3A_459 = arith.constant 11 : i32
    %dma_start3A_460 = arith.constant 3 : i32
    %dma_start3A_461 = arith.constant 0 : i32
    %dma_start3A_462 = arith.constant 0 : i32
    %dma_start3A_463 = tpu.memref_slice %arg7[%dma_start3A_460, %dma_start3A_461, %dma_start3A_462] : memref<4x128x64xf32, #tpu.memory_space<vmem>> -> memref<1x128x64xf32, #tpu.memory_space<vmem>>
    %dma_start3A_464 = tpu.memref_squeeze %dma_start3A_463 : memref<1x128x64xf32, #tpu.memory_space<vmem>> -> memref<128x64xf32, #tpu.memory_space<vmem>>
    %dma_start3A_465 = arith.constant 0 : i32
    %dma_start3A_466 = tpu.memref_slice %arg5[%dma_start3A_459, %dma_start3A_465] : memref<50x128xi32, #tpu.memory_space<vmem>> -> memref<1x128xi32, #tpu.memory_space<vmem>>
    %dma_start3A_467 = tpu.memref_squeeze %dma_start3A_466 : memref<1x128xi32, #tpu.memory_space<vmem>> -> memref<128xi32, #tpu.memory_space<vmem>>
    %dma_start3A_468 = arith.constant 0 : i32
    %dma_start3A_469 = arith.constant 0 : i32
    %dma_start3A_470 = tpu.memref_slice %arg3[%dma_start3A_468, %dma_start3A_469] : memref<1000000x64xf32, #tpu.memory_space<hbm>> -> memref<1000000x64xf32, #tpu.memory_space<hbm>>
    tpu.enqueue_indirect_dma source(%dma_start3A_470 : memref<1000000x64xf32, #tpu.memory_space<hbm>>) target(%dma_start3A_464 : memref<128x64xf32, #tpu.memory_space<vmem>>) offsets(%dma_start3A_467 : memref<128xi32, #tpu.memory_space<vmem>>) semaphore(%arg12 : memref<!tpu.dma_semaphore, #tpu.memory_space<semaphore_mem>>)
    %dma_wait3A_471 = arith.constant 9 : i32
    %dma_wait3A_472 = arith.constant 1 : i32
    %dma_wait3A_473 = arith.constant 0 : i32
    %dma_wait3A_474 = arith.constant 0 : i32
    %dma_wait3A_475 = tpu.memref_slice %arg7[%dma_wait3A_472, %dma_wait3A_473, %dma_wait3A_474] : memref<4x128x64xf32, #tpu.memory_space<vmem>> -> memref<1x128x64xf32, #tpu.memory_space<vmem>>
    %dma_wait3A_476 = tpu.memref_squeeze %dma_wait3A_475 : memref<1x128x64xf32, #tpu.memory_space<vmem>> -> memref<128x64xf32, #tpu.memory_space<vmem>>
    %dma_wait3A_477 = arith.constant 0 : i32
    %dma_wait3A_478 = tpu.memref_slice %arg5[%dma_wait3A_471, %dma_wait3A_477] : memref<50x128xi32, #tpu.memory_space<vmem>> -> memref<1x128xi32, #tpu.memory_space<vmem>>
    %dma_wait3A_479 = tpu.memref_squeeze %dma_wait3A_478 : memref<1x128xi32, #tpu.memory_space<vmem>> -> memref<128xi32, #tpu.memory_space<vmem>>
    %dma_wait3A_480 = arith.constant 0 : i32
    %dma_wait3A_481 = arith.constant 0 : i32
    %dma_wait3A_482 = tpu.memref_slice %arg3[%dma_wait3A_480, %dma_wait3A_481] : memref<1000000x64xf32, #tpu.memory_space<hbm>> -> memref<1000000x64xf32, #tpu.memory_space<hbm>>
    tpu.wait_indirect_dma semaphore(%arg10 : memref<!tpu.dma_semaphore, #tpu.memory_space<semaphore_mem>>) src(%dma_wait3A_482 : memref<1000000x64xf32, #tpu.memory_space<hbm>>) dst(%dma_wait3A_476 : memref<128x64xf32, #tpu.memory_space<vmem>>)
    %dma_start3A_483 = arith.constant 1 : i32
    %dma_start3A_484 = arith.constant 0 : i32
    %dma_start3A_485 = arith.constant 0 : i32
    %dma_start3A_486 = tpu.memref_slice %arg7[%dma_start3A_483, %dma_start3A_484, %dma_start3A_485] : memref<4x128x64xf32, #tpu.memory_space<vmem>> -> memref<1x128x64xf32, #tpu.memory_space<vmem>>
    %dma_start3A_487 = tpu.memref_squeeze %dma_start3A_486 : memref<1x128x64xf32, #tpu.memory_space<vmem>> -> memref<128x64xf32, #tpu.memory_space<vmem>>
    %dma_start3A_488 = arith.constant 0 : i32
    %dma_start3A_489 = arith.constant 0 : i32
    %dma_start3A_490 = tpu.memref_slice %arg8[%dma_start3A_488, %dma_start3A_489] : memref<2048x64xf32, #tpu.memory_space<vmem_shared>> -> memref<2048x64xf32, #tpu.memory_space<vmem_shared>>
    tpu.enqueue_indirect_dma source(%dma_start3A_487 : memref<128x64xf32, #tpu.memory_space<vmem>>) target(%dma_start3A_490 : memref<2048x64xf32, #tpu.memory_space<vmem_shared>>) offsets(%arg6 : memref<128xi32, #tpu.memory_space<vmem>>) semaphore(%arg14 : memref<!tpu.dma_semaphore, #tpu.memory_space<semaphore_mem>>) {add = true}
    %dma_wait3A_491 = arith.constant 0 : i32
    %dma_wait3A_492 = arith.constant 0 : i32
    %dma_wait3A_493 = arith.constant 0 : i32
    %dma_wait3A_494 = tpu.memref_slice %arg7[%dma_wait3A_491, %dma_wait3A_492, %dma_wait3A_493] : memref<4x128x64xf32, #tpu.memory_space<vmem>> -> memref<1x128x64xf32, #tpu.memory_space<vmem>>
    %dma_wait3A_495 = tpu.memref_squeeze %dma_wait3A_494 : memref<1x128x64xf32, #tpu.memory_space<vmem>> -> memref<128x64xf32, #tpu.memory_space<vmem>>
    %dma_wait3A_496 = arith.constant 0 : i32
    %dma_wait3A_497 = arith.constant 0 : i32
    %dma_wait3A_498 = tpu.memref_slice %arg8[%dma_wait3A_496, %dma_wait3A_497] : memref<2048x64xf32, #tpu.memory_space<vmem_shared>> -> memref<2048x64xf32, #tpu.memory_space<vmem_shared>>
    tpu.wait_indirect_dma semaphore(%arg13 : memref<!tpu.dma_semaphore, #tpu.memory_space<semaphore_mem>>) src(%dma_wait3A_495 : memref<128x64xf32, #tpu.memory_space<vmem>>) dst(%dma_wait3A_498 : memref<2048x64xf32, #tpu.memory_space<vmem_shared>>)
    %dma_start3A_499 = arith.constant 12 : i32
    %dma_start3A_500 = arith.constant 0 : i32
    %dma_start3A_501 = arith.constant 0 : i32
    %dma_start3A_502 = arith.constant 0 : i32
    %dma_start3A_503 = tpu.memref_slice %arg7[%dma_start3A_500, %dma_start3A_501, %dma_start3A_502] : memref<4x128x64xf32, #tpu.memory_space<vmem>> -> memref<1x128x64xf32, #tpu.memory_space<vmem>>
    %dma_start3A_504 = tpu.memref_squeeze %dma_start3A_503 : memref<1x128x64xf32, #tpu.memory_space<vmem>> -> memref<128x64xf32, #tpu.memory_space<vmem>>
    %dma_start3A_505 = arith.constant 0 : i32
    %dma_start3A_506 = tpu.memref_slice %arg5[%dma_start3A_499, %dma_start3A_505] : memref<50x128xi32, #tpu.memory_space<vmem>> -> memref<1x128xi32, #tpu.memory_space<vmem>>
    %dma_start3A_507 = tpu.memref_squeeze %dma_start3A_506 : memref<1x128xi32, #tpu.memory_space<vmem>> -> memref<128xi32, #tpu.memory_space<vmem>>
    %dma_start3A_508 = arith.constant 0 : i32
    %dma_start3A_509 = arith.constant 0 : i32
    %dma_start3A_510 = tpu.memref_slice %arg3[%dma_start3A_508, %dma_start3A_509] : memref<1000000x64xf32, #tpu.memory_space<hbm>> -> memref<1000000x64xf32, #tpu.memory_space<hbm>>
    tpu.enqueue_indirect_dma source(%dma_start3A_510 : memref<1000000x64xf32, #tpu.memory_space<hbm>>) target(%dma_start3A_504 : memref<128x64xf32, #tpu.memory_space<vmem>>) offsets(%dma_start3A_507 : memref<128xi32, #tpu.memory_space<vmem>>) semaphore(%arg9 : memref<!tpu.dma_semaphore, #tpu.memory_space<semaphore_mem>>)
    %dma_wait3A_511 = arith.constant 10 : i32
    %dma_wait3A_512 = arith.constant 2 : i32
    %dma_wait3A_513 = arith.constant 0 : i32
    %dma_wait3A_514 = arith.constant 0 : i32
    %dma_wait3A_515 = tpu.memref_slice %arg7[%dma_wait3A_512, %dma_wait3A_513, %dma_wait3A_514] : memref<4x128x64xf32, #tpu.memory_space<vmem>> -> memref<1x128x64xf32, #tpu.memory_space<vmem>>
    %dma_wait3A_516 = tpu.memref_squeeze %dma_wait3A_515 : memref<1x128x64xf32, #tpu.memory_space<vmem>> -> memref<128x64xf32, #tpu.memory_space<vmem>>
    %dma_wait3A_517 = arith.constant 0 : i32
    %dma_wait3A_518 = tpu.memref_slice %arg5[%dma_wait3A_511, %dma_wait3A_517] : memref<50x128xi32, #tpu.memory_space<vmem>> -> memref<1x128xi32, #tpu.memory_space<vmem>>
    %dma_wait3A_519 = tpu.memref_squeeze %dma_wait3A_518 : memref<1x128xi32, #tpu.memory_space<vmem>> -> memref<128xi32, #tpu.memory_space<vmem>>
    %dma_wait3A_520 = arith.constant 0 : i32
    %dma_wait3A_521 = arith.constant 0 : i32
    %dma_wait3A_522 = tpu.memref_slice %arg3[%dma_wait3A_520, %dma_wait3A_521] : memref<1000000x64xf32, #tpu.memory_space<hbm>> -> memref<1000000x64xf32, #tpu.memory_space<hbm>>
    tpu.wait_indirect_dma semaphore(%arg11 : memref<!tpu.dma_semaphore, #tpu.memory_space<semaphore_mem>>) src(%dma_wait3A_522 : memref<1000000x64xf32, #tpu.memory_space<hbm>>) dst(%dma_wait3A_516 : memref<128x64xf32, #tpu.memory_space<vmem>>)
    %dma_start3A_523 = arith.constant 2 : i32
    %dma_start3A_524 = arith.constant 0 : i32
    %dma_start3A_525 = arith.constant 0 : i32
    %dma_start3A_526 = tpu.memref_slice %arg7[%dma_start3A_523, %dma_start3A_524, %dma_start3A_525] : memref<4x128x64xf32, #tpu.memory_space<vmem>> -> memref<1x128x64xf32, #tpu.memory_space<vmem>>
    %dma_start3A_527 = tpu.memref_squeeze %dma_start3A_526 : memref<1x128x64xf32, #tpu.memory_space<vmem>> -> memref<128x64xf32, #tpu.memory_space<vmem>>
    %dma_start3A_528 = arith.constant 0 : i32
    %dma_start3A_529 = arith.constant 0 : i32
    %dma_start3A_530 = tpu.memref_slice %arg8[%dma_start3A_528, %dma_start3A_529] : memref<2048x64xf32, #tpu.memory_space<vmem_shared>> -> memref<2048x64xf32, #tpu.memory_space<vmem_shared>>
    tpu.enqueue_indirect_dma source(%dma_start3A_527 : memref<128x64xf32, #tpu.memory_space<vmem>>) target(%dma_start3A_530 : memref<2048x64xf32, #tpu.memory_space<vmem_shared>>) offsets(%arg6 : memref<128xi32, #tpu.memory_space<vmem>>) semaphore(%arg15 : memref<!tpu.dma_semaphore, #tpu.memory_space<semaphore_mem>>) {add = true}
    %dma_wait3A_531 = arith.constant 1 : i32
    %dma_wait3A_532 = arith.constant 0 : i32
    %dma_wait3A_533 = arith.constant 0 : i32
    %dma_wait3A_534 = tpu.memref_slice %arg7[%dma_wait3A_531, %dma_wait3A_532, %dma_wait3A_533] : memref<4x128x64xf32, #tpu.memory_space<vmem>> -> memref<1x128x64xf32, #tpu.memory_space<vmem>>
    %dma_wait3A_535 = tpu.memref_squeeze %dma_wait3A_534 : memref<1x128x64xf32, #tpu.memory_space<vmem>> -> memref<128x64xf32, #tpu.memory_space<vmem>>
    %dma_wait3A_536 = arith.constant 0 : i32
    %dma_wait3A_537 = arith.constant 0 : i32
    %dma_wait3A_538 = tpu.memref_slice %arg8[%dma_wait3A_536, %dma_wait3A_537] : memref<2048x64xf32, #tpu.memory_space<vmem_shared>> -> memref<2048x64xf32, #tpu.memory_space<vmem_shared>>
    tpu.wait_indirect_dma semaphore(%arg14 : memref<!tpu.dma_semaphore, #tpu.memory_space<semaphore_mem>>) src(%dma_wait3A_535 : memref<128x64xf32, #tpu.memory_space<vmem>>) dst(%dma_wait3A_538 : memref<2048x64xf32, #tpu.memory_space<vmem_shared>>)
    %dma_start3A_539 = arith.constant 13 : i32
    %dma_start3A_540 = arith.constant 1 : i32
    %dma_start3A_541 = arith.constant 0 : i32
    %dma_start3A_542 = arith.constant 0 : i32
    %dma_start3A_543 = tpu.memref_slice %arg7[%dma_start3A_540, %dma_start3A_541, %dma_start3A_542] : memref<4x128x64xf32, #tpu.memory_space<vmem>> -> memref<1x128x64xf32, #tpu.memory_space<vmem>>
    %dma_start3A_544 = tpu.memref_squeeze %dma_start3A_543 : memref<1x128x64xf32, #tpu.memory_space<vmem>> -> memref<128x64xf32, #tpu.memory_space<vmem>>
    %dma_start3A_545 = arith.constant 0 : i32
    %dma_start3A_546 = tpu.memref_slice %arg5[%dma_start3A_539, %dma_start3A_545] : memref<50x128xi32, #tpu.memory_space<vmem>> -> memref<1x128xi32, #tpu.memory_space<vmem>>
    %dma_start3A_547 = tpu.memref_squeeze %dma_start3A_546 : memref<1x128xi32, #tpu.memory_space<vmem>> -> memref<128xi32, #tpu.memory_space<vmem>>
    %dma_start3A_548 = arith.constant 0 : i32
    %dma_start3A_549 = arith.constant 0 : i32
    %dma_start3A_550 = tpu.memref_slice %arg3[%dma_start3A_548, %dma_start3A_549] : memref<1000000x64xf32, #tpu.memory_space<hbm>> -> memref<1000000x64xf32, #tpu.memory_space<hbm>>
    tpu.enqueue_indirect_dma source(%dma_start3A_550 : memref<1000000x64xf32, #tpu.memory_space<hbm>>) target(%dma_start3A_544 : memref<128x64xf32, #tpu.memory_space<vmem>>) offsets(%dma_start3A_547 : memref<128xi32, #tpu.memory_space<vmem>>) semaphore(%arg10 : memref<!tpu.dma_semaphore, #tpu.memory_space<semaphore_mem>>)
    %dma_wait3A_551 = arith.constant 11 : i32
    %dma_wait3A_552 = arith.constant 3 : i32
    %dma_wait3A_553 = arith.constant 0 : i32
    %dma_wait3A_554 = arith.constant 0 : i32
    %dma_wait3A_555 = tpu.memref_slice %arg7[%dma_wait3A_552, %dma_wait3A_553, %dma_wait3A_554] : memref<4x128x64xf32, #tpu.memory_space<vmem>> -> memref<1x128x64xf32, #tpu.memory_space<vmem>>
    %dma_wait3A_556 = tpu.memref_squeeze %dma_wait3A_555 : memref<1x128x64xf32, #tpu.memory_space<vmem>> -> memref<128x64xf32, #tpu.memory_space<vmem>>
    %dma_wait3A_557 = arith.constant 0 : i32
    %dma_wait3A_558 = tpu.memref_slice %arg5[%dma_wait3A_551, %dma_wait3A_557] : memref<50x128xi32, #tpu.memory_space<vmem>> -> memref<1x128xi32, #tpu.memory_space<vmem>>
    %dma_wait3A_559 = tpu.memref_squeeze %dma_wait3A_558 : memref<1x128xi32, #tpu.memory_space<vmem>> -> memref<128xi32, #tpu.memory_space<vmem>>
    %dma_wait3A_560 = arith.constant 0 : i32
    %dma_wait3A_561 = arith.constant 0 : i32
    %dma_wait3A_562 = tpu.memref_slice %arg3[%dma_wait3A_560, %dma_wait3A_561] : memref<1000000x64xf32, #tpu.memory_space<hbm>> -> memref<1000000x64xf32, #tpu.memory_space<hbm>>
    tpu.wait_indirect_dma semaphore(%arg12 : memref<!tpu.dma_semaphore, #tpu.memory_space<semaphore_mem>>) src(%dma_wait3A_562 : memref<1000000x64xf32, #tpu.memory_space<hbm>>) dst(%dma_wait3A_556 : memref<128x64xf32, #tpu.memory_space<vmem>>)
    %dma_start3A_563 = arith.constant 3 : i32
    %dma_start3A_564 = arith.constant 0 : i32
    %dma_start3A_565 = arith.constant 0 : i32
    %dma_start3A_566 = tpu.memref_slice %arg7[%dma_start3A_563, %dma_start3A_564, %dma_start3A_565] : memref<4x128x64xf32, #tpu.memory_space<vmem>> -> memref<1x128x64xf32, #tpu.memory_space<vmem>>
    %dma_start3A_567 = tpu.memref_squeeze %dma_start3A_566 : memref<1x128x64xf32, #tpu.memory_space<vmem>> -> memref<128x64xf32, #tpu.memory_space<vmem>>
    %dma_start3A_568 = arith.constant 0 : i32
    %dma_start3A_569 = arith.constant 0 : i32
    %dma_start3A_570 = tpu.memref_slice %arg8[%dma_start3A_568, %dma_start3A_569] : memref<2048x64xf32, #tpu.memory_space<vmem_shared>> -> memref<2048x64xf32, #tpu.memory_space<vmem_shared>>
    tpu.enqueue_indirect_dma source(%dma_start3A_567 : memref<128x64xf32, #tpu.memory_space<vmem>>) target(%dma_start3A_570 : memref<2048x64xf32, #tpu.memory_space<vmem_shared>>) offsets(%arg6 : memref<128xi32, #tpu.memory_space<vmem>>) semaphore(%arg16 : memref<!tpu.dma_semaphore, #tpu.memory_space<semaphore_mem>>) {add = true}
    %dma_wait3A_571 = arith.constant 2 : i32
    %dma_wait3A_572 = arith.constant 0 : i32
    %dma_wait3A_573 = arith.constant 0 : i32
    %dma_wait3A_574 = tpu.memref_slice %arg7[%dma_wait3A_571, %dma_wait3A_572, %dma_wait3A_573] : memref<4x128x64xf32, #tpu.memory_space<vmem>> -> memref<1x128x64xf32, #tpu.memory_space<vmem>>
    %dma_wait3A_575 = tpu.memref_squeeze %dma_wait3A_574 : memref<1x128x64xf32, #tpu.memory_space<vmem>> -> memref<128x64xf32, #tpu.memory_space<vmem>>
    %dma_wait3A_576 = arith.constant 0 : i32
    %dma_wait3A_577 = arith.constant 0 : i32
    %dma_wait3A_578 = tpu.memref_slice %arg8[%dma_wait3A_576, %dma_wait3A_577] : memref<2048x64xf32, #tpu.memory_space<vmem_shared>> -> memref<2048x64xf32, #tpu.memory_space<vmem_shared>>
    tpu.wait_indirect_dma semaphore(%arg15 : memref<!tpu.dma_semaphore, #tpu.memory_space<semaphore_mem>>) src(%dma_wait3A_575 : memref<128x64xf32, #tpu.memory_space<vmem>>) dst(%dma_wait3A_578 : memref<2048x64xf32, #tpu.memory_space<vmem_shared>>)
    %dma_start3A_579 = arith.constant 14 : i32
    %dma_start3A_580 = arith.constant 2 : i32
    %dma_start3A_581 = arith.constant 0 : i32
    %dma_start3A_582 = arith.constant 0 : i32
    %dma_start3A_583 = tpu.memref_slice %arg7[%dma_start3A_580, %dma_start3A_581, %dma_start3A_582] : memref<4x128x64xf32, #tpu.memory_space<vmem>> -> memref<1x128x64xf32, #tpu.memory_space<vmem>>
    %dma_start3A_584 = tpu.memref_squeeze %dma_start3A_583 : memref<1x128x64xf32, #tpu.memory_space<vmem>> -> memref<128x64xf32, #tpu.memory_space<vmem>>
    %dma_start3A_585 = arith.constant 0 : i32
    %dma_start3A_586 = tpu.memref_slice %arg5[%dma_start3A_579, %dma_start3A_585] : memref<50x128xi32, #tpu.memory_space<vmem>> -> memref<1x128xi32, #tpu.memory_space<vmem>>
    %dma_start3A_587 = tpu.memref_squeeze %dma_start3A_586 : memref<1x128xi32, #tpu.memory_space<vmem>> -> memref<128xi32, #tpu.memory_space<vmem>>
    %dma_start3A_588 = arith.constant 0 : i32
    %dma_start3A_589 = arith.constant 0 : i32
    %dma_start3A_590 = tpu.memref_slice %arg3[%dma_start3A_588, %dma_start3A_589] : memref<1000000x64xf32, #tpu.memory_space<hbm>> -> memref<1000000x64xf32, #tpu.memory_space<hbm>>
    tpu.enqueue_indirect_dma source(%dma_start3A_590 : memref<1000000x64xf32, #tpu.memory_space<hbm>>) target(%dma_start3A_584 : memref<128x64xf32, #tpu.memory_space<vmem>>) offsets(%dma_start3A_587 : memref<128xi32, #tpu.memory_space<vmem>>) semaphore(%arg11 : memref<!tpu.dma_semaphore, #tpu.memory_space<semaphore_mem>>)
    %dma_wait3A_591 = arith.constant 12 : i32
    %dma_wait3A_592 = arith.constant 0 : i32
    %dma_wait3A_593 = arith.constant 0 : i32
    %dma_wait3A_594 = arith.constant 0 : i32
    %dma_wait3A_595 = tpu.memref_slice %arg7[%dma_wait3A_592, %dma_wait3A_593, %dma_wait3A_594] : memref<4x128x64xf32, #tpu.memory_space<vmem>> -> memref<1x128x64xf32, #tpu.memory_space<vmem>>
    %dma_wait3A_596 = tpu.memref_squeeze %dma_wait3A_595 : memref<1x128x64xf32, #tpu.memory_space<vmem>> -> memref<128x64xf32, #tpu.memory_space<vmem>>
    %dma_wait3A_597 = arith.constant 0 : i32
    %dma_wait3A_598 = tpu.memref_slice %arg5[%dma_wait3A_591, %dma_wait3A_597] : memref<50x128xi32, #tpu.memory_space<vmem>> -> memref<1x128xi32, #tpu.memory_space<vmem>>
    %dma_wait3A_599 = tpu.memref_squeeze %dma_wait3A_598 : memref<1x128xi32, #tpu.memory_space<vmem>> -> memref<128xi32, #tpu.memory_space<vmem>>
    %dma_wait3A_600 = arith.constant 0 : i32
    %dma_wait3A_601 = arith.constant 0 : i32
    %dma_wait3A_602 = tpu.memref_slice %arg3[%dma_wait3A_600, %dma_wait3A_601] : memref<1000000x64xf32, #tpu.memory_space<hbm>> -> memref<1000000x64xf32, #tpu.memory_space<hbm>>
    tpu.wait_indirect_dma semaphore(%arg9 : memref<!tpu.dma_semaphore, #tpu.memory_space<semaphore_mem>>) src(%dma_wait3A_602 : memref<1000000x64xf32, #tpu.memory_space<hbm>>) dst(%dma_wait3A_596 : memref<128x64xf32, #tpu.memory_space<vmem>>)
    %dma_start3A_603 = arith.constant 0 : i32
    %dma_start3A_604 = arith.constant 0 : i32
    %dma_start3A_605 = arith.constant 0 : i32
    %dma_start3A_606 = tpu.memref_slice %arg7[%dma_start3A_603, %dma_start3A_604, %dma_start3A_605] : memref<4x128x64xf32, #tpu.memory_space<vmem>> -> memref<1x128x64xf32, #tpu.memory_space<vmem>>
    %dma_start3A_607 = tpu.memref_squeeze %dma_start3A_606 : memref<1x128x64xf32, #tpu.memory_space<vmem>> -> memref<128x64xf32, #tpu.memory_space<vmem>>
    %dma_start3A_608 = arith.constant 0 : i32
    %dma_start3A_609 = arith.constant 0 : i32
    %dma_start3A_610 = tpu.memref_slice %arg8[%dma_start3A_608, %dma_start3A_609] : memref<2048x64xf32, #tpu.memory_space<vmem_shared>> -> memref<2048x64xf32, #tpu.memory_space<vmem_shared>>
    tpu.enqueue_indirect_dma source(%dma_start3A_607 : memref<128x64xf32, #tpu.memory_space<vmem>>) target(%dma_start3A_610 : memref<2048x64xf32, #tpu.memory_space<vmem_shared>>) offsets(%arg6 : memref<128xi32, #tpu.memory_space<vmem>>) semaphore(%arg13 : memref<!tpu.dma_semaphore, #tpu.memory_space<semaphore_mem>>) {add = true}
    %dma_wait3A_611 = arith.constant 3 : i32
    %dma_wait3A_612 = arith.constant 0 : i32
    %dma_wait3A_613 = arith.constant 0 : i32
    %dma_wait3A_614 = tpu.memref_slice %arg7[%dma_wait3A_611, %dma_wait3A_612, %dma_wait3A_613] : memref<4x128x64xf32, #tpu.memory_space<vmem>> -> memref<1x128x64xf32, #tpu.memory_space<vmem>>
    %dma_wait3A_615 = tpu.memref_squeeze %dma_wait3A_614 : memref<1x128x64xf32, #tpu.memory_space<vmem>> -> memref<128x64xf32, #tpu.memory_space<vmem>>
    %dma_wait3A_616 = arith.constant 0 : i32
    %dma_wait3A_617 = arith.constant 0 : i32
    %dma_wait3A_618 = tpu.memref_slice %arg8[%dma_wait3A_616, %dma_wait3A_617] : memref<2048x64xf32, #tpu.memory_space<vmem_shared>> -> memref<2048x64xf32, #tpu.memory_space<vmem_shared>>
    tpu.wait_indirect_dma semaphore(%arg16 : memref<!tpu.dma_semaphore, #tpu.memory_space<semaphore_mem>>) src(%dma_wait3A_615 : memref<128x64xf32, #tpu.memory_space<vmem>>) dst(%dma_wait3A_618 : memref<2048x64xf32, #tpu.memory_space<vmem_shared>>)
    %dma_start3A_619 = arith.constant 15 : i32
    %dma_start3A_620 = arith.constant 3 : i32
    %dma_start3A_621 = arith.constant 0 : i32
    %dma_start3A_622 = arith.constant 0 : i32
    %dma_start3A_623 = tpu.memref_slice %arg7[%dma_start3A_620, %dma_start3A_621, %dma_start3A_622] : memref<4x128x64xf32, #tpu.memory_space<vmem>> -> memref<1x128x64xf32, #tpu.memory_space<vmem>>
    %dma_start3A_624 = tpu.memref_squeeze %dma_start3A_623 : memref<1x128x64xf32, #tpu.memory_space<vmem>> -> memref<128x64xf32, #tpu.memory_space<vmem>>
    %dma_start3A_625 = arith.constant 0 : i32
    %dma_start3A_626 = tpu.memref_slice %arg5[%dma_start3A_619, %dma_start3A_625] : memref<50x128xi32, #tpu.memory_space<vmem>> -> memref<1x128xi32, #tpu.memory_space<vmem>>
    %dma_start3A_627 = tpu.memref_squeeze %dma_start3A_626 : memref<1x128xi32, #tpu.memory_space<vmem>> -> memref<128xi32, #tpu.memory_space<vmem>>
    %dma_start3A_628 = arith.constant 0 : i32
    %dma_start3A_629 = arith.constant 0 : i32
    %dma_start3A_630 = tpu.memref_slice %arg3[%dma_start3A_628, %dma_start3A_629] : memref<1000000x64xf32, #tpu.memory_space<hbm>> -> memref<1000000x64xf32, #tpu.memory_space<hbm>>
    tpu.enqueue_indirect_dma source(%dma_start3A_630 : memref<1000000x64xf32, #tpu.memory_space<hbm>>) target(%dma_start3A_624 : memref<128x64xf32, #tpu.memory_space<vmem>>) offsets(%dma_start3A_627 : memref<128xi32, #tpu.memory_space<vmem>>) semaphore(%arg12 : memref<!tpu.dma_semaphore, #tpu.memory_space<semaphore_mem>>)
    %dma_wait3A_631 = arith.constant 13 : i32
    %dma_wait3A_632 = arith.constant 1 : i32
    %dma_wait3A_633 = arith.constant 0 : i32
    %dma_wait3A_634 = arith.constant 0 : i32
    %dma_wait3A_635 = tpu.memref_slice %arg7[%dma_wait3A_632, %dma_wait3A_633, %dma_wait3A_634] : memref<4x128x64xf32, #tpu.memory_space<vmem>> -> memref<1x128x64xf32, #tpu.memory_space<vmem>>
    %dma_wait3A_636 = tpu.memref_squeeze %dma_wait3A_635 : memref<1x128x64xf32, #tpu.memory_space<vmem>> -> memref<128x64xf32, #tpu.memory_space<vmem>>
    %dma_wait3A_637 = arith.constant 0 : i32
    %dma_wait3A_638 = tpu.memref_slice %arg5[%dma_wait3A_631, %dma_wait3A_637] : memref<50x128xi32, #tpu.memory_space<vmem>> -> memref<1x128xi32, #tpu.memory_space<vmem>>
    %dma_wait3A_639 = tpu.memref_squeeze %dma_wait3A_638 : memref<1x128xi32, #tpu.memory_space<vmem>> -> memref<128xi32, #tpu.memory_space<vmem>>
    %dma_wait3A_640 = arith.constant 0 : i32
    %dma_wait3A_641 = arith.constant 0 : i32
    %dma_wait3A_642 = tpu.memref_slice %arg3[%dma_wait3A_640, %dma_wait3A_641] : memref<1000000x64xf32, #tpu.memory_space<hbm>> -> memref<1000000x64xf32, #tpu.memory_space<hbm>>
    tpu.wait_indirect_dma semaphore(%arg10 : memref<!tpu.dma_semaphore, #tpu.memory_space<semaphore_mem>>) src(%dma_wait3A_642 : memref<1000000x64xf32, #tpu.memory_space<hbm>>) dst(%dma_wait3A_636 : memref<128x64xf32, #tpu.memory_space<vmem>>)
    %dma_start3A_643 = arith.constant 1 : i32
    %dma_start3A_644 = arith.constant 0 : i32
    %dma_start3A_645 = arith.constant 0 : i32
    %dma_start3A_646 = tpu.memref_slice %arg7[%dma_start3A_643, %dma_start3A_644, %dma_start3A_645] : memref<4x128x64xf32, #tpu.memory_space<vmem>> -> memref<1x128x64xf32, #tpu.memory_space<vmem>>
    %dma_start3A_647 = tpu.memref_squeeze %dma_start3A_646 : memref<1x128x64xf32, #tpu.memory_space<vmem>> -> memref<128x64xf32, #tpu.memory_space<vmem>>
    %dma_start3A_648 = arith.constant 0 : i32
    %dma_start3A_649 = arith.constant 0 : i32
    %dma_start3A_650 = tpu.memref_slice %arg8[%dma_start3A_648, %dma_start3A_649] : memref<2048x64xf32, #tpu.memory_space<vmem_shared>> -> memref<2048x64xf32, #tpu.memory_space<vmem_shared>>
    tpu.enqueue_indirect_dma source(%dma_start3A_647 : memref<128x64xf32, #tpu.memory_space<vmem>>) target(%dma_start3A_650 : memref<2048x64xf32, #tpu.memory_space<vmem_shared>>) offsets(%arg6 : memref<128xi32, #tpu.memory_space<vmem>>) semaphore(%arg14 : memref<!tpu.dma_semaphore, #tpu.memory_space<semaphore_mem>>) {add = true}
    %dma_wait3A_651 = arith.constant 0 : i32
    %dma_wait3A_652 = arith.constant 0 : i32
    %dma_wait3A_653 = arith.constant 0 : i32
    %dma_wait3A_654 = tpu.memref_slice %arg7[%dma_wait3A_651, %dma_wait3A_652, %dma_wait3A_653] : memref<4x128x64xf32, #tpu.memory_space<vmem>> -> memref<1x128x64xf32, #tpu.memory_space<vmem>>
    %dma_wait3A_655 = tpu.memref_squeeze %dma_wait3A_654 : memref<1x128x64xf32, #tpu.memory_space<vmem>> -> memref<128x64xf32, #tpu.memory_space<vmem>>
    %dma_wait3A_656 = arith.constant 0 : i32
    %dma_wait3A_657 = arith.constant 0 : i32
    %dma_wait3A_658 = tpu.memref_slice %arg8[%dma_wait3A_656, %dma_wait3A_657] : memref<2048x64xf32, #tpu.memory_space<vmem_shared>> -> memref<2048x64xf32, #tpu.memory_space<vmem_shared>>
    tpu.wait_indirect_dma semaphore(%arg13 : memref<!tpu.dma_semaphore, #tpu.memory_space<semaphore_mem>>) src(%dma_wait3A_655 : memref<128x64xf32, #tpu.memory_space<vmem>>) dst(%dma_wait3A_658 : memref<2048x64xf32, #tpu.memory_space<vmem_shared>>)
    %dma_start3A_659 = arith.constant 16 : i32
    %dma_start3A_660 = arith.constant 0 : i32
    %dma_start3A_661 = arith.constant 0 : i32
    %dma_start3A_662 = arith.constant 0 : i32
    %dma_start3A_663 = tpu.memref_slice %arg7[%dma_start3A_660, %dma_start3A_661, %dma_start3A_662] : memref<4x128x64xf32, #tpu.memory_space<vmem>> -> memref<1x128x64xf32, #tpu.memory_space<vmem>>
    %dma_start3A_664 = tpu.memref_squeeze %dma_start3A_663 : memref<1x128x64xf32, #tpu.memory_space<vmem>> -> memref<128x64xf32, #tpu.memory_space<vmem>>
    %dma_start3A_665 = arith.constant 0 : i32
    %dma_start3A_666 = tpu.memref_slice %arg5[%dma_start3A_659, %dma_start3A_665] : memref<50x128xi32, #tpu.memory_space<vmem>> -> memref<1x128xi32, #tpu.memory_space<vmem>>
    %dma_start3A_667 = tpu.memref_squeeze %dma_start3A_666 : memref<1x128xi32, #tpu.memory_space<vmem>> -> memref<128xi32, #tpu.memory_space<vmem>>
    %dma_start3A_668 = arith.constant 0 : i32
    %dma_start3A_669 = arith.constant 0 : i32
    %dma_start3A_670 = tpu.memref_slice %arg3[%dma_start3A_668, %dma_start3A_669] : memref<1000000x64xf32, #tpu.memory_space<hbm>> -> memref<1000000x64xf32, #tpu.memory_space<hbm>>
    tpu.enqueue_indirect_dma source(%dma_start3A_670 : memref<1000000x64xf32, #tpu.memory_space<hbm>>) target(%dma_start3A_664 : memref<128x64xf32, #tpu.memory_space<vmem>>) offsets(%dma_start3A_667 : memref<128xi32, #tpu.memory_space<vmem>>) semaphore(%arg9 : memref<!tpu.dma_semaphore, #tpu.memory_space<semaphore_mem>>)
    %dma_wait3A_671 = arith.constant 14 : i32
    %dma_wait3A_672 = arith.constant 2 : i32
    %dma_wait3A_673 = arith.constant 0 : i32
    %dma_wait3A_674 = arith.constant 0 : i32
    %dma_wait3A_675 = tpu.memref_slice %arg7[%dma_wait3A_672, %dma_wait3A_673, %dma_wait3A_674] : memref<4x128x64xf32, #tpu.memory_space<vmem>> -> memref<1x128x64xf32, #tpu.memory_space<vmem>>
    %dma_wait3A_676 = tpu.memref_squeeze %dma_wait3A_675 : memref<1x128x64xf32, #tpu.memory_space<vmem>> -> memref<128x64xf32, #tpu.memory_space<vmem>>
    %dma_wait3A_677 = arith.constant 0 : i32
    %dma_wait3A_678 = tpu.memref_slice %arg5[%dma_wait3A_671, %dma_wait3A_677] : memref<50x128xi32, #tpu.memory_space<vmem>> -> memref<1x128xi32, #tpu.memory_space<vmem>>
    %dma_wait3A_679 = tpu.memref_squeeze %dma_wait3A_678 : memref<1x128xi32, #tpu.memory_space<vmem>> -> memref<128xi32, #tpu.memory_space<vmem>>
    %dma_wait3A_680 = arith.constant 0 : i32
    %dma_wait3A_681 = arith.constant 0 : i32
    %dma_wait3A_682 = tpu.memref_slice %arg3[%dma_wait3A_680, %dma_wait3A_681] : memref<1000000x64xf32, #tpu.memory_space<hbm>> -> memref<1000000x64xf32, #tpu.memory_space<hbm>>
    tpu.wait_indirect_dma semaphore(%arg11 : memref<!tpu.dma_semaphore, #tpu.memory_space<semaphore_mem>>) src(%dma_wait3A_682 : memref<1000000x64xf32, #tpu.memory_space<hbm>>) dst(%dma_wait3A_676 : memref<128x64xf32, #tpu.memory_space<vmem>>)
    %dma_start3A_683 = arith.constant 2 : i32
    %dma_start3A_684 = arith.constant 0 : i32
    %dma_start3A_685 = arith.constant 0 : i32
    %dma_start3A_686 = tpu.memref_slice %arg7[%dma_start3A_683, %dma_start3A_684, %dma_start3A_685] : memref<4x128x64xf32, #tpu.memory_space<vmem>> -> memref<1x128x64xf32, #tpu.memory_space<vmem>>
    %dma_start3A_687 = tpu.memref_squeeze %dma_start3A_686 : memref<1x128x64xf32, #tpu.memory_space<vmem>> -> memref<128x64xf32, #tpu.memory_space<vmem>>
    %dma_start3A_688 = arith.constant 0 : i32
    %dma_start3A_689 = arith.constant 0 : i32
    %dma_start3A_690 = tpu.memref_slice %arg8[%dma_start3A_688, %dma_start3A_689] : memref<2048x64xf32, #tpu.memory_space<vmem_shared>> -> memref<2048x64xf32, #tpu.memory_space<vmem_shared>>
    tpu.enqueue_indirect_dma source(%dma_start3A_687 : memref<128x64xf32, #tpu.memory_space<vmem>>) target(%dma_start3A_690 : memref<2048x64xf32, #tpu.memory_space<vmem_shared>>) offsets(%arg6 : memref<128xi32, #tpu.memory_space<vmem>>) semaphore(%arg15 : memref<!tpu.dma_semaphore, #tpu.memory_space<semaphore_mem>>) {add = true}
    %dma_wait3A_691 = arith.constant 1 : i32
    %dma_wait3A_692 = arith.constant 0 : i32
    %dma_wait3A_693 = arith.constant 0 : i32
    %dma_wait3A_694 = tpu.memref_slice %arg7[%dma_wait3A_691, %dma_wait3A_692, %dma_wait3A_693] : memref<4x128x64xf32, #tpu.memory_space<vmem>> -> memref<1x128x64xf32, #tpu.memory_space<vmem>>
    %dma_wait3A_695 = tpu.memref_squeeze %dma_wait3A_694 : memref<1x128x64xf32, #tpu.memory_space<vmem>> -> memref<128x64xf32, #tpu.memory_space<vmem>>
    %dma_wait3A_696 = arith.constant 0 : i32
    %dma_wait3A_697 = arith.constant 0 : i32
    %dma_wait3A_698 = tpu.memref_slice %arg8[%dma_wait3A_696, %dma_wait3A_697] : memref<2048x64xf32, #tpu.memory_space<vmem_shared>> -> memref<2048x64xf32, #tpu.memory_space<vmem_shared>>
    tpu.wait_indirect_dma semaphore(%arg14 : memref<!tpu.dma_semaphore, #tpu.memory_space<semaphore_mem>>) src(%dma_wait3A_695 : memref<128x64xf32, #tpu.memory_space<vmem>>) dst(%dma_wait3A_698 : memref<2048x64xf32, #tpu.memory_space<vmem_shared>>)
    %dma_start3A_699 = arith.constant 17 : i32
    %dma_start3A_700 = arith.constant 1 : i32
    %dma_start3A_701 = arith.constant 0 : i32
    %dma_start3A_702 = arith.constant 0 : i32
    %dma_start3A_703 = tpu.memref_slice %arg7[%dma_start3A_700, %dma_start3A_701, %dma_start3A_702] : memref<4x128x64xf32, #tpu.memory_space<vmem>> -> memref<1x128x64xf32, #tpu.memory_space<vmem>>
    %dma_start3A_704 = tpu.memref_squeeze %dma_start3A_703 : memref<1x128x64xf32, #tpu.memory_space<vmem>> -> memref<128x64xf32, #tpu.memory_space<vmem>>
    %dma_start3A_705 = arith.constant 0 : i32
    %dma_start3A_706 = tpu.memref_slice %arg5[%dma_start3A_699, %dma_start3A_705] : memref<50x128xi32, #tpu.memory_space<vmem>> -> memref<1x128xi32, #tpu.memory_space<vmem>>
    %dma_start3A_707 = tpu.memref_squeeze %dma_start3A_706 : memref<1x128xi32, #tpu.memory_space<vmem>> -> memref<128xi32, #tpu.memory_space<vmem>>
    %dma_start3A_708 = arith.constant 0 : i32
    %dma_start3A_709 = arith.constant 0 : i32
    %dma_start3A_710 = tpu.memref_slice %arg3[%dma_start3A_708, %dma_start3A_709] : memref<1000000x64xf32, #tpu.memory_space<hbm>> -> memref<1000000x64xf32, #tpu.memory_space<hbm>>
    tpu.enqueue_indirect_dma source(%dma_start3A_710 : memref<1000000x64xf32, #tpu.memory_space<hbm>>) target(%dma_start3A_704 : memref<128x64xf32, #tpu.memory_space<vmem>>) offsets(%dma_start3A_707 : memref<128xi32, #tpu.memory_space<vmem>>) semaphore(%arg10 : memref<!tpu.dma_semaphore, #tpu.memory_space<semaphore_mem>>)
    %dma_wait3A_711 = arith.constant 15 : i32
    %dma_wait3A_712 = arith.constant 3 : i32
    %dma_wait3A_713 = arith.constant 0 : i32
    %dma_wait3A_714 = arith.constant 0 : i32
    %dma_wait3A_715 = tpu.memref_slice %arg7[%dma_wait3A_712, %dma_wait3A_713, %dma_wait3A_714] : memref<4x128x64xf32, #tpu.memory_space<vmem>> -> memref<1x128x64xf32, #tpu.memory_space<vmem>>
    %dma_wait3A_716 = tpu.memref_squeeze %dma_wait3A_715 : memref<1x128x64xf32, #tpu.memory_space<vmem>> -> memref<128x64xf32, #tpu.memory_space<vmem>>
    %dma_wait3A_717 = arith.constant 0 : i32
    %dma_wait3A_718 = tpu.memref_slice %arg5[%dma_wait3A_711, %dma_wait3A_717] : memref<50x128xi32, #tpu.memory_space<vmem>> -> memref<1x128xi32, #tpu.memory_space<vmem>>
    %dma_wait3A_719 = tpu.memref_squeeze %dma_wait3A_718 : memref<1x128xi32, #tpu.memory_space<vmem>> -> memref<128xi32, #tpu.memory_space<vmem>>
    %dma_wait3A_720 = arith.constant 0 : i32
    %dma_wait3A_721 = arith.constant 0 : i32
    %dma_wait3A_722 = tpu.memref_slice %arg3[%dma_wait3A_720, %dma_wait3A_721] : memref<1000000x64xf32, #tpu.memory_space<hbm>> -> memref<1000000x64xf32, #tpu.memory_space<hbm>>
    tpu.wait_indirect_dma semaphore(%arg12 : memref<!tpu.dma_semaphore, #tpu.memory_space<semaphore_mem>>) src(%dma_wait3A_722 : memref<1000000x64xf32, #tpu.memory_space<hbm>>) dst(%dma_wait3A_716 : memref<128x64xf32, #tpu.memory_space<vmem>>)
    %dma_start3A_723 = arith.constant 3 : i32
    %dma_start3A_724 = arith.constant 0 : i32
    %dma_start3A_725 = arith.constant 0 : i32
    %dma_start3A_726 = tpu.memref_slice %arg7[%dma_start3A_723, %dma_start3A_724, %dma_start3A_725] : memref<4x128x64xf32, #tpu.memory_space<vmem>> -> memref<1x128x64xf32, #tpu.memory_space<vmem>>
    %dma_start3A_727 = tpu.memref_squeeze %dma_start3A_726 : memref<1x128x64xf32, #tpu.memory_space<vmem>> -> memref<128x64xf32, #tpu.memory_space<vmem>>
    %dma_start3A_728 = arith.constant 0 : i32
    %dma_start3A_729 = arith.constant 0 : i32
    %dma_start3A_730 = tpu.memref_slice %arg8[%dma_start3A_728, %dma_start3A_729] : memref<2048x64xf32, #tpu.memory_space<vmem_shared>> -> memref<2048x64xf32, #tpu.memory_space<vmem_shared>>
    tpu.enqueue_indirect_dma source(%dma_start3A_727 : memref<128x64xf32, #tpu.memory_space<vmem>>) target(%dma_start3A_730 : memref<2048x64xf32, #tpu.memory_space<vmem_shared>>) offsets(%arg6 : memref<128xi32, #tpu.memory_space<vmem>>) semaphore(%arg16 : memref<!tpu.dma_semaphore, #tpu.memory_space<semaphore_mem>>) {add = true}
    %dma_wait3A_731 = arith.constant 2 : i32
    %dma_wait3A_732 = arith.constant 0 : i32
    %dma_wait3A_733 = arith.constant 0 : i32
    %dma_wait3A_734 = tpu.memref_slice %arg7[%dma_wait3A_731, %dma_wait3A_732, %dma_wait3A_733] : memref<4x128x64xf32, #tpu.memory_space<vmem>> -> memref<1x128x64xf32, #tpu.memory_space<vmem>>
    %dma_wait3A_735 = tpu.memref_squeeze %dma_wait3A_734 : memref<1x128x64xf32, #tpu.memory_space<vmem>> -> memref<128x64xf32, #tpu.memory_space<vmem>>
    %dma_wait3A_736 = arith.constant 0 : i32
    %dma_wait3A_737 = arith.constant 0 : i32
    %dma_wait3A_738 = tpu.memref_slice %arg8[%dma_wait3A_736, %dma_wait3A_737] : memref<2048x64xf32, #tpu.memory_space<vmem_shared>> -> memref<2048x64xf32, #tpu.memory_space<vmem_shared>>
    tpu.wait_indirect_dma semaphore(%arg15 : memref<!tpu.dma_semaphore, #tpu.memory_space<semaphore_mem>>) src(%dma_wait3A_735 : memref<128x64xf32, #tpu.memory_space<vmem>>) dst(%dma_wait3A_738 : memref<2048x64xf32, #tpu.memory_space<vmem_shared>>)
    %dma_start3A_739 = arith.constant 18 : i32
    %dma_start3A_740 = arith.constant 2 : i32
    %dma_start3A_741 = arith.constant 0 : i32
    %dma_start3A_742 = arith.constant 0 : i32
    %dma_start3A_743 = tpu.memref_slice %arg7[%dma_start3A_740, %dma_start3A_741, %dma_start3A_742] : memref<4x128x64xf32, #tpu.memory_space<vmem>> -> memref<1x128x64xf32, #tpu.memory_space<vmem>>
    %dma_start3A_744 = tpu.memref_squeeze %dma_start3A_743 : memref<1x128x64xf32, #tpu.memory_space<vmem>> -> memref<128x64xf32, #tpu.memory_space<vmem>>
    %dma_start3A_745 = arith.constant 0 : i32
    %dma_start3A_746 = tpu.memref_slice %arg5[%dma_start3A_739, %dma_start3A_745] : memref<50x128xi32, #tpu.memory_space<vmem>> -> memref<1x128xi32, #tpu.memory_space<vmem>>
    %dma_start3A_747 = tpu.memref_squeeze %dma_start3A_746 : memref<1x128xi32, #tpu.memory_space<vmem>> -> memref<128xi32, #tpu.memory_space<vmem>>
    %dma_start3A_748 = arith.constant 0 : i32
    %dma_start3A_749 = arith.constant 0 : i32
    %dma_start3A_750 = tpu.memref_slice %arg3[%dma_start3A_748, %dma_start3A_749] : memref<1000000x64xf32, #tpu.memory_space<hbm>> -> memref<1000000x64xf32, #tpu.memory_space<hbm>>
    tpu.enqueue_indirect_dma source(%dma_start3A_750 : memref<1000000x64xf32, #tpu.memory_space<hbm>>) target(%dma_start3A_744 : memref<128x64xf32, #tpu.memory_space<vmem>>) offsets(%dma_start3A_747 : memref<128xi32, #tpu.memory_space<vmem>>) semaphore(%arg11 : memref<!tpu.dma_semaphore, #tpu.memory_space<semaphore_mem>>)
    %dma_wait3A_751 = arith.constant 16 : i32
    %dma_wait3A_752 = arith.constant 0 : i32
    %dma_wait3A_753 = arith.constant 0 : i32
    %dma_wait3A_754 = arith.constant 0 : i32
    %dma_wait3A_755 = tpu.memref_slice %arg7[%dma_wait3A_752, %dma_wait3A_753, %dma_wait3A_754] : memref<4x128x64xf32, #tpu.memory_space<vmem>> -> memref<1x128x64xf32, #tpu.memory_space<vmem>>
    %dma_wait3A_756 = tpu.memref_squeeze %dma_wait3A_755 : memref<1x128x64xf32, #tpu.memory_space<vmem>> -> memref<128x64xf32, #tpu.memory_space<vmem>>
    %dma_wait3A_757 = arith.constant 0 : i32
    %dma_wait3A_758 = tpu.memref_slice %arg5[%dma_wait3A_751, %dma_wait3A_757] : memref<50x128xi32, #tpu.memory_space<vmem>> -> memref<1x128xi32, #tpu.memory_space<vmem>>
    %dma_wait3A_759 = tpu.memref_squeeze %dma_wait3A_758 : memref<1x128xi32, #tpu.memory_space<vmem>> -> memref<128xi32, #tpu.memory_space<vmem>>
    %dma_wait3A_760 = arith.constant 0 : i32
    %dma_wait3A_761 = arith.constant 0 : i32
    %dma_wait3A_762 = tpu.memref_slice %arg3[%dma_wait3A_760, %dma_wait3A_761] : memref<1000000x64xf32, #tpu.memory_space<hbm>> -> memref<1000000x64xf32, #tpu.memory_space<hbm>>
    tpu.wait_indirect_dma semaphore(%arg9 : memref<!tpu.dma_semaphore, #tpu.memory_space<semaphore_mem>>) src(%dma_wait3A_762 : memref<1000000x64xf32, #tpu.memory_space<hbm>>) dst(%dma_wait3A_756 : memref<128x64xf32, #tpu.memory_space<vmem>>)
    %dma_start3A_763 = arith.constant 0 : i32
    %dma_start3A_764 = arith.constant 0 : i32
    %dma_start3A_765 = arith.constant 0 : i32
    %dma_start3A_766 = tpu.memref_slice %arg7[%dma_start3A_763, %dma_start3A_764, %dma_start3A_765] : memref<4x128x64xf32, #tpu.memory_space<vmem>> -> memref<1x128x64xf32, #tpu.memory_space<vmem>>
    %dma_start3A_767 = tpu.memref_squeeze %dma_start3A_766 : memref<1x128x64xf32, #tpu.memory_space<vmem>> -> memref<128x64xf32, #tpu.memory_space<vmem>>
    %dma_start3A_768 = arith.constant 0 : i32
    %dma_start3A_769 = arith.constant 0 : i32
    %dma_start3A_770 = tpu.memref_slice %arg8[%dma_start3A_768, %dma_start3A_769] : memref<2048x64xf32, #tpu.memory_space<vmem_shared>> -> memref<2048x64xf32, #tpu.memory_space<vmem_shared>>
    tpu.enqueue_indirect_dma source(%dma_start3A_767 : memref<128x64xf32, #tpu.memory_space<vmem>>) target(%dma_start3A_770 : memref<2048x64xf32, #tpu.memory_space<vmem_shared>>) offsets(%arg6 : memref<128xi32, #tpu.memory_space<vmem>>) semaphore(%arg13 : memref<!tpu.dma_semaphore, #tpu.memory_space<semaphore_mem>>) {add = true}
    %dma_wait3A_771 = arith.constant 3 : i32
    %dma_wait3A_772 = arith.constant 0 : i32
    %dma_wait3A_773 = arith.constant 0 : i32
    %dma_wait3A_774 = tpu.memref_slice %arg7[%dma_wait3A_771, %dma_wait3A_772, %dma_wait3A_773] : memref<4x128x64xf32, #tpu.memory_space<vmem>> -> memref<1x128x64xf32, #tpu.memory_space<vmem>>
    %dma_wait3A_775 = tpu.memref_squeeze %dma_wait3A_774 : memref<1x128x64xf32, #tpu.memory_space<vmem>> -> memref<128x64xf32, #tpu.memory_space<vmem>>
    %dma_wait3A_776 = arith.constant 0 : i32
    %dma_wait3A_777 = arith.constant 0 : i32
    %dma_wait3A_778 = tpu.memref_slice %arg8[%dma_wait3A_776, %dma_wait3A_777] : memref<2048x64xf32, #tpu.memory_space<vmem_shared>> -> memref<2048x64xf32, #tpu.memory_space<vmem_shared>>
    tpu.wait_indirect_dma semaphore(%arg16 : memref<!tpu.dma_semaphore, #tpu.memory_space<semaphore_mem>>) src(%dma_wait3A_775 : memref<128x64xf32, #tpu.memory_space<vmem>>) dst(%dma_wait3A_778 : memref<2048x64xf32, #tpu.memory_space<vmem_shared>>)
    %dma_start3A_779 = arith.constant 19 : i32
    %dma_start3A_780 = arith.constant 3 : i32
    %dma_start3A_781 = arith.constant 0 : i32
    %dma_start3A_782 = arith.constant 0 : i32
    %dma_start3A_783 = tpu.memref_slice %arg7[%dma_start3A_780, %dma_start3A_781, %dma_start3A_782] : memref<4x128x64xf32, #tpu.memory_space<vmem>> -> memref<1x128x64xf32, #tpu.memory_space<vmem>>
    %dma_start3A_784 = tpu.memref_squeeze %dma_start3A_783 : memref<1x128x64xf32, #tpu.memory_space<vmem>> -> memref<128x64xf32, #tpu.memory_space<vmem>>
    %dma_start3A_785 = arith.constant 0 : i32
    %dma_start3A_786 = tpu.memref_slice %arg5[%dma_start3A_779, %dma_start3A_785] : memref<50x128xi32, #tpu.memory_space<vmem>> -> memref<1x128xi32, #tpu.memory_space<vmem>>
    %dma_start3A_787 = tpu.memref_squeeze %dma_start3A_786 : memref<1x128xi32, #tpu.memory_space<vmem>> -> memref<128xi32, #tpu.memory_space<vmem>>
    %dma_start3A_788 = arith.constant 0 : i32
    %dma_start3A_789 = arith.constant 0 : i32
    %dma_start3A_790 = tpu.memref_slice %arg3[%dma_start3A_788, %dma_start3A_789] : memref<1000000x64xf32, #tpu.memory_space<hbm>> -> memref<1000000x64xf32, #tpu.memory_space<hbm>>
    tpu.enqueue_indirect_dma source(%dma_start3A_790 : memref<1000000x64xf32, #tpu.memory_space<hbm>>) target(%dma_start3A_784 : memref<128x64xf32, #tpu.memory_space<vmem>>) offsets(%dma_start3A_787 : memref<128xi32, #tpu.memory_space<vmem>>) semaphore(%arg12 : memref<!tpu.dma_semaphore, #tpu.memory_space<semaphore_mem>>)
    %dma_wait3A_791 = arith.constant 17 : i32
    %dma_wait3A_792 = arith.constant 1 : i32
    %dma_wait3A_793 = arith.constant 0 : i32
    %dma_wait3A_794 = arith.constant 0 : i32
    %dma_wait3A_795 = tpu.memref_slice %arg7[%dma_wait3A_792, %dma_wait3A_793, %dma_wait3A_794] : memref<4x128x64xf32, #tpu.memory_space<vmem>> -> memref<1x128x64xf32, #tpu.memory_space<vmem>>
    %dma_wait3A_796 = tpu.memref_squeeze %dma_wait3A_795 : memref<1x128x64xf32, #tpu.memory_space<vmem>> -> memref<128x64xf32, #tpu.memory_space<vmem>>
    %dma_wait3A_797 = arith.constant 0 : i32
    %dma_wait3A_798 = tpu.memref_slice %arg5[%dma_wait3A_791, %dma_wait3A_797] : memref<50x128xi32, #tpu.memory_space<vmem>> -> memref<1x128xi32, #tpu.memory_space<vmem>>
    %dma_wait3A_799 = tpu.memref_squeeze %dma_wait3A_798 : memref<1x128xi32, #tpu.memory_space<vmem>> -> memref<128xi32, #tpu.memory_space<vmem>>
    %dma_wait3A_800 = arith.constant 0 : i32
    %dma_wait3A_801 = arith.constant 0 : i32
    %dma_wait3A_802 = tpu.memref_slice %arg3[%dma_wait3A_800, %dma_wait3A_801] : memref<1000000x64xf32, #tpu.memory_space<hbm>> -> memref<1000000x64xf32, #tpu.memory_space<hbm>>
    tpu.wait_indirect_dma semaphore(%arg10 : memref<!tpu.dma_semaphore, #tpu.memory_space<semaphore_mem>>) src(%dma_wait3A_802 : memref<1000000x64xf32, #tpu.memory_space<hbm>>) dst(%dma_wait3A_796 : memref<128x64xf32, #tpu.memory_space<vmem>>)
    %dma_start3A_803 = arith.constant 1 : i32
    %dma_start3A_804 = arith.constant 0 : i32
    %dma_start3A_805 = arith.constant 0 : i32
    %dma_start3A_806 = tpu.memref_slice %arg7[%dma_start3A_803, %dma_start3A_804, %dma_start3A_805] : memref<4x128x64xf32, #tpu.memory_space<vmem>> -> memref<1x128x64xf32, #tpu.memory_space<vmem>>
    %dma_start3A_807 = tpu.memref_squeeze %dma_start3A_806 : memref<1x128x64xf32, #tpu.memory_space<vmem>> -> memref<128x64xf32, #tpu.memory_space<vmem>>
    %dma_start3A_808 = arith.constant 0 : i32
    %dma_start3A_809 = arith.constant 0 : i32
    %dma_start3A_810 = tpu.memref_slice %arg8[%dma_start3A_808, %dma_start3A_809] : memref<2048x64xf32, #tpu.memory_space<vmem_shared>> -> memref<2048x64xf32, #tpu.memory_space<vmem_shared>>
    tpu.enqueue_indirect_dma source(%dma_start3A_807 : memref<128x64xf32, #tpu.memory_space<vmem>>) target(%dma_start3A_810 : memref<2048x64xf32, #tpu.memory_space<vmem_shared>>) offsets(%arg6 : memref<128xi32, #tpu.memory_space<vmem>>) semaphore(%arg14 : memref<!tpu.dma_semaphore, #tpu.memory_space<semaphore_mem>>) {add = true}
    %dma_wait3A_811 = arith.constant 0 : i32
    %dma_wait3A_812 = arith.constant 0 : i32
    %dma_wait3A_813 = arith.constant 0 : i32
    %dma_wait3A_814 = tpu.memref_slice %arg7[%dma_wait3A_811, %dma_wait3A_812, %dma_wait3A_813] : memref<4x128x64xf32, #tpu.memory_space<vmem>> -> memref<1x128x64xf32, #tpu.memory_space<vmem>>
    %dma_wait3A_815 = tpu.memref_squeeze %dma_wait3A_814 : memref<1x128x64xf32, #tpu.memory_space<vmem>> -> memref<128x64xf32, #tpu.memory_space<vmem>>
    %dma_wait3A_816 = arith.constant 0 : i32
    %dma_wait3A_817 = arith.constant 0 : i32
    %dma_wait3A_818 = tpu.memref_slice %arg8[%dma_wait3A_816, %dma_wait3A_817] : memref<2048x64xf32, #tpu.memory_space<vmem_shared>> -> memref<2048x64xf32, #tpu.memory_space<vmem_shared>>
    tpu.wait_indirect_dma semaphore(%arg13 : memref<!tpu.dma_semaphore, #tpu.memory_space<semaphore_mem>>) src(%dma_wait3A_815 : memref<128x64xf32, #tpu.memory_space<vmem>>) dst(%dma_wait3A_818 : memref<2048x64xf32, #tpu.memory_space<vmem_shared>>)
    %dma_start3A_819 = arith.constant 20 : i32
    %dma_start3A_820 = arith.constant 0 : i32
    %dma_start3A_821 = arith.constant 0 : i32
    %dma_start3A_822 = arith.constant 0 : i32
    %dma_start3A_823 = tpu.memref_slice %arg7[%dma_start3A_820, %dma_start3A_821, %dma_start3A_822] : memref<4x128x64xf32, #tpu.memory_space<vmem>> -> memref<1x128x64xf32, #tpu.memory_space<vmem>>
    %dma_start3A_824 = tpu.memref_squeeze %dma_start3A_823 : memref<1x128x64xf32, #tpu.memory_space<vmem>> -> memref<128x64xf32, #tpu.memory_space<vmem>>
    %dma_start3A_825 = arith.constant 0 : i32
    %dma_start3A_826 = tpu.memref_slice %arg5[%dma_start3A_819, %dma_start3A_825] : memref<50x128xi32, #tpu.memory_space<vmem>> -> memref<1x128xi32, #tpu.memory_space<vmem>>
    %dma_start3A_827 = tpu.memref_squeeze %dma_start3A_826 : memref<1x128xi32, #tpu.memory_space<vmem>> -> memref<128xi32, #tpu.memory_space<vmem>>
    %dma_start3A_828 = arith.constant 0 : i32
    %dma_start3A_829 = arith.constant 0 : i32
    %dma_start3A_830 = tpu.memref_slice %arg3[%dma_start3A_828, %dma_start3A_829] : memref<1000000x64xf32, #tpu.memory_space<hbm>> -> memref<1000000x64xf32, #tpu.memory_space<hbm>>
    tpu.enqueue_indirect_dma source(%dma_start3A_830 : memref<1000000x64xf32, #tpu.memory_space<hbm>>) target(%dma_start3A_824 : memref<128x64xf32, #tpu.memory_space<vmem>>) offsets(%dma_start3A_827 : memref<128xi32, #tpu.memory_space<vmem>>) semaphore(%arg9 : memref<!tpu.dma_semaphore, #tpu.memory_space<semaphore_mem>>)
    %dma_wait3A_831 = arith.constant 18 : i32
    %dma_wait3A_832 = arith.constant 2 : i32
    %dma_wait3A_833 = arith.constant 0 : i32
    %dma_wait3A_834 = arith.constant 0 : i32
    %dma_wait3A_835 = tpu.memref_slice %arg7[%dma_wait3A_832, %dma_wait3A_833, %dma_wait3A_834] : memref<4x128x64xf32, #tpu.memory_space<vmem>> -> memref<1x128x64xf32, #tpu.memory_space<vmem>>
    %dma_wait3A_836 = tpu.memref_squeeze %dma_wait3A_835 : memref<1x128x64xf32, #tpu.memory_space<vmem>> -> memref<128x64xf32, #tpu.memory_space<vmem>>
    %dma_wait3A_837 = arith.constant 0 : i32
    %dma_wait3A_838 = tpu.memref_slice %arg5[%dma_wait3A_831, %dma_wait3A_837] : memref<50x128xi32, #tpu.memory_space<vmem>> -> memref<1x128xi32, #tpu.memory_space<vmem>>
    %dma_wait3A_839 = tpu.memref_squeeze %dma_wait3A_838 : memref<1x128xi32, #tpu.memory_space<vmem>> -> memref<128xi32, #tpu.memory_space<vmem>>
    %dma_wait3A_840 = arith.constant 0 : i32
    %dma_wait3A_841 = arith.constant 0 : i32
    %dma_wait3A_842 = tpu.memref_slice %arg3[%dma_wait3A_840, %dma_wait3A_841] : memref<1000000x64xf32, #tpu.memory_space<hbm>> -> memref<1000000x64xf32, #tpu.memory_space<hbm>>
    tpu.wait_indirect_dma semaphore(%arg11 : memref<!tpu.dma_semaphore, #tpu.memory_space<semaphore_mem>>) src(%dma_wait3A_842 : memref<1000000x64xf32, #tpu.memory_space<hbm>>) dst(%dma_wait3A_836 : memref<128x64xf32, #tpu.memory_space<vmem>>)
    %dma_start3A_843 = arith.constant 2 : i32
    %dma_start3A_844 = arith.constant 0 : i32
    %dma_start3A_845 = arith.constant 0 : i32
    %dma_start3A_846 = tpu.memref_slice %arg7[%dma_start3A_843, %dma_start3A_844, %dma_start3A_845] : memref<4x128x64xf32, #tpu.memory_space<vmem>> -> memref<1x128x64xf32, #tpu.memory_space<vmem>>
    %dma_start3A_847 = tpu.memref_squeeze %dma_start3A_846 : memref<1x128x64xf32, #tpu.memory_space<vmem>> -> memref<128x64xf32, #tpu.memory_space<vmem>>
    %dma_start3A_848 = arith.constant 0 : i32
    %dma_start3A_849 = arith.constant 0 : i32
    %dma_start3A_850 = tpu.memref_slice %arg8[%dma_start3A_848, %dma_start3A_849] : memref<2048x64xf32, #tpu.memory_space<vmem_shared>> -> memref<2048x64xf32, #tpu.memory_space<vmem_shared>>
    tpu.enqueue_indirect_dma source(%dma_start3A_847 : memref<128x64xf32, #tpu.memory_space<vmem>>) target(%dma_start3A_850 : memref<2048x64xf32, #tpu.memory_space<vmem_shared>>) offsets(%arg6 : memref<128xi32, #tpu.memory_space<vmem>>) semaphore(%arg15 : memref<!tpu.dma_semaphore, #tpu.memory_space<semaphore_mem>>) {add = true}
    %dma_wait3A_851 = arith.constant 1 : i32
    %dma_wait3A_852 = arith.constant 0 : i32
    %dma_wait3A_853 = arith.constant 0 : i32
    %dma_wait3A_854 = tpu.memref_slice %arg7[%dma_wait3A_851, %dma_wait3A_852, %dma_wait3A_853] : memref<4x128x64xf32, #tpu.memory_space<vmem>> -> memref<1x128x64xf32, #tpu.memory_space<vmem>>
    %dma_wait3A_855 = tpu.memref_squeeze %dma_wait3A_854 : memref<1x128x64xf32, #tpu.memory_space<vmem>> -> memref<128x64xf32, #tpu.memory_space<vmem>>
    %dma_wait3A_856 = arith.constant 0 : i32
    %dma_wait3A_857 = arith.constant 0 : i32
    %dma_wait3A_858 = tpu.memref_slice %arg8[%dma_wait3A_856, %dma_wait3A_857] : memref<2048x64xf32, #tpu.memory_space<vmem_shared>> -> memref<2048x64xf32, #tpu.memory_space<vmem_shared>>
    tpu.wait_indirect_dma semaphore(%arg14 : memref<!tpu.dma_semaphore, #tpu.memory_space<semaphore_mem>>) src(%dma_wait3A_855 : memref<128x64xf32, #tpu.memory_space<vmem>>) dst(%dma_wait3A_858 : memref<2048x64xf32, #tpu.memory_space<vmem_shared>>)
    %dma_start3A_859 = arith.constant 21 : i32
    %dma_start3A_860 = arith.constant 1 : i32
    %dma_start3A_861 = arith.constant 0 : i32
    %dma_start3A_862 = arith.constant 0 : i32
    %dma_start3A_863 = tpu.memref_slice %arg7[%dma_start3A_860, %dma_start3A_861, %dma_start3A_862] : memref<4x128x64xf32, #tpu.memory_space<vmem>> -> memref<1x128x64xf32, #tpu.memory_space<vmem>>
    %dma_start3A_864 = tpu.memref_squeeze %dma_start3A_863 : memref<1x128x64xf32, #tpu.memory_space<vmem>> -> memref<128x64xf32, #tpu.memory_space<vmem>>
    %dma_start3A_865 = arith.constant 0 : i32
    %dma_start3A_866 = tpu.memref_slice %arg5[%dma_start3A_859, %dma_start3A_865] : memref<50x128xi32, #tpu.memory_space<vmem>> -> memref<1x128xi32, #tpu.memory_space<vmem>>
    %dma_start3A_867 = tpu.memref_squeeze %dma_start3A_866 : memref<1x128xi32, #tpu.memory_space<vmem>> -> memref<128xi32, #tpu.memory_space<vmem>>
    %dma_start3A_868 = arith.constant 0 : i32
    %dma_start3A_869 = arith.constant 0 : i32
    %dma_start3A_870 = tpu.memref_slice %arg3[%dma_start3A_868, %dma_start3A_869] : memref<1000000x64xf32, #tpu.memory_space<hbm>> -> memref<1000000x64xf32, #tpu.memory_space<hbm>>
    tpu.enqueue_indirect_dma source(%dma_start3A_870 : memref<1000000x64xf32, #tpu.memory_space<hbm>>) target(%dma_start3A_864 : memref<128x64xf32, #tpu.memory_space<vmem>>) offsets(%dma_start3A_867 : memref<128xi32, #tpu.memory_space<vmem>>) semaphore(%arg10 : memref<!tpu.dma_semaphore, #tpu.memory_space<semaphore_mem>>)
    %dma_wait3A_871 = arith.constant 19 : i32
    %dma_wait3A_872 = arith.constant 3 : i32
    %dma_wait3A_873 = arith.constant 0 : i32
    %dma_wait3A_874 = arith.constant 0 : i32
    %dma_wait3A_875 = tpu.memref_slice %arg7[%dma_wait3A_872, %dma_wait3A_873, %dma_wait3A_874] : memref<4x128x64xf32, #tpu.memory_space<vmem>> -> memref<1x128x64xf32, #tpu.memory_space<vmem>>
    %dma_wait3A_876 = tpu.memref_squeeze %dma_wait3A_875 : memref<1x128x64xf32, #tpu.memory_space<vmem>> -> memref<128x64xf32, #tpu.memory_space<vmem>>
    %dma_wait3A_877 = arith.constant 0 : i32
    %dma_wait3A_878 = tpu.memref_slice %arg5[%dma_wait3A_871, %dma_wait3A_877] : memref<50x128xi32, #tpu.memory_space<vmem>> -> memref<1x128xi32, #tpu.memory_space<vmem>>
    %dma_wait3A_879 = tpu.memref_squeeze %dma_wait3A_878 : memref<1x128xi32, #tpu.memory_space<vmem>> -> memref<128xi32, #tpu.memory_space<vmem>>
    %dma_wait3A_880 = arith.constant 0 : i32
    %dma_wait3A_881 = arith.constant 0 : i32
    %dma_wait3A_882 = tpu.memref_slice %arg3[%dma_wait3A_880, %dma_wait3A_881] : memref<1000000x64xf32, #tpu.memory_space<hbm>> -> memref<1000000x64xf32, #tpu.memory_space<hbm>>
    tpu.wait_indirect_dma semaphore(%arg12 : memref<!tpu.dma_semaphore, #tpu.memory_space<semaphore_mem>>) src(%dma_wait3A_882 : memref<1000000x64xf32, #tpu.memory_space<hbm>>) dst(%dma_wait3A_876 : memref<128x64xf32, #tpu.memory_space<vmem>>)
    %dma_start3A_883 = arith.constant 3 : i32
    %dma_start3A_884 = arith.constant 0 : i32
    %dma_start3A_885 = arith.constant 0 : i32
    %dma_start3A_886 = tpu.memref_slice %arg7[%dma_start3A_883, %dma_start3A_884, %dma_start3A_885] : memref<4x128x64xf32, #tpu.memory_space<vmem>> -> memref<1x128x64xf32, #tpu.memory_space<vmem>>
    %dma_start3A_887 = tpu.memref_squeeze %dma_start3A_886 : memref<1x128x64xf32, #tpu.memory_space<vmem>> -> memref<128x64xf32, #tpu.memory_space<vmem>>
    %dma_start3A_888 = arith.constant 0 : i32
    %dma_start3A_889 = arith.constant 0 : i32
    %dma_start3A_890 = tpu.memref_slice %arg8[%dma_start3A_888, %dma_start3A_889] : memref<2048x64xf32, #tpu.memory_space<vmem_shared>> -> memref<2048x64xf32, #tpu.memory_space<vmem_shared>>
    tpu.enqueue_indirect_dma source(%dma_start3A_887 : memref<128x64xf32, #tpu.memory_space<vmem>>) target(%dma_start3A_890 : memref<2048x64xf32, #tpu.memory_space<vmem_shared>>) offsets(%arg6 : memref<128xi32, #tpu.memory_space<vmem>>) semaphore(%arg16 : memref<!tpu.dma_semaphore, #tpu.memory_space<semaphore_mem>>) {add = true}
    %dma_wait3A_891 = arith.constant 2 : i32
    %dma_wait3A_892 = arith.constant 0 : i32
    %dma_wait3A_893 = arith.constant 0 : i32
    %dma_wait3A_894 = tpu.memref_slice %arg7[%dma_wait3A_891, %dma_wait3A_892, %dma_wait3A_893] : memref<4x128x64xf32, #tpu.memory_space<vmem>> -> memref<1x128x64xf32, #tpu.memory_space<vmem>>
    %dma_wait3A_895 = tpu.memref_squeeze %dma_wait3A_894 : memref<1x128x64xf32, #tpu.memory_space<vmem>> -> memref<128x64xf32, #tpu.memory_space<vmem>>
    %dma_wait3A_896 = arith.constant 0 : i32
    %dma_wait3A_897 = arith.constant 0 : i32
    %dma_wait3A_898 = tpu.memref_slice %arg8[%dma_wait3A_896, %dma_wait3A_897] : memref<2048x64xf32, #tpu.memory_space<vmem_shared>> -> memref<2048x64xf32, #tpu.memory_space<vmem_shared>>
    tpu.wait_indirect_dma semaphore(%arg15 : memref<!tpu.dma_semaphore, #tpu.memory_space<semaphore_mem>>) src(%dma_wait3A_895 : memref<128x64xf32, #tpu.memory_space<vmem>>) dst(%dma_wait3A_898 : memref<2048x64xf32, #tpu.memory_space<vmem_shared>>)
    %dma_start3A_899 = arith.constant 22 : i32
    %dma_start3A_900 = arith.constant 2 : i32
    %dma_start3A_901 = arith.constant 0 : i32
    %dma_start3A_902 = arith.constant 0 : i32
    %dma_start3A_903 = tpu.memref_slice %arg7[%dma_start3A_900, %dma_start3A_901, %dma_start3A_902] : memref<4x128x64xf32, #tpu.memory_space<vmem>> -> memref<1x128x64xf32, #tpu.memory_space<vmem>>
    %dma_start3A_904 = tpu.memref_squeeze %dma_start3A_903 : memref<1x128x64xf32, #tpu.memory_space<vmem>> -> memref<128x64xf32, #tpu.memory_space<vmem>>
    %dma_start3A_905 = arith.constant 0 : i32
    %dma_start3A_906 = tpu.memref_slice %arg5[%dma_start3A_899, %dma_start3A_905] : memref<50x128xi32, #tpu.memory_space<vmem>> -> memref<1x128xi32, #tpu.memory_space<vmem>>
    %dma_start3A_907 = tpu.memref_squeeze %dma_start3A_906 : memref<1x128xi32, #tpu.memory_space<vmem>> -> memref<128xi32, #tpu.memory_space<vmem>>
    %dma_start3A_908 = arith.constant 0 : i32
    %dma_start3A_909 = arith.constant 0 : i32
    %dma_start3A_910 = tpu.memref_slice %arg3[%dma_start3A_908, %dma_start3A_909] : memref<1000000x64xf32, #tpu.memory_space<hbm>> -> memref<1000000x64xf32, #tpu.memory_space<hbm>>
    tpu.enqueue_indirect_dma source(%dma_start3A_910 : memref<1000000x64xf32, #tpu.memory_space<hbm>>) target(%dma_start3A_904 : memref<128x64xf32, #tpu.memory_space<vmem>>) offsets(%dma_start3A_907 : memref<128xi32, #tpu.memory_space<vmem>>) semaphore(%arg11 : memref<!tpu.dma_semaphore, #tpu.memory_space<semaphore_mem>>)
    %dma_wait3A_911 = arith.constant 20 : i32
    %dma_wait3A_912 = arith.constant 0 : i32
    %dma_wait3A_913 = arith.constant 0 : i32
    %dma_wait3A_914 = arith.constant 0 : i32
    %dma_wait3A_915 = tpu.memref_slice %arg7[%dma_wait3A_912, %dma_wait3A_913, %dma_wait3A_914] : memref<4x128x64xf32, #tpu.memory_space<vmem>> -> memref<1x128x64xf32, #tpu.memory_space<vmem>>
    %dma_wait3A_916 = tpu.memref_squeeze %dma_wait3A_915 : memref<1x128x64xf32, #tpu.memory_space<vmem>> -> memref<128x64xf32, #tpu.memory_space<vmem>>
    %dma_wait3A_917 = arith.constant 0 : i32
    %dma_wait3A_918 = tpu.memref_slice %arg5[%dma_wait3A_911, %dma_wait3A_917] : memref<50x128xi32, #tpu.memory_space<vmem>> -> memref<1x128xi32, #tpu.memory_space<vmem>>
    %dma_wait3A_919 = tpu.memref_squeeze %dma_wait3A_918 : memref<1x128xi32, #tpu.memory_space<vmem>> -> memref<128xi32, #tpu.memory_space<vmem>>
    %dma_wait3A_920 = arith.constant 0 : i32
    %dma_wait3A_921 = arith.constant 0 : i32
    %dma_wait3A_922 = tpu.memref_slice %arg3[%dma_wait3A_920, %dma_wait3A_921] : memref<1000000x64xf32, #tpu.memory_space<hbm>> -> memref<1000000x64xf32, #tpu.memory_space<hbm>>
    tpu.wait_indirect_dma semaphore(%arg9 : memref<!tpu.dma_semaphore, #tpu.memory_space<semaphore_mem>>) src(%dma_wait3A_922 : memref<1000000x64xf32, #tpu.memory_space<hbm>>) dst(%dma_wait3A_916 : memref<128x64xf32, #tpu.memory_space<vmem>>)
    %dma_start3A_923 = arith.constant 0 : i32
    %dma_start3A_924 = arith.constant 0 : i32
    %dma_start3A_925 = arith.constant 0 : i32
    %dma_start3A_926 = tpu.memref_slice %arg7[%dma_start3A_923, %dma_start3A_924, %dma_start3A_925] : memref<4x128x64xf32, #tpu.memory_space<vmem>> -> memref<1x128x64xf32, #tpu.memory_space<vmem>>
    %dma_start3A_927 = tpu.memref_squeeze %dma_start3A_926 : memref<1x128x64xf32, #tpu.memory_space<vmem>> -> memref<128x64xf32, #tpu.memory_space<vmem>>
    %dma_start3A_928 = arith.constant 0 : i32
    %dma_start3A_929 = arith.constant 0 : i32
    %dma_start3A_930 = tpu.memref_slice %arg8[%dma_start3A_928, %dma_start3A_929] : memref<2048x64xf32, #tpu.memory_space<vmem_shared>> -> memref<2048x64xf32, #tpu.memory_space<vmem_shared>>
    tpu.enqueue_indirect_dma source(%dma_start3A_927 : memref<128x64xf32, #tpu.memory_space<vmem>>) target(%dma_start3A_930 : memref<2048x64xf32, #tpu.memory_space<vmem_shared>>) offsets(%arg6 : memref<128xi32, #tpu.memory_space<vmem>>) semaphore(%arg13 : memref<!tpu.dma_semaphore, #tpu.memory_space<semaphore_mem>>) {add = true}
    %dma_wait3A_931 = arith.constant 3 : i32
    %dma_wait3A_932 = arith.constant 0 : i32
    %dma_wait3A_933 = arith.constant 0 : i32
    %dma_wait3A_934 = tpu.memref_slice %arg7[%dma_wait3A_931, %dma_wait3A_932, %dma_wait3A_933] : memref<4x128x64xf32, #tpu.memory_space<vmem>> -> memref<1x128x64xf32, #tpu.memory_space<vmem>>
    %dma_wait3A_935 = tpu.memref_squeeze %dma_wait3A_934 : memref<1x128x64xf32, #tpu.memory_space<vmem>> -> memref<128x64xf32, #tpu.memory_space<vmem>>
    %dma_wait3A_936 = arith.constant 0 : i32
    %dma_wait3A_937 = arith.constant 0 : i32
    %dma_wait3A_938 = tpu.memref_slice %arg8[%dma_wait3A_936, %dma_wait3A_937] : memref<2048x64xf32, #tpu.memory_space<vmem_shared>> -> memref<2048x64xf32, #tpu.memory_space<vmem_shared>>
    tpu.wait_indirect_dma semaphore(%arg16 : memref<!tpu.dma_semaphore, #tpu.memory_space<semaphore_mem>>) src(%dma_wait3A_935 : memref<128x64xf32, #tpu.memory_space<vmem>>) dst(%dma_wait3A_938 : memref<2048x64xf32, #tpu.memory_space<vmem_shared>>)
    %dma_start3A_939 = arith.constant 23 : i32
    %dma_start3A_940 = arith.constant 3 : i32
    %dma_start3A_941 = arith.constant 0 : i32
    %dma_start3A_942 = arith.constant 0 : i32
    %dma_start3A_943 = tpu.memref_slice %arg7[%dma_start3A_940, %dma_start3A_941, %dma_start3A_942] : memref<4x128x64xf32, #tpu.memory_space<vmem>> -> memref<1x128x64xf32, #tpu.memory_space<vmem>>
    %dma_start3A_944 = tpu.memref_squeeze %dma_start3A_943 : memref<1x128x64xf32, #tpu.memory_space<vmem>> -> memref<128x64xf32, #tpu.memory_space<vmem>>
    %dma_start3A_945 = arith.constant 0 : i32
    %dma_start3A_946 = tpu.memref_slice %arg5[%dma_start3A_939, %dma_start3A_945] : memref<50x128xi32, #tpu.memory_space<vmem>> -> memref<1x128xi32, #tpu.memory_space<vmem>>
    %dma_start3A_947 = tpu.memref_squeeze %dma_start3A_946 : memref<1x128xi32, #tpu.memory_space<vmem>> -> memref<128xi32, #tpu.memory_space<vmem>>
    %dma_start3A_948 = arith.constant 0 : i32
    %dma_start3A_949 = arith.constant 0 : i32
    %dma_start3A_950 = tpu.memref_slice %arg3[%dma_start3A_948, %dma_start3A_949] : memref<1000000x64xf32, #tpu.memory_space<hbm>> -> memref<1000000x64xf32, #tpu.memory_space<hbm>>
    tpu.enqueue_indirect_dma source(%dma_start3A_950 : memref<1000000x64xf32, #tpu.memory_space<hbm>>) target(%dma_start3A_944 : memref<128x64xf32, #tpu.memory_space<vmem>>) offsets(%dma_start3A_947 : memref<128xi32, #tpu.memory_space<vmem>>) semaphore(%arg12 : memref<!tpu.dma_semaphore, #tpu.memory_space<semaphore_mem>>)
    %dma_wait3A_951 = arith.constant 21 : i32
    %dma_wait3A_952 = arith.constant 1 : i32
    %dma_wait3A_953 = arith.constant 0 : i32
    %dma_wait3A_954 = arith.constant 0 : i32
    %dma_wait3A_955 = tpu.memref_slice %arg7[%dma_wait3A_952, %dma_wait3A_953, %dma_wait3A_954] : memref<4x128x64xf32, #tpu.memory_space<vmem>> -> memref<1x128x64xf32, #tpu.memory_space<vmem>>
    %dma_wait3A_956 = tpu.memref_squeeze %dma_wait3A_955 : memref<1x128x64xf32, #tpu.memory_space<vmem>> -> memref<128x64xf32, #tpu.memory_space<vmem>>
    %dma_wait3A_957 = arith.constant 0 : i32
    %dma_wait3A_958 = tpu.memref_slice %arg5[%dma_wait3A_951, %dma_wait3A_957] : memref<50x128xi32, #tpu.memory_space<vmem>> -> memref<1x128xi32, #tpu.memory_space<vmem>>
    %dma_wait3A_959 = tpu.memref_squeeze %dma_wait3A_958 : memref<1x128xi32, #tpu.memory_space<vmem>> -> memref<128xi32, #tpu.memory_space<vmem>>
    %dma_wait3A_960 = arith.constant 0 : i32
    %dma_wait3A_961 = arith.constant 0 : i32
    %dma_wait3A_962 = tpu.memref_slice %arg3[%dma_wait3A_960, %dma_wait3A_961] : memref<1000000x64xf32, #tpu.memory_space<hbm>> -> memref<1000000x64xf32, #tpu.memory_space<hbm>>
    tpu.wait_indirect_dma semaphore(%arg10 : memref<!tpu.dma_semaphore, #tpu.memory_space<semaphore_mem>>) src(%dma_wait3A_962 : memref<1000000x64xf32, #tpu.memory_space<hbm>>) dst(%dma_wait3A_956 : memref<128x64xf32, #tpu.memory_space<vmem>>)
    %dma_start3A_963 = arith.constant 1 : i32
    %dma_start3A_964 = arith.constant 0 : i32
    %dma_start3A_965 = arith.constant 0 : i32
    %dma_start3A_966 = tpu.memref_slice %arg7[%dma_start3A_963, %dma_start3A_964, %dma_start3A_965] : memref<4x128x64xf32, #tpu.memory_space<vmem>> -> memref<1x128x64xf32, #tpu.memory_space<vmem>>
    %dma_start3A_967 = tpu.memref_squeeze %dma_start3A_966 : memref<1x128x64xf32, #tpu.memory_space<vmem>> -> memref<128x64xf32, #tpu.memory_space<vmem>>
    %dma_start3A_968 = arith.constant 0 : i32
    %dma_start3A_969 = arith.constant 0 : i32
    %dma_start3A_970 = tpu.memref_slice %arg8[%dma_start3A_968, %dma_start3A_969] : memref<2048x64xf32, #tpu.memory_space<vmem_shared>> -> memref<2048x64xf32, #tpu.memory_space<vmem_shared>>
    tpu.enqueue_indirect_dma source(%dma_start3A_967 : memref<128x64xf32, #tpu.memory_space<vmem>>) target(%dma_start3A_970 : memref<2048x64xf32, #tpu.memory_space<vmem_shared>>) offsets(%arg6 : memref<128xi32, #tpu.memory_space<vmem>>) semaphore(%arg14 : memref<!tpu.dma_semaphore, #tpu.memory_space<semaphore_mem>>) {add = true}
    %dma_wait3A_971 = arith.constant 0 : i32
    %dma_wait3A_972 = arith.constant 0 : i32
    %dma_wait3A_973 = arith.constant 0 : i32
    %dma_wait3A_974 = tpu.memref_slice %arg7[%dma_wait3A_971, %dma_wait3A_972, %dma_wait3A_973] : memref<4x128x64xf32, #tpu.memory_space<vmem>> -> memref<1x128x64xf32, #tpu.memory_space<vmem>>
    %dma_wait3A_975 = tpu.memref_squeeze %dma_wait3A_974 : memref<1x128x64xf32, #tpu.memory_space<vmem>> -> memref<128x64xf32, #tpu.memory_space<vmem>>
    %dma_wait3A_976 = arith.constant 0 : i32
    %dma_wait3A_977 = arith.constant 0 : i32
    %dma_wait3A_978 = tpu.memref_slice %arg8[%dma_wait3A_976, %dma_wait3A_977] : memref<2048x64xf32, #tpu.memory_space<vmem_shared>> -> memref<2048x64xf32, #tpu.memory_space<vmem_shared>>
    tpu.wait_indirect_dma semaphore(%arg13 : memref<!tpu.dma_semaphore, #tpu.memory_space<semaphore_mem>>) src(%dma_wait3A_975 : memref<128x64xf32, #tpu.memory_space<vmem>>) dst(%dma_wait3A_978 : memref<2048x64xf32, #tpu.memory_space<vmem_shared>>)
    %dma_start3A_979 = arith.constant 24 : i32
    %dma_start3A_980 = arith.constant 0 : i32
    %dma_start3A_981 = arith.constant 0 : i32
    %dma_start3A_982 = arith.constant 0 : i32
    %dma_start3A_983 = tpu.memref_slice %arg7[%dma_start3A_980, %dma_start3A_981, %dma_start3A_982] : memref<4x128x64xf32, #tpu.memory_space<vmem>> -> memref<1x128x64xf32, #tpu.memory_space<vmem>>
    %dma_start3A_984 = tpu.memref_squeeze %dma_start3A_983 : memref<1x128x64xf32, #tpu.memory_space<vmem>> -> memref<128x64xf32, #tpu.memory_space<vmem>>
    %dma_start3A_985 = arith.constant 0 : i32
    %dma_start3A_986 = tpu.memref_slice %arg5[%dma_start3A_979, %dma_start3A_985] : memref<50x128xi32, #tpu.memory_space<vmem>> -> memref<1x128xi32, #tpu.memory_space<vmem>>
    %dma_start3A_987 = tpu.memref_squeeze %dma_start3A_986 : memref<1x128xi32, #tpu.memory_space<vmem>> -> memref<128xi32, #tpu.memory_space<vmem>>
    %dma_start3A_988 = arith.constant 0 : i32
    %dma_start3A_989 = arith.constant 0 : i32
    %dma_start3A_990 = tpu.memref_slice %arg3[%dma_start3A_988, %dma_start3A_989] : memref<1000000x64xf32, #tpu.memory_space<hbm>> -> memref<1000000x64xf32, #tpu.memory_space<hbm>>
    tpu.enqueue_indirect_dma source(%dma_start3A_990 : memref<1000000x64xf32, #tpu.memory_space<hbm>>) target(%dma_start3A_984 : memref<128x64xf32, #tpu.memory_space<vmem>>) offsets(%dma_start3A_987 : memref<128xi32, #tpu.memory_space<vmem>>) semaphore(%arg9 : memref<!tpu.dma_semaphore, #tpu.memory_space<semaphore_mem>>)
    %dma_wait3A_991 = arith.constant 22 : i32
    %dma_wait3A_992 = arith.constant 2 : i32
    %dma_wait3A_993 = arith.constant 0 : i32
    %dma_wait3A_994 = arith.constant 0 : i32
    %dma_wait3A_995 = tpu.memref_slice %arg7[%dma_wait3A_992, %dma_wait3A_993, %dma_wait3A_994] : memref<4x128x64xf32, #tpu.memory_space<vmem>> -> memref<1x128x64xf32, #tpu.memory_space<vmem>>
    %dma_wait3A_996 = tpu.memref_squeeze %dma_wait3A_995 : memref<1x128x64xf32, #tpu.memory_space<vmem>> -> memref<128x64xf32, #tpu.memory_space<vmem>>
    %dma_wait3A_997 = arith.constant 0 : i32
    %dma_wait3A_998 = tpu.memref_slice %arg5[%dma_wait3A_991, %dma_wait3A_997] : memref<50x128xi32, #tpu.memory_space<vmem>> -> memref<1x128xi32, #tpu.memory_space<vmem>>
    %dma_wait3A_999 = tpu.memref_squeeze %dma_wait3A_998 : memref<1x128xi32, #tpu.memory_space<vmem>> -> memref<128xi32, #tpu.memory_space<vmem>>
    %dma_wait3A_1000 = arith.constant 0 : i32
    %dma_wait3A_1001 = arith.constant 0 : i32
    %dma_wait3A_1002 = tpu.memref_slice %arg3[%dma_wait3A_1000, %dma_wait3A_1001] : memref<1000000x64xf32, #tpu.memory_space<hbm>> -> memref<1000000x64xf32, #tpu.memory_space<hbm>>
    tpu.wait_indirect_dma semaphore(%arg11 : memref<!tpu.dma_semaphore, #tpu.memory_space<semaphore_mem>>) src(%dma_wait3A_1002 : memref<1000000x64xf32, #tpu.memory_space<hbm>>) dst(%dma_wait3A_996 : memref<128x64xf32, #tpu.memory_space<vmem>>)
    %dma_start3A_1003 = arith.constant 2 : i32
    %dma_start3A_1004 = arith.constant 0 : i32
    %dma_start3A_1005 = arith.constant 0 : i32
    %dma_start3A_1006 = tpu.memref_slice %arg7[%dma_start3A_1003, %dma_start3A_1004, %dma_start3A_1005] : memref<4x128x64xf32, #tpu.memory_space<vmem>> -> memref<1x128x64xf32, #tpu.memory_space<vmem>>
    %dma_start3A_1007 = tpu.memref_squeeze %dma_start3A_1006 : memref<1x128x64xf32, #tpu.memory_space<vmem>> -> memref<128x64xf32, #tpu.memory_space<vmem>>
    %dma_start3A_1008 = arith.constant 0 : i32
    %dma_start3A_1009 = arith.constant 0 : i32
    %dma_start3A_1010 = tpu.memref_slice %arg8[%dma_start3A_1008, %dma_start3A_1009] : memref<2048x64xf32, #tpu.memory_space<vmem_shared>> -> memref<2048x64xf32, #tpu.memory_space<vmem_shared>>
    tpu.enqueue_indirect_dma source(%dma_start3A_1007 : memref<128x64xf32, #tpu.memory_space<vmem>>) target(%dma_start3A_1010 : memref<2048x64xf32, #tpu.memory_space<vmem_shared>>) offsets(%arg6 : memref<128xi32, #tpu.memory_space<vmem>>) semaphore(%arg15 : memref<!tpu.dma_semaphore, #tpu.memory_space<semaphore_mem>>) {add = true}
    %dma_wait3A_1011 = arith.constant 1 : i32
    %dma_wait3A_1012 = arith.constant 0 : i32
    %dma_wait3A_1013 = arith.constant 0 : i32
    %dma_wait3A_1014 = tpu.memref_slice %arg7[%dma_wait3A_1011, %dma_wait3A_1012, %dma_wait3A_1013] : memref<4x128x64xf32, #tpu.memory_space<vmem>> -> memref<1x128x64xf32, #tpu.memory_space<vmem>>
    %dma_wait3A_1015 = tpu.memref_squeeze %dma_wait3A_1014 : memref<1x128x64xf32, #tpu.memory_space<vmem>> -> memref<128x64xf32, #tpu.memory_space<vmem>>
    %dma_wait3A_1016 = arith.constant 0 : i32
    %dma_wait3A_1017 = arith.constant 0 : i32
    %dma_wait3A_1018 = tpu.memref_slice %arg8[%dma_wait3A_1016, %dma_wait3A_1017] : memref<2048x64xf32, #tpu.memory_space<vmem_shared>> -> memref<2048x64xf32, #tpu.memory_space<vmem_shared>>
    tpu.wait_indirect_dma semaphore(%arg14 : memref<!tpu.dma_semaphore, #tpu.memory_space<semaphore_mem>>) src(%dma_wait3A_1015 : memref<128x64xf32, #tpu.memory_space<vmem>>) dst(%dma_wait3A_1018 : memref<2048x64xf32, #tpu.memory_space<vmem_shared>>)
    %dma_start3A_1019 = arith.constant 25 : i32
    %dma_start3A_1020 = arith.constant 1 : i32
    %dma_start3A_1021 = arith.constant 0 : i32
    %dma_start3A_1022 = arith.constant 0 : i32
    %dma_start3A_1023 = tpu.memref_slice %arg7[%dma_start3A_1020, %dma_start3A_1021, %dma_start3A_1022] : memref<4x128x64xf32, #tpu.memory_space<vmem>> -> memref<1x128x64xf32, #tpu.memory_space<vmem>>
    %dma_start3A_1024 = tpu.memref_squeeze %dma_start3A_1023 : memref<1x128x64xf32, #tpu.memory_space<vmem>> -> memref<128x64xf32, #tpu.memory_space<vmem>>
    %dma_start3A_1025 = arith.constant 0 : i32
    %dma_start3A_1026 = tpu.memref_slice %arg5[%dma_start3A_1019, %dma_start3A_1025] : memref<50x128xi32, #tpu.memory_space<vmem>> -> memref<1x128xi32, #tpu.memory_space<vmem>>
    %dma_start3A_1027 = tpu.memref_squeeze %dma_start3A_1026 : memref<1x128xi32, #tpu.memory_space<vmem>> -> memref<128xi32, #tpu.memory_space<vmem>>
    %dma_start3A_1028 = arith.constant 0 : i32
    %dma_start3A_1029 = arith.constant 0 : i32
    %dma_start3A_1030 = tpu.memref_slice %arg3[%dma_start3A_1028, %dma_start3A_1029] : memref<1000000x64xf32, #tpu.memory_space<hbm>> -> memref<1000000x64xf32, #tpu.memory_space<hbm>>
    tpu.enqueue_indirect_dma source(%dma_start3A_1030 : memref<1000000x64xf32, #tpu.memory_space<hbm>>) target(%dma_start3A_1024 : memref<128x64xf32, #tpu.memory_space<vmem>>) offsets(%dma_start3A_1027 : memref<128xi32, #tpu.memory_space<vmem>>) semaphore(%arg10 : memref<!tpu.dma_semaphore, #tpu.memory_space<semaphore_mem>>)
    %dma_wait3A_1031 = arith.constant 23 : i32
    %dma_wait3A_1032 = arith.constant 3 : i32
    %dma_wait3A_1033 = arith.constant 0 : i32
    %dma_wait3A_1034 = arith.constant 0 : i32
    %dma_wait3A_1035 = tpu.memref_slice %arg7[%dma_wait3A_1032, %dma_wait3A_1033, %dma_wait3A_1034] : memref<4x128x64xf32, #tpu.memory_space<vmem>> -> memref<1x128x64xf32, #tpu.memory_space<vmem>>
    %dma_wait3A_1036 = tpu.memref_squeeze %dma_wait3A_1035 : memref<1x128x64xf32, #tpu.memory_space<vmem>> -> memref<128x64xf32, #tpu.memory_space<vmem>>
    %dma_wait3A_1037 = arith.constant 0 : i32
    %dma_wait3A_1038 = tpu.memref_slice %arg5[%dma_wait3A_1031, %dma_wait3A_1037] : memref<50x128xi32, #tpu.memory_space<vmem>> -> memref<1x128xi32, #tpu.memory_space<vmem>>
    %dma_wait3A_1039 = tpu.memref_squeeze %dma_wait3A_1038 : memref<1x128xi32, #tpu.memory_space<vmem>> -> memref<128xi32, #tpu.memory_space<vmem>>
    %dma_wait3A_1040 = arith.constant 0 : i32
    %dma_wait3A_1041 = arith.constant 0 : i32
    %dma_wait3A_1042 = tpu.memref_slice %arg3[%dma_wait3A_1040, %dma_wait3A_1041] : memref<1000000x64xf32, #tpu.memory_space<hbm>> -> memref<1000000x64xf32, #tpu.memory_space<hbm>>
    tpu.wait_indirect_dma semaphore(%arg12 : memref<!tpu.dma_semaphore, #tpu.memory_space<semaphore_mem>>) src(%dma_wait3A_1042 : memref<1000000x64xf32, #tpu.memory_space<hbm>>) dst(%dma_wait3A_1036 : memref<128x64xf32, #tpu.memory_space<vmem>>)
    %dma_start3A_1043 = arith.constant 3 : i32
    %dma_start3A_1044 = arith.constant 0 : i32
    %dma_start3A_1045 = arith.constant 0 : i32
    %dma_start3A_1046 = tpu.memref_slice %arg7[%dma_start3A_1043, %dma_start3A_1044, %dma_start3A_1045] : memref<4x128x64xf32, #tpu.memory_space<vmem>> -> memref<1x128x64xf32, #tpu.memory_space<vmem>>
    %dma_start3A_1047 = tpu.memref_squeeze %dma_start3A_1046 : memref<1x128x64xf32, #tpu.memory_space<vmem>> -> memref<128x64xf32, #tpu.memory_space<vmem>>
    %dma_start3A_1048 = arith.constant 0 : i32
    %dma_start3A_1049 = arith.constant 0 : i32
    %dma_start3A_1050 = tpu.memref_slice %arg8[%dma_start3A_1048, %dma_start3A_1049] : memref<2048x64xf32, #tpu.memory_space<vmem_shared>> -> memref<2048x64xf32, #tpu.memory_space<vmem_shared>>
    tpu.enqueue_indirect_dma source(%dma_start3A_1047 : memref<128x64xf32, #tpu.memory_space<vmem>>) target(%dma_start3A_1050 : memref<2048x64xf32, #tpu.memory_space<vmem_shared>>) offsets(%arg6 : memref<128xi32, #tpu.memory_space<vmem>>) semaphore(%arg16 : memref<!tpu.dma_semaphore, #tpu.memory_space<semaphore_mem>>) {add = true}
    %dma_wait3A_1051 = arith.constant 2 : i32
    %dma_wait3A_1052 = arith.constant 0 : i32
    %dma_wait3A_1053 = arith.constant 0 : i32
    %dma_wait3A_1054 = tpu.memref_slice %arg7[%dma_wait3A_1051, %dma_wait3A_1052, %dma_wait3A_1053] : memref<4x128x64xf32, #tpu.memory_space<vmem>> -> memref<1x128x64xf32, #tpu.memory_space<vmem>>
    %dma_wait3A_1055 = tpu.memref_squeeze %dma_wait3A_1054 : memref<1x128x64xf32, #tpu.memory_space<vmem>> -> memref<128x64xf32, #tpu.memory_space<vmem>>
    %dma_wait3A_1056 = arith.constant 0 : i32
    %dma_wait3A_1057 = arith.constant 0 : i32
    %dma_wait3A_1058 = tpu.memref_slice %arg8[%dma_wait3A_1056, %dma_wait3A_1057] : memref<2048x64xf32, #tpu.memory_space<vmem_shared>> -> memref<2048x64xf32, #tpu.memory_space<vmem_shared>>
    tpu.wait_indirect_dma semaphore(%arg15 : memref<!tpu.dma_semaphore, #tpu.memory_space<semaphore_mem>>) src(%dma_wait3A_1055 : memref<128x64xf32, #tpu.memory_space<vmem>>) dst(%dma_wait3A_1058 : memref<2048x64xf32, #tpu.memory_space<vmem_shared>>)
    %dma_start3A_1059 = arith.constant 26 : i32
    %dma_start3A_1060 = arith.constant 2 : i32
    %dma_start3A_1061 = arith.constant 0 : i32
    %dma_start3A_1062 = arith.constant 0 : i32
    %dma_start3A_1063 = tpu.memref_slice %arg7[%dma_start3A_1060, %dma_start3A_1061, %dma_start3A_1062] : memref<4x128x64xf32, #tpu.memory_space<vmem>> -> memref<1x128x64xf32, #tpu.memory_space<vmem>>
    %dma_start3A_1064 = tpu.memref_squeeze %dma_start3A_1063 : memref<1x128x64xf32, #tpu.memory_space<vmem>> -> memref<128x64xf32, #tpu.memory_space<vmem>>
    %dma_start3A_1065 = arith.constant 0 : i32
    %dma_start3A_1066 = tpu.memref_slice %arg5[%dma_start3A_1059, %dma_start3A_1065] : memref<50x128xi32, #tpu.memory_space<vmem>> -> memref<1x128xi32, #tpu.memory_space<vmem>>
    %dma_start3A_1067 = tpu.memref_squeeze %dma_start3A_1066 : memref<1x128xi32, #tpu.memory_space<vmem>> -> memref<128xi32, #tpu.memory_space<vmem>>
    %dma_start3A_1068 = arith.constant 0 : i32
    %dma_start3A_1069 = arith.constant 0 : i32
    %dma_start3A_1070 = tpu.memref_slice %arg3[%dma_start3A_1068, %dma_start3A_1069] : memref<1000000x64xf32, #tpu.memory_space<hbm>> -> memref<1000000x64xf32, #tpu.memory_space<hbm>>
    tpu.enqueue_indirect_dma source(%dma_start3A_1070 : memref<1000000x64xf32, #tpu.memory_space<hbm>>) target(%dma_start3A_1064 : memref<128x64xf32, #tpu.memory_space<vmem>>) offsets(%dma_start3A_1067 : memref<128xi32, #tpu.memory_space<vmem>>) semaphore(%arg11 : memref<!tpu.dma_semaphore, #tpu.memory_space<semaphore_mem>>)
    %dma_wait3A_1071 = arith.constant 24 : i32
    %dma_wait3A_1072 = arith.constant 0 : i32
    %dma_wait3A_1073 = arith.constant 0 : i32
    %dma_wait3A_1074 = arith.constant 0 : i32
    %dma_wait3A_1075 = tpu.memref_slice %arg7[%dma_wait3A_1072, %dma_wait3A_1073, %dma_wait3A_1074] : memref<4x128x64xf32, #tpu.memory_space<vmem>> -> memref<1x128x64xf32, #tpu.memory_space<vmem>>
    %dma_wait3A_1076 = tpu.memref_squeeze %dma_wait3A_1075 : memref<1x128x64xf32, #tpu.memory_space<vmem>> -> memref<128x64xf32, #tpu.memory_space<vmem>>
    %dma_wait3A_1077 = arith.constant 0 : i32
    %dma_wait3A_1078 = tpu.memref_slice %arg5[%dma_wait3A_1071, %dma_wait3A_1077] : memref<50x128xi32, #tpu.memory_space<vmem>> -> memref<1x128xi32, #tpu.memory_space<vmem>>
    %dma_wait3A_1079 = tpu.memref_squeeze %dma_wait3A_1078 : memref<1x128xi32, #tpu.memory_space<vmem>> -> memref<128xi32, #tpu.memory_space<vmem>>
    %dma_wait3A_1080 = arith.constant 0 : i32
    %dma_wait3A_1081 = arith.constant 0 : i32
    %dma_wait3A_1082 = tpu.memref_slice %arg3[%dma_wait3A_1080, %dma_wait3A_1081] : memref<1000000x64xf32, #tpu.memory_space<hbm>> -> memref<1000000x64xf32, #tpu.memory_space<hbm>>
    tpu.wait_indirect_dma semaphore(%arg9 : memref<!tpu.dma_semaphore, #tpu.memory_space<semaphore_mem>>) src(%dma_wait3A_1082 : memref<1000000x64xf32, #tpu.memory_space<hbm>>) dst(%dma_wait3A_1076 : memref<128x64xf32, #tpu.memory_space<vmem>>)
    %dma_start3A_1083 = arith.constant 0 : i32
    %dma_start3A_1084 = arith.constant 0 : i32
    %dma_start3A_1085 = arith.constant 0 : i32
    %dma_start3A_1086 = tpu.memref_slice %arg7[%dma_start3A_1083, %dma_start3A_1084, %dma_start3A_1085] : memref<4x128x64xf32, #tpu.memory_space<vmem>> -> memref<1x128x64xf32, #tpu.memory_space<vmem>>
    %dma_start3A_1087 = tpu.memref_squeeze %dma_start3A_1086 : memref<1x128x64xf32, #tpu.memory_space<vmem>> -> memref<128x64xf32, #tpu.memory_space<vmem>>
    %dma_start3A_1088 = arith.constant 0 : i32
    %dma_start3A_1089 = arith.constant 0 : i32
    %dma_start3A_1090 = tpu.memref_slice %arg8[%dma_start3A_1088, %dma_start3A_1089] : memref<2048x64xf32, #tpu.memory_space<vmem_shared>> -> memref<2048x64xf32, #tpu.memory_space<vmem_shared>>
    tpu.enqueue_indirect_dma source(%dma_start3A_1087 : memref<128x64xf32, #tpu.memory_space<vmem>>) target(%dma_start3A_1090 : memref<2048x64xf32, #tpu.memory_space<vmem_shared>>) offsets(%arg6 : memref<128xi32, #tpu.memory_space<vmem>>) semaphore(%arg13 : memref<!tpu.dma_semaphore, #tpu.memory_space<semaphore_mem>>) {add = true}
    %dma_wait3A_1091 = arith.constant 3 : i32
    %dma_wait3A_1092 = arith.constant 0 : i32
    %dma_wait3A_1093 = arith.constant 0 : i32
    %dma_wait3A_1094 = tpu.memref_slice %arg7[%dma_wait3A_1091, %dma_wait3A_1092, %dma_wait3A_1093] : memref<4x128x64xf32, #tpu.memory_space<vmem>> -> memref<1x128x64xf32, #tpu.memory_space<vmem>>
    %dma_wait3A_1095 = tpu.memref_squeeze %dma_wait3A_1094 : memref<1x128x64xf32, #tpu.memory_space<vmem>> -> memref<128x64xf32, #tpu.memory_space<vmem>>
    %dma_wait3A_1096 = arith.constant 0 : i32
    %dma_wait3A_1097 = arith.constant 0 : i32
    %dma_wait3A_1098 = tpu.memref_slice %arg8[%dma_wait3A_1096, %dma_wait3A_1097] : memref<2048x64xf32, #tpu.memory_space<vmem_shared>> -> memref<2048x64xf32, #tpu.memory_space<vmem_shared>>
    tpu.wait_indirect_dma semaphore(%arg16 : memref<!tpu.dma_semaphore, #tpu.memory_space<semaphore_mem>>) src(%dma_wait3A_1095 : memref<128x64xf32, #tpu.memory_space<vmem>>) dst(%dma_wait3A_1098 : memref<2048x64xf32, #tpu.memory_space<vmem_shared>>)
    %dma_start3A_1099 = arith.constant 27 : i32
    %dma_start3A_1100 = arith.constant 3 : i32
    %dma_start3A_1101 = arith.constant 0 : i32
    %dma_start3A_1102 = arith.constant 0 : i32
    %dma_start3A_1103 = tpu.memref_slice %arg7[%dma_start3A_1100, %dma_start3A_1101, %dma_start3A_1102] : memref<4x128x64xf32, #tpu.memory_space<vmem>> -> memref<1x128x64xf32, #tpu.memory_space<vmem>>
    %dma_start3A_1104 = tpu.memref_squeeze %dma_start3A_1103 : memref<1x128x64xf32, #tpu.memory_space<vmem>> -> memref<128x64xf32, #tpu.memory_space<vmem>>
    %dma_start3A_1105 = arith.constant 0 : i32
    %dma_start3A_1106 = tpu.memref_slice %arg5[%dma_start3A_1099, %dma_start3A_1105] : memref<50x128xi32, #tpu.memory_space<vmem>> -> memref<1x128xi32, #tpu.memory_space<vmem>>
    %dma_start3A_1107 = tpu.memref_squeeze %dma_start3A_1106 : memref<1x128xi32, #tpu.memory_space<vmem>> -> memref<128xi32, #tpu.memory_space<vmem>>
    %dma_start3A_1108 = arith.constant 0 : i32
    %dma_start3A_1109 = arith.constant 0 : i32
    %dma_start3A_1110 = tpu.memref_slice %arg3[%dma_start3A_1108, %dma_start3A_1109] : memref<1000000x64xf32, #tpu.memory_space<hbm>> -> memref<1000000x64xf32, #tpu.memory_space<hbm>>
    tpu.enqueue_indirect_dma source(%dma_start3A_1110 : memref<1000000x64xf32, #tpu.memory_space<hbm>>) target(%dma_start3A_1104 : memref<128x64xf32, #tpu.memory_space<vmem>>) offsets(%dma_start3A_1107 : memref<128xi32, #tpu.memory_space<vmem>>) semaphore(%arg12 : memref<!tpu.dma_semaphore, #tpu.memory_space<semaphore_mem>>)
    %dma_wait3A_1111 = arith.constant 25 : i32
    %dma_wait3A_1112 = arith.constant 1 : i32
    %dma_wait3A_1113 = arith.constant 0 : i32
    %dma_wait3A_1114 = arith.constant 0 : i32
    %dma_wait3A_1115 = tpu.memref_slice %arg7[%dma_wait3A_1112, %dma_wait3A_1113, %dma_wait3A_1114] : memref<4x128x64xf32, #tpu.memory_space<vmem>> -> memref<1x128x64xf32, #tpu.memory_space<vmem>>
    %dma_wait3A_1116 = tpu.memref_squeeze %dma_wait3A_1115 : memref<1x128x64xf32, #tpu.memory_space<vmem>> -> memref<128x64xf32, #tpu.memory_space<vmem>>
    %dma_wait3A_1117 = arith.constant 0 : i32
    %dma_wait3A_1118 = tpu.memref_slice %arg5[%dma_wait3A_1111, %dma_wait3A_1117] : memref<50x128xi32, #tpu.memory_space<vmem>> -> memref<1x128xi32, #tpu.memory_space<vmem>>
    %dma_wait3A_1119 = tpu.memref_squeeze %dma_wait3A_1118 : memref<1x128xi32, #tpu.memory_space<vmem>> -> memref<128xi32, #tpu.memory_space<vmem>>
    %dma_wait3A_1120 = arith.constant 0 : i32
    %dma_wait3A_1121 = arith.constant 0 : i32
    %dma_wait3A_1122 = tpu.memref_slice %arg3[%dma_wait3A_1120, %dma_wait3A_1121] : memref<1000000x64xf32, #tpu.memory_space<hbm>> -> memref<1000000x64xf32, #tpu.memory_space<hbm>>
    tpu.wait_indirect_dma semaphore(%arg10 : memref<!tpu.dma_semaphore, #tpu.memory_space<semaphore_mem>>) src(%dma_wait3A_1122 : memref<1000000x64xf32, #tpu.memory_space<hbm>>) dst(%dma_wait3A_1116 : memref<128x64xf32, #tpu.memory_space<vmem>>)
    %dma_start3A_1123 = arith.constant 1 : i32
    %dma_start3A_1124 = arith.constant 0 : i32
    %dma_start3A_1125 = arith.constant 0 : i32
    %dma_start3A_1126 = tpu.memref_slice %arg7[%dma_start3A_1123, %dma_start3A_1124, %dma_start3A_1125] : memref<4x128x64xf32, #tpu.memory_space<vmem>> -> memref<1x128x64xf32, #tpu.memory_space<vmem>>
    %dma_start3A_1127 = tpu.memref_squeeze %dma_start3A_1126 : memref<1x128x64xf32, #tpu.memory_space<vmem>> -> memref<128x64xf32, #tpu.memory_space<vmem>>
    %dma_start3A_1128 = arith.constant 0 : i32
    %dma_start3A_1129 = arith.constant 0 : i32
    %dma_start3A_1130 = tpu.memref_slice %arg8[%dma_start3A_1128, %dma_start3A_1129] : memref<2048x64xf32, #tpu.memory_space<vmem_shared>> -> memref<2048x64xf32, #tpu.memory_space<vmem_shared>>
    tpu.enqueue_indirect_dma source(%dma_start3A_1127 : memref<128x64xf32, #tpu.memory_space<vmem>>) target(%dma_start3A_1130 : memref<2048x64xf32, #tpu.memory_space<vmem_shared>>) offsets(%arg6 : memref<128xi32, #tpu.memory_space<vmem>>) semaphore(%arg14 : memref<!tpu.dma_semaphore, #tpu.memory_space<semaphore_mem>>) {add = true}
    %dma_wait3A_1131 = arith.constant 0 : i32
    %dma_wait3A_1132 = arith.constant 0 : i32
    %dma_wait3A_1133 = arith.constant 0 : i32
    %dma_wait3A_1134 = tpu.memref_slice %arg7[%dma_wait3A_1131, %dma_wait3A_1132, %dma_wait3A_1133] : memref<4x128x64xf32, #tpu.memory_space<vmem>> -> memref<1x128x64xf32, #tpu.memory_space<vmem>>
    %dma_wait3A_1135 = tpu.memref_squeeze %dma_wait3A_1134 : memref<1x128x64xf32, #tpu.memory_space<vmem>> -> memref<128x64xf32, #tpu.memory_space<vmem>>
    %dma_wait3A_1136 = arith.constant 0 : i32
    %dma_wait3A_1137 = arith.constant 0 : i32
    %dma_wait3A_1138 = tpu.memref_slice %arg8[%dma_wait3A_1136, %dma_wait3A_1137] : memref<2048x64xf32, #tpu.memory_space<vmem_shared>> -> memref<2048x64xf32, #tpu.memory_space<vmem_shared>>
    tpu.wait_indirect_dma semaphore(%arg13 : memref<!tpu.dma_semaphore, #tpu.memory_space<semaphore_mem>>) src(%dma_wait3A_1135 : memref<128x64xf32, #tpu.memory_space<vmem>>) dst(%dma_wait3A_1138 : memref<2048x64xf32, #tpu.memory_space<vmem_shared>>)
    %dma_start3A_1139 = arith.constant 28 : i32
    %dma_start3A_1140 = arith.constant 0 : i32
    %dma_start3A_1141 = arith.constant 0 : i32
    %dma_start3A_1142 = arith.constant 0 : i32
    %dma_start3A_1143 = tpu.memref_slice %arg7[%dma_start3A_1140, %dma_start3A_1141, %dma_start3A_1142] : memref<4x128x64xf32, #tpu.memory_space<vmem>> -> memref<1x128x64xf32, #tpu.memory_space<vmem>>
    %dma_start3A_1144 = tpu.memref_squeeze %dma_start3A_1143 : memref<1x128x64xf32, #tpu.memory_space<vmem>> -> memref<128x64xf32, #tpu.memory_space<vmem>>
    %dma_start3A_1145 = arith.constant 0 : i32
    %dma_start3A_1146 = tpu.memref_slice %arg5[%dma_start3A_1139, %dma_start3A_1145] : memref<50x128xi32, #tpu.memory_space<vmem>> -> memref<1x128xi32, #tpu.memory_space<vmem>>
    %dma_start3A_1147 = tpu.memref_squeeze %dma_start3A_1146 : memref<1x128xi32, #tpu.memory_space<vmem>> -> memref<128xi32, #tpu.memory_space<vmem>>
    %dma_start3A_1148 = arith.constant 0 : i32
    %dma_start3A_1149 = arith.constant 0 : i32
    %dma_start3A_1150 = tpu.memref_slice %arg3[%dma_start3A_1148, %dma_start3A_1149] : memref<1000000x64xf32, #tpu.memory_space<hbm>> -> memref<1000000x64xf32, #tpu.memory_space<hbm>>
    tpu.enqueue_indirect_dma source(%dma_start3A_1150 : memref<1000000x64xf32, #tpu.memory_space<hbm>>) target(%dma_start3A_1144 : memref<128x64xf32, #tpu.memory_space<vmem>>) offsets(%dma_start3A_1147 : memref<128xi32, #tpu.memory_space<vmem>>) semaphore(%arg9 : memref<!tpu.dma_semaphore, #tpu.memory_space<semaphore_mem>>)
    %dma_wait3A_1151 = arith.constant 26 : i32
    %dma_wait3A_1152 = arith.constant 2 : i32
    %dma_wait3A_1153 = arith.constant 0 : i32
    %dma_wait3A_1154 = arith.constant 0 : i32
    %dma_wait3A_1155 = tpu.memref_slice %arg7[%dma_wait3A_1152, %dma_wait3A_1153, %dma_wait3A_1154] : memref<4x128x64xf32, #tpu.memory_space<vmem>> -> memref<1x128x64xf32, #tpu.memory_space<vmem>>
    %dma_wait3A_1156 = tpu.memref_squeeze %dma_wait3A_1155 : memref<1x128x64xf32, #tpu.memory_space<vmem>> -> memref<128x64xf32, #tpu.memory_space<vmem>>
    %dma_wait3A_1157 = arith.constant 0 : i32
    %dma_wait3A_1158 = tpu.memref_slice %arg5[%dma_wait3A_1151, %dma_wait3A_1157] : memref<50x128xi32, #tpu.memory_space<vmem>> -> memref<1x128xi32, #tpu.memory_space<vmem>>
    %dma_wait3A_1159 = tpu.memref_squeeze %dma_wait3A_1158 : memref<1x128xi32, #tpu.memory_space<vmem>> -> memref<128xi32, #tpu.memory_space<vmem>>
    %dma_wait3A_1160 = arith.constant 0 : i32
    %dma_wait3A_1161 = arith.constant 0 : i32
    %dma_wait3A_1162 = tpu.memref_slice %arg3[%dma_wait3A_1160, %dma_wait3A_1161] : memref<1000000x64xf32, #tpu.memory_space<hbm>> -> memref<1000000x64xf32, #tpu.memory_space<hbm>>
    tpu.wait_indirect_dma semaphore(%arg11 : memref<!tpu.dma_semaphore, #tpu.memory_space<semaphore_mem>>) src(%dma_wait3A_1162 : memref<1000000x64xf32, #tpu.memory_space<hbm>>) dst(%dma_wait3A_1156 : memref<128x64xf32, #tpu.memory_space<vmem>>)
    %dma_start3A_1163 = arith.constant 2 : i32
    %dma_start3A_1164 = arith.constant 0 : i32
    %dma_start3A_1165 = arith.constant 0 : i32
    %dma_start3A_1166 = tpu.memref_slice %arg7[%dma_start3A_1163, %dma_start3A_1164, %dma_start3A_1165] : memref<4x128x64xf32, #tpu.memory_space<vmem>> -> memref<1x128x64xf32, #tpu.memory_space<vmem>>
    %dma_start3A_1167 = tpu.memref_squeeze %dma_start3A_1166 : memref<1x128x64xf32, #tpu.memory_space<vmem>> -> memref<128x64xf32, #tpu.memory_space<vmem>>
    %dma_start3A_1168 = arith.constant 0 : i32
    %dma_start3A_1169 = arith.constant 0 : i32
    %dma_start3A_1170 = tpu.memref_slice %arg8[%dma_start3A_1168, %dma_start3A_1169] : memref<2048x64xf32, #tpu.memory_space<vmem_shared>> -> memref<2048x64xf32, #tpu.memory_space<vmem_shared>>
    tpu.enqueue_indirect_dma source(%dma_start3A_1167 : memref<128x64xf32, #tpu.memory_space<vmem>>) target(%dma_start3A_1170 : memref<2048x64xf32, #tpu.memory_space<vmem_shared>>) offsets(%arg6 : memref<128xi32, #tpu.memory_space<vmem>>) semaphore(%arg15 : memref<!tpu.dma_semaphore, #tpu.memory_space<semaphore_mem>>) {add = true}
    %dma_wait3A_1171 = arith.constant 1 : i32
    %dma_wait3A_1172 = arith.constant 0 : i32
    %dma_wait3A_1173 = arith.constant 0 : i32
    %dma_wait3A_1174 = tpu.memref_slice %arg7[%dma_wait3A_1171, %dma_wait3A_1172, %dma_wait3A_1173] : memref<4x128x64xf32, #tpu.memory_space<vmem>> -> memref<1x128x64xf32, #tpu.memory_space<vmem>>
    %dma_wait3A_1175 = tpu.memref_squeeze %dma_wait3A_1174 : memref<1x128x64xf32, #tpu.memory_space<vmem>> -> memref<128x64xf32, #tpu.memory_space<vmem>>
    %dma_wait3A_1176 = arith.constant 0 : i32
    %dma_wait3A_1177 = arith.constant 0 : i32
    %dma_wait3A_1178 = tpu.memref_slice %arg8[%dma_wait3A_1176, %dma_wait3A_1177] : memref<2048x64xf32, #tpu.memory_space<vmem_shared>> -> memref<2048x64xf32, #tpu.memory_space<vmem_shared>>
    tpu.wait_indirect_dma semaphore(%arg14 : memref<!tpu.dma_semaphore, #tpu.memory_space<semaphore_mem>>) src(%dma_wait3A_1175 : memref<128x64xf32, #tpu.memory_space<vmem>>) dst(%dma_wait3A_1178 : memref<2048x64xf32, #tpu.memory_space<vmem_shared>>)
    %dma_start3A_1179 = arith.constant 29 : i32
    %dma_start3A_1180 = arith.constant 1 : i32
    %dma_start3A_1181 = arith.constant 0 : i32
    %dma_start3A_1182 = arith.constant 0 : i32
    %dma_start3A_1183 = tpu.memref_slice %arg7[%dma_start3A_1180, %dma_start3A_1181, %dma_start3A_1182] : memref<4x128x64xf32, #tpu.memory_space<vmem>> -> memref<1x128x64xf32, #tpu.memory_space<vmem>>
    %dma_start3A_1184 = tpu.memref_squeeze %dma_start3A_1183 : memref<1x128x64xf32, #tpu.memory_space<vmem>> -> memref<128x64xf32, #tpu.memory_space<vmem>>
    %dma_start3A_1185 = arith.constant 0 : i32
    %dma_start3A_1186 = tpu.memref_slice %arg5[%dma_start3A_1179, %dma_start3A_1185] : memref<50x128xi32, #tpu.memory_space<vmem>> -> memref<1x128xi32, #tpu.memory_space<vmem>>
    %dma_start3A_1187 = tpu.memref_squeeze %dma_start3A_1186 : memref<1x128xi32, #tpu.memory_space<vmem>> -> memref<128xi32, #tpu.memory_space<vmem>>
    %dma_start3A_1188 = arith.constant 0 : i32
    %dma_start3A_1189 = arith.constant 0 : i32
    %dma_start3A_1190 = tpu.memref_slice %arg3[%dma_start3A_1188, %dma_start3A_1189] : memref<1000000x64xf32, #tpu.memory_space<hbm>> -> memref<1000000x64xf32, #tpu.memory_space<hbm>>
    tpu.enqueue_indirect_dma source(%dma_start3A_1190 : memref<1000000x64xf32, #tpu.memory_space<hbm>>) target(%dma_start3A_1184 : memref<128x64xf32, #tpu.memory_space<vmem>>) offsets(%dma_start3A_1187 : memref<128xi32, #tpu.memory_space<vmem>>) semaphore(%arg10 : memref<!tpu.dma_semaphore, #tpu.memory_space<semaphore_mem>>)
    %dma_wait3A_1191 = arith.constant 27 : i32
    %dma_wait3A_1192 = arith.constant 3 : i32
    %dma_wait3A_1193 = arith.constant 0 : i32
    %dma_wait3A_1194 = arith.constant 0 : i32
    %dma_wait3A_1195 = tpu.memref_slice %arg7[%dma_wait3A_1192, %dma_wait3A_1193, %dma_wait3A_1194] : memref<4x128x64xf32, #tpu.memory_space<vmem>> -> memref<1x128x64xf32, #tpu.memory_space<vmem>>
    %dma_wait3A_1196 = tpu.memref_squeeze %dma_wait3A_1195 : memref<1x128x64xf32, #tpu.memory_space<vmem>> -> memref<128x64xf32, #tpu.memory_space<vmem>>
    %dma_wait3A_1197 = arith.constant 0 : i32
    %dma_wait3A_1198 = tpu.memref_slice %arg5[%dma_wait3A_1191, %dma_wait3A_1197] : memref<50x128xi32, #tpu.memory_space<vmem>> -> memref<1x128xi32, #tpu.memory_space<vmem>>
    %dma_wait3A_1199 = tpu.memref_squeeze %dma_wait3A_1198 : memref<1x128xi32, #tpu.memory_space<vmem>> -> memref<128xi32, #tpu.memory_space<vmem>>
    %dma_wait3A_1200 = arith.constant 0 : i32
    %dma_wait3A_1201 = arith.constant 0 : i32
    %dma_wait3A_1202 = tpu.memref_slice %arg3[%dma_wait3A_1200, %dma_wait3A_1201] : memref<1000000x64xf32, #tpu.memory_space<hbm>> -> memref<1000000x64xf32, #tpu.memory_space<hbm>>
    tpu.wait_indirect_dma semaphore(%arg12 : memref<!tpu.dma_semaphore, #tpu.memory_space<semaphore_mem>>) src(%dma_wait3A_1202 : memref<1000000x64xf32, #tpu.memory_space<hbm>>) dst(%dma_wait3A_1196 : memref<128x64xf32, #tpu.memory_space<vmem>>)
    %dma_start3A_1203 = arith.constant 3 : i32
    %dma_start3A_1204 = arith.constant 0 : i32
    %dma_start3A_1205 = arith.constant 0 : i32
    %dma_start3A_1206 = tpu.memref_slice %arg7[%dma_start3A_1203, %dma_start3A_1204, %dma_start3A_1205] : memref<4x128x64xf32, #tpu.memory_space<vmem>> -> memref<1x128x64xf32, #tpu.memory_space<vmem>>
    %dma_start3A_1207 = tpu.memref_squeeze %dma_start3A_1206 : memref<1x128x64xf32, #tpu.memory_space<vmem>> -> memref<128x64xf32, #tpu.memory_space<vmem>>
    %dma_start3A_1208 = arith.constant 0 : i32
    %dma_start3A_1209 = arith.constant 0 : i32
    %dma_start3A_1210 = tpu.memref_slice %arg8[%dma_start3A_1208, %dma_start3A_1209] : memref<2048x64xf32, #tpu.memory_space<vmem_shared>> -> memref<2048x64xf32, #tpu.memory_space<vmem_shared>>
    tpu.enqueue_indirect_dma source(%dma_start3A_1207 : memref<128x64xf32, #tpu.memory_space<vmem>>) target(%dma_start3A_1210 : memref<2048x64xf32, #tpu.memory_space<vmem_shared>>) offsets(%arg6 : memref<128xi32, #tpu.memory_space<vmem>>) semaphore(%arg16 : memref<!tpu.dma_semaphore, #tpu.memory_space<semaphore_mem>>) {add = true}
    %dma_wait3A_1211 = arith.constant 2 : i32
    %dma_wait3A_1212 = arith.constant 0 : i32
    %dma_wait3A_1213 = arith.constant 0 : i32
    %dma_wait3A_1214 = tpu.memref_slice %arg7[%dma_wait3A_1211, %dma_wait3A_1212, %dma_wait3A_1213] : memref<4x128x64xf32, #tpu.memory_space<vmem>> -> memref<1x128x64xf32, #tpu.memory_space<vmem>>
    %dma_wait3A_1215 = tpu.memref_squeeze %dma_wait3A_1214 : memref<1x128x64xf32, #tpu.memory_space<vmem>> -> memref<128x64xf32, #tpu.memory_space<vmem>>
    %dma_wait3A_1216 = arith.constant 0 : i32
    %dma_wait3A_1217 = arith.constant 0 : i32
    %dma_wait3A_1218 = tpu.memref_slice %arg8[%dma_wait3A_1216, %dma_wait3A_1217] : memref<2048x64xf32, #tpu.memory_space<vmem_shared>> -> memref<2048x64xf32, #tpu.memory_space<vmem_shared>>
    tpu.wait_indirect_dma semaphore(%arg15 : memref<!tpu.dma_semaphore, #tpu.memory_space<semaphore_mem>>) src(%dma_wait3A_1215 : memref<128x64xf32, #tpu.memory_space<vmem>>) dst(%dma_wait3A_1218 : memref<2048x64xf32, #tpu.memory_space<vmem_shared>>)
    %dma_start3A_1219 = arith.constant 30 : i32
    %dma_start3A_1220 = arith.constant 2 : i32
    %dma_start3A_1221 = arith.constant 0 : i32
    %dma_start3A_1222 = arith.constant 0 : i32
    %dma_start3A_1223 = tpu.memref_slice %arg7[%dma_start3A_1220, %dma_start3A_1221, %dma_start3A_1222] : memref<4x128x64xf32, #tpu.memory_space<vmem>> -> memref<1x128x64xf32, #tpu.memory_space<vmem>>
    %dma_start3A_1224 = tpu.memref_squeeze %dma_start3A_1223 : memref<1x128x64xf32, #tpu.memory_space<vmem>> -> memref<128x64xf32, #tpu.memory_space<vmem>>
    %dma_start3A_1225 = arith.constant 0 : i32
    %dma_start3A_1226 = tpu.memref_slice %arg5[%dma_start3A_1219, %dma_start3A_1225] : memref<50x128xi32, #tpu.memory_space<vmem>> -> memref<1x128xi32, #tpu.memory_space<vmem>>
    %dma_start3A_1227 = tpu.memref_squeeze %dma_start3A_1226 : memref<1x128xi32, #tpu.memory_space<vmem>> -> memref<128xi32, #tpu.memory_space<vmem>>
    %dma_start3A_1228 = arith.constant 0 : i32
    %dma_start3A_1229 = arith.constant 0 : i32
    %dma_start3A_1230 = tpu.memref_slice %arg3[%dma_start3A_1228, %dma_start3A_1229] : memref<1000000x64xf32, #tpu.memory_space<hbm>> -> memref<1000000x64xf32, #tpu.memory_space<hbm>>
    tpu.enqueue_indirect_dma source(%dma_start3A_1230 : memref<1000000x64xf32, #tpu.memory_space<hbm>>) target(%dma_start3A_1224 : memref<128x64xf32, #tpu.memory_space<vmem>>) offsets(%dma_start3A_1227 : memref<128xi32, #tpu.memory_space<vmem>>) semaphore(%arg11 : memref<!tpu.dma_semaphore, #tpu.memory_space<semaphore_mem>>)
    %dma_wait3A_1231 = arith.constant 28 : i32
    %dma_wait3A_1232 = arith.constant 0 : i32
    %dma_wait3A_1233 = arith.constant 0 : i32
    %dma_wait3A_1234 = arith.constant 0 : i32
    %dma_wait3A_1235 = tpu.memref_slice %arg7[%dma_wait3A_1232, %dma_wait3A_1233, %dma_wait3A_1234] : memref<4x128x64xf32, #tpu.memory_space<vmem>> -> memref<1x128x64xf32, #tpu.memory_space<vmem>>
    %dma_wait3A_1236 = tpu.memref_squeeze %dma_wait3A_1235 : memref<1x128x64xf32, #tpu.memory_space<vmem>> -> memref<128x64xf32, #tpu.memory_space<vmem>>
    %dma_wait3A_1237 = arith.constant 0 : i32
    %dma_wait3A_1238 = tpu.memref_slice %arg5[%dma_wait3A_1231, %dma_wait3A_1237] : memref<50x128xi32, #tpu.memory_space<vmem>> -> memref<1x128xi32, #tpu.memory_space<vmem>>
    %dma_wait3A_1239 = tpu.memref_squeeze %dma_wait3A_1238 : memref<1x128xi32, #tpu.memory_space<vmem>> -> memref<128xi32, #tpu.memory_space<vmem>>
    %dma_wait3A_1240 = arith.constant 0 : i32
    %dma_wait3A_1241 = arith.constant 0 : i32
    %dma_wait3A_1242 = tpu.memref_slice %arg3[%dma_wait3A_1240, %dma_wait3A_1241] : memref<1000000x64xf32, #tpu.memory_space<hbm>> -> memref<1000000x64xf32, #tpu.memory_space<hbm>>
    tpu.wait_indirect_dma semaphore(%arg9 : memref<!tpu.dma_semaphore, #tpu.memory_space<semaphore_mem>>) src(%dma_wait3A_1242 : memref<1000000x64xf32, #tpu.memory_space<hbm>>) dst(%dma_wait3A_1236 : memref<128x64xf32, #tpu.memory_space<vmem>>)
    %dma_start3A_1243 = arith.constant 0 : i32
    %dma_start3A_1244 = arith.constant 0 : i32
    %dma_start3A_1245 = arith.constant 0 : i32
    %dma_start3A_1246 = tpu.memref_slice %arg7[%dma_start3A_1243, %dma_start3A_1244, %dma_start3A_1245] : memref<4x128x64xf32, #tpu.memory_space<vmem>> -> memref<1x128x64xf32, #tpu.memory_space<vmem>>
    %dma_start3A_1247 = tpu.memref_squeeze %dma_start3A_1246 : memref<1x128x64xf32, #tpu.memory_space<vmem>> -> memref<128x64xf32, #tpu.memory_space<vmem>>
    %dma_start3A_1248 = arith.constant 0 : i32
    %dma_start3A_1249 = arith.constant 0 : i32
    %dma_start3A_1250 = tpu.memref_slice %arg8[%dma_start3A_1248, %dma_start3A_1249] : memref<2048x64xf32, #tpu.memory_space<vmem_shared>> -> memref<2048x64xf32, #tpu.memory_space<vmem_shared>>
    tpu.enqueue_indirect_dma source(%dma_start3A_1247 : memref<128x64xf32, #tpu.memory_space<vmem>>) target(%dma_start3A_1250 : memref<2048x64xf32, #tpu.memory_space<vmem_shared>>) offsets(%arg6 : memref<128xi32, #tpu.memory_space<vmem>>) semaphore(%arg13 : memref<!tpu.dma_semaphore, #tpu.memory_space<semaphore_mem>>) {add = true}
    %dma_wait3A_1251 = arith.constant 3 : i32
    %dma_wait3A_1252 = arith.constant 0 : i32
    %dma_wait3A_1253 = arith.constant 0 : i32
    %dma_wait3A_1254 = tpu.memref_slice %arg7[%dma_wait3A_1251, %dma_wait3A_1252, %dma_wait3A_1253] : memref<4x128x64xf32, #tpu.memory_space<vmem>> -> memref<1x128x64xf32, #tpu.memory_space<vmem>>
    %dma_wait3A_1255 = tpu.memref_squeeze %dma_wait3A_1254 : memref<1x128x64xf32, #tpu.memory_space<vmem>> -> memref<128x64xf32, #tpu.memory_space<vmem>>
    %dma_wait3A_1256 = arith.constant 0 : i32
    %dma_wait3A_1257 = arith.constant 0 : i32
    %dma_wait3A_1258 = tpu.memref_slice %arg8[%dma_wait3A_1256, %dma_wait3A_1257] : memref<2048x64xf32, #tpu.memory_space<vmem_shared>> -> memref<2048x64xf32, #tpu.memory_space<vmem_shared>>
    tpu.wait_indirect_dma semaphore(%arg16 : memref<!tpu.dma_semaphore, #tpu.memory_space<semaphore_mem>>) src(%dma_wait3A_1255 : memref<128x64xf32, #tpu.memory_space<vmem>>) dst(%dma_wait3A_1258 : memref<2048x64xf32, #tpu.memory_space<vmem_shared>>)
    %dma_start3A_1259 = arith.constant 31 : i32
    %dma_start3A_1260 = arith.constant 3 : i32
    %dma_start3A_1261 = arith.constant 0 : i32
    %dma_start3A_1262 = arith.constant 0 : i32
    %dma_start3A_1263 = tpu.memref_slice %arg7[%dma_start3A_1260, %dma_start3A_1261, %dma_start3A_1262] : memref<4x128x64xf32, #tpu.memory_space<vmem>> -> memref<1x128x64xf32, #tpu.memory_space<vmem>>
    %dma_start3A_1264 = tpu.memref_squeeze %dma_start3A_1263 : memref<1x128x64xf32, #tpu.memory_space<vmem>> -> memref<128x64xf32, #tpu.memory_space<vmem>>
    %dma_start3A_1265 = arith.constant 0 : i32
    %dma_start3A_1266 = tpu.memref_slice %arg5[%dma_start3A_1259, %dma_start3A_1265] : memref<50x128xi32, #tpu.memory_space<vmem>> -> memref<1x128xi32, #tpu.memory_space<vmem>>
    %dma_start3A_1267 = tpu.memref_squeeze %dma_start3A_1266 : memref<1x128xi32, #tpu.memory_space<vmem>> -> memref<128xi32, #tpu.memory_space<vmem>>
    %dma_start3A_1268 = arith.constant 0 : i32
    %dma_start3A_1269 = arith.constant 0 : i32
    %dma_start3A_1270 = tpu.memref_slice %arg3[%dma_start3A_1268, %dma_start3A_1269] : memref<1000000x64xf32, #tpu.memory_space<hbm>> -> memref<1000000x64xf32, #tpu.memory_space<hbm>>
    tpu.enqueue_indirect_dma source(%dma_start3A_1270 : memref<1000000x64xf32, #tpu.memory_space<hbm>>) target(%dma_start3A_1264 : memref<128x64xf32, #tpu.memory_space<vmem>>) offsets(%dma_start3A_1267 : memref<128xi32, #tpu.memory_space<vmem>>) semaphore(%arg12 : memref<!tpu.dma_semaphore, #tpu.memory_space<semaphore_mem>>)
    %dma_wait3A_1271 = arith.constant 29 : i32
    %dma_wait3A_1272 = arith.constant 1 : i32
    %dma_wait3A_1273 = arith.constant 0 : i32
    %dma_wait3A_1274 = arith.constant 0 : i32
    %dma_wait3A_1275 = tpu.memref_slice %arg7[%dma_wait3A_1272, %dma_wait3A_1273, %dma_wait3A_1274] : memref<4x128x64xf32, #tpu.memory_space<vmem>> -> memref<1x128x64xf32, #tpu.memory_space<vmem>>
    %dma_wait3A_1276 = tpu.memref_squeeze %dma_wait3A_1275 : memref<1x128x64xf32, #tpu.memory_space<vmem>> -> memref<128x64xf32, #tpu.memory_space<vmem>>
    %dma_wait3A_1277 = arith.constant 0 : i32
    %dma_wait3A_1278 = tpu.memref_slice %arg5[%dma_wait3A_1271, %dma_wait3A_1277] : memref<50x128xi32, #tpu.memory_space<vmem>> -> memref<1x128xi32, #tpu.memory_space<vmem>>
    %dma_wait3A_1279 = tpu.memref_squeeze %dma_wait3A_1278 : memref<1x128xi32, #tpu.memory_space<vmem>> -> memref<128xi32, #tpu.memory_space<vmem>>
    %dma_wait3A_1280 = arith.constant 0 : i32
    %dma_wait3A_1281 = arith.constant 0 : i32
    %dma_wait3A_1282 = tpu.memref_slice %arg3[%dma_wait3A_1280, %dma_wait3A_1281] : memref<1000000x64xf32, #tpu.memory_space<hbm>> -> memref<1000000x64xf32, #tpu.memory_space<hbm>>
    tpu.wait_indirect_dma semaphore(%arg10 : memref<!tpu.dma_semaphore, #tpu.memory_space<semaphore_mem>>) src(%dma_wait3A_1282 : memref<1000000x64xf32, #tpu.memory_space<hbm>>) dst(%dma_wait3A_1276 : memref<128x64xf32, #tpu.memory_space<vmem>>)
    %dma_start3A_1283 = arith.constant 1 : i32
    %dma_start3A_1284 = arith.constant 0 : i32
    %dma_start3A_1285 = arith.constant 0 : i32
    %dma_start3A_1286 = tpu.memref_slice %arg7[%dma_start3A_1283, %dma_start3A_1284, %dma_start3A_1285] : memref<4x128x64xf32, #tpu.memory_space<vmem>> -> memref<1x128x64xf32, #tpu.memory_space<vmem>>
    %dma_start3A_1287 = tpu.memref_squeeze %dma_start3A_1286 : memref<1x128x64xf32, #tpu.memory_space<vmem>> -> memref<128x64xf32, #tpu.memory_space<vmem>>
    %dma_start3A_1288 = arith.constant 0 : i32
    %dma_start3A_1289 = arith.constant 0 : i32
    %dma_start3A_1290 = tpu.memref_slice %arg8[%dma_start3A_1288, %dma_start3A_1289] : memref<2048x64xf32, #tpu.memory_space<vmem_shared>> -> memref<2048x64xf32, #tpu.memory_space<vmem_shared>>
    tpu.enqueue_indirect_dma source(%dma_start3A_1287 : memref<128x64xf32, #tpu.memory_space<vmem>>) target(%dma_start3A_1290 : memref<2048x64xf32, #tpu.memory_space<vmem_shared>>) offsets(%arg6 : memref<128xi32, #tpu.memory_space<vmem>>) semaphore(%arg14 : memref<!tpu.dma_semaphore, #tpu.memory_space<semaphore_mem>>) {add = true}
    %dma_wait3A_1291 = arith.constant 0 : i32
    %dma_wait3A_1292 = arith.constant 0 : i32
    %dma_wait3A_1293 = arith.constant 0 : i32
    %dma_wait3A_1294 = tpu.memref_slice %arg7[%dma_wait3A_1291, %dma_wait3A_1292, %dma_wait3A_1293] : memref<4x128x64xf32, #tpu.memory_space<vmem>> -> memref<1x128x64xf32, #tpu.memory_space<vmem>>
    %dma_wait3A_1295 = tpu.memref_squeeze %dma_wait3A_1294 : memref<1x128x64xf32, #tpu.memory_space<vmem>> -> memref<128x64xf32, #tpu.memory_space<vmem>>
    %dma_wait3A_1296 = arith.constant 0 : i32
    %dma_wait3A_1297 = arith.constant 0 : i32
    %dma_wait3A_1298 = tpu.memref_slice %arg8[%dma_wait3A_1296, %dma_wait3A_1297] : memref<2048x64xf32, #tpu.memory_space<vmem_shared>> -> memref<2048x64xf32, #tpu.memory_space<vmem_shared>>
    tpu.wait_indirect_dma semaphore(%arg13 : memref<!tpu.dma_semaphore, #tpu.memory_space<semaphore_mem>>) src(%dma_wait3A_1295 : memref<128x64xf32, #tpu.memory_space<vmem>>) dst(%dma_wait3A_1298 : memref<2048x64xf32, #tpu.memory_space<vmem_shared>>)
    %dma_start3A_1299 = arith.constant 32 : i32
    %dma_start3A_1300 = arith.constant 0 : i32
    %dma_start3A_1301 = arith.constant 0 : i32
    %dma_start3A_1302 = arith.constant 0 : i32
    %dma_start3A_1303 = tpu.memref_slice %arg7[%dma_start3A_1300, %dma_start3A_1301, %dma_start3A_1302] : memref<4x128x64xf32, #tpu.memory_space<vmem>> -> memref<1x128x64xf32, #tpu.memory_space<vmem>>
    %dma_start3A_1304 = tpu.memref_squeeze %dma_start3A_1303 : memref<1x128x64xf32, #tpu.memory_space<vmem>> -> memref<128x64xf32, #tpu.memory_space<vmem>>
    %dma_start3A_1305 = arith.constant 0 : i32
    %dma_start3A_1306 = tpu.memref_slice %arg5[%dma_start3A_1299, %dma_start3A_1305] : memref<50x128xi32, #tpu.memory_space<vmem>> -> memref<1x128xi32, #tpu.memory_space<vmem>>
    %dma_start3A_1307 = tpu.memref_squeeze %dma_start3A_1306 : memref<1x128xi32, #tpu.memory_space<vmem>> -> memref<128xi32, #tpu.memory_space<vmem>>
    %dma_start3A_1308 = arith.constant 0 : i32
    %dma_start3A_1309 = arith.constant 0 : i32
    %dma_start3A_1310 = tpu.memref_slice %arg3[%dma_start3A_1308, %dma_start3A_1309] : memref<1000000x64xf32, #tpu.memory_space<hbm>> -> memref<1000000x64xf32, #tpu.memory_space<hbm>>
    tpu.enqueue_indirect_dma source(%dma_start3A_1310 : memref<1000000x64xf32, #tpu.memory_space<hbm>>) target(%dma_start3A_1304 : memref<128x64xf32, #tpu.memory_space<vmem>>) offsets(%dma_start3A_1307 : memref<128xi32, #tpu.memory_space<vmem>>) semaphore(%arg9 : memref<!tpu.dma_semaphore, #tpu.memory_space<semaphore_mem>>)
    %dma_wait3A_1311 = arith.constant 30 : i32
    %dma_wait3A_1312 = arith.constant 2 : i32
    %dma_wait3A_1313 = arith.constant 0 : i32
    %dma_wait3A_1314 = arith.constant 0 : i32
    %dma_wait3A_1315 = tpu.memref_slice %arg7[%dma_wait3A_1312, %dma_wait3A_1313, %dma_wait3A_1314] : memref<4x128x64xf32, #tpu.memory_space<vmem>> -> memref<1x128x64xf32, #tpu.memory_space<vmem>>
    %dma_wait3A_1316 = tpu.memref_squeeze %dma_wait3A_1315 : memref<1x128x64xf32, #tpu.memory_space<vmem>> -> memref<128x64xf32, #tpu.memory_space<vmem>>
    %dma_wait3A_1317 = arith.constant 0 : i32
    %dma_wait3A_1318 = tpu.memref_slice %arg5[%dma_wait3A_1311, %dma_wait3A_1317] : memref<50x128xi32, #tpu.memory_space<vmem>> -> memref<1x128xi32, #tpu.memory_space<vmem>>
    %dma_wait3A_1319 = tpu.memref_squeeze %dma_wait3A_1318 : memref<1x128xi32, #tpu.memory_space<vmem>> -> memref<128xi32, #tpu.memory_space<vmem>>
    %dma_wait3A_1320 = arith.constant 0 : i32
    %dma_wait3A_1321 = arith.constant 0 : i32
    %dma_wait3A_1322 = tpu.memref_slice %arg3[%dma_wait3A_1320, %dma_wait3A_1321] : memref<1000000x64xf32, #tpu.memory_space<hbm>> -> memref<1000000x64xf32, #tpu.memory_space<hbm>>
    tpu.wait_indirect_dma semaphore(%arg11 : memref<!tpu.dma_semaphore, #tpu.memory_space<semaphore_mem>>) src(%dma_wait3A_1322 : memref<1000000x64xf32, #tpu.memory_space<hbm>>) dst(%dma_wait3A_1316 : memref<128x64xf32, #tpu.memory_space<vmem>>)
    %dma_start3A_1323 = arith.constant 2 : i32
    %dma_start3A_1324 = arith.constant 0 : i32
    %dma_start3A_1325 = arith.constant 0 : i32
    %dma_start3A_1326 = tpu.memref_slice %arg7[%dma_start3A_1323, %dma_start3A_1324, %dma_start3A_1325] : memref<4x128x64xf32, #tpu.memory_space<vmem>> -> memref<1x128x64xf32, #tpu.memory_space<vmem>>
    %dma_start3A_1327 = tpu.memref_squeeze %dma_start3A_1326 : memref<1x128x64xf32, #tpu.memory_space<vmem>> -> memref<128x64xf32, #tpu.memory_space<vmem>>
    %dma_start3A_1328 = arith.constant 0 : i32
    %dma_start3A_1329 = arith.constant 0 : i32
    %dma_start3A_1330 = tpu.memref_slice %arg8[%dma_start3A_1328, %dma_start3A_1329] : memref<2048x64xf32, #tpu.memory_space<vmem_shared>> -> memref<2048x64xf32, #tpu.memory_space<vmem_shared>>
    tpu.enqueue_indirect_dma source(%dma_start3A_1327 : memref<128x64xf32, #tpu.memory_space<vmem>>) target(%dma_start3A_1330 : memref<2048x64xf32, #tpu.memory_space<vmem_shared>>) offsets(%arg6 : memref<128xi32, #tpu.memory_space<vmem>>) semaphore(%arg15 : memref<!tpu.dma_semaphore, #tpu.memory_space<semaphore_mem>>) {add = true}
    %dma_wait3A_1331 = arith.constant 1 : i32
    %dma_wait3A_1332 = arith.constant 0 : i32
    %dma_wait3A_1333 = arith.constant 0 : i32
    %dma_wait3A_1334 = tpu.memref_slice %arg7[%dma_wait3A_1331, %dma_wait3A_1332, %dma_wait3A_1333] : memref<4x128x64xf32, #tpu.memory_space<vmem>> -> memref<1x128x64xf32, #tpu.memory_space<vmem>>
    %dma_wait3A_1335 = tpu.memref_squeeze %dma_wait3A_1334 : memref<1x128x64xf32, #tpu.memory_space<vmem>> -> memref<128x64xf32, #tpu.memory_space<vmem>>
    %dma_wait3A_1336 = arith.constant 0 : i32
    %dma_wait3A_1337 = arith.constant 0 : i32
    %dma_wait3A_1338 = tpu.memref_slice %arg8[%dma_wait3A_1336, %dma_wait3A_1337] : memref<2048x64xf32, #tpu.memory_space<vmem_shared>> -> memref<2048x64xf32, #tpu.memory_space<vmem_shared>>
    tpu.wait_indirect_dma semaphore(%arg14 : memref<!tpu.dma_semaphore, #tpu.memory_space<semaphore_mem>>) src(%dma_wait3A_1335 : memref<128x64xf32, #tpu.memory_space<vmem>>) dst(%dma_wait3A_1338 : memref<2048x64xf32, #tpu.memory_space<vmem_shared>>)
    %dma_start3A_1339 = arith.constant 33 : i32
    %dma_start3A_1340 = arith.constant 1 : i32
    %dma_start3A_1341 = arith.constant 0 : i32
    %dma_start3A_1342 = arith.constant 0 : i32
    %dma_start3A_1343 = tpu.memref_slice %arg7[%dma_start3A_1340, %dma_start3A_1341, %dma_start3A_1342] : memref<4x128x64xf32, #tpu.memory_space<vmem>> -> memref<1x128x64xf32, #tpu.memory_space<vmem>>
    %dma_start3A_1344 = tpu.memref_squeeze %dma_start3A_1343 : memref<1x128x64xf32, #tpu.memory_space<vmem>> -> memref<128x64xf32, #tpu.memory_space<vmem>>
    %dma_start3A_1345 = arith.constant 0 : i32
    %dma_start3A_1346 = tpu.memref_slice %arg5[%dma_start3A_1339, %dma_start3A_1345] : memref<50x128xi32, #tpu.memory_space<vmem>> -> memref<1x128xi32, #tpu.memory_space<vmem>>
    %dma_start3A_1347 = tpu.memref_squeeze %dma_start3A_1346 : memref<1x128xi32, #tpu.memory_space<vmem>> -> memref<128xi32, #tpu.memory_space<vmem>>
    %dma_start3A_1348 = arith.constant 0 : i32
    %dma_start3A_1349 = arith.constant 0 : i32
    %dma_start3A_1350 = tpu.memref_slice %arg3[%dma_start3A_1348, %dma_start3A_1349] : memref<1000000x64xf32, #tpu.memory_space<hbm>> -> memref<1000000x64xf32, #tpu.memory_space<hbm>>
    tpu.enqueue_indirect_dma source(%dma_start3A_1350 : memref<1000000x64xf32, #tpu.memory_space<hbm>>) target(%dma_start3A_1344 : memref<128x64xf32, #tpu.memory_space<vmem>>) offsets(%dma_start3A_1347 : memref<128xi32, #tpu.memory_space<vmem>>) semaphore(%arg10 : memref<!tpu.dma_semaphore, #tpu.memory_space<semaphore_mem>>)
    %dma_wait3A_1351 = arith.constant 31 : i32
    %dma_wait3A_1352 = arith.constant 3 : i32
    %dma_wait3A_1353 = arith.constant 0 : i32
    %dma_wait3A_1354 = arith.constant 0 : i32
    %dma_wait3A_1355 = tpu.memref_slice %arg7[%dma_wait3A_1352, %dma_wait3A_1353, %dma_wait3A_1354] : memref<4x128x64xf32, #tpu.memory_space<vmem>> -> memref<1x128x64xf32, #tpu.memory_space<vmem>>
    %dma_wait3A_1356 = tpu.memref_squeeze %dma_wait3A_1355 : memref<1x128x64xf32, #tpu.memory_space<vmem>> -> memref<128x64xf32, #tpu.memory_space<vmem>>
    %dma_wait3A_1357 = arith.constant 0 : i32
    %dma_wait3A_1358 = tpu.memref_slice %arg5[%dma_wait3A_1351, %dma_wait3A_1357] : memref<50x128xi32, #tpu.memory_space<vmem>> -> memref<1x128xi32, #tpu.memory_space<vmem>>
    %dma_wait3A_1359 = tpu.memref_squeeze %dma_wait3A_1358 : memref<1x128xi32, #tpu.memory_space<vmem>> -> memref<128xi32, #tpu.memory_space<vmem>>
    %dma_wait3A_1360 = arith.constant 0 : i32
    %dma_wait3A_1361 = arith.constant 0 : i32
    %dma_wait3A_1362 = tpu.memref_slice %arg3[%dma_wait3A_1360, %dma_wait3A_1361] : memref<1000000x64xf32, #tpu.memory_space<hbm>> -> memref<1000000x64xf32, #tpu.memory_space<hbm>>
    tpu.wait_indirect_dma semaphore(%arg12 : memref<!tpu.dma_semaphore, #tpu.memory_space<semaphore_mem>>) src(%dma_wait3A_1362 : memref<1000000x64xf32, #tpu.memory_space<hbm>>) dst(%dma_wait3A_1356 : memref<128x64xf32, #tpu.memory_space<vmem>>)
    %dma_start3A_1363 = arith.constant 3 : i32
    %dma_start3A_1364 = arith.constant 0 : i32
    %dma_start3A_1365 = arith.constant 0 : i32
    %dma_start3A_1366 = tpu.memref_slice %arg7[%dma_start3A_1363, %dma_start3A_1364, %dma_start3A_1365] : memref<4x128x64xf32, #tpu.memory_space<vmem>> -> memref<1x128x64xf32, #tpu.memory_space<vmem>>
    %dma_start3A_1367 = tpu.memref_squeeze %dma_start3A_1366 : memref<1x128x64xf32, #tpu.memory_space<vmem>> -> memref<128x64xf32, #tpu.memory_space<vmem>>
    %dma_start3A_1368 = arith.constant 0 : i32
    %dma_start3A_1369 = arith.constant 0 : i32
    %dma_start3A_1370 = tpu.memref_slice %arg8[%dma_start3A_1368, %dma_start3A_1369] : memref<2048x64xf32, #tpu.memory_space<vmem_shared>> -> memref<2048x64xf32, #tpu.memory_space<vmem_shared>>
    tpu.enqueue_indirect_dma source(%dma_start3A_1367 : memref<128x64xf32, #tpu.memory_space<vmem>>) target(%dma_start3A_1370 : memref<2048x64xf32, #tpu.memory_space<vmem_shared>>) offsets(%arg6 : memref<128xi32, #tpu.memory_space<vmem>>) semaphore(%arg16 : memref<!tpu.dma_semaphore, #tpu.memory_space<semaphore_mem>>) {add = true}
    %dma_wait3A_1371 = arith.constant 2 : i32
    %dma_wait3A_1372 = arith.constant 0 : i32
    %dma_wait3A_1373 = arith.constant 0 : i32
    %dma_wait3A_1374 = tpu.memref_slice %arg7[%dma_wait3A_1371, %dma_wait3A_1372, %dma_wait3A_1373] : memref<4x128x64xf32, #tpu.memory_space<vmem>> -> memref<1x128x64xf32, #tpu.memory_space<vmem>>
    %dma_wait3A_1375 = tpu.memref_squeeze %dma_wait3A_1374 : memref<1x128x64xf32, #tpu.memory_space<vmem>> -> memref<128x64xf32, #tpu.memory_space<vmem>>
    %dma_wait3A_1376 = arith.constant 0 : i32
    %dma_wait3A_1377 = arith.constant 0 : i32
    %dma_wait3A_1378 = tpu.memref_slice %arg8[%dma_wait3A_1376, %dma_wait3A_1377] : memref<2048x64xf32, #tpu.memory_space<vmem_shared>> -> memref<2048x64xf32, #tpu.memory_space<vmem_shared>>
    tpu.wait_indirect_dma semaphore(%arg15 : memref<!tpu.dma_semaphore, #tpu.memory_space<semaphore_mem>>) src(%dma_wait3A_1375 : memref<128x64xf32, #tpu.memory_space<vmem>>) dst(%dma_wait3A_1378 : memref<2048x64xf32, #tpu.memory_space<vmem_shared>>)
    %dma_start3A_1379 = arith.constant 34 : i32
    %dma_start3A_1380 = arith.constant 2 : i32
    %dma_start3A_1381 = arith.constant 0 : i32
    %dma_start3A_1382 = arith.constant 0 : i32
    %dma_start3A_1383 = tpu.memref_slice %arg7[%dma_start3A_1380, %dma_start3A_1381, %dma_start3A_1382] : memref<4x128x64xf32, #tpu.memory_space<vmem>> -> memref<1x128x64xf32, #tpu.memory_space<vmem>>
    %dma_start3A_1384 = tpu.memref_squeeze %dma_start3A_1383 : memref<1x128x64xf32, #tpu.memory_space<vmem>> -> memref<128x64xf32, #tpu.memory_space<vmem>>
    %dma_start3A_1385 = arith.constant 0 : i32
    %dma_start3A_1386 = tpu.memref_slice %arg5[%dma_start3A_1379, %dma_start3A_1385] : memref<50x128xi32, #tpu.memory_space<vmem>> -> memref<1x128xi32, #tpu.memory_space<vmem>>
    %dma_start3A_1387 = tpu.memref_squeeze %dma_start3A_1386 : memref<1x128xi32, #tpu.memory_space<vmem>> -> memref<128xi32, #tpu.memory_space<vmem>>
    %dma_start3A_1388 = arith.constant 0 : i32
    %dma_start3A_1389 = arith.constant 0 : i32
    %dma_start3A_1390 = tpu.memref_slice %arg3[%dma_start3A_1388, %dma_start3A_1389] : memref<1000000x64xf32, #tpu.memory_space<hbm>> -> memref<1000000x64xf32, #tpu.memory_space<hbm>>
    tpu.enqueue_indirect_dma source(%dma_start3A_1390 : memref<1000000x64xf32, #tpu.memory_space<hbm>>) target(%dma_start3A_1384 : memref<128x64xf32, #tpu.memory_space<vmem>>) offsets(%dma_start3A_1387 : memref<128xi32, #tpu.memory_space<vmem>>) semaphore(%arg11 : memref<!tpu.dma_semaphore, #tpu.memory_space<semaphore_mem>>)
    %dma_wait3A_1391 = arith.constant 32 : i32
    %dma_wait3A_1392 = arith.constant 0 : i32
    %dma_wait3A_1393 = arith.constant 0 : i32
    %dma_wait3A_1394 = arith.constant 0 : i32
    %dma_wait3A_1395 = tpu.memref_slice %arg7[%dma_wait3A_1392, %dma_wait3A_1393, %dma_wait3A_1394] : memref<4x128x64xf32, #tpu.memory_space<vmem>> -> memref<1x128x64xf32, #tpu.memory_space<vmem>>
    %dma_wait3A_1396 = tpu.memref_squeeze %dma_wait3A_1395 : memref<1x128x64xf32, #tpu.memory_space<vmem>> -> memref<128x64xf32, #tpu.memory_space<vmem>>
    %dma_wait3A_1397 = arith.constant 0 : i32
    %dma_wait3A_1398 = tpu.memref_slice %arg5[%dma_wait3A_1391, %dma_wait3A_1397] : memref<50x128xi32, #tpu.memory_space<vmem>> -> memref<1x128xi32, #tpu.memory_space<vmem>>
    %dma_wait3A_1399 = tpu.memref_squeeze %dma_wait3A_1398 : memref<1x128xi32, #tpu.memory_space<vmem>> -> memref<128xi32, #tpu.memory_space<vmem>>
    %dma_wait3A_1400 = arith.constant 0 : i32
    %dma_wait3A_1401 = arith.constant 0 : i32
    %dma_wait3A_1402 = tpu.memref_slice %arg3[%dma_wait3A_1400, %dma_wait3A_1401] : memref<1000000x64xf32, #tpu.memory_space<hbm>> -> memref<1000000x64xf32, #tpu.memory_space<hbm>>
    tpu.wait_indirect_dma semaphore(%arg9 : memref<!tpu.dma_semaphore, #tpu.memory_space<semaphore_mem>>) src(%dma_wait3A_1402 : memref<1000000x64xf32, #tpu.memory_space<hbm>>) dst(%dma_wait3A_1396 : memref<128x64xf32, #tpu.memory_space<vmem>>)
    %dma_start3A_1403 = arith.constant 0 : i32
    %dma_start3A_1404 = arith.constant 0 : i32
    %dma_start3A_1405 = arith.constant 0 : i32
    %dma_start3A_1406 = tpu.memref_slice %arg7[%dma_start3A_1403, %dma_start3A_1404, %dma_start3A_1405] : memref<4x128x64xf32, #tpu.memory_space<vmem>> -> memref<1x128x64xf32, #tpu.memory_space<vmem>>
    %dma_start3A_1407 = tpu.memref_squeeze %dma_start3A_1406 : memref<1x128x64xf32, #tpu.memory_space<vmem>> -> memref<128x64xf32, #tpu.memory_space<vmem>>
    %dma_start3A_1408 = arith.constant 0 : i32
    %dma_start3A_1409 = arith.constant 0 : i32
    %dma_start3A_1410 = tpu.memref_slice %arg8[%dma_start3A_1408, %dma_start3A_1409] : memref<2048x64xf32, #tpu.memory_space<vmem_shared>> -> memref<2048x64xf32, #tpu.memory_space<vmem_shared>>
    tpu.enqueue_indirect_dma source(%dma_start3A_1407 : memref<128x64xf32, #tpu.memory_space<vmem>>) target(%dma_start3A_1410 : memref<2048x64xf32, #tpu.memory_space<vmem_shared>>) offsets(%arg6 : memref<128xi32, #tpu.memory_space<vmem>>) semaphore(%arg13 : memref<!tpu.dma_semaphore, #tpu.memory_space<semaphore_mem>>) {add = true}
    %dma_wait3A_1411 = arith.constant 3 : i32
    %dma_wait3A_1412 = arith.constant 0 : i32
    %dma_wait3A_1413 = arith.constant 0 : i32
    %dma_wait3A_1414 = tpu.memref_slice %arg7[%dma_wait3A_1411, %dma_wait3A_1412, %dma_wait3A_1413] : memref<4x128x64xf32, #tpu.memory_space<vmem>> -> memref<1x128x64xf32, #tpu.memory_space<vmem>>
    %dma_wait3A_1415 = tpu.memref_squeeze %dma_wait3A_1414 : memref<1x128x64xf32, #tpu.memory_space<vmem>> -> memref<128x64xf32, #tpu.memory_space<vmem>>
    %dma_wait3A_1416 = arith.constant 0 : i32
    %dma_wait3A_1417 = arith.constant 0 : i32
    %dma_wait3A_1418 = tpu.memref_slice %arg8[%dma_wait3A_1416, %dma_wait3A_1417] : memref<2048x64xf32, #tpu.memory_space<vmem_shared>> -> memref<2048x64xf32, #tpu.memory_space<vmem_shared>>
    tpu.wait_indirect_dma semaphore(%arg16 : memref<!tpu.dma_semaphore, #tpu.memory_space<semaphore_mem>>) src(%dma_wait3A_1415 : memref<128x64xf32, #tpu.memory_space<vmem>>) dst(%dma_wait3A_1418 : memref<2048x64xf32, #tpu.memory_space<vmem_shared>>)
    %dma_start3A_1419 = arith.constant 35 : i32
    %dma_start3A_1420 = arith.constant 3 : i32
    %dma_start3A_1421 = arith.constant 0 : i32
    %dma_start3A_1422 = arith.constant 0 : i32
    %dma_start3A_1423 = tpu.memref_slice %arg7[%dma_start3A_1420, %dma_start3A_1421, %dma_start3A_1422] : memref<4x128x64xf32, #tpu.memory_space<vmem>> -> memref<1x128x64xf32, #tpu.memory_space<vmem>>
    %dma_start3A_1424 = tpu.memref_squeeze %dma_start3A_1423 : memref<1x128x64xf32, #tpu.memory_space<vmem>> -> memref<128x64xf32, #tpu.memory_space<vmem>>
    %dma_start3A_1425 = arith.constant 0 : i32
    %dma_start3A_1426 = tpu.memref_slice %arg5[%dma_start3A_1419, %dma_start3A_1425] : memref<50x128xi32, #tpu.memory_space<vmem>> -> memref<1x128xi32, #tpu.memory_space<vmem>>
    %dma_start3A_1427 = tpu.memref_squeeze %dma_start3A_1426 : memref<1x128xi32, #tpu.memory_space<vmem>> -> memref<128xi32, #tpu.memory_space<vmem>>
    %dma_start3A_1428 = arith.constant 0 : i32
    %dma_start3A_1429 = arith.constant 0 : i32
    %dma_start3A_1430 = tpu.memref_slice %arg3[%dma_start3A_1428, %dma_start3A_1429] : memref<1000000x64xf32, #tpu.memory_space<hbm>> -> memref<1000000x64xf32, #tpu.memory_space<hbm>>
    tpu.enqueue_indirect_dma source(%dma_start3A_1430 : memref<1000000x64xf32, #tpu.memory_space<hbm>>) target(%dma_start3A_1424 : memref<128x64xf32, #tpu.memory_space<vmem>>) offsets(%dma_start3A_1427 : memref<128xi32, #tpu.memory_space<vmem>>) semaphore(%arg12 : memref<!tpu.dma_semaphore, #tpu.memory_space<semaphore_mem>>)
    %dma_wait3A_1431 = arith.constant 33 : i32
    %dma_wait3A_1432 = arith.constant 1 : i32
    %dma_wait3A_1433 = arith.constant 0 : i32
    %dma_wait3A_1434 = arith.constant 0 : i32
    %dma_wait3A_1435 = tpu.memref_slice %arg7[%dma_wait3A_1432, %dma_wait3A_1433, %dma_wait3A_1434] : memref<4x128x64xf32, #tpu.memory_space<vmem>> -> memref<1x128x64xf32, #tpu.memory_space<vmem>>
    %dma_wait3A_1436 = tpu.memref_squeeze %dma_wait3A_1435 : memref<1x128x64xf32, #tpu.memory_space<vmem>> -> memref<128x64xf32, #tpu.memory_space<vmem>>
    %dma_wait3A_1437 = arith.constant 0 : i32
    %dma_wait3A_1438 = tpu.memref_slice %arg5[%dma_wait3A_1431, %dma_wait3A_1437] : memref<50x128xi32, #tpu.memory_space<vmem>> -> memref<1x128xi32, #tpu.memory_space<vmem>>
    %dma_wait3A_1439 = tpu.memref_squeeze %dma_wait3A_1438 : memref<1x128xi32, #tpu.memory_space<vmem>> -> memref<128xi32, #tpu.memory_space<vmem>>
    %dma_wait3A_1440 = arith.constant 0 : i32
    %dma_wait3A_1441 = arith.constant 0 : i32
    %dma_wait3A_1442 = tpu.memref_slice %arg3[%dma_wait3A_1440, %dma_wait3A_1441] : memref<1000000x64xf32, #tpu.memory_space<hbm>> -> memref<1000000x64xf32, #tpu.memory_space<hbm>>
    tpu.wait_indirect_dma semaphore(%arg10 : memref<!tpu.dma_semaphore, #tpu.memory_space<semaphore_mem>>) src(%dma_wait3A_1442 : memref<1000000x64xf32, #tpu.memory_space<hbm>>) dst(%dma_wait3A_1436 : memref<128x64xf32, #tpu.memory_space<vmem>>)
    %dma_start3A_1443 = arith.constant 1 : i32
    %dma_start3A_1444 = arith.constant 0 : i32
    %dma_start3A_1445 = arith.constant 0 : i32
    %dma_start3A_1446 = tpu.memref_slice %arg7[%dma_start3A_1443, %dma_start3A_1444, %dma_start3A_1445] : memref<4x128x64xf32, #tpu.memory_space<vmem>> -> memref<1x128x64xf32, #tpu.memory_space<vmem>>
    %dma_start3A_1447 = tpu.memref_squeeze %dma_start3A_1446 : memref<1x128x64xf32, #tpu.memory_space<vmem>> -> memref<128x64xf32, #tpu.memory_space<vmem>>
    %dma_start3A_1448 = arith.constant 0 : i32
    %dma_start3A_1449 = arith.constant 0 : i32
    %dma_start3A_1450 = tpu.memref_slice %arg8[%dma_start3A_1448, %dma_start3A_1449] : memref<2048x64xf32, #tpu.memory_space<vmem_shared>> -> memref<2048x64xf32, #tpu.memory_space<vmem_shared>>
    tpu.enqueue_indirect_dma source(%dma_start3A_1447 : memref<128x64xf32, #tpu.memory_space<vmem>>) target(%dma_start3A_1450 : memref<2048x64xf32, #tpu.memory_space<vmem_shared>>) offsets(%arg6 : memref<128xi32, #tpu.memory_space<vmem>>) semaphore(%arg14 : memref<!tpu.dma_semaphore, #tpu.memory_space<semaphore_mem>>) {add = true}
    %dma_wait3A_1451 = arith.constant 0 : i32
    %dma_wait3A_1452 = arith.constant 0 : i32
    %dma_wait3A_1453 = arith.constant 0 : i32
    %dma_wait3A_1454 = tpu.memref_slice %arg7[%dma_wait3A_1451, %dma_wait3A_1452, %dma_wait3A_1453] : memref<4x128x64xf32, #tpu.memory_space<vmem>> -> memref<1x128x64xf32, #tpu.memory_space<vmem>>
    %dma_wait3A_1455 = tpu.memref_squeeze %dma_wait3A_1454 : memref<1x128x64xf32, #tpu.memory_space<vmem>> -> memref<128x64xf32, #tpu.memory_space<vmem>>
    %dma_wait3A_1456 = arith.constant 0 : i32
    %dma_wait3A_1457 = arith.constant 0 : i32
    %dma_wait3A_1458 = tpu.memref_slice %arg8[%dma_wait3A_1456, %dma_wait3A_1457] : memref<2048x64xf32, #tpu.memory_space<vmem_shared>> -> memref<2048x64xf32, #tpu.memory_space<vmem_shared>>
    tpu.wait_indirect_dma semaphore(%arg13 : memref<!tpu.dma_semaphore, #tpu.memory_space<semaphore_mem>>) src(%dma_wait3A_1455 : memref<128x64xf32, #tpu.memory_space<vmem>>) dst(%dma_wait3A_1458 : memref<2048x64xf32, #tpu.memory_space<vmem_shared>>)
    %dma_start3A_1459 = arith.constant 36 : i32
    %dma_start3A_1460 = arith.constant 0 : i32
    %dma_start3A_1461 = arith.constant 0 : i32
    %dma_start3A_1462 = arith.constant 0 : i32
    %dma_start3A_1463 = tpu.memref_slice %arg7[%dma_start3A_1460, %dma_start3A_1461, %dma_start3A_1462] : memref<4x128x64xf32, #tpu.memory_space<vmem>> -> memref<1x128x64xf32, #tpu.memory_space<vmem>>
    %dma_start3A_1464 = tpu.memref_squeeze %dma_start3A_1463 : memref<1x128x64xf32, #tpu.memory_space<vmem>> -> memref<128x64xf32, #tpu.memory_space<vmem>>
    %dma_start3A_1465 = arith.constant 0 : i32
    %dma_start3A_1466 = tpu.memref_slice %arg5[%dma_start3A_1459, %dma_start3A_1465] : memref<50x128xi32, #tpu.memory_space<vmem>> -> memref<1x128xi32, #tpu.memory_space<vmem>>
    %dma_start3A_1467 = tpu.memref_squeeze %dma_start3A_1466 : memref<1x128xi32, #tpu.memory_space<vmem>> -> memref<128xi32, #tpu.memory_space<vmem>>
    %dma_start3A_1468 = arith.constant 0 : i32
    %dma_start3A_1469 = arith.constant 0 : i32
    %dma_start3A_1470 = tpu.memref_slice %arg3[%dma_start3A_1468, %dma_start3A_1469] : memref<1000000x64xf32, #tpu.memory_space<hbm>> -> memref<1000000x64xf32, #tpu.memory_space<hbm>>
    tpu.enqueue_indirect_dma source(%dma_start3A_1470 : memref<1000000x64xf32, #tpu.memory_space<hbm>>) target(%dma_start3A_1464 : memref<128x64xf32, #tpu.memory_space<vmem>>) offsets(%dma_start3A_1467 : memref<128xi32, #tpu.memory_space<vmem>>) semaphore(%arg9 : memref<!tpu.dma_semaphore, #tpu.memory_space<semaphore_mem>>)
    %dma_wait3A_1471 = arith.constant 34 : i32
    %dma_wait3A_1472 = arith.constant 2 : i32
    %dma_wait3A_1473 = arith.constant 0 : i32
    %dma_wait3A_1474 = arith.constant 0 : i32
    %dma_wait3A_1475 = tpu.memref_slice %arg7[%dma_wait3A_1472, %dma_wait3A_1473, %dma_wait3A_1474] : memref<4x128x64xf32, #tpu.memory_space<vmem>> -> memref<1x128x64xf32, #tpu.memory_space<vmem>>
    %dma_wait3A_1476 = tpu.memref_squeeze %dma_wait3A_1475 : memref<1x128x64xf32, #tpu.memory_space<vmem>> -> memref<128x64xf32, #tpu.memory_space<vmem>>
    %dma_wait3A_1477 = arith.constant 0 : i32
    %dma_wait3A_1478 = tpu.memref_slice %arg5[%dma_wait3A_1471, %dma_wait3A_1477] : memref<50x128xi32, #tpu.memory_space<vmem>> -> memref<1x128xi32, #tpu.memory_space<vmem>>
    %dma_wait3A_1479 = tpu.memref_squeeze %dma_wait3A_1478 : memref<1x128xi32, #tpu.memory_space<vmem>> -> memref<128xi32, #tpu.memory_space<vmem>>
    %dma_wait3A_1480 = arith.constant 0 : i32
    %dma_wait3A_1481 = arith.constant 0 : i32
    %dma_wait3A_1482 = tpu.memref_slice %arg3[%dma_wait3A_1480, %dma_wait3A_1481] : memref<1000000x64xf32, #tpu.memory_space<hbm>> -> memref<1000000x64xf32, #tpu.memory_space<hbm>>
    tpu.wait_indirect_dma semaphore(%arg11 : memref<!tpu.dma_semaphore, #tpu.memory_space<semaphore_mem>>) src(%dma_wait3A_1482 : memref<1000000x64xf32, #tpu.memory_space<hbm>>) dst(%dma_wait3A_1476 : memref<128x64xf32, #tpu.memory_space<vmem>>)
    %dma_start3A_1483 = arith.constant 2 : i32
    %dma_start3A_1484 = arith.constant 0 : i32
    %dma_start3A_1485 = arith.constant 0 : i32
    %dma_start3A_1486 = tpu.memref_slice %arg7[%dma_start3A_1483, %dma_start3A_1484, %dma_start3A_1485] : memref<4x128x64xf32, #tpu.memory_space<vmem>> -> memref<1x128x64xf32, #tpu.memory_space<vmem>>
    %dma_start3A_1487 = tpu.memref_squeeze %dma_start3A_1486 : memref<1x128x64xf32, #tpu.memory_space<vmem>> -> memref<128x64xf32, #tpu.memory_space<vmem>>
    %dma_start3A_1488 = arith.constant 0 : i32
    %dma_start3A_1489 = arith.constant 0 : i32
    %dma_start3A_1490 = tpu.memref_slice %arg8[%dma_start3A_1488, %dma_start3A_1489] : memref<2048x64xf32, #tpu.memory_space<vmem_shared>> -> memref<2048x64xf32, #tpu.memory_space<vmem_shared>>
    tpu.enqueue_indirect_dma source(%dma_start3A_1487 : memref<128x64xf32, #tpu.memory_space<vmem>>) target(%dma_start3A_1490 : memref<2048x64xf32, #tpu.memory_space<vmem_shared>>) offsets(%arg6 : memref<128xi32, #tpu.memory_space<vmem>>) semaphore(%arg15 : memref<!tpu.dma_semaphore, #tpu.memory_space<semaphore_mem>>) {add = true}
    %dma_wait3A_1491 = arith.constant 1 : i32
    %dma_wait3A_1492 = arith.constant 0 : i32
    %dma_wait3A_1493 = arith.constant 0 : i32
    %dma_wait3A_1494 = tpu.memref_slice %arg7[%dma_wait3A_1491, %dma_wait3A_1492, %dma_wait3A_1493] : memref<4x128x64xf32, #tpu.memory_space<vmem>> -> memref<1x128x64xf32, #tpu.memory_space<vmem>>
    %dma_wait3A_1495 = tpu.memref_squeeze %dma_wait3A_1494 : memref<1x128x64xf32, #tpu.memory_space<vmem>> -> memref<128x64xf32, #tpu.memory_space<vmem>>
    %dma_wait3A_1496 = arith.constant 0 : i32
    %dma_wait3A_1497 = arith.constant 0 : i32
    %dma_wait3A_1498 = tpu.memref_slice %arg8[%dma_wait3A_1496, %dma_wait3A_1497] : memref<2048x64xf32, #tpu.memory_space<vmem_shared>> -> memref<2048x64xf32, #tpu.memory_space<vmem_shared>>
    tpu.wait_indirect_dma semaphore(%arg14 : memref<!tpu.dma_semaphore, #tpu.memory_space<semaphore_mem>>) src(%dma_wait3A_1495 : memref<128x64xf32, #tpu.memory_space<vmem>>) dst(%dma_wait3A_1498 : memref<2048x64xf32, #tpu.memory_space<vmem_shared>>)
    %dma_start3A_1499 = arith.constant 37 : i32
    %dma_start3A_1500 = arith.constant 1 : i32
    %dma_start3A_1501 = arith.constant 0 : i32
    %dma_start3A_1502 = arith.constant 0 : i32
    %dma_start3A_1503 = tpu.memref_slice %arg7[%dma_start3A_1500, %dma_start3A_1501, %dma_start3A_1502] : memref<4x128x64xf32, #tpu.memory_space<vmem>> -> memref<1x128x64xf32, #tpu.memory_space<vmem>>
    %dma_start3A_1504 = tpu.memref_squeeze %dma_start3A_1503 : memref<1x128x64xf32, #tpu.memory_space<vmem>> -> memref<128x64xf32, #tpu.memory_space<vmem>>
    %dma_start3A_1505 = arith.constant 0 : i32
    %dma_start3A_1506 = tpu.memref_slice %arg5[%dma_start3A_1499, %dma_start3A_1505] : memref<50x128xi32, #tpu.memory_space<vmem>> -> memref<1x128xi32, #tpu.memory_space<vmem>>
    %dma_start3A_1507 = tpu.memref_squeeze %dma_start3A_1506 : memref<1x128xi32, #tpu.memory_space<vmem>> -> memref<128xi32, #tpu.memory_space<vmem>>
    %dma_start3A_1508 = arith.constant 0 : i32
    %dma_start3A_1509 = arith.constant 0 : i32
    %dma_start3A_1510 = tpu.memref_slice %arg3[%dma_start3A_1508, %dma_start3A_1509] : memref<1000000x64xf32, #tpu.memory_space<hbm>> -> memref<1000000x64xf32, #tpu.memory_space<hbm>>
    tpu.enqueue_indirect_dma source(%dma_start3A_1510 : memref<1000000x64xf32, #tpu.memory_space<hbm>>) target(%dma_start3A_1504 : memref<128x64xf32, #tpu.memory_space<vmem>>) offsets(%dma_start3A_1507 : memref<128xi32, #tpu.memory_space<vmem>>) semaphore(%arg10 : memref<!tpu.dma_semaphore, #tpu.memory_space<semaphore_mem>>)
    %dma_wait3A_1511 = arith.constant 35 : i32
    %dma_wait3A_1512 = arith.constant 3 : i32
    %dma_wait3A_1513 = arith.constant 0 : i32
    %dma_wait3A_1514 = arith.constant 0 : i32
    %dma_wait3A_1515 = tpu.memref_slice %arg7[%dma_wait3A_1512, %dma_wait3A_1513, %dma_wait3A_1514] : memref<4x128x64xf32, #tpu.memory_space<vmem>> -> memref<1x128x64xf32, #tpu.memory_space<vmem>>
    %dma_wait3A_1516 = tpu.memref_squeeze %dma_wait3A_1515 : memref<1x128x64xf32, #tpu.memory_space<vmem>> -> memref<128x64xf32, #tpu.memory_space<vmem>>
    %dma_wait3A_1517 = arith.constant 0 : i32
    %dma_wait3A_1518 = tpu.memref_slice %arg5[%dma_wait3A_1511, %dma_wait3A_1517] : memref<50x128xi32, #tpu.memory_space<vmem>> -> memref<1x128xi32, #tpu.memory_space<vmem>>
    %dma_wait3A_1519 = tpu.memref_squeeze %dma_wait3A_1518 : memref<1x128xi32, #tpu.memory_space<vmem>> -> memref<128xi32, #tpu.memory_space<vmem>>
    %dma_wait3A_1520 = arith.constant 0 : i32
    %dma_wait3A_1521 = arith.constant 0 : i32
    %dma_wait3A_1522 = tpu.memref_slice %arg3[%dma_wait3A_1520, %dma_wait3A_1521] : memref<1000000x64xf32, #tpu.memory_space<hbm>> -> memref<1000000x64xf32, #tpu.memory_space<hbm>>
    tpu.wait_indirect_dma semaphore(%arg12 : memref<!tpu.dma_semaphore, #tpu.memory_space<semaphore_mem>>) src(%dma_wait3A_1522 : memref<1000000x64xf32, #tpu.memory_space<hbm>>) dst(%dma_wait3A_1516 : memref<128x64xf32, #tpu.memory_space<vmem>>)
    %dma_start3A_1523 = arith.constant 3 : i32
    %dma_start3A_1524 = arith.constant 0 : i32
    %dma_start3A_1525 = arith.constant 0 : i32
    %dma_start3A_1526 = tpu.memref_slice %arg7[%dma_start3A_1523, %dma_start3A_1524, %dma_start3A_1525] : memref<4x128x64xf32, #tpu.memory_space<vmem>> -> memref<1x128x64xf32, #tpu.memory_space<vmem>>
    %dma_start3A_1527 = tpu.memref_squeeze %dma_start3A_1526 : memref<1x128x64xf32, #tpu.memory_space<vmem>> -> memref<128x64xf32, #tpu.memory_space<vmem>>
    %dma_start3A_1528 = arith.constant 0 : i32
    %dma_start3A_1529 = arith.constant 0 : i32
    %dma_start3A_1530 = tpu.memref_slice %arg8[%dma_start3A_1528, %dma_start3A_1529] : memref<2048x64xf32, #tpu.memory_space<vmem_shared>> -> memref<2048x64xf32, #tpu.memory_space<vmem_shared>>
    tpu.enqueue_indirect_dma source(%dma_start3A_1527 : memref<128x64xf32, #tpu.memory_space<vmem>>) target(%dma_start3A_1530 : memref<2048x64xf32, #tpu.memory_space<vmem_shared>>) offsets(%arg6 : memref<128xi32, #tpu.memory_space<vmem>>) semaphore(%arg16 : memref<!tpu.dma_semaphore, #tpu.memory_space<semaphore_mem>>) {add = true}
    %dma_wait3A_1531 = arith.constant 2 : i32
    %dma_wait3A_1532 = arith.constant 0 : i32
    %dma_wait3A_1533 = arith.constant 0 : i32
    %dma_wait3A_1534 = tpu.memref_slice %arg7[%dma_wait3A_1531, %dma_wait3A_1532, %dma_wait3A_1533] : memref<4x128x64xf32, #tpu.memory_space<vmem>> -> memref<1x128x64xf32, #tpu.memory_space<vmem>>
    %dma_wait3A_1535 = tpu.memref_squeeze %dma_wait3A_1534 : memref<1x128x64xf32, #tpu.memory_space<vmem>> -> memref<128x64xf32, #tpu.memory_space<vmem>>
    %dma_wait3A_1536 = arith.constant 0 : i32
    %dma_wait3A_1537 = arith.constant 0 : i32
    %dma_wait3A_1538 = tpu.memref_slice %arg8[%dma_wait3A_1536, %dma_wait3A_1537] : memref<2048x64xf32, #tpu.memory_space<vmem_shared>> -> memref<2048x64xf32, #tpu.memory_space<vmem_shared>>
    tpu.wait_indirect_dma semaphore(%arg15 : memref<!tpu.dma_semaphore, #tpu.memory_space<semaphore_mem>>) src(%dma_wait3A_1535 : memref<128x64xf32, #tpu.memory_space<vmem>>) dst(%dma_wait3A_1538 : memref<2048x64xf32, #tpu.memory_space<vmem_shared>>)
    %dma_start3A_1539 = arith.constant 38 : i32
    %dma_start3A_1540 = arith.constant 2 : i32
    %dma_start3A_1541 = arith.constant 0 : i32
    %dma_start3A_1542 = arith.constant 0 : i32
    %dma_start3A_1543 = tpu.memref_slice %arg7[%dma_start3A_1540, %dma_start3A_1541, %dma_start3A_1542] : memref<4x128x64xf32, #tpu.memory_space<vmem>> -> memref<1x128x64xf32, #tpu.memory_space<vmem>>
    %dma_start3A_1544 = tpu.memref_squeeze %dma_start3A_1543 : memref<1x128x64xf32, #tpu.memory_space<vmem>> -> memref<128x64xf32, #tpu.memory_space<vmem>>
    %dma_start3A_1545 = arith.constant 0 : i32
    %dma_start3A_1546 = tpu.memref_slice %arg5[%dma_start3A_1539, %dma_start3A_1545] : memref<50x128xi32, #tpu.memory_space<vmem>> -> memref<1x128xi32, #tpu.memory_space<vmem>>
    %dma_start3A_1547 = tpu.memref_squeeze %dma_start3A_1546 : memref<1x128xi32, #tpu.memory_space<vmem>> -> memref<128xi32, #tpu.memory_space<vmem>>
    %dma_start3A_1548 = arith.constant 0 : i32
    %dma_start3A_1549 = arith.constant 0 : i32
    %dma_start3A_1550 = tpu.memref_slice %arg3[%dma_start3A_1548, %dma_start3A_1549] : memref<1000000x64xf32, #tpu.memory_space<hbm>> -> memref<1000000x64xf32, #tpu.memory_space<hbm>>
    tpu.enqueue_indirect_dma source(%dma_start3A_1550 : memref<1000000x64xf32, #tpu.memory_space<hbm>>) target(%dma_start3A_1544 : memref<128x64xf32, #tpu.memory_space<vmem>>) offsets(%dma_start3A_1547 : memref<128xi32, #tpu.memory_space<vmem>>) semaphore(%arg11 : memref<!tpu.dma_semaphore, #tpu.memory_space<semaphore_mem>>)
    %dma_wait3A_1551 = arith.constant 36 : i32
    %dma_wait3A_1552 = arith.constant 0 : i32
    %dma_wait3A_1553 = arith.constant 0 : i32
    %dma_wait3A_1554 = arith.constant 0 : i32
    %dma_wait3A_1555 = tpu.memref_slice %arg7[%dma_wait3A_1552, %dma_wait3A_1553, %dma_wait3A_1554] : memref<4x128x64xf32, #tpu.memory_space<vmem>> -> memref<1x128x64xf32, #tpu.memory_space<vmem>>
    %dma_wait3A_1556 = tpu.memref_squeeze %dma_wait3A_1555 : memref<1x128x64xf32, #tpu.memory_space<vmem>> -> memref<128x64xf32, #tpu.memory_space<vmem>>
    %dma_wait3A_1557 = arith.constant 0 : i32
    %dma_wait3A_1558 = tpu.memref_slice %arg5[%dma_wait3A_1551, %dma_wait3A_1557] : memref<50x128xi32, #tpu.memory_space<vmem>> -> memref<1x128xi32, #tpu.memory_space<vmem>>
    %dma_wait3A_1559 = tpu.memref_squeeze %dma_wait3A_1558 : memref<1x128xi32, #tpu.memory_space<vmem>> -> memref<128xi32, #tpu.memory_space<vmem>>
    %dma_wait3A_1560 = arith.constant 0 : i32
    %dma_wait3A_1561 = arith.constant 0 : i32
    %dma_wait3A_1562 = tpu.memref_slice %arg3[%dma_wait3A_1560, %dma_wait3A_1561] : memref<1000000x64xf32, #tpu.memory_space<hbm>> -> memref<1000000x64xf32, #tpu.memory_space<hbm>>
    tpu.wait_indirect_dma semaphore(%arg9 : memref<!tpu.dma_semaphore, #tpu.memory_space<semaphore_mem>>) src(%dma_wait3A_1562 : memref<1000000x64xf32, #tpu.memory_space<hbm>>) dst(%dma_wait3A_1556 : memref<128x64xf32, #tpu.memory_space<vmem>>)
    %dma_start3A_1563 = arith.constant 0 : i32
    %dma_start3A_1564 = arith.constant 0 : i32
    %dma_start3A_1565 = arith.constant 0 : i32
    %dma_start3A_1566 = tpu.memref_slice %arg7[%dma_start3A_1563, %dma_start3A_1564, %dma_start3A_1565] : memref<4x128x64xf32, #tpu.memory_space<vmem>> -> memref<1x128x64xf32, #tpu.memory_space<vmem>>
    %dma_start3A_1567 = tpu.memref_squeeze %dma_start3A_1566 : memref<1x128x64xf32, #tpu.memory_space<vmem>> -> memref<128x64xf32, #tpu.memory_space<vmem>>
    %dma_start3A_1568 = arith.constant 0 : i32
    %dma_start3A_1569 = arith.constant 0 : i32
    %dma_start3A_1570 = tpu.memref_slice %arg8[%dma_start3A_1568, %dma_start3A_1569] : memref<2048x64xf32, #tpu.memory_space<vmem_shared>> -> memref<2048x64xf32, #tpu.memory_space<vmem_shared>>
    tpu.enqueue_indirect_dma source(%dma_start3A_1567 : memref<128x64xf32, #tpu.memory_space<vmem>>) target(%dma_start3A_1570 : memref<2048x64xf32, #tpu.memory_space<vmem_shared>>) offsets(%arg6 : memref<128xi32, #tpu.memory_space<vmem>>) semaphore(%arg13 : memref<!tpu.dma_semaphore, #tpu.memory_space<semaphore_mem>>) {add = true}
    %dma_wait3A_1571 = arith.constant 3 : i32
    %dma_wait3A_1572 = arith.constant 0 : i32
    %dma_wait3A_1573 = arith.constant 0 : i32
    %dma_wait3A_1574 = tpu.memref_slice %arg7[%dma_wait3A_1571, %dma_wait3A_1572, %dma_wait3A_1573] : memref<4x128x64xf32, #tpu.memory_space<vmem>> -> memref<1x128x64xf32, #tpu.memory_space<vmem>>
    %dma_wait3A_1575 = tpu.memref_squeeze %dma_wait3A_1574 : memref<1x128x64xf32, #tpu.memory_space<vmem>> -> memref<128x64xf32, #tpu.memory_space<vmem>>
    %dma_wait3A_1576 = arith.constant 0 : i32
    %dma_wait3A_1577 = arith.constant 0 : i32
    %dma_wait3A_1578 = tpu.memref_slice %arg8[%dma_wait3A_1576, %dma_wait3A_1577] : memref<2048x64xf32, #tpu.memory_space<vmem_shared>> -> memref<2048x64xf32, #tpu.memory_space<vmem_shared>>
    tpu.wait_indirect_dma semaphore(%arg16 : memref<!tpu.dma_semaphore, #tpu.memory_space<semaphore_mem>>) src(%dma_wait3A_1575 : memref<128x64xf32, #tpu.memory_space<vmem>>) dst(%dma_wait3A_1578 : memref<2048x64xf32, #tpu.memory_space<vmem_shared>>)
    %dma_start3A_1579 = arith.constant 39 : i32
    %dma_start3A_1580 = arith.constant 3 : i32
    %dma_start3A_1581 = arith.constant 0 : i32
    %dma_start3A_1582 = arith.constant 0 : i32
    %dma_start3A_1583 = tpu.memref_slice %arg7[%dma_start3A_1580, %dma_start3A_1581, %dma_start3A_1582] : memref<4x128x64xf32, #tpu.memory_space<vmem>> -> memref<1x128x64xf32, #tpu.memory_space<vmem>>
    %dma_start3A_1584 = tpu.memref_squeeze %dma_start3A_1583 : memref<1x128x64xf32, #tpu.memory_space<vmem>> -> memref<128x64xf32, #tpu.memory_space<vmem>>
    %dma_start3A_1585 = arith.constant 0 : i32
    %dma_start3A_1586 = tpu.memref_slice %arg5[%dma_start3A_1579, %dma_start3A_1585] : memref<50x128xi32, #tpu.memory_space<vmem>> -> memref<1x128xi32, #tpu.memory_space<vmem>>
    %dma_start3A_1587 = tpu.memref_squeeze %dma_start3A_1586 : memref<1x128xi32, #tpu.memory_space<vmem>> -> memref<128xi32, #tpu.memory_space<vmem>>
    %dma_start3A_1588 = arith.constant 0 : i32
    %dma_start3A_1589 = arith.constant 0 : i32
    %dma_start3A_1590 = tpu.memref_slice %arg3[%dma_start3A_1588, %dma_start3A_1589] : memref<1000000x64xf32, #tpu.memory_space<hbm>> -> memref<1000000x64xf32, #tpu.memory_space<hbm>>
    tpu.enqueue_indirect_dma source(%dma_start3A_1590 : memref<1000000x64xf32, #tpu.memory_space<hbm>>) target(%dma_start3A_1584 : memref<128x64xf32, #tpu.memory_space<vmem>>) offsets(%dma_start3A_1587 : memref<128xi32, #tpu.memory_space<vmem>>) semaphore(%arg12 : memref<!tpu.dma_semaphore, #tpu.memory_space<semaphore_mem>>)
    %dma_wait3A_1591 = arith.constant 37 : i32
    %dma_wait3A_1592 = arith.constant 1 : i32
    %dma_wait3A_1593 = arith.constant 0 : i32
    %dma_wait3A_1594 = arith.constant 0 : i32
    %dma_wait3A_1595 = tpu.memref_slice %arg7[%dma_wait3A_1592, %dma_wait3A_1593, %dma_wait3A_1594] : memref<4x128x64xf32, #tpu.memory_space<vmem>> -> memref<1x128x64xf32, #tpu.memory_space<vmem>>
    %dma_wait3A_1596 = tpu.memref_squeeze %dma_wait3A_1595 : memref<1x128x64xf32, #tpu.memory_space<vmem>> -> memref<128x64xf32, #tpu.memory_space<vmem>>
    %dma_wait3A_1597 = arith.constant 0 : i32
    %dma_wait3A_1598 = tpu.memref_slice %arg5[%dma_wait3A_1591, %dma_wait3A_1597] : memref<50x128xi32, #tpu.memory_space<vmem>> -> memref<1x128xi32, #tpu.memory_space<vmem>>
    %dma_wait3A_1599 = tpu.memref_squeeze %dma_wait3A_1598 : memref<1x128xi32, #tpu.memory_space<vmem>> -> memref<128xi32, #tpu.memory_space<vmem>>
    %dma_wait3A_1600 = arith.constant 0 : i32
    %dma_wait3A_1601 = arith.constant 0 : i32
    %dma_wait3A_1602 = tpu.memref_slice %arg3[%dma_wait3A_1600, %dma_wait3A_1601] : memref<1000000x64xf32, #tpu.memory_space<hbm>> -> memref<1000000x64xf32, #tpu.memory_space<hbm>>
    tpu.wait_indirect_dma semaphore(%arg10 : memref<!tpu.dma_semaphore, #tpu.memory_space<semaphore_mem>>) src(%dma_wait3A_1602 : memref<1000000x64xf32, #tpu.memory_space<hbm>>) dst(%dma_wait3A_1596 : memref<128x64xf32, #tpu.memory_space<vmem>>)
    %dma_start3A_1603 = arith.constant 1 : i32
    %dma_start3A_1604 = arith.constant 0 : i32
    %dma_start3A_1605 = arith.constant 0 : i32
    %dma_start3A_1606 = tpu.memref_slice %arg7[%dma_start3A_1603, %dma_start3A_1604, %dma_start3A_1605] : memref<4x128x64xf32, #tpu.memory_space<vmem>> -> memref<1x128x64xf32, #tpu.memory_space<vmem>>
    %dma_start3A_1607 = tpu.memref_squeeze %dma_start3A_1606 : memref<1x128x64xf32, #tpu.memory_space<vmem>> -> memref<128x64xf32, #tpu.memory_space<vmem>>
    %dma_start3A_1608 = arith.constant 0 : i32
    %dma_start3A_1609 = arith.constant 0 : i32
    %dma_start3A_1610 = tpu.memref_slice %arg8[%dma_start3A_1608, %dma_start3A_1609] : memref<2048x64xf32, #tpu.memory_space<vmem_shared>> -> memref<2048x64xf32, #tpu.memory_space<vmem_shared>>
    tpu.enqueue_indirect_dma source(%dma_start3A_1607 : memref<128x64xf32, #tpu.memory_space<vmem>>) target(%dma_start3A_1610 : memref<2048x64xf32, #tpu.memory_space<vmem_shared>>) offsets(%arg6 : memref<128xi32, #tpu.memory_space<vmem>>) semaphore(%arg14 : memref<!tpu.dma_semaphore, #tpu.memory_space<semaphore_mem>>) {add = true}
    %dma_wait3A_1611 = arith.constant 0 : i32
    %dma_wait3A_1612 = arith.constant 0 : i32
    %dma_wait3A_1613 = arith.constant 0 : i32
    %dma_wait3A_1614 = tpu.memref_slice %arg7[%dma_wait3A_1611, %dma_wait3A_1612, %dma_wait3A_1613] : memref<4x128x64xf32, #tpu.memory_space<vmem>> -> memref<1x128x64xf32, #tpu.memory_space<vmem>>
    %dma_wait3A_1615 = tpu.memref_squeeze %dma_wait3A_1614 : memref<1x128x64xf32, #tpu.memory_space<vmem>> -> memref<128x64xf32, #tpu.memory_space<vmem>>
    %dma_wait3A_1616 = arith.constant 0 : i32
    %dma_wait3A_1617 = arith.constant 0 : i32
    %dma_wait3A_1618 = tpu.memref_slice %arg8[%dma_wait3A_1616, %dma_wait3A_1617] : memref<2048x64xf32, #tpu.memory_space<vmem_shared>> -> memref<2048x64xf32, #tpu.memory_space<vmem_shared>>
    tpu.wait_indirect_dma semaphore(%arg13 : memref<!tpu.dma_semaphore, #tpu.memory_space<semaphore_mem>>) src(%dma_wait3A_1615 : memref<128x64xf32, #tpu.memory_space<vmem>>) dst(%dma_wait3A_1618 : memref<2048x64xf32, #tpu.memory_space<vmem_shared>>)
    %dma_start3A_1619 = arith.constant 40 : i32
    %dma_start3A_1620 = arith.constant 0 : i32
    %dma_start3A_1621 = arith.constant 0 : i32
    %dma_start3A_1622 = arith.constant 0 : i32
    %dma_start3A_1623 = tpu.memref_slice %arg7[%dma_start3A_1620, %dma_start3A_1621, %dma_start3A_1622] : memref<4x128x64xf32, #tpu.memory_space<vmem>> -> memref<1x128x64xf32, #tpu.memory_space<vmem>>
    %dma_start3A_1624 = tpu.memref_squeeze %dma_start3A_1623 : memref<1x128x64xf32, #tpu.memory_space<vmem>> -> memref<128x64xf32, #tpu.memory_space<vmem>>
    %dma_start3A_1625 = arith.constant 0 : i32
    %dma_start3A_1626 = tpu.memref_slice %arg5[%dma_start3A_1619, %dma_start3A_1625] : memref<50x128xi32, #tpu.memory_space<vmem>> -> memref<1x128xi32, #tpu.memory_space<vmem>>
    %dma_start3A_1627 = tpu.memref_squeeze %dma_start3A_1626 : memref<1x128xi32, #tpu.memory_space<vmem>> -> memref<128xi32, #tpu.memory_space<vmem>>
    %dma_start3A_1628 = arith.constant 0 : i32
    %dma_start3A_1629 = arith.constant 0 : i32
    %dma_start3A_1630 = tpu.memref_slice %arg3[%dma_start3A_1628, %dma_start3A_1629] : memref<1000000x64xf32, #tpu.memory_space<hbm>> -> memref<1000000x64xf32, #tpu.memory_space<hbm>>
    tpu.enqueue_indirect_dma source(%dma_start3A_1630 : memref<1000000x64xf32, #tpu.memory_space<hbm>>) target(%dma_start3A_1624 : memref<128x64xf32, #tpu.memory_space<vmem>>) offsets(%dma_start3A_1627 : memref<128xi32, #tpu.memory_space<vmem>>) semaphore(%arg9 : memref<!tpu.dma_semaphore, #tpu.memory_space<semaphore_mem>>)
    %dma_wait3A_1631 = arith.constant 38 : i32
    %dma_wait3A_1632 = arith.constant 2 : i32
    %dma_wait3A_1633 = arith.constant 0 : i32
    %dma_wait3A_1634 = arith.constant 0 : i32
    %dma_wait3A_1635 = tpu.memref_slice %arg7[%dma_wait3A_1632, %dma_wait3A_1633, %dma_wait3A_1634] : memref<4x128x64xf32, #tpu.memory_space<vmem>> -> memref<1x128x64xf32, #tpu.memory_space<vmem>>
    %dma_wait3A_1636 = tpu.memref_squeeze %dma_wait3A_1635 : memref<1x128x64xf32, #tpu.memory_space<vmem>> -> memref<128x64xf32, #tpu.memory_space<vmem>>
    %dma_wait3A_1637 = arith.constant 0 : i32
    %dma_wait3A_1638 = tpu.memref_slice %arg5[%dma_wait3A_1631, %dma_wait3A_1637] : memref<50x128xi32, #tpu.memory_space<vmem>> -> memref<1x128xi32, #tpu.memory_space<vmem>>
    %dma_wait3A_1639 = tpu.memref_squeeze %dma_wait3A_1638 : memref<1x128xi32, #tpu.memory_space<vmem>> -> memref<128xi32, #tpu.memory_space<vmem>>
    %dma_wait3A_1640 = arith.constant 0 : i32
    %dma_wait3A_1641 = arith.constant 0 : i32
    %dma_wait3A_1642 = tpu.memref_slice %arg3[%dma_wait3A_1640, %dma_wait3A_1641] : memref<1000000x64xf32, #tpu.memory_space<hbm>> -> memref<1000000x64xf32, #tpu.memory_space<hbm>>
    tpu.wait_indirect_dma semaphore(%arg11 : memref<!tpu.dma_semaphore, #tpu.memory_space<semaphore_mem>>) src(%dma_wait3A_1642 : memref<1000000x64xf32, #tpu.memory_space<hbm>>) dst(%dma_wait3A_1636 : memref<128x64xf32, #tpu.memory_space<vmem>>)
    %dma_start3A_1643 = arith.constant 2 : i32
    %dma_start3A_1644 = arith.constant 0 : i32
    %dma_start3A_1645 = arith.constant 0 : i32
    %dma_start3A_1646 = tpu.memref_slice %arg7[%dma_start3A_1643, %dma_start3A_1644, %dma_start3A_1645] : memref<4x128x64xf32, #tpu.memory_space<vmem>> -> memref<1x128x64xf32, #tpu.memory_space<vmem>>
    %dma_start3A_1647 = tpu.memref_squeeze %dma_start3A_1646 : memref<1x128x64xf32, #tpu.memory_space<vmem>> -> memref<128x64xf32, #tpu.memory_space<vmem>>
    %dma_start3A_1648 = arith.constant 0 : i32
    %dma_start3A_1649 = arith.constant 0 : i32
    %dma_start3A_1650 = tpu.memref_slice %arg8[%dma_start3A_1648, %dma_start3A_1649] : memref<2048x64xf32, #tpu.memory_space<vmem_shared>> -> memref<2048x64xf32, #tpu.memory_space<vmem_shared>>
    tpu.enqueue_indirect_dma source(%dma_start3A_1647 : memref<128x64xf32, #tpu.memory_space<vmem>>) target(%dma_start3A_1650 : memref<2048x64xf32, #tpu.memory_space<vmem_shared>>) offsets(%arg6 : memref<128xi32, #tpu.memory_space<vmem>>) semaphore(%arg15 : memref<!tpu.dma_semaphore, #tpu.memory_space<semaphore_mem>>) {add = true}
    %dma_wait3A_1651 = arith.constant 1 : i32
    %dma_wait3A_1652 = arith.constant 0 : i32
    %dma_wait3A_1653 = arith.constant 0 : i32
    %dma_wait3A_1654 = tpu.memref_slice %arg7[%dma_wait3A_1651, %dma_wait3A_1652, %dma_wait3A_1653] : memref<4x128x64xf32, #tpu.memory_space<vmem>> -> memref<1x128x64xf32, #tpu.memory_space<vmem>>
    %dma_wait3A_1655 = tpu.memref_squeeze %dma_wait3A_1654 : memref<1x128x64xf32, #tpu.memory_space<vmem>> -> memref<128x64xf32, #tpu.memory_space<vmem>>
    %dma_wait3A_1656 = arith.constant 0 : i32
    %dma_wait3A_1657 = arith.constant 0 : i32
    %dma_wait3A_1658 = tpu.memref_slice %arg8[%dma_wait3A_1656, %dma_wait3A_1657] : memref<2048x64xf32, #tpu.memory_space<vmem_shared>> -> memref<2048x64xf32, #tpu.memory_space<vmem_shared>>
    tpu.wait_indirect_dma semaphore(%arg14 : memref<!tpu.dma_semaphore, #tpu.memory_space<semaphore_mem>>) src(%dma_wait3A_1655 : memref<128x64xf32, #tpu.memory_space<vmem>>) dst(%dma_wait3A_1658 : memref<2048x64xf32, #tpu.memory_space<vmem_shared>>)
    %dma_start3A_1659 = arith.constant 41 : i32
    %dma_start3A_1660 = arith.constant 1 : i32
    %dma_start3A_1661 = arith.constant 0 : i32
    %dma_start3A_1662 = arith.constant 0 : i32
    %dma_start3A_1663 = tpu.memref_slice %arg7[%dma_start3A_1660, %dma_start3A_1661, %dma_start3A_1662] : memref<4x128x64xf32, #tpu.memory_space<vmem>> -> memref<1x128x64xf32, #tpu.memory_space<vmem>>
    %dma_start3A_1664 = tpu.memref_squeeze %dma_start3A_1663 : memref<1x128x64xf32, #tpu.memory_space<vmem>> -> memref<128x64xf32, #tpu.memory_space<vmem>>
    %dma_start3A_1665 = arith.constant 0 : i32
    %dma_start3A_1666 = tpu.memref_slice %arg5[%dma_start3A_1659, %dma_start3A_1665] : memref<50x128xi32, #tpu.memory_space<vmem>> -> memref<1x128xi32, #tpu.memory_space<vmem>>
    %dma_start3A_1667 = tpu.memref_squeeze %dma_start3A_1666 : memref<1x128xi32, #tpu.memory_space<vmem>> -> memref<128xi32, #tpu.memory_space<vmem>>
    %dma_start3A_1668 = arith.constant 0 : i32
    %dma_start3A_1669 = arith.constant 0 : i32
    %dma_start3A_1670 = tpu.memref_slice %arg3[%dma_start3A_1668, %dma_start3A_1669] : memref<1000000x64xf32, #tpu.memory_space<hbm>> -> memref<1000000x64xf32, #tpu.memory_space<hbm>>
    tpu.enqueue_indirect_dma source(%dma_start3A_1670 : memref<1000000x64xf32, #tpu.memory_space<hbm>>) target(%dma_start3A_1664 : memref<128x64xf32, #tpu.memory_space<vmem>>) offsets(%dma_start3A_1667 : memref<128xi32, #tpu.memory_space<vmem>>) semaphore(%arg10 : memref<!tpu.dma_semaphore, #tpu.memory_space<semaphore_mem>>)
    %dma_wait3A_1671 = arith.constant 39 : i32
    %dma_wait3A_1672 = arith.constant 3 : i32
    %dma_wait3A_1673 = arith.constant 0 : i32
    %dma_wait3A_1674 = arith.constant 0 : i32
    %dma_wait3A_1675 = tpu.memref_slice %arg7[%dma_wait3A_1672, %dma_wait3A_1673, %dma_wait3A_1674] : memref<4x128x64xf32, #tpu.memory_space<vmem>> -> memref<1x128x64xf32, #tpu.memory_space<vmem>>
    %dma_wait3A_1676 = tpu.memref_squeeze %dma_wait3A_1675 : memref<1x128x64xf32, #tpu.memory_space<vmem>> -> memref<128x64xf32, #tpu.memory_space<vmem>>
    %dma_wait3A_1677 = arith.constant 0 : i32
    %dma_wait3A_1678 = tpu.memref_slice %arg5[%dma_wait3A_1671, %dma_wait3A_1677] : memref<50x128xi32, #tpu.memory_space<vmem>> -> memref<1x128xi32, #tpu.memory_space<vmem>>
    %dma_wait3A_1679 = tpu.memref_squeeze %dma_wait3A_1678 : memref<1x128xi32, #tpu.memory_space<vmem>> -> memref<128xi32, #tpu.memory_space<vmem>>
    %dma_wait3A_1680 = arith.constant 0 : i32
    %dma_wait3A_1681 = arith.constant 0 : i32
    %dma_wait3A_1682 = tpu.memref_slice %arg3[%dma_wait3A_1680, %dma_wait3A_1681] : memref<1000000x64xf32, #tpu.memory_space<hbm>> -> memref<1000000x64xf32, #tpu.memory_space<hbm>>
    tpu.wait_indirect_dma semaphore(%arg12 : memref<!tpu.dma_semaphore, #tpu.memory_space<semaphore_mem>>) src(%dma_wait3A_1682 : memref<1000000x64xf32, #tpu.memory_space<hbm>>) dst(%dma_wait3A_1676 : memref<128x64xf32, #tpu.memory_space<vmem>>)
    %dma_start3A_1683 = arith.constant 3 : i32
    %dma_start3A_1684 = arith.constant 0 : i32
    %dma_start3A_1685 = arith.constant 0 : i32
    %dma_start3A_1686 = tpu.memref_slice %arg7[%dma_start3A_1683, %dma_start3A_1684, %dma_start3A_1685] : memref<4x128x64xf32, #tpu.memory_space<vmem>> -> memref<1x128x64xf32, #tpu.memory_space<vmem>>
    %dma_start3A_1687 = tpu.memref_squeeze %dma_start3A_1686 : memref<1x128x64xf32, #tpu.memory_space<vmem>> -> memref<128x64xf32, #tpu.memory_space<vmem>>
    %dma_start3A_1688 = arith.constant 0 : i32
    %dma_start3A_1689 = arith.constant 0 : i32
    %dma_start3A_1690 = tpu.memref_slice %arg8[%dma_start3A_1688, %dma_start3A_1689] : memref<2048x64xf32, #tpu.memory_space<vmem_shared>> -> memref<2048x64xf32, #tpu.memory_space<vmem_shared>>
    tpu.enqueue_indirect_dma source(%dma_start3A_1687 : memref<128x64xf32, #tpu.memory_space<vmem>>) target(%dma_start3A_1690 : memref<2048x64xf32, #tpu.memory_space<vmem_shared>>) offsets(%arg6 : memref<128xi32, #tpu.memory_space<vmem>>) semaphore(%arg16 : memref<!tpu.dma_semaphore, #tpu.memory_space<semaphore_mem>>) {add = true}
    %dma_wait3A_1691 = arith.constant 2 : i32
    %dma_wait3A_1692 = arith.constant 0 : i32
    %dma_wait3A_1693 = arith.constant 0 : i32
    %dma_wait3A_1694 = tpu.memref_slice %arg7[%dma_wait3A_1691, %dma_wait3A_1692, %dma_wait3A_1693] : memref<4x128x64xf32, #tpu.memory_space<vmem>> -> memref<1x128x64xf32, #tpu.memory_space<vmem>>
    %dma_wait3A_1695 = tpu.memref_squeeze %dma_wait3A_1694 : memref<1x128x64xf32, #tpu.memory_space<vmem>> -> memref<128x64xf32, #tpu.memory_space<vmem>>
    %dma_wait3A_1696 = arith.constant 0 : i32
    %dma_wait3A_1697 = arith.constant 0 : i32
    %dma_wait3A_1698 = tpu.memref_slice %arg8[%dma_wait3A_1696, %dma_wait3A_1697] : memref<2048x64xf32, #tpu.memory_space<vmem_shared>> -> memref<2048x64xf32, #tpu.memory_space<vmem_shared>>
    tpu.wait_indirect_dma semaphore(%arg15 : memref<!tpu.dma_semaphore, #tpu.memory_space<semaphore_mem>>) src(%dma_wait3A_1695 : memref<128x64xf32, #tpu.memory_space<vmem>>) dst(%dma_wait3A_1698 : memref<2048x64xf32, #tpu.memory_space<vmem_shared>>)
    %dma_start3A_1699 = arith.constant 42 : i32
    %dma_start3A_1700 = arith.constant 2 : i32
    %dma_start3A_1701 = arith.constant 0 : i32
    %dma_start3A_1702 = arith.constant 0 : i32
    %dma_start3A_1703 = tpu.memref_slice %arg7[%dma_start3A_1700, %dma_start3A_1701, %dma_start3A_1702] : memref<4x128x64xf32, #tpu.memory_space<vmem>> -> memref<1x128x64xf32, #tpu.memory_space<vmem>>
    %dma_start3A_1704 = tpu.memref_squeeze %dma_start3A_1703 : memref<1x128x64xf32, #tpu.memory_space<vmem>> -> memref<128x64xf32, #tpu.memory_space<vmem>>
    %dma_start3A_1705 = arith.constant 0 : i32
    %dma_start3A_1706 = tpu.memref_slice %arg5[%dma_start3A_1699, %dma_start3A_1705] : memref<50x128xi32, #tpu.memory_space<vmem>> -> memref<1x128xi32, #tpu.memory_space<vmem>>
    %dma_start3A_1707 = tpu.memref_squeeze %dma_start3A_1706 : memref<1x128xi32, #tpu.memory_space<vmem>> -> memref<128xi32, #tpu.memory_space<vmem>>
    %dma_start3A_1708 = arith.constant 0 : i32
    %dma_start3A_1709 = arith.constant 0 : i32
    %dma_start3A_1710 = tpu.memref_slice %arg3[%dma_start3A_1708, %dma_start3A_1709] : memref<1000000x64xf32, #tpu.memory_space<hbm>> -> memref<1000000x64xf32, #tpu.memory_space<hbm>>
    tpu.enqueue_indirect_dma source(%dma_start3A_1710 : memref<1000000x64xf32, #tpu.memory_space<hbm>>) target(%dma_start3A_1704 : memref<128x64xf32, #tpu.memory_space<vmem>>) offsets(%dma_start3A_1707 : memref<128xi32, #tpu.memory_space<vmem>>) semaphore(%arg11 : memref<!tpu.dma_semaphore, #tpu.memory_space<semaphore_mem>>)
    %dma_wait3A_1711 = arith.constant 40 : i32
    %dma_wait3A_1712 = arith.constant 0 : i32
    %dma_wait3A_1713 = arith.constant 0 : i32
    %dma_wait3A_1714 = arith.constant 0 : i32
    %dma_wait3A_1715 = tpu.memref_slice %arg7[%dma_wait3A_1712, %dma_wait3A_1713, %dma_wait3A_1714] : memref<4x128x64xf32, #tpu.memory_space<vmem>> -> memref<1x128x64xf32, #tpu.memory_space<vmem>>
    %dma_wait3A_1716 = tpu.memref_squeeze %dma_wait3A_1715 : memref<1x128x64xf32, #tpu.memory_space<vmem>> -> memref<128x64xf32, #tpu.memory_space<vmem>>
    %dma_wait3A_1717 = arith.constant 0 : i32
    %dma_wait3A_1718 = tpu.memref_slice %arg5[%dma_wait3A_1711, %dma_wait3A_1717] : memref<50x128xi32, #tpu.memory_space<vmem>> -> memref<1x128xi32, #tpu.memory_space<vmem>>
    %dma_wait3A_1719 = tpu.memref_squeeze %dma_wait3A_1718 : memref<1x128xi32, #tpu.memory_space<vmem>> -> memref<128xi32, #tpu.memory_space<vmem>>
    %dma_wait3A_1720 = arith.constant 0 : i32
    %dma_wait3A_1721 = arith.constant 0 : i32
    %dma_wait3A_1722 = tpu.memref_slice %arg3[%dma_wait3A_1720, %dma_wait3A_1721] : memref<1000000x64xf32, #tpu.memory_space<hbm>> -> memref<1000000x64xf32, #tpu.memory_space<hbm>>
    tpu.wait_indirect_dma semaphore(%arg9 : memref<!tpu.dma_semaphore, #tpu.memory_space<semaphore_mem>>) src(%dma_wait3A_1722 : memref<1000000x64xf32, #tpu.memory_space<hbm>>) dst(%dma_wait3A_1716 : memref<128x64xf32, #tpu.memory_space<vmem>>)
    %dma_start3A_1723 = arith.constant 0 : i32
    %dma_start3A_1724 = arith.constant 0 : i32
    %dma_start3A_1725 = arith.constant 0 : i32
    %dma_start3A_1726 = tpu.memref_slice %arg7[%dma_start3A_1723, %dma_start3A_1724, %dma_start3A_1725] : memref<4x128x64xf32, #tpu.memory_space<vmem>> -> memref<1x128x64xf32, #tpu.memory_space<vmem>>
    %dma_start3A_1727 = tpu.memref_squeeze %dma_start3A_1726 : memref<1x128x64xf32, #tpu.memory_space<vmem>> -> memref<128x64xf32, #tpu.memory_space<vmem>>
    %dma_start3A_1728 = arith.constant 0 : i32
    %dma_start3A_1729 = arith.constant 0 : i32
    %dma_start3A_1730 = tpu.memref_slice %arg8[%dma_start3A_1728, %dma_start3A_1729] : memref<2048x64xf32, #tpu.memory_space<vmem_shared>> -> memref<2048x64xf32, #tpu.memory_space<vmem_shared>>
    tpu.enqueue_indirect_dma source(%dma_start3A_1727 : memref<128x64xf32, #tpu.memory_space<vmem>>) target(%dma_start3A_1730 : memref<2048x64xf32, #tpu.memory_space<vmem_shared>>) offsets(%arg6 : memref<128xi32, #tpu.memory_space<vmem>>) semaphore(%arg13 : memref<!tpu.dma_semaphore, #tpu.memory_space<semaphore_mem>>) {add = true}
    %dma_wait3A_1731 = arith.constant 3 : i32
    %dma_wait3A_1732 = arith.constant 0 : i32
    %dma_wait3A_1733 = arith.constant 0 : i32
    %dma_wait3A_1734 = tpu.memref_slice %arg7[%dma_wait3A_1731, %dma_wait3A_1732, %dma_wait3A_1733] : memref<4x128x64xf32, #tpu.memory_space<vmem>> -> memref<1x128x64xf32, #tpu.memory_space<vmem>>
    %dma_wait3A_1735 = tpu.memref_squeeze %dma_wait3A_1734 : memref<1x128x64xf32, #tpu.memory_space<vmem>> -> memref<128x64xf32, #tpu.memory_space<vmem>>
    %dma_wait3A_1736 = arith.constant 0 : i32
    %dma_wait3A_1737 = arith.constant 0 : i32
    %dma_wait3A_1738 = tpu.memref_slice %arg8[%dma_wait3A_1736, %dma_wait3A_1737] : memref<2048x64xf32, #tpu.memory_space<vmem_shared>> -> memref<2048x64xf32, #tpu.memory_space<vmem_shared>>
    tpu.wait_indirect_dma semaphore(%arg16 : memref<!tpu.dma_semaphore, #tpu.memory_space<semaphore_mem>>) src(%dma_wait3A_1735 : memref<128x64xf32, #tpu.memory_space<vmem>>) dst(%dma_wait3A_1738 : memref<2048x64xf32, #tpu.memory_space<vmem_shared>>)
    %dma_start3A_1739 = arith.constant 43 : i32
    %dma_start3A_1740 = arith.constant 3 : i32
    %dma_start3A_1741 = arith.constant 0 : i32
    %dma_start3A_1742 = arith.constant 0 : i32
    %dma_start3A_1743 = tpu.memref_slice %arg7[%dma_start3A_1740, %dma_start3A_1741, %dma_start3A_1742] : memref<4x128x64xf32, #tpu.memory_space<vmem>> -> memref<1x128x64xf32, #tpu.memory_space<vmem>>
    %dma_start3A_1744 = tpu.memref_squeeze %dma_start3A_1743 : memref<1x128x64xf32, #tpu.memory_space<vmem>> -> memref<128x64xf32, #tpu.memory_space<vmem>>
    %dma_start3A_1745 = arith.constant 0 : i32
    %dma_start3A_1746 = tpu.memref_slice %arg5[%dma_start3A_1739, %dma_start3A_1745] : memref<50x128xi32, #tpu.memory_space<vmem>> -> memref<1x128xi32, #tpu.memory_space<vmem>>
    %dma_start3A_1747 = tpu.memref_squeeze %dma_start3A_1746 : memref<1x128xi32, #tpu.memory_space<vmem>> -> memref<128xi32, #tpu.memory_space<vmem>>
    %dma_start3A_1748 = arith.constant 0 : i32
    %dma_start3A_1749 = arith.constant 0 : i32
    %dma_start3A_1750 = tpu.memref_slice %arg3[%dma_start3A_1748, %dma_start3A_1749] : memref<1000000x64xf32, #tpu.memory_space<hbm>> -> memref<1000000x64xf32, #tpu.memory_space<hbm>>
    tpu.enqueue_indirect_dma source(%dma_start3A_1750 : memref<1000000x64xf32, #tpu.memory_space<hbm>>) target(%dma_start3A_1744 : memref<128x64xf32, #tpu.memory_space<vmem>>) offsets(%dma_start3A_1747 : memref<128xi32, #tpu.memory_space<vmem>>) semaphore(%arg12 : memref<!tpu.dma_semaphore, #tpu.memory_space<semaphore_mem>>)
    %dma_wait3A_1751 = arith.constant 41 : i32
    %dma_wait3A_1752 = arith.constant 1 : i32
    %dma_wait3A_1753 = arith.constant 0 : i32
    %dma_wait3A_1754 = arith.constant 0 : i32
    %dma_wait3A_1755 = tpu.memref_slice %arg7[%dma_wait3A_1752, %dma_wait3A_1753, %dma_wait3A_1754] : memref<4x128x64xf32, #tpu.memory_space<vmem>> -> memref<1x128x64xf32, #tpu.memory_space<vmem>>
    %dma_wait3A_1756 = tpu.memref_squeeze %dma_wait3A_1755 : memref<1x128x64xf32, #tpu.memory_space<vmem>> -> memref<128x64xf32, #tpu.memory_space<vmem>>
    %dma_wait3A_1757 = arith.constant 0 : i32
    %dma_wait3A_1758 = tpu.memref_slice %arg5[%dma_wait3A_1751, %dma_wait3A_1757] : memref<50x128xi32, #tpu.memory_space<vmem>> -> memref<1x128xi32, #tpu.memory_space<vmem>>
    %dma_wait3A_1759 = tpu.memref_squeeze %dma_wait3A_1758 : memref<1x128xi32, #tpu.memory_space<vmem>> -> memref<128xi32, #tpu.memory_space<vmem>>
    %dma_wait3A_1760 = arith.constant 0 : i32
    %dma_wait3A_1761 = arith.constant 0 : i32
    %dma_wait3A_1762 = tpu.memref_slice %arg3[%dma_wait3A_1760, %dma_wait3A_1761] : memref<1000000x64xf32, #tpu.memory_space<hbm>> -> memref<1000000x64xf32, #tpu.memory_space<hbm>>
    tpu.wait_indirect_dma semaphore(%arg10 : memref<!tpu.dma_semaphore, #tpu.memory_space<semaphore_mem>>) src(%dma_wait3A_1762 : memref<1000000x64xf32, #tpu.memory_space<hbm>>) dst(%dma_wait3A_1756 : memref<128x64xf32, #tpu.memory_space<vmem>>)
    %dma_start3A_1763 = arith.constant 1 : i32
    %dma_start3A_1764 = arith.constant 0 : i32
    %dma_start3A_1765 = arith.constant 0 : i32
    %dma_start3A_1766 = tpu.memref_slice %arg7[%dma_start3A_1763, %dma_start3A_1764, %dma_start3A_1765] : memref<4x128x64xf32, #tpu.memory_space<vmem>> -> memref<1x128x64xf32, #tpu.memory_space<vmem>>
    %dma_start3A_1767 = tpu.memref_squeeze %dma_start3A_1766 : memref<1x128x64xf32, #tpu.memory_space<vmem>> -> memref<128x64xf32, #tpu.memory_space<vmem>>
    %dma_start3A_1768 = arith.constant 0 : i32
    %dma_start3A_1769 = arith.constant 0 : i32
    %dma_start3A_1770 = tpu.memref_slice %arg8[%dma_start3A_1768, %dma_start3A_1769] : memref<2048x64xf32, #tpu.memory_space<vmem_shared>> -> memref<2048x64xf32, #tpu.memory_space<vmem_shared>>
    tpu.enqueue_indirect_dma source(%dma_start3A_1767 : memref<128x64xf32, #tpu.memory_space<vmem>>) target(%dma_start3A_1770 : memref<2048x64xf32, #tpu.memory_space<vmem_shared>>) offsets(%arg6 : memref<128xi32, #tpu.memory_space<vmem>>) semaphore(%arg14 : memref<!tpu.dma_semaphore, #tpu.memory_space<semaphore_mem>>) {add = true}
    %dma_wait3A_1771 = arith.constant 0 : i32
    %dma_wait3A_1772 = arith.constant 0 : i32
    %dma_wait3A_1773 = arith.constant 0 : i32
    %dma_wait3A_1774 = tpu.memref_slice %arg7[%dma_wait3A_1771, %dma_wait3A_1772, %dma_wait3A_1773] : memref<4x128x64xf32, #tpu.memory_space<vmem>> -> memref<1x128x64xf32, #tpu.memory_space<vmem>>
    %dma_wait3A_1775 = tpu.memref_squeeze %dma_wait3A_1774 : memref<1x128x64xf32, #tpu.memory_space<vmem>> -> memref<128x64xf32, #tpu.memory_space<vmem>>
    %dma_wait3A_1776 = arith.constant 0 : i32
    %dma_wait3A_1777 = arith.constant 0 : i32
    %dma_wait3A_1778 = tpu.memref_slice %arg8[%dma_wait3A_1776, %dma_wait3A_1777] : memref<2048x64xf32, #tpu.memory_space<vmem_shared>> -> memref<2048x64xf32, #tpu.memory_space<vmem_shared>>
    tpu.wait_indirect_dma semaphore(%arg13 : memref<!tpu.dma_semaphore, #tpu.memory_space<semaphore_mem>>) src(%dma_wait3A_1775 : memref<128x64xf32, #tpu.memory_space<vmem>>) dst(%dma_wait3A_1778 : memref<2048x64xf32, #tpu.memory_space<vmem_shared>>)
    %dma_start3A_1779 = arith.constant 44 : i32
    %dma_start3A_1780 = arith.constant 0 : i32
    %dma_start3A_1781 = arith.constant 0 : i32
    %dma_start3A_1782 = arith.constant 0 : i32
    %dma_start3A_1783 = tpu.memref_slice %arg7[%dma_start3A_1780, %dma_start3A_1781, %dma_start3A_1782] : memref<4x128x64xf32, #tpu.memory_space<vmem>> -> memref<1x128x64xf32, #tpu.memory_space<vmem>>
    %dma_start3A_1784 = tpu.memref_squeeze %dma_start3A_1783 : memref<1x128x64xf32, #tpu.memory_space<vmem>> -> memref<128x64xf32, #tpu.memory_space<vmem>>
    %dma_start3A_1785 = arith.constant 0 : i32
    %dma_start3A_1786 = tpu.memref_slice %arg5[%dma_start3A_1779, %dma_start3A_1785] : memref<50x128xi32, #tpu.memory_space<vmem>> -> memref<1x128xi32, #tpu.memory_space<vmem>>
    %dma_start3A_1787 = tpu.memref_squeeze %dma_start3A_1786 : memref<1x128xi32, #tpu.memory_space<vmem>> -> memref<128xi32, #tpu.memory_space<vmem>>
    %dma_start3A_1788 = arith.constant 0 : i32
    %dma_start3A_1789 = arith.constant 0 : i32
    %dma_start3A_1790 = tpu.memref_slice %arg3[%dma_start3A_1788, %dma_start3A_1789] : memref<1000000x64xf32, #tpu.memory_space<hbm>> -> memref<1000000x64xf32, #tpu.memory_space<hbm>>
    tpu.enqueue_indirect_dma source(%dma_start3A_1790 : memref<1000000x64xf32, #tpu.memory_space<hbm>>) target(%dma_start3A_1784 : memref<128x64xf32, #tpu.memory_space<vmem>>) offsets(%dma_start3A_1787 : memref<128xi32, #tpu.memory_space<vmem>>) semaphore(%arg9 : memref<!tpu.dma_semaphore, #tpu.memory_space<semaphore_mem>>)
    %dma_wait3A_1791 = arith.constant 42 : i32
    %dma_wait3A_1792 = arith.constant 2 : i32
    %dma_wait3A_1793 = arith.constant 0 : i32
    %dma_wait3A_1794 = arith.constant 0 : i32
    %dma_wait3A_1795 = tpu.memref_slice %arg7[%dma_wait3A_1792, %dma_wait3A_1793, %dma_wait3A_1794] : memref<4x128x64xf32, #tpu.memory_space<vmem>> -> memref<1x128x64xf32, #tpu.memory_space<vmem>>
    %dma_wait3A_1796 = tpu.memref_squeeze %dma_wait3A_1795 : memref<1x128x64xf32, #tpu.memory_space<vmem>> -> memref<128x64xf32, #tpu.memory_space<vmem>>
    %dma_wait3A_1797 = arith.constant 0 : i32
    %dma_wait3A_1798 = tpu.memref_slice %arg5[%dma_wait3A_1791, %dma_wait3A_1797] : memref<50x128xi32, #tpu.memory_space<vmem>> -> memref<1x128xi32, #tpu.memory_space<vmem>>
    %dma_wait3A_1799 = tpu.memref_squeeze %dma_wait3A_1798 : memref<1x128xi32, #tpu.memory_space<vmem>> -> memref<128xi32, #tpu.memory_space<vmem>>
    %dma_wait3A_1800 = arith.constant 0 : i32
    %dma_wait3A_1801 = arith.constant 0 : i32
    %dma_wait3A_1802 = tpu.memref_slice %arg3[%dma_wait3A_1800, %dma_wait3A_1801] : memref<1000000x64xf32, #tpu.memory_space<hbm>> -> memref<1000000x64xf32, #tpu.memory_space<hbm>>
    tpu.wait_indirect_dma semaphore(%arg11 : memref<!tpu.dma_semaphore, #tpu.memory_space<semaphore_mem>>) src(%dma_wait3A_1802 : memref<1000000x64xf32, #tpu.memory_space<hbm>>) dst(%dma_wait3A_1796 : memref<128x64xf32, #tpu.memory_space<vmem>>)
    %dma_start3A_1803 = arith.constant 2 : i32
    %dma_start3A_1804 = arith.constant 0 : i32
    %dma_start3A_1805 = arith.constant 0 : i32
    %dma_start3A_1806 = tpu.memref_slice %arg7[%dma_start3A_1803, %dma_start3A_1804, %dma_start3A_1805] : memref<4x128x64xf32, #tpu.memory_space<vmem>> -> memref<1x128x64xf32, #tpu.memory_space<vmem>>
    %dma_start3A_1807 = tpu.memref_squeeze %dma_start3A_1806 : memref<1x128x64xf32, #tpu.memory_space<vmem>> -> memref<128x64xf32, #tpu.memory_space<vmem>>
    %dma_start3A_1808 = arith.constant 0 : i32
    %dma_start3A_1809 = arith.constant 0 : i32
    %dma_start3A_1810 = tpu.memref_slice %arg8[%dma_start3A_1808, %dma_start3A_1809] : memref<2048x64xf32, #tpu.memory_space<vmem_shared>> -> memref<2048x64xf32, #tpu.memory_space<vmem_shared>>
    tpu.enqueue_indirect_dma source(%dma_start3A_1807 : memref<128x64xf32, #tpu.memory_space<vmem>>) target(%dma_start3A_1810 : memref<2048x64xf32, #tpu.memory_space<vmem_shared>>) offsets(%arg6 : memref<128xi32, #tpu.memory_space<vmem>>) semaphore(%arg15 : memref<!tpu.dma_semaphore, #tpu.memory_space<semaphore_mem>>) {add = true}
    %dma_wait3A_1811 = arith.constant 1 : i32
    %dma_wait3A_1812 = arith.constant 0 : i32
    %dma_wait3A_1813 = arith.constant 0 : i32
    %dma_wait3A_1814 = tpu.memref_slice %arg7[%dma_wait3A_1811, %dma_wait3A_1812, %dma_wait3A_1813] : memref<4x128x64xf32, #tpu.memory_space<vmem>> -> memref<1x128x64xf32, #tpu.memory_space<vmem>>
    %dma_wait3A_1815 = tpu.memref_squeeze %dma_wait3A_1814 : memref<1x128x64xf32, #tpu.memory_space<vmem>> -> memref<128x64xf32, #tpu.memory_space<vmem>>
    %dma_wait3A_1816 = arith.constant 0 : i32
    %dma_wait3A_1817 = arith.constant 0 : i32
    %dma_wait3A_1818 = tpu.memref_slice %arg8[%dma_wait3A_1816, %dma_wait3A_1817] : memref<2048x64xf32, #tpu.memory_space<vmem_shared>> -> memref<2048x64xf32, #tpu.memory_space<vmem_shared>>
    tpu.wait_indirect_dma semaphore(%arg14 : memref<!tpu.dma_semaphore, #tpu.memory_space<semaphore_mem>>) src(%dma_wait3A_1815 : memref<128x64xf32, #tpu.memory_space<vmem>>) dst(%dma_wait3A_1818 : memref<2048x64xf32, #tpu.memory_space<vmem_shared>>)
    %dma_start3A_1819 = arith.constant 45 : i32
    %dma_start3A_1820 = arith.constant 1 : i32
    %dma_start3A_1821 = arith.constant 0 : i32
    %dma_start3A_1822 = arith.constant 0 : i32
    %dma_start3A_1823 = tpu.memref_slice %arg7[%dma_start3A_1820, %dma_start3A_1821, %dma_start3A_1822] : memref<4x128x64xf32, #tpu.memory_space<vmem>> -> memref<1x128x64xf32, #tpu.memory_space<vmem>>
    %dma_start3A_1824 = tpu.memref_squeeze %dma_start3A_1823 : memref<1x128x64xf32, #tpu.memory_space<vmem>> -> memref<128x64xf32, #tpu.memory_space<vmem>>
    %dma_start3A_1825 = arith.constant 0 : i32
    %dma_start3A_1826 = tpu.memref_slice %arg5[%dma_start3A_1819, %dma_start3A_1825] : memref<50x128xi32, #tpu.memory_space<vmem>> -> memref<1x128xi32, #tpu.memory_space<vmem>>
    %dma_start3A_1827 = tpu.memref_squeeze %dma_start3A_1826 : memref<1x128xi32, #tpu.memory_space<vmem>> -> memref<128xi32, #tpu.memory_space<vmem>>
    %dma_start3A_1828 = arith.constant 0 : i32
    %dma_start3A_1829 = arith.constant 0 : i32
    %dma_start3A_1830 = tpu.memref_slice %arg3[%dma_start3A_1828, %dma_start3A_1829] : memref<1000000x64xf32, #tpu.memory_space<hbm>> -> memref<1000000x64xf32, #tpu.memory_space<hbm>>
    tpu.enqueue_indirect_dma source(%dma_start3A_1830 : memref<1000000x64xf32, #tpu.memory_space<hbm>>) target(%dma_start3A_1824 : memref<128x64xf32, #tpu.memory_space<vmem>>) offsets(%dma_start3A_1827 : memref<128xi32, #tpu.memory_space<vmem>>) semaphore(%arg10 : memref<!tpu.dma_semaphore, #tpu.memory_space<semaphore_mem>>)
    %dma_wait3A_1831 = arith.constant 43 : i32
    %dma_wait3A_1832 = arith.constant 3 : i32
    %dma_wait3A_1833 = arith.constant 0 : i32
    %dma_wait3A_1834 = arith.constant 0 : i32
    %dma_wait3A_1835 = tpu.memref_slice %arg7[%dma_wait3A_1832, %dma_wait3A_1833, %dma_wait3A_1834] : memref<4x128x64xf32, #tpu.memory_space<vmem>> -> memref<1x128x64xf32, #tpu.memory_space<vmem>>
    %dma_wait3A_1836 = tpu.memref_squeeze %dma_wait3A_1835 : memref<1x128x64xf32, #tpu.memory_space<vmem>> -> memref<128x64xf32, #tpu.memory_space<vmem>>
    %dma_wait3A_1837 = arith.constant 0 : i32
    %dma_wait3A_1838 = tpu.memref_slice %arg5[%dma_wait3A_1831, %dma_wait3A_1837] : memref<50x128xi32, #tpu.memory_space<vmem>> -> memref<1x128xi32, #tpu.memory_space<vmem>>
    %dma_wait3A_1839 = tpu.memref_squeeze %dma_wait3A_1838 : memref<1x128xi32, #tpu.memory_space<vmem>> -> memref<128xi32, #tpu.memory_space<vmem>>
    %dma_wait3A_1840 = arith.constant 0 : i32
    %dma_wait3A_1841 = arith.constant 0 : i32
    %dma_wait3A_1842 = tpu.memref_slice %arg3[%dma_wait3A_1840, %dma_wait3A_1841] : memref<1000000x64xf32, #tpu.memory_space<hbm>> -> memref<1000000x64xf32, #tpu.memory_space<hbm>>
    tpu.wait_indirect_dma semaphore(%arg12 : memref<!tpu.dma_semaphore, #tpu.memory_space<semaphore_mem>>) src(%dma_wait3A_1842 : memref<1000000x64xf32, #tpu.memory_space<hbm>>) dst(%dma_wait3A_1836 : memref<128x64xf32, #tpu.memory_space<vmem>>)
    %dma_start3A_1843 = arith.constant 3 : i32
    %dma_start3A_1844 = arith.constant 0 : i32
    %dma_start3A_1845 = arith.constant 0 : i32
    %dma_start3A_1846 = tpu.memref_slice %arg7[%dma_start3A_1843, %dma_start3A_1844, %dma_start3A_1845] : memref<4x128x64xf32, #tpu.memory_space<vmem>> -> memref<1x128x64xf32, #tpu.memory_space<vmem>>
    %dma_start3A_1847 = tpu.memref_squeeze %dma_start3A_1846 : memref<1x128x64xf32, #tpu.memory_space<vmem>> -> memref<128x64xf32, #tpu.memory_space<vmem>>
    %dma_start3A_1848 = arith.constant 0 : i32
    %dma_start3A_1849 = arith.constant 0 : i32
    %dma_start3A_1850 = tpu.memref_slice %arg8[%dma_start3A_1848, %dma_start3A_1849] : memref<2048x64xf32, #tpu.memory_space<vmem_shared>> -> memref<2048x64xf32, #tpu.memory_space<vmem_shared>>
    tpu.enqueue_indirect_dma source(%dma_start3A_1847 : memref<128x64xf32, #tpu.memory_space<vmem>>) target(%dma_start3A_1850 : memref<2048x64xf32, #tpu.memory_space<vmem_shared>>) offsets(%arg6 : memref<128xi32, #tpu.memory_space<vmem>>) semaphore(%arg16 : memref<!tpu.dma_semaphore, #tpu.memory_space<semaphore_mem>>) {add = true}
    %dma_wait3A_1851 = arith.constant 2 : i32
    %dma_wait3A_1852 = arith.constant 0 : i32
    %dma_wait3A_1853 = arith.constant 0 : i32
    %dma_wait3A_1854 = tpu.memref_slice %arg7[%dma_wait3A_1851, %dma_wait3A_1852, %dma_wait3A_1853] : memref<4x128x64xf32, #tpu.memory_space<vmem>> -> memref<1x128x64xf32, #tpu.memory_space<vmem>>
    %dma_wait3A_1855 = tpu.memref_squeeze %dma_wait3A_1854 : memref<1x128x64xf32, #tpu.memory_space<vmem>> -> memref<128x64xf32, #tpu.memory_space<vmem>>
    %dma_wait3A_1856 = arith.constant 0 : i32
    %dma_wait3A_1857 = arith.constant 0 : i32
    %dma_wait3A_1858 = tpu.memref_slice %arg8[%dma_wait3A_1856, %dma_wait3A_1857] : memref<2048x64xf32, #tpu.memory_space<vmem_shared>> -> memref<2048x64xf32, #tpu.memory_space<vmem_shared>>
    tpu.wait_indirect_dma semaphore(%arg15 : memref<!tpu.dma_semaphore, #tpu.memory_space<semaphore_mem>>) src(%dma_wait3A_1855 : memref<128x64xf32, #tpu.memory_space<vmem>>) dst(%dma_wait3A_1858 : memref<2048x64xf32, #tpu.memory_space<vmem_shared>>)
    %dma_start3A_1859 = arith.constant 46 : i32
    %dma_start3A_1860 = arith.constant 2 : i32
    %dma_start3A_1861 = arith.constant 0 : i32
    %dma_start3A_1862 = arith.constant 0 : i32
    %dma_start3A_1863 = tpu.memref_slice %arg7[%dma_start3A_1860, %dma_start3A_1861, %dma_start3A_1862] : memref<4x128x64xf32, #tpu.memory_space<vmem>> -> memref<1x128x64xf32, #tpu.memory_space<vmem>>
    %dma_start3A_1864 = tpu.memref_squeeze %dma_start3A_1863 : memref<1x128x64xf32, #tpu.memory_space<vmem>> -> memref<128x64xf32, #tpu.memory_space<vmem>>
    %dma_start3A_1865 = arith.constant 0 : i32
    %dma_start3A_1866 = tpu.memref_slice %arg5[%dma_start3A_1859, %dma_start3A_1865] : memref<50x128xi32, #tpu.memory_space<vmem>> -> memref<1x128xi32, #tpu.memory_space<vmem>>
    %dma_start3A_1867 = tpu.memref_squeeze %dma_start3A_1866 : memref<1x128xi32, #tpu.memory_space<vmem>> -> memref<128xi32, #tpu.memory_space<vmem>>
    %dma_start3A_1868 = arith.constant 0 : i32
    %dma_start3A_1869 = arith.constant 0 : i32
    %dma_start3A_1870 = tpu.memref_slice %arg3[%dma_start3A_1868, %dma_start3A_1869] : memref<1000000x64xf32, #tpu.memory_space<hbm>> -> memref<1000000x64xf32, #tpu.memory_space<hbm>>
    tpu.enqueue_indirect_dma source(%dma_start3A_1870 : memref<1000000x64xf32, #tpu.memory_space<hbm>>) target(%dma_start3A_1864 : memref<128x64xf32, #tpu.memory_space<vmem>>) offsets(%dma_start3A_1867 : memref<128xi32, #tpu.memory_space<vmem>>) semaphore(%arg11 : memref<!tpu.dma_semaphore, #tpu.memory_space<semaphore_mem>>)
    %dma_wait3A_1871 = arith.constant 44 : i32
    %dma_wait3A_1872 = arith.constant 0 : i32
    %dma_wait3A_1873 = arith.constant 0 : i32
    %dma_wait3A_1874 = arith.constant 0 : i32
    %dma_wait3A_1875 = tpu.memref_slice %arg7[%dma_wait3A_1872, %dma_wait3A_1873, %dma_wait3A_1874] : memref<4x128x64xf32, #tpu.memory_space<vmem>> -> memref<1x128x64xf32, #tpu.memory_space<vmem>>
    %dma_wait3A_1876 = tpu.memref_squeeze %dma_wait3A_1875 : memref<1x128x64xf32, #tpu.memory_space<vmem>> -> memref<128x64xf32, #tpu.memory_space<vmem>>
    %dma_wait3A_1877 = arith.constant 0 : i32
    %dma_wait3A_1878 = tpu.memref_slice %arg5[%dma_wait3A_1871, %dma_wait3A_1877] : memref<50x128xi32, #tpu.memory_space<vmem>> -> memref<1x128xi32, #tpu.memory_space<vmem>>
    %dma_wait3A_1879 = tpu.memref_squeeze %dma_wait3A_1878 : memref<1x128xi32, #tpu.memory_space<vmem>> -> memref<128xi32, #tpu.memory_space<vmem>>
    %dma_wait3A_1880 = arith.constant 0 : i32
    %dma_wait3A_1881 = arith.constant 0 : i32
    %dma_wait3A_1882 = tpu.memref_slice %arg3[%dma_wait3A_1880, %dma_wait3A_1881] : memref<1000000x64xf32, #tpu.memory_space<hbm>> -> memref<1000000x64xf32, #tpu.memory_space<hbm>>
    tpu.wait_indirect_dma semaphore(%arg9 : memref<!tpu.dma_semaphore, #tpu.memory_space<semaphore_mem>>) src(%dma_wait3A_1882 : memref<1000000x64xf32, #tpu.memory_space<hbm>>) dst(%dma_wait3A_1876 : memref<128x64xf32, #tpu.memory_space<vmem>>)
    %dma_start3A_1883 = arith.constant 0 : i32
    %dma_start3A_1884 = arith.constant 0 : i32
    %dma_start3A_1885 = arith.constant 0 : i32
    %dma_start3A_1886 = tpu.memref_slice %arg7[%dma_start3A_1883, %dma_start3A_1884, %dma_start3A_1885] : memref<4x128x64xf32, #tpu.memory_space<vmem>> -> memref<1x128x64xf32, #tpu.memory_space<vmem>>
    %dma_start3A_1887 = tpu.memref_squeeze %dma_start3A_1886 : memref<1x128x64xf32, #tpu.memory_space<vmem>> -> memref<128x64xf32, #tpu.memory_space<vmem>>
    %dma_start3A_1888 = arith.constant 0 : i32
    %dma_start3A_1889 = arith.constant 0 : i32
    %dma_start3A_1890 = tpu.memref_slice %arg8[%dma_start3A_1888, %dma_start3A_1889] : memref<2048x64xf32, #tpu.memory_space<vmem_shared>> -> memref<2048x64xf32, #tpu.memory_space<vmem_shared>>
    tpu.enqueue_indirect_dma source(%dma_start3A_1887 : memref<128x64xf32, #tpu.memory_space<vmem>>) target(%dma_start3A_1890 : memref<2048x64xf32, #tpu.memory_space<vmem_shared>>) offsets(%arg6 : memref<128xi32, #tpu.memory_space<vmem>>) semaphore(%arg13 : memref<!tpu.dma_semaphore, #tpu.memory_space<semaphore_mem>>) {add = true}
    %dma_wait3A_1891 = arith.constant 3 : i32
    %dma_wait3A_1892 = arith.constant 0 : i32
    %dma_wait3A_1893 = arith.constant 0 : i32
    %dma_wait3A_1894 = tpu.memref_slice %arg7[%dma_wait3A_1891, %dma_wait3A_1892, %dma_wait3A_1893] : memref<4x128x64xf32, #tpu.memory_space<vmem>> -> memref<1x128x64xf32, #tpu.memory_space<vmem>>
    %dma_wait3A_1895 = tpu.memref_squeeze %dma_wait3A_1894 : memref<1x128x64xf32, #tpu.memory_space<vmem>> -> memref<128x64xf32, #tpu.memory_space<vmem>>
    %dma_wait3A_1896 = arith.constant 0 : i32
    %dma_wait3A_1897 = arith.constant 0 : i32
    %dma_wait3A_1898 = tpu.memref_slice %arg8[%dma_wait3A_1896, %dma_wait3A_1897] : memref<2048x64xf32, #tpu.memory_space<vmem_shared>> -> memref<2048x64xf32, #tpu.memory_space<vmem_shared>>
    tpu.wait_indirect_dma semaphore(%arg16 : memref<!tpu.dma_semaphore, #tpu.memory_space<semaphore_mem>>) src(%dma_wait3A_1895 : memref<128x64xf32, #tpu.memory_space<vmem>>) dst(%dma_wait3A_1898 : memref<2048x64xf32, #tpu.memory_space<vmem_shared>>)
    %dma_start3A_1899 = arith.constant 47 : i32
    %dma_start3A_1900 = arith.constant 3 : i32
    %dma_start3A_1901 = arith.constant 0 : i32
    %dma_start3A_1902 = arith.constant 0 : i32
    %dma_start3A_1903 = tpu.memref_slice %arg7[%dma_start3A_1900, %dma_start3A_1901, %dma_start3A_1902] : memref<4x128x64xf32, #tpu.memory_space<vmem>> -> memref<1x128x64xf32, #tpu.memory_space<vmem>>
    %dma_start3A_1904 = tpu.memref_squeeze %dma_start3A_1903 : memref<1x128x64xf32, #tpu.memory_space<vmem>> -> memref<128x64xf32, #tpu.memory_space<vmem>>
    %dma_start3A_1905 = arith.constant 0 : i32
    %dma_start3A_1906 = tpu.memref_slice %arg5[%dma_start3A_1899, %dma_start3A_1905] : memref<50x128xi32, #tpu.memory_space<vmem>> -> memref<1x128xi32, #tpu.memory_space<vmem>>
    %dma_start3A_1907 = tpu.memref_squeeze %dma_start3A_1906 : memref<1x128xi32, #tpu.memory_space<vmem>> -> memref<128xi32, #tpu.memory_space<vmem>>
    %dma_start3A_1908 = arith.constant 0 : i32
    %dma_start3A_1909 = arith.constant 0 : i32
    %dma_start3A_1910 = tpu.memref_slice %arg3[%dma_start3A_1908, %dma_start3A_1909] : memref<1000000x64xf32, #tpu.memory_space<hbm>> -> memref<1000000x64xf32, #tpu.memory_space<hbm>>
    tpu.enqueue_indirect_dma source(%dma_start3A_1910 : memref<1000000x64xf32, #tpu.memory_space<hbm>>) target(%dma_start3A_1904 : memref<128x64xf32, #tpu.memory_space<vmem>>) offsets(%dma_start3A_1907 : memref<128xi32, #tpu.memory_space<vmem>>) semaphore(%arg12 : memref<!tpu.dma_semaphore, #tpu.memory_space<semaphore_mem>>)
    %dma_wait3A_1911 = arith.constant 45 : i32
    %dma_wait3A_1912 = arith.constant 1 : i32
    %dma_wait3A_1913 = arith.constant 0 : i32
    %dma_wait3A_1914 = arith.constant 0 : i32
    %dma_wait3A_1915 = tpu.memref_slice %arg7[%dma_wait3A_1912, %dma_wait3A_1913, %dma_wait3A_1914] : memref<4x128x64xf32, #tpu.memory_space<vmem>> -> memref<1x128x64xf32, #tpu.memory_space<vmem>>
    %dma_wait3A_1916 = tpu.memref_squeeze %dma_wait3A_1915 : memref<1x128x64xf32, #tpu.memory_space<vmem>> -> memref<128x64xf32, #tpu.memory_space<vmem>>
    %dma_wait3A_1917 = arith.constant 0 : i32
    %dma_wait3A_1918 = tpu.memref_slice %arg5[%dma_wait3A_1911, %dma_wait3A_1917] : memref<50x128xi32, #tpu.memory_space<vmem>> -> memref<1x128xi32, #tpu.memory_space<vmem>>
    %dma_wait3A_1919 = tpu.memref_squeeze %dma_wait3A_1918 : memref<1x128xi32, #tpu.memory_space<vmem>> -> memref<128xi32, #tpu.memory_space<vmem>>
    %dma_wait3A_1920 = arith.constant 0 : i32
    %dma_wait3A_1921 = arith.constant 0 : i32
    %dma_wait3A_1922 = tpu.memref_slice %arg3[%dma_wait3A_1920, %dma_wait3A_1921] : memref<1000000x64xf32, #tpu.memory_space<hbm>> -> memref<1000000x64xf32, #tpu.memory_space<hbm>>
    tpu.wait_indirect_dma semaphore(%arg10 : memref<!tpu.dma_semaphore, #tpu.memory_space<semaphore_mem>>) src(%dma_wait3A_1922 : memref<1000000x64xf32, #tpu.memory_space<hbm>>) dst(%dma_wait3A_1916 : memref<128x64xf32, #tpu.memory_space<vmem>>)
    %dma_start3A_1923 = arith.constant 1 : i32
    %dma_start3A_1924 = arith.constant 0 : i32
    %dma_start3A_1925 = arith.constant 0 : i32
    %dma_start3A_1926 = tpu.memref_slice %arg7[%dma_start3A_1923, %dma_start3A_1924, %dma_start3A_1925] : memref<4x128x64xf32, #tpu.memory_space<vmem>> -> memref<1x128x64xf32, #tpu.memory_space<vmem>>
    %dma_start3A_1927 = tpu.memref_squeeze %dma_start3A_1926 : memref<1x128x64xf32, #tpu.memory_space<vmem>> -> memref<128x64xf32, #tpu.memory_space<vmem>>
    %dma_start3A_1928 = arith.constant 0 : i32
    %dma_start3A_1929 = arith.constant 0 : i32
    %dma_start3A_1930 = tpu.memref_slice %arg8[%dma_start3A_1928, %dma_start3A_1929] : memref<2048x64xf32, #tpu.memory_space<vmem_shared>> -> memref<2048x64xf32, #tpu.memory_space<vmem_shared>>
    tpu.enqueue_indirect_dma source(%dma_start3A_1927 : memref<128x64xf32, #tpu.memory_space<vmem>>) target(%dma_start3A_1930 : memref<2048x64xf32, #tpu.memory_space<vmem_shared>>) offsets(%arg6 : memref<128xi32, #tpu.memory_space<vmem>>) semaphore(%arg14 : memref<!tpu.dma_semaphore, #tpu.memory_space<semaphore_mem>>) {add = true}
    %dma_wait3A_1931 = arith.constant 0 : i32
    %dma_wait3A_1932 = arith.constant 0 : i32
    %dma_wait3A_1933 = arith.constant 0 : i32
    %dma_wait3A_1934 = tpu.memref_slice %arg7[%dma_wait3A_1931, %dma_wait3A_1932, %dma_wait3A_1933] : memref<4x128x64xf32, #tpu.memory_space<vmem>> -> memref<1x128x64xf32, #tpu.memory_space<vmem>>
    %dma_wait3A_1935 = tpu.memref_squeeze %dma_wait3A_1934 : memref<1x128x64xf32, #tpu.memory_space<vmem>> -> memref<128x64xf32, #tpu.memory_space<vmem>>
    %dma_wait3A_1936 = arith.constant 0 : i32
    %dma_wait3A_1937 = arith.constant 0 : i32
    %dma_wait3A_1938 = tpu.memref_slice %arg8[%dma_wait3A_1936, %dma_wait3A_1937] : memref<2048x64xf32, #tpu.memory_space<vmem_shared>> -> memref<2048x64xf32, #tpu.memory_space<vmem_shared>>
    tpu.wait_indirect_dma semaphore(%arg13 : memref<!tpu.dma_semaphore, #tpu.memory_space<semaphore_mem>>) src(%dma_wait3A_1935 : memref<128x64xf32, #tpu.memory_space<vmem>>) dst(%dma_wait3A_1938 : memref<2048x64xf32, #tpu.memory_space<vmem_shared>>)
    %dma_start3A_1939 = arith.constant 48 : i32
    %dma_start3A_1940 = arith.constant 0 : i32
    %dma_start3A_1941 = arith.constant 0 : i32
    %dma_start3A_1942 = arith.constant 0 : i32
    %dma_start3A_1943 = tpu.memref_slice %arg7[%dma_start3A_1940, %dma_start3A_1941, %dma_start3A_1942] : memref<4x128x64xf32, #tpu.memory_space<vmem>> -> memref<1x128x64xf32, #tpu.memory_space<vmem>>
    %dma_start3A_1944 = tpu.memref_squeeze %dma_start3A_1943 : memref<1x128x64xf32, #tpu.memory_space<vmem>> -> memref<128x64xf32, #tpu.memory_space<vmem>>
    %dma_start3A_1945 = arith.constant 0 : i32
    %dma_start3A_1946 = tpu.memref_slice %arg5[%dma_start3A_1939, %dma_start3A_1945] : memref<50x128xi32, #tpu.memory_space<vmem>> -> memref<1x128xi32, #tpu.memory_space<vmem>>
    %dma_start3A_1947 = tpu.memref_squeeze %dma_start3A_1946 : memref<1x128xi32, #tpu.memory_space<vmem>> -> memref<128xi32, #tpu.memory_space<vmem>>
    %dma_start3A_1948 = arith.constant 0 : i32
    %dma_start3A_1949 = arith.constant 0 : i32
    %dma_start3A_1950 = tpu.memref_slice %arg3[%dma_start3A_1948, %dma_start3A_1949] : memref<1000000x64xf32, #tpu.memory_space<hbm>> -> memref<1000000x64xf32, #tpu.memory_space<hbm>>
    tpu.enqueue_indirect_dma source(%dma_start3A_1950 : memref<1000000x64xf32, #tpu.memory_space<hbm>>) target(%dma_start3A_1944 : memref<128x64xf32, #tpu.memory_space<vmem>>) offsets(%dma_start3A_1947 : memref<128xi32, #tpu.memory_space<vmem>>) semaphore(%arg9 : memref<!tpu.dma_semaphore, #tpu.memory_space<semaphore_mem>>)
    %dma_wait3A_1951 = arith.constant 46 : i32
    %dma_wait3A_1952 = arith.constant 2 : i32
    %dma_wait3A_1953 = arith.constant 0 : i32
    %dma_wait3A_1954 = arith.constant 0 : i32
    %dma_wait3A_1955 = tpu.memref_slice %arg7[%dma_wait3A_1952, %dma_wait3A_1953, %dma_wait3A_1954] : memref<4x128x64xf32, #tpu.memory_space<vmem>> -> memref<1x128x64xf32, #tpu.memory_space<vmem>>
    %dma_wait3A_1956 = tpu.memref_squeeze %dma_wait3A_1955 : memref<1x128x64xf32, #tpu.memory_space<vmem>> -> memref<128x64xf32, #tpu.memory_space<vmem>>
    %dma_wait3A_1957 = arith.constant 0 : i32
    %dma_wait3A_1958 = tpu.memref_slice %arg5[%dma_wait3A_1951, %dma_wait3A_1957] : memref<50x128xi32, #tpu.memory_space<vmem>> -> memref<1x128xi32, #tpu.memory_space<vmem>>
    %dma_wait3A_1959 = tpu.memref_squeeze %dma_wait3A_1958 : memref<1x128xi32, #tpu.memory_space<vmem>> -> memref<128xi32, #tpu.memory_space<vmem>>
    %dma_wait3A_1960 = arith.constant 0 : i32
    %dma_wait3A_1961 = arith.constant 0 : i32
    %dma_wait3A_1962 = tpu.memref_slice %arg3[%dma_wait3A_1960, %dma_wait3A_1961] : memref<1000000x64xf32, #tpu.memory_space<hbm>> -> memref<1000000x64xf32, #tpu.memory_space<hbm>>
    tpu.wait_indirect_dma semaphore(%arg11 : memref<!tpu.dma_semaphore, #tpu.memory_space<semaphore_mem>>) src(%dma_wait3A_1962 : memref<1000000x64xf32, #tpu.memory_space<hbm>>) dst(%dma_wait3A_1956 : memref<128x64xf32, #tpu.memory_space<vmem>>)
    %dma_start3A_1963 = arith.constant 2 : i32
    %dma_start3A_1964 = arith.constant 0 : i32
    %dma_start3A_1965 = arith.constant 0 : i32
    %dma_start3A_1966 = tpu.memref_slice %arg7[%dma_start3A_1963, %dma_start3A_1964, %dma_start3A_1965] : memref<4x128x64xf32, #tpu.memory_space<vmem>> -> memref<1x128x64xf32, #tpu.memory_space<vmem>>
    %dma_start3A_1967 = tpu.memref_squeeze %dma_start3A_1966 : memref<1x128x64xf32, #tpu.memory_space<vmem>> -> memref<128x64xf32, #tpu.memory_space<vmem>>
    %dma_start3A_1968 = arith.constant 0 : i32
    %dma_start3A_1969 = arith.constant 0 : i32
    %dma_start3A_1970 = tpu.memref_slice %arg8[%dma_start3A_1968, %dma_start3A_1969] : memref<2048x64xf32, #tpu.memory_space<vmem_shared>> -> memref<2048x64xf32, #tpu.memory_space<vmem_shared>>
    tpu.enqueue_indirect_dma source(%dma_start3A_1967 : memref<128x64xf32, #tpu.memory_space<vmem>>) target(%dma_start3A_1970 : memref<2048x64xf32, #tpu.memory_space<vmem_shared>>) offsets(%arg6 : memref<128xi32, #tpu.memory_space<vmem>>) semaphore(%arg15 : memref<!tpu.dma_semaphore, #tpu.memory_space<semaphore_mem>>) {add = true}
    %dma_wait3A_1971 = arith.constant 1 : i32
    %dma_wait3A_1972 = arith.constant 0 : i32
    %dma_wait3A_1973 = arith.constant 0 : i32
    %dma_wait3A_1974 = tpu.memref_slice %arg7[%dma_wait3A_1971, %dma_wait3A_1972, %dma_wait3A_1973] : memref<4x128x64xf32, #tpu.memory_space<vmem>> -> memref<1x128x64xf32, #tpu.memory_space<vmem>>
    %dma_wait3A_1975 = tpu.memref_squeeze %dma_wait3A_1974 : memref<1x128x64xf32, #tpu.memory_space<vmem>> -> memref<128x64xf32, #tpu.memory_space<vmem>>
    %dma_wait3A_1976 = arith.constant 0 : i32
    %dma_wait3A_1977 = arith.constant 0 : i32
    %dma_wait3A_1978 = tpu.memref_slice %arg8[%dma_wait3A_1976, %dma_wait3A_1977] : memref<2048x64xf32, #tpu.memory_space<vmem_shared>> -> memref<2048x64xf32, #tpu.memory_space<vmem_shared>>
    tpu.wait_indirect_dma semaphore(%arg14 : memref<!tpu.dma_semaphore, #tpu.memory_space<semaphore_mem>>) src(%dma_wait3A_1975 : memref<128x64xf32, #tpu.memory_space<vmem>>) dst(%dma_wait3A_1978 : memref<2048x64xf32, #tpu.memory_space<vmem_shared>>)
    %dma_start3A_1979 = arith.constant 49 : i32
    %dma_start3A_1980 = arith.constant 1 : i32
    %dma_start3A_1981 = arith.constant 0 : i32
    %dma_start3A_1982 = arith.constant 0 : i32
    %dma_start3A_1983 = tpu.memref_slice %arg7[%dma_start3A_1980, %dma_start3A_1981, %dma_start3A_1982] : memref<4x128x64xf32, #tpu.memory_space<vmem>> -> memref<1x128x64xf32, #tpu.memory_space<vmem>>
    %dma_start3A_1984 = tpu.memref_squeeze %dma_start3A_1983 : memref<1x128x64xf32, #tpu.memory_space<vmem>> -> memref<128x64xf32, #tpu.memory_space<vmem>>
    %dma_start3A_1985 = arith.constant 0 : i32
    %dma_start3A_1986 = tpu.memref_slice %arg5[%dma_start3A_1979, %dma_start3A_1985] : memref<50x128xi32, #tpu.memory_space<vmem>> -> memref<1x128xi32, #tpu.memory_space<vmem>>
    %dma_start3A_1987 = tpu.memref_squeeze %dma_start3A_1986 : memref<1x128xi32, #tpu.memory_space<vmem>> -> memref<128xi32, #tpu.memory_space<vmem>>
    %dma_start3A_1988 = arith.constant 0 : i32
    %dma_start3A_1989 = arith.constant 0 : i32
    %dma_start3A_1990 = tpu.memref_slice %arg3[%dma_start3A_1988, %dma_start3A_1989] : memref<1000000x64xf32, #tpu.memory_space<hbm>> -> memref<1000000x64xf32, #tpu.memory_space<hbm>>
    tpu.enqueue_indirect_dma source(%dma_start3A_1990 : memref<1000000x64xf32, #tpu.memory_space<hbm>>) target(%dma_start3A_1984 : memref<128x64xf32, #tpu.memory_space<vmem>>) offsets(%dma_start3A_1987 : memref<128xi32, #tpu.memory_space<vmem>>) semaphore(%arg10 : memref<!tpu.dma_semaphore, #tpu.memory_space<semaphore_mem>>)
    %dma_wait3A_1991 = arith.constant 47 : i32
    %dma_wait3A_1992 = arith.constant 3 : i32
    %dma_wait3A_1993 = arith.constant 0 : i32
    %dma_wait3A_1994 = arith.constant 0 : i32
    %dma_wait3A_1995 = tpu.memref_slice %arg7[%dma_wait3A_1992, %dma_wait3A_1993, %dma_wait3A_1994] : memref<4x128x64xf32, #tpu.memory_space<vmem>> -> memref<1x128x64xf32, #tpu.memory_space<vmem>>
    %dma_wait3A_1996 = tpu.memref_squeeze %dma_wait3A_1995 : memref<1x128x64xf32, #tpu.memory_space<vmem>> -> memref<128x64xf32, #tpu.memory_space<vmem>>
    %dma_wait3A_1997 = arith.constant 0 : i32
    %dma_wait3A_1998 = tpu.memref_slice %arg5[%dma_wait3A_1991, %dma_wait3A_1997] : memref<50x128xi32, #tpu.memory_space<vmem>> -> memref<1x128xi32, #tpu.memory_space<vmem>>
    %dma_wait3A_1999 = tpu.memref_squeeze %dma_wait3A_1998 : memref<1x128xi32, #tpu.memory_space<vmem>> -> memref<128xi32, #tpu.memory_space<vmem>>
    %dma_wait3A_2000 = arith.constant 0 : i32
    %dma_wait3A_2001 = arith.constant 0 : i32
    %dma_wait3A_2002 = tpu.memref_slice %arg3[%dma_wait3A_2000, %dma_wait3A_2001] : memref<1000000x64xf32, #tpu.memory_space<hbm>> -> memref<1000000x64xf32, #tpu.memory_space<hbm>>
    tpu.wait_indirect_dma semaphore(%arg12 : memref<!tpu.dma_semaphore, #tpu.memory_space<semaphore_mem>>) src(%dma_wait3A_2002 : memref<1000000x64xf32, #tpu.memory_space<hbm>>) dst(%dma_wait3A_1996 : memref<128x64xf32, #tpu.memory_space<vmem>>)
    %dma_start3A_2003 = arith.constant 3 : i32
    %dma_start3A_2004 = arith.constant 0 : i32
    %dma_start3A_2005 = arith.constant 0 : i32
    %dma_start3A_2006 = tpu.memref_slice %arg7[%dma_start3A_2003, %dma_start3A_2004, %dma_start3A_2005] : memref<4x128x64xf32, #tpu.memory_space<vmem>> -> memref<1x128x64xf32, #tpu.memory_space<vmem>>
    %dma_start3A_2007 = tpu.memref_squeeze %dma_start3A_2006 : memref<1x128x64xf32, #tpu.memory_space<vmem>> -> memref<128x64xf32, #tpu.memory_space<vmem>>
    %dma_start3A_2008 = arith.constant 0 : i32
    %dma_start3A_2009 = arith.constant 0 : i32
    %dma_start3A_2010 = tpu.memref_slice %arg8[%dma_start3A_2008, %dma_start3A_2009] : memref<2048x64xf32, #tpu.memory_space<vmem_shared>> -> memref<2048x64xf32, #tpu.memory_space<vmem_shared>>
    tpu.enqueue_indirect_dma source(%dma_start3A_2007 : memref<128x64xf32, #tpu.memory_space<vmem>>) target(%dma_start3A_2010 : memref<2048x64xf32, #tpu.memory_space<vmem_shared>>) offsets(%arg6 : memref<128xi32, #tpu.memory_space<vmem>>) semaphore(%arg16 : memref<!tpu.dma_semaphore, #tpu.memory_space<semaphore_mem>>) {add = true}
    %dma_wait3A_2011 = arith.constant 2 : i32
    %dma_wait3A_2012 = arith.constant 0 : i32
    %dma_wait3A_2013 = arith.constant 0 : i32
    %dma_wait3A_2014 = tpu.memref_slice %arg7[%dma_wait3A_2011, %dma_wait3A_2012, %dma_wait3A_2013] : memref<4x128x64xf32, #tpu.memory_space<vmem>> -> memref<1x128x64xf32, #tpu.memory_space<vmem>>
    %dma_wait3A_2015 = tpu.memref_squeeze %dma_wait3A_2014 : memref<1x128x64xf32, #tpu.memory_space<vmem>> -> memref<128x64xf32, #tpu.memory_space<vmem>>
    %dma_wait3A_2016 = arith.constant 0 : i32
    %dma_wait3A_2017 = arith.constant 0 : i32
    %dma_wait3A_2018 = tpu.memref_slice %arg8[%dma_wait3A_2016, %dma_wait3A_2017] : memref<2048x64xf32, #tpu.memory_space<vmem_shared>> -> memref<2048x64xf32, #tpu.memory_space<vmem_shared>>
    tpu.wait_indirect_dma semaphore(%arg15 : memref<!tpu.dma_semaphore, #tpu.memory_space<semaphore_mem>>) src(%dma_wait3A_2015 : memref<128x64xf32, #tpu.memory_space<vmem>>) dst(%dma_wait3A_2018 : memref<2048x64xf32, #tpu.memory_space<vmem_shared>>)
    %dma_wait3A_2019 = arith.constant 48 : i32
    %dma_wait3A_2020 = arith.constant 0 : i32
    %dma_wait3A_2021 = arith.constant 0 : i32
    %dma_wait3A_2022 = arith.constant 0 : i32
    %dma_wait3A_2023 = tpu.memref_slice %arg7[%dma_wait3A_2020, %dma_wait3A_2021, %dma_wait3A_2022] : memref<4x128x64xf32, #tpu.memory_space<vmem>> -> memref<1x128x64xf32, #tpu.memory_space<vmem>>
    %dma_wait3A_2024 = tpu.memref_squeeze %dma_wait3A_2023 : memref<1x128x64xf32, #tpu.memory_space<vmem>> -> memref<128x64xf32, #tpu.memory_space<vmem>>
    %dma_wait3A_2025 = arith.constant 0 : i32
    %dma_wait3A_2026 = tpu.memref_slice %arg5[%dma_wait3A_2019, %dma_wait3A_2025] : memref<50x128xi32, #tpu.memory_space<vmem>> -> memref<1x128xi32, #tpu.memory_space<vmem>>
    %dma_wait3A_2027 = tpu.memref_squeeze %dma_wait3A_2026 : memref<1x128xi32, #tpu.memory_space<vmem>> -> memref<128xi32, #tpu.memory_space<vmem>>
    %dma_wait3A_2028 = arith.constant 0 : i32
    %dma_wait3A_2029 = arith.constant 0 : i32
    %dma_wait3A_2030 = tpu.memref_slice %arg3[%dma_wait3A_2028, %dma_wait3A_2029] : memref<1000000x64xf32, #tpu.memory_space<hbm>> -> memref<1000000x64xf32, #tpu.memory_space<hbm>>
    tpu.wait_indirect_dma semaphore(%arg9 : memref<!tpu.dma_semaphore, #tpu.memory_space<semaphore_mem>>) src(%dma_wait3A_2030 : memref<1000000x64xf32, #tpu.memory_space<hbm>>) dst(%dma_wait3A_2024 : memref<128x64xf32, #tpu.memory_space<vmem>>)
    %dma_start3A_2031 = arith.constant 0 : i32
    %dma_start3A_2032 = arith.constant 0 : i32
    %dma_start3A_2033 = arith.constant 0 : i32
    %dma_start3A_2034 = tpu.memref_slice %arg7[%dma_start3A_2031, %dma_start3A_2032, %dma_start3A_2033] : memref<4x128x64xf32, #tpu.memory_space<vmem>> -> memref<1x128x64xf32, #tpu.memory_space<vmem>>
    %dma_start3A_2035 = tpu.memref_squeeze %dma_start3A_2034 : memref<1x128x64xf32, #tpu.memory_space<vmem>> -> memref<128x64xf32, #tpu.memory_space<vmem>>
    %dma_start3A_2036 = arith.constant 0 : i32
    %dma_start3A_2037 = arith.constant 0 : i32
    %dma_start3A_2038 = tpu.memref_slice %arg8[%dma_start3A_2036, %dma_start3A_2037] : memref<2048x64xf32, #tpu.memory_space<vmem_shared>> -> memref<2048x64xf32, #tpu.memory_space<vmem_shared>>
    tpu.enqueue_indirect_dma source(%dma_start3A_2035 : memref<128x64xf32, #tpu.memory_space<vmem>>) target(%dma_start3A_2038 : memref<2048x64xf32, #tpu.memory_space<vmem_shared>>) offsets(%arg6 : memref<128xi32, #tpu.memory_space<vmem>>) semaphore(%arg13 : memref<!tpu.dma_semaphore, #tpu.memory_space<semaphore_mem>>) {add = true}
    %dma_wait3A_2039 = arith.constant 3 : i32
    %dma_wait3A_2040 = arith.constant 0 : i32
    %dma_wait3A_2041 = arith.constant 0 : i32
    %dma_wait3A_2042 = tpu.memref_slice %arg7[%dma_wait3A_2039, %dma_wait3A_2040, %dma_wait3A_2041] : memref<4x128x64xf32, #tpu.memory_space<vmem>> -> memref<1x128x64xf32, #tpu.memory_space<vmem>>
    %dma_wait3A_2043 = tpu.memref_squeeze %dma_wait3A_2042 : memref<1x128x64xf32, #tpu.memory_space<vmem>> -> memref<128x64xf32, #tpu.memory_space<vmem>>
    %dma_wait3A_2044 = arith.constant 0 : i32
    %dma_wait3A_2045 = arith.constant 0 : i32
    %dma_wait3A_2046 = tpu.memref_slice %arg8[%dma_wait3A_2044, %dma_wait3A_2045] : memref<2048x64xf32, #tpu.memory_space<vmem_shared>> -> memref<2048x64xf32, #tpu.memory_space<vmem_shared>>
    tpu.wait_indirect_dma semaphore(%arg16 : memref<!tpu.dma_semaphore, #tpu.memory_space<semaphore_mem>>) src(%dma_wait3A_2043 : memref<128x64xf32, #tpu.memory_space<vmem>>) dst(%dma_wait3A_2046 : memref<2048x64xf32, #tpu.memory_space<vmem_shared>>)
    %dma_wait3A_2047 = arith.constant 49 : i32
    %dma_wait3A_2048 = arith.constant 1 : i32
    %dma_wait3A_2049 = arith.constant 0 : i32
    %dma_wait3A_2050 = arith.constant 0 : i32
    %dma_wait3A_2051 = tpu.memref_slice %arg7[%dma_wait3A_2048, %dma_wait3A_2049, %dma_wait3A_2050] : memref<4x128x64xf32, #tpu.memory_space<vmem>> -> memref<1x128x64xf32, #tpu.memory_space<vmem>>
    %dma_wait3A_2052 = tpu.memref_squeeze %dma_wait3A_2051 : memref<1x128x64xf32, #tpu.memory_space<vmem>> -> memref<128x64xf32, #tpu.memory_space<vmem>>
    %dma_wait3A_2053 = arith.constant 0 : i32
    %dma_wait3A_2054 = tpu.memref_slice %arg5[%dma_wait3A_2047, %dma_wait3A_2053] : memref<50x128xi32, #tpu.memory_space<vmem>> -> memref<1x128xi32, #tpu.memory_space<vmem>>
    %dma_wait3A_2055 = tpu.memref_squeeze %dma_wait3A_2054 : memref<1x128xi32, #tpu.memory_space<vmem>> -> memref<128xi32, #tpu.memory_space<vmem>>
    %dma_wait3A_2056 = arith.constant 0 : i32
    %dma_wait3A_2057 = arith.constant 0 : i32
    %dma_wait3A_2058 = tpu.memref_slice %arg3[%dma_wait3A_2056, %dma_wait3A_2057] : memref<1000000x64xf32, #tpu.memory_space<hbm>> -> memref<1000000x64xf32, #tpu.memory_space<hbm>>
    tpu.wait_indirect_dma semaphore(%arg10 : memref<!tpu.dma_semaphore, #tpu.memory_space<semaphore_mem>>) src(%dma_wait3A_2058 : memref<1000000x64xf32, #tpu.memory_space<hbm>>) dst(%dma_wait3A_2052 : memref<128x64xf32, #tpu.memory_space<vmem>>)
    %dma_start3A_2059 = arith.constant 1 : i32
    %dma_start3A_2060 = arith.constant 0 : i32
    %dma_start3A_2061 = arith.constant 0 : i32
    %dma_start3A_2062 = tpu.memref_slice %arg7[%dma_start3A_2059, %dma_start3A_2060, %dma_start3A_2061] : memref<4x128x64xf32, #tpu.memory_space<vmem>> -> memref<1x128x64xf32, #tpu.memory_space<vmem>>
    %dma_start3A_2063 = tpu.memref_squeeze %dma_start3A_2062 : memref<1x128x64xf32, #tpu.memory_space<vmem>> -> memref<128x64xf32, #tpu.memory_space<vmem>>
    %dma_start3A_2064 = arith.constant 0 : i32
    %dma_start3A_2065 = arith.constant 0 : i32
    %dma_start3A_2066 = tpu.memref_slice %arg8[%dma_start3A_2064, %dma_start3A_2065] : memref<2048x64xf32, #tpu.memory_space<vmem_shared>> -> memref<2048x64xf32, #tpu.memory_space<vmem_shared>>
    tpu.enqueue_indirect_dma source(%dma_start3A_2063 : memref<128x64xf32, #tpu.memory_space<vmem>>) target(%dma_start3A_2066 : memref<2048x64xf32, #tpu.memory_space<vmem_shared>>) offsets(%arg6 : memref<128xi32, #tpu.memory_space<vmem>>) semaphore(%arg14 : memref<!tpu.dma_semaphore, #tpu.memory_space<semaphore_mem>>) {add = true}
    %dma_wait3A_2067 = arith.constant 0 : i32
    %dma_wait3A_2068 = arith.constant 0 : i32
    %dma_wait3A_2069 = arith.constant 0 : i32
    %dma_wait3A_2070 = tpu.memref_slice %arg7[%dma_wait3A_2067, %dma_wait3A_2068, %dma_wait3A_2069] : memref<4x128x64xf32, #tpu.memory_space<vmem>> -> memref<1x128x64xf32, #tpu.memory_space<vmem>>
    %dma_wait3A_2071 = tpu.memref_squeeze %dma_wait3A_2070 : memref<1x128x64xf32, #tpu.memory_space<vmem>> -> memref<128x64xf32, #tpu.memory_space<vmem>>
    %dma_wait3A_2072 = arith.constant 0 : i32
    %dma_wait3A_2073 = arith.constant 0 : i32
    %dma_wait3A_2074 = tpu.memref_slice %arg8[%dma_wait3A_2072, %dma_wait3A_2073] : memref<2048x64xf32, #tpu.memory_space<vmem_shared>> -> memref<2048x64xf32, #tpu.memory_space<vmem_shared>>
    tpu.wait_indirect_dma semaphore(%arg13 : memref<!tpu.dma_semaphore, #tpu.memory_space<semaphore_mem>>) src(%dma_wait3A_2071 : memref<128x64xf32, #tpu.memory_space<vmem>>) dst(%dma_wait3A_2074 : memref<2048x64xf32, #tpu.memory_space<vmem_shared>>)
    %dma_wait3A_2075 = arith.constant 1 : i32
    %dma_wait3A_2076 = arith.constant 0 : i32
    %dma_wait3A_2077 = arith.constant 0 : i32
    %dma_wait3A_2078 = tpu.memref_slice %arg7[%dma_wait3A_2075, %dma_wait3A_2076, %dma_wait3A_2077] : memref<4x128x64xf32, #tpu.memory_space<vmem>> -> memref<1x128x64xf32, #tpu.memory_space<vmem>>
    %dma_wait3A_2079 = tpu.memref_squeeze %dma_wait3A_2078 : memref<1x128x64xf32, #tpu.memory_space<vmem>> -> memref<128x64xf32, #tpu.memory_space<vmem>>
    %dma_wait3A_2080 = arith.constant 0 : i32
    %dma_wait3A_2081 = arith.constant 0 : i32
    %dma_wait3A_2082 = tpu.memref_slice %arg8[%dma_wait3A_2080, %dma_wait3A_2081] : memref<2048x64xf32, #tpu.memory_space<vmem_shared>> -> memref<2048x64xf32, #tpu.memory_space<vmem_shared>>
    tpu.wait_indirect_dma semaphore(%arg14 : memref<!tpu.dma_semaphore, #tpu.memory_space<semaphore_mem>>) src(%dma_wait3A_2079 : memref<128x64xf32, #tpu.memory_space<vmem>>) dst(%dma_wait3A_2082 : memref<2048x64xf32, #tpu.memory_space<vmem_shared>>)
    "tpu.region"() ({
      %run_scoped3A = tpu.sem_alloc : memref<!tpu.dma_semaphore, #tpu.memory_space<semaphore_mem>>
      %dma_start3A_2083 = arith.constant 0 : i32
      %dma_start3A_2084 = tpu.memref_slice %arg4[%mul3A_2, %dma_start3A_2083] : memref<4096x64xf32, #tpu.memory_space<hbm>> -> memref<128x64xf32, #tpu.memory_space<hbm>>
      %dma_start3A_2085 = arith.constant 0 : i32
      %dma_start3A_2086 = tpu.memref_slice %arg8[%mul3A_4, %dma_start3A_2085] : memref<2048x64xf32, #tpu.memory_space<vmem_shared>> -> memref<128x64xf32, #tpu.memory_space<vmem_shared>>
      tpu.enqueue_dma source(%dma_start3A_2086 : memref<128x64xf32, #tpu.memory_space<vmem_shared>>) target(%dma_start3A_2084 : memref<128x64xf32, #tpu.memory_space<hbm>>) target_semaphore(%run_scoped3A : memref<!tpu.dma_semaphore, #tpu.memory_space<semaphore_mem>>)
      %dma_wait3A_2087 = arith.constant 0 : i32
      %dma_wait3A_2088 = tpu.memref_slice %arg4[%mul3A_2, %dma_wait3A_2087] : memref<4096x64xf32, #tpu.memory_space<hbm>> -> memref<128x64xf32, #tpu.memory_space<hbm>>
      %dma_wait3A_2089 = arith.constant 0 : i32
      %dma_wait3A_2090 = tpu.memref_slice %arg8[%mul3A_4, %dma_wait3A_2089] : memref<2048x64xf32, #tpu.memory_space<vmem_shared>> -> memref<128x64xf32, #tpu.memory_space<vmem_shared>>
      tpu.wait_dma2 semaphore(%run_scoped3A : memref<!tpu.dma_semaphore, #tpu.memory_space<semaphore_mem>>) src(%dma_wait3A_2090 : memref<128x64xf32, #tpu.memory_space<vmem_shared>>) dst(%dma_wait3A_2088 : memref<128x64xf32, #tpu.memory_space<hbm>>)
      tpu.yield
    }) : () -> ()
    return
  }
}

module attributes {stable_mosaic.version = 14 : i64} {
  func.func @_tc_body(%arg0: memref<4096x64xf32, #tpu.memory_space<vmem>>, %arg1: memref<4096x4xf32, #tpu.memory_space<vmem>>, %arg2: memref<1x68xf32, #tpu.memory_space<vmem>>, %arg3: memref<1xf32, #tpu.memory_space<smem>>, %arg4: memref<4096xf32, #tpu.memory_space<vmem>>) attributes {dimension_semantics = [], scalar_prefetch = 0 : i64, scratch_operands = 0 : i64, tpu.core_type = #tpu.core_type<tc>} {
    %get3A = arith.constant 0 : index
    %get3A_0 = arith.constant 0 : index
    %get3A_1 = vector.load %arg2[%get3A, %get3A_0] : memref<1x68xf32, #tpu.memory_space<vmem>>, vector<1x68xf32>
    %slice3A = vector.extract_strided_slice %get3A_1 {offsets = [0, 0], sizes = [1, 64], strides = [1, 1]} : vector<1x68xf32> to vector<1x64xf32>
    %slice3A_2 = vector.extract_strided_slice %get3A_1 {offsets = [0, 64], sizes = [1, 4], strides = [1, 1]} : vector<1x68xf32> to vector<1x4xf32>
    %get3A_3 = arith.constant 0 : index
    %get3A_4 = arith.constant 0 : index
    %get3A_5 = vector.load %arg0[%get3A_3, %get3A_4] : memref<4096x64xf32, #tpu.memory_space<vmem>>, vector<4096x64xf32>
    %mul3A = vector.broadcast %slice3A : vector<1x64xf32> to vector<4096x64xf32>
    %mul3A_6 = arith.mulf %get3A_5, %mul3A : vector<4096x64xf32>
    %reduce_sum3A = arith.constant dense<0.000000e+00> : vector<4096xf32>
    %reduce_sum3A_7 = vector.multi_reduction <add>, %mul3A_6, %reduce_sum3A [1] : vector<4096x64xf32> to vector<4096xf32>
    %get3A_8 = arith.constant 0 : index
    %get3A_9 = arith.constant 0 : index
    %get3A_10 = vector.load %arg1[%get3A_8, %get3A_9] : memref<4096x4xf32, #tpu.memory_space<vmem>>, vector<4096x4xf32>
    %mul3A_11 = vector.broadcast %slice3A_2 : vector<1x4xf32> to vector<4096x4xf32>
    %mul3A_12 = arith.mulf %get3A_10, %mul3A_11 : vector<4096x4xf32>
    %reduce_sum3A_13 = arith.constant dense<0.000000e+00> : vector<4096xf32>
    %reduce_sum3A_14 = vector.multi_reduction <add>, %mul3A_12, %reduce_sum3A_13 [1] : vector<4096x4xf32> to vector<4096xf32>
    %mul3A_15 = arith.constant 2.000000e-02 : f32
    %mul3A_16 = vector.broadcast %mul3A_15 : f32 to vector<4096xf32>
    %mul3A_17 = arith.mulf %reduce_sum3A_7, %mul3A_16 : vector<4096xf32>
    %add3A = arith.addf %mul3A_17, %reduce_sum3A_14 : vector<4096xf32>
    %get3A_18 = arith.constant 0 : index
    %get3A_19 = memref.load %arg3[%get3A_18] : memref<1xf32, #tpu.memory_space<smem>>
    %add3A_20 = vector.broadcast %get3A_19 : f32 to vector<4096xf32>
    %add3A_21 = arith.addf %add3A, %add3A_20 : vector<4096xf32>
    %swap3A = arith.constant 0 : index
    %swap3A_22 = vector.load %arg4[%swap3A] : memref<4096xf32, #tpu.memory_space<vmem>>, vector<4096xf32>
    tpu.vector_store %arg4[%swap3A], %add3A_21 {strides = array<i32>} : memref<4096xf32, #tpu.memory_space<vmem>>, vector<4096xf32>,
    return
  }
}

</mosaic_0001>

<sc_bundles>
// kernel: kernel.4.cloned.1.call-start
scs
__scs_entry_jumppad:
0x0: {  	(pc) =	sbr.rel $0x88, $3  }
0x1: {  	(tag) =	ssettag $0x0;
	lr =	simm.s32 $0x1  }
0x2: {  	[smem:$0x3F99] =	sst lr;
	_ =	strace $0xD0000000  }
0x3: {  	_ = 	snop  }
0x4: {  	_ = 	snop  }
0x5: {  	_ = 	snop  }
0x6: {  	_ = 	snop  }
0x7: {  	_ = 	snop  }
__scs_overlays_trampoline_lowered:
0x8: {  	[smem:$0x3FA8] =	sst s0  }
0x9: {  	[smem:$0x3FA9] =	sst s1  }
0xa: {  	[smem:$0x3FAA] =	sst s2  }
0xb: {  	[smem:$0x3FAB] =	sst s3  }
0xc: {  	[smem:$0x3FAC] =	sst s4  }
0xd: {  	[smem:$0x3FAD] =	sst s5  }
0xe: {  	[smem:$0x3FAE] =	sst s6  }
0xf: {  	[smem:$0x3FAF] =	sst s7  }
0x10: {  	[smem:$0x3FB0] =	sst s8  }
0x11: {  	[smem:$0x3FB1] =	sst s9;
	s0 =	simm.s32 @!p0 $0x0  }
0x12: {  	s1 =	sld [smem:$0x3F97];
	s0 =	simm.s32 @p0 $0x1  }
0x13: {  	[smem:$0x3FB2] =	sst s0;
	s0 =	simm.s32 @!p1 $0x0  }
0x14: {  	s2 =	sld [smem:$0x3F96];
	s0 =	simm.s32 @p1 $0x1  }
0x15: {  	[smem:$0x3FB3] =	sst s0;
	s0 =	simm.s32 @!p2 $0x0  }
0x16: {  	s3 =	sld [smem:$0x3FDB];
	s0 =	simm.s32 @p2 $0x1  }
0x17: {  	s4 =	simm.s32 $0x1BF5;
	[smem:$0x3FB5] =	sst s0  }
0x18: {  	s0 =	sld [smem:$0x3F98];
	_ =	swait.ge [sflag:s4], $0x0  }
0x19: {  	s7 =	sld [smem:$0x3F99]  }
0x1a: {  	s8 =	sadd.s32 $0xFFFFE003, lr  }
0x1b: {  	s9 =	sadd.s32 $0xFFFFFEF7, lr;
	s5 =	simm.s32 $0xFFFFFFFF;
	p2 =	slt.u32 s8, $0xFFFFF086  }
0x1c: {  	p1 =	slt.u32 s9, $0xF7A;
	s5 =	simm.s32 @!p2 $0x0  }
0x1d: {  	s5 =	simm.s32 @p1 $0x1;
	p0 =	seq.s32 s7, s2  }
0x1e: {  	s7 =	smul.u32 @!p0 $0xF7A, s2;
	p2 =	seq.s32 @!p0 s5, $0x0  }
0x1f: {  	s9 =	smul.u32 $0xF7A, s1;
	s8 =	simm.s32 @!p0 $0x1BF5;
	p2 =	por !p2, p0  }
0x20: {  	[sflag:s8] =	ssyncset.s32 @!p0 $0xFFFFF086;
	s6 =	sadd.s32 @!p0 s3, s7;
	s7 =	simm.s32 @!p0 $0x108  }
0x21: {  	s3 =	sadd.s32 s3, s9;
	s6 =	sadd.s32 @!p0 $0x88, s6;
	s7 =	simm.s32 @p2 $0x1082  }
0x22: {  	[simem:s7], [sflag:s8] =	dma.local @!p0 [hbm:s6], $0xF7A  }
0x23: {  	s9 =	sor.u32 $0xD0000000, s2;
	s6 =	simm.s32 $0x108;
	_ =	swait.ge @!p0 [sflag:s8], $0x0  }
0x24: {  	s3 =	sadd.s32 $0x88, s3;
	s6 =	simm.s32 @!p1 $0x1082;
	[sflag:s4] =	ssyncset.s32 $0xFFFFF086  }
0x25: {  	[simem:s6], [sflag:s4] =	dma.local [hbm:s3], $0xF7A  }
0x26: {  	[smem:$0x3F99] =	sst s1;
	(tag) =	ssettag s2;
	_ =	strace s9  }
0x27: {  	s1 =	sld [smem:$0x3FA9]  }
0x28: {  	s2 =	sld [smem:$0x3FAA]  }
0x29: {  	s4 =	sld [smem:$0x3FAC]  }
0x2a: {  	p0 =	seq.s32 s5, $0x0;
	s5 =	sld [smem:$0x3FAD]  }
0x2b: {  	s6 =	sld [smem:$0x3FAE]  }
0x2c: {  	s7 =	sld [smem:$0x3FAF]  }
0x2d: {  	s3 =	simm.s32 $0x108;
	s8 =	sld [smem:$0x3FB0]  }
0x2e: {  	s3 =	simm.s32 @!p0 $0x1082;
	s9 =	sld [smem:$0x3FB1]  }
0x2f: {  	lr =	sadd.s32 s0, s3;
	s0 =	sld [smem:$0x3FA8]  }
0x30: {  	s3 =	sld [smem:$0x3FAB]  }
0x31: {  	[smem:$0x3FB4] =	sst s10  }
0x32: {  	s10 =	sld [smem:$0x3FB2];
	_ =	sdelay $0x3  }
0x33: {  	p0 =	seq.s32 s10, $0x1;
	s10 =	sld [smem:$0x3FB4];
	_ =	sdelay $0x3  }
0x34: {  	[smem:$0x3FB4] =	sst s10  }
0x35: {  	s10 =	sld [smem:$0x3FB3];
	_ =	sdelay $0x3  }
0x36: {  	p1 =	seq.s32 s10, $0x1;
	s10 =	sld [smem:$0x3FB4];
	_ =	sdelay $0x3  }
0x37: {  	[smem:$0x3FB4] =	sst s10  }
0x38: {  	s10 =	sld [smem:$0x3FB5]  }
0x39: {  	_ = 	snop;
	(pc) =	sbr.ind lr, $3  }
0x3a: {  	_ = 	snop  }
0x3b: {  	_ = 	snop  }
0x3c: {  	p2 =	seq.s32 s10, $0x1;
	s10 =	sld [smem:$0x3FB4]  }
0x3d: {  	_ =	shalt  }
0x3e: {  	_ =	shalt  }
0x3f: {  	_ =	shalt  }
0x40: {  	_ =	shalt  }
0x41: {  	_ =	shalt  }
0x42: {  	_ =	shalt  }
0x43: {  	_ =	shalt  }
0x44: {  	_ =	shalt  }
0x45: {  	_ =	shalt  }
0x46: {  	_ =	shalt  }
0x47: {  	_ =	shalt  }
0x48: {  	_ =	shalt  }
0x49: {  	_ =	shalt  }
0x4a: {  	_ =	shalt  }
0x4b: {  	_ =	shalt  }
0x4c: {  	_ =	shalt  }
0x4d: {  	_ =	shalt  }
0x4e: {  	_ =	shalt  }
0x4f: {  	_ =	shalt  }
0x50: {  	_ =	shalt  }
0x51: {  	_ =	shalt  }
0x52: {  	_ =	shalt  }
0x53: {  	_ =	shalt  }
0x54: {  	_ =	shalt  }
0x55: {  	_ =	shalt  }
0x56: {  	_ =	shalt  }
0x57: {  	_ =	shalt  }
0x58: {  	_ =	shalt  }
0x59: {  	_ =	shalt  }
0x5a: {  	_ =	shalt  }
0x5b: {  	_ =	shalt  }
0x5c: {  	_ =	shalt  }
0x5d: {  	_ =	shalt  }
0x5e: {  	_ =	shalt  }
0x5f: {  	_ =	shalt  }
0x60: {  	_ =	shalt  }
0x61: {  	_ =	shalt  }
0x62: {  	_ =	shalt  }
0x63: {  	_ =	shalt  }
0x64: {  	_ =	shalt  }
0x65: {  	_ =	shalt  }
0x66: {  	_ =	shalt  }
0x67: {  	_ =	shalt  }
0x68: {  	_ =	shalt  }
0x69: {  	_ =	shalt  }
0x6a: {  	_ =	shalt  }
0x6b: {  	_ =	shalt  }
0x6c: {  	_ =	shalt  }
0x6d: {  	_ =	shalt  }
0x6e: {  	_ =	shalt  }
0x6f: {  	_ =	shalt  }
0x70: {  	_ =	shalt  }
0x71: {  	_ =	shalt  }
0x72: {  	_ =	shalt  }
0x73: {  	_ =	shalt  }
0x74: {  	_ =	shalt  }
0x75: {  	_ =	shalt  }
0x76: {  	_ =	shalt  }
0x77: {  	_ =	shalt  }
0x78: {  	_ =	shalt  }
0x79: {  	_ =	shalt  }
0x7a: {  	_ =	shalt  }
0x7b: {  	_ =	shalt  }
0x7c: {  	_ =	shalt  }
0x7d: {  	_ =	shalt  }
0x7e: {  	_ =	shalt  }
0x7f: {  	_ =	shalt  }
0x80: {  	_ =	shalt  }
0x81: {  	_ =	shalt  }
0x82: {  	_ =	shalt  }
0x83: {  	_ =	shalt  }
0x84: {  	_ =	shalt  }
0x85: {  	_ =	shalt  }
0x86: {  	_ =	shalt  }
0x87: {  	_ =	shalt  }
.Lfunc_end0:
.L_simem_size_0:
called_computation_lowered:
.L_overlay_start_0:
0x88: {  	s2 =	sld [smem:$0x3FD9]  }
0x89: {  	s3 =	sld [smem:$0x3FFE];
	_ =	sdelay $0x1  }
0x8a: {  	s1 =	srdreg.scid  }
0x8b: {  	s0 =	sand.u32 $0x1, s1  }
0x8c: {  	s16 =	sshll.u32 s0, $0xA;
	s2 =	sadd.s32 s3, s2  }
0x8d: {  	s2 =	sadd.s32 s2, s16  }
0x8e: {  	[smem:$0x3FC0] =	sst s2  }
0x8f: {  	_ = 	snop  }
0x90: {  	(tm) =	ssettm $0x1  }
0x91: {  	s17 =	sld [smem:$0x3FFB];
	_ =	sdelay $0x3  }
0x92: {  	_ =	strace s17  }
0x93: {  	s2 =	sld [smem:$0x3FFC];
	_ =	sdelay $0x3  }
0x94: {  	_ =	strace s2  }
0x95: {  	s2 =	sld [smem:$0x3FFD];
	_ =	sdelay $0x3  }
0x96: {  	_ =	strace s2  }
0x97: {  	_ =	strace $0x8FFFFFFF  }
0x98: {  	s18 =	sld [smem:$0x3FDB];
	_ =	sdelay $0x1  }
0x99: {  	s19 =	simm.s32 $_scs_section_size  }
0x9a: {  	s4 =	simm.s32 $_size__tile_overlayer_lowered;
	s5 =	simm.s32 $_tile_overlayer_lowered  }
0x9b: {  	s22 =	simm.s32 $0x1BFF;
	s21 =	sshll.u32 s5, $0x1;
	s2 =	sadd.s32 s19, s18  }
0x9c: {  	s6 =	simm.s32 $0x0;
	s20 =	sshll.u32 s4, $0x1;
	s4 =	sadd.s32 s21, s2  }
0x9d: {  	[timem:s6], [sflag:s22] =	dma.local [hbm:s4], s20  }
0x9e: {  	_ =	swait.ge [sflag:s22], s20  }
0x9f: {  	s3 =	ssub.s32 $0x0, s20;
	[sflag:s22] =	ssyncset.done $0x0  }
0xa0: {  	[sflag:s22] =	ssyncadd.s32 s3;
	_ =	sdelay $0x1  }
0xa1: {  	s23 =	simm.s32 $0x1B8B  }
0xa2: {  	_ =	swait.ge [sflag:s23], $0x1  }
0xa3: {  	[sflag:s23] =	ssyncset.done $0x0  }
0xa4: {  	s25 =	simm.s32 $0x1B8E;
	s24 =	sld [smem:$0x3FFE];
	[sflag:s23] =	ssyncadd.s32 $0xFFFFFFFF  }
0xa5: {  	s26 =	simm.s32 $execute0_lowered;
	[smem:$0x3FD2] =	sst s25  }
0xa6: {  	s4 =	sshll.u32 s26, $0x1;
	_ =	strace $0x80000046;
	[dreg:$0x1] =	wrdreg $0xFFFFFFFF  }
0xa7: {  	s28 =	simm.s32 $_size_execute0_lowered;
	s2 =	sadd.s32 s2, s4;
	[dreg:$0x0] =	wrdreg $0x0  }
0xa8: {  	s4 =	sshll.u32 s28, $0x1;
	[dreg:$0x2] =	wrdreg s2  }
0xa9: {  	[dreg:$0x3] =	wrdreg s4  }
0xaa: {  	[dreg:$0x4] =	wrdreg $0xC0  }
0xab: {  	_ =	task [dreg:s6], $0x5FFFF  }
0xac: {  	[dreg:$0x1] =	wrdreg $0xFFFFFFFF  }
0xad: {  	[dreg:$0x0] =	wrdreg $0x60  }
0xae: {  	[dreg:$0x2] =	wrdreg s24  }
0xaf: {  	[dreg:$0x3] =	wrdreg $0x99800  }
0xb0: {  	[dreg:$0x4] =	wrdreg $0x9  }
0xb1: {  	_ =	task.clear_ibuf [dreg:s6], $0x5FFFF;
	_ =	strace $0x90000046  }
0xb2: {  	s29 =	simm.s32 $0x9;
	_ =	strace $0x80000048  }
0xb3: {  	_ =	swait.ge [sflag:s29], $0x1  }
0xb4: {  	[sflag:s29] =	ssyncadd.s32 $0xFFFFFFFF  }
0xb5: {  	_ =	strace $0x90000048  }
0xb6: {  	_ =	sfence  }
0xb7: {  	s30 =	sld [smem:$0x0];
	_ =	sdelay $0x2  }
0xb8: {  	s31 =	sshll.u32 s1, $0xD;
	s1 =	sshrl.u32 s1, $0x2  }
0xb9: {  	s3 =	sand.u32 $0x4000, s31;
	s1 =	sadd.s32 s1, s30  }
0xba: {  	s0 =	sor.u32 s3, s0;
	s1 =	sshll.u32 s1, $0x11  }
0xbb: {  	s0 =	sor.u32 s1, s0  }
0xbc: {  	s0 =	sadd.s32 $0x8F2B, s0  }
0xbd: {  	[sflag:s0] =	ssyncadd.remote.s32 $0x1  }
0xbe: {  	_ =	sfence.sel $0xFFFF  }
0xbf: {  	[dreg:$0x0] =	wrdreg $0xFFFFFFFF;
	(pc) =	sbr.abs _section_cstart, $3  }
0xc0: {  	[dreg:$0x1] =	wrdreg $0xFFFFFFFF  }
0xc1: {  	_ =	task.clear_ibuf [dreg:s6], $0x2FFFF;
	_ =	strace $0x9FFFFFFF  }
0xc2: {  	(tm) =	ssettm $0x7FFFFFFF  }
0xc3: {  	_ =	shalt  }
tec
execute0_lowered:
.L_overlay_start_1:
0x0: {  	(tag) =	ssettag $0x1  }
0x1: {  	s1 =	srdreg.scid  }
0x2: {  	s0 =	stileid.u32;
	s7 =	rddreg [dreg:$0x0];
	s28 =	sand.u32 $0x1, s1  }
0x3: {  	s2 =	rddreg [dreg:$0x1];
	s30 =	sshll.u32 s0, $0x8;
	s3 =	sshll.u32 s28, $0x7  }
0x4: {  	s1 =	rddreg [dreg:$0x2];
	s4 =	sor.u32 s3, s30;
	s3 =	simm.s32 $0x0  }
0x5: {  	s31 =	simm.s32 $0x100;
	[smem:$0x7FF] =	sst s3  }
0x6: {  	s6 =	simm.s32 $0x200;
	_ =	strace $0x80000047;
	[dreg:$0x5] =	wrdreg s31  }
0x7: {  	s8 =	simm.s32 $0x280;
	[dreg:$0x7] =	wrdreg s6  }
0x8: {  	s9 =	simm.s32 $0x300;
	[dreg:$0x8] =	wrdreg s8  }
0x9: {  	s10 =	simm.s32 $0x380;
	[dreg:$0x9] =	wrdreg s9  }
0xa: {  	s11 =	simm.s32 $0x400;
	[dreg:$0xa] =	wrdreg s10  }
0xb: {  	s12 =	simm.s32 $0x480;
	[dreg:$0xb] =	wrdreg s11  }
0xc: {  	s13 =	simm.s32 $0x500;
	[dreg:$0xc] =	wrdreg s12  }
0xd: {  	s14 =	simm.s32 $0x580;
	[dreg:$0xd] =	wrdreg s13  }
0xe: {  	s15 =	simm.s32 $0x600;
	[dreg:$0xe] =	wrdreg s14  }
0xf: {  	s16 =	simm.s32 $0x680;
	[dreg:$0xf] =	wrdreg s15  }
0x10: {  	s17 =	simm.s32 $0x700;
	[dreg:$0x10] =	wrdreg s16  }
0x11: {  	s18 =	simm.s32 $0x780;
	[dreg:$0x11] =	wrdreg s17  }
0x12: {  	s19 =	simm.s32 $0x800;
	[dreg:$0x12] =	wrdreg s18  }
0x13: {  	s20 =	simm.s32 $0x880;
	[dreg:$0x13] =	wrdreg s19  }
0x14: {  	s21 =	simm.s32 $0x900;
	[dreg:$0x14] =	wrdreg s20  }
0x15: {  	s22 =	simm.s32 $0x980;
	[dreg:$0x15] =	wrdreg s21  }
0x16: {  	s23 =	simm.s32 $0xA00;
	[dreg:$0x16] =	wrdreg s22  }
0x17: {  	s24 =	simm.s32 $0xA80;
	[dreg:$0x17] =	wrdreg s23  }
0x18: {  	s25 =	simm.s32 $0xB00;
	[dreg:$0x18] =	wrdreg s24  }
0x19: {  	s26 =	simm.s32 $0xB80;
	[dreg:$0x19] =	wrdreg s25  }
0x1a: {  	s29 =	simm.s32 $0xC00;
	[dreg:$0x1a] =	wrdreg s26  }
0x1b: {  	s30 =	simm.s32 $0xC80;
	[dreg:$0x1b] =	wrdreg s29  }
0x1c: {  	[dreg:$0x1c] =	wrdreg s30;
	s31 =	simm.s32 $0xD00  }
0x1d: {  	s6 =	simm.s32 $0xE00;
	[dreg:$0x1d] =	wrdreg s31  }
0x1e: {  	s8 =	simm.s32 $0xE80;
	[dreg:$0x1f] =	wrdreg s6  }
0x1f: {  	s9 =	simm.s32 $0xF00;
	[smem:$0x7EF] =	sst s8  }
0x20: {  	s10 =	simm.s32 $0xF80;
	[smem:$0x7F0] =	sst s9  }
0x21: {  	s11 =	simm.s32 $0x1080;
	[smem:$0x7F1] =	sst s10  }
0x22: {  	s12 =	simm.s32 $0x1100;
	[smem:$0x7F2] =	sst s11  }
0x23: {  	s13 =	simm.s32 $0x1180;
	[smem:$0x7F3] =	sst s12  }
0x24: {  	s14 =	simm.s32 $0x1200;
	[smem:$0x7F4] =	sst s13  }
0x25: {  	s15 =	simm.s32 $0x1280;
	[smem:$0x7F5] =	sst s14  }
0x26: {  	s16 =	simm.s32 $0x1300;
	[smem:$0x7F6] =	sst s15  }
0x27: {  	s17 =	simm.s32 $0x1380;
	[smem:$0x7F7] =	sst s16  }
0x28: {  	s18 =	simm.s32 $0x1400;
	[smem:$0x7F8] =	sst s17  }
0x29: {  	s5 =	sshrl.u32 s4, $0x3;
	s19 =	simm.s32 $0x1480;
	[smem:$0x7F9] =	sst s18  }
0x2a: {  	s4 =	sshll.u32 s4, $0x3;
	s20 =	simm.s32 $0x1500;
	[smem:$0x7FA] =	sst s19  }
0x2b: {  	s5 =	sadd.s32 s5, s7;
	s21 =	simm.s32 $0x1580;
	[smem:$0x7FB] =	sst s20  }
0x2c: {  	s4 =	sadd.s32 s4, s7;
	s5 =	sadd.s32 $0x1000, s5;
	[smem:$0x7FC] =	sst s21  }
0x2d: {  	s4 =	sadd.s32 $0x7400, s4;
	[dreg:$0x3] =	wrdreg s5  }
0x2e: {  	s9 =	simm.s32 $0x1600;
	[dreg:$0x4] =	wrdreg s4  }
0x2f: {  	s5 =	simm.s32 $0x180;
	[smem:$0x7FD] =	sst s9  }
0x30: {  	[dreg:$0x6] =	wrdreg s5  }
0x31: {  	s6 =	simm.s32 $0x1000;
	s5 =	simm.s32 $0xD80;
	s8 =	rddreg [dreg:$0x3]  }
0x32: {  	s4 =	simm.s32 $0x9;
	[dreg:$0x1e] =	wrdreg s5;
	s5 =	simm.s32 $0x80  }
0x33: {  	[tilespmem:s3], [sflag:$0x9] =	stream.strided.gather [hbm4b:s8+s5], $0x1900, s6, s5, $0x38;
	[tilespmem:$0xB980] =	vst v63  }
0x34: {  	s22 =	sshll.u32 s0, $0x7;
	_ =	swait.ge [sflag:s4], $0x1900  }
0x35: {  	v7 =	vlaneseq.u32;
	s23 =	sor.u32 $0x70, s22;
	[sflag:s4] =	ssyncset.done $0x0  }
0x36: {  	s10 =	sor.u32 $0x60, s22;
	v0 =	vor.u32 s23, v7;
	[sflag:s4] =	ssyncadd.s32 $0xFFFFE700  }
0x37: {  	s24 =	sor.u32 $0x50, s22;
	v1 =	vor.u32 s10, v7;
	[tilespmem:$0x1970] =	vst v0  }
0x38: {  	s25 =	sor.u32 $0x40, s22;
	v2 =	vor.u32 s24, v7;
	[tilespmem:$0x1960] =	vst v1  }
0x39: {  	s26 =	sor.u32 $0x30, s22;
	v3 =	vor.u32 s25, v7;
	[tilespmem:$0x1950] =	vst v2  }
0x3a: {  	s29 =	sor.u32 $0x20, s22;
	v4 =	vor.u32 s26, v7;
	[tilespmem:$0x1940] =	vst v3  }
0x3b: {  	v5 =	vor.u32 s29, v7;
	[tilespmem:$0x1930] =	vst v4  }
0x3c: {  	v6 =	vor.u32 s22, v7;
	s8 =	sor.u32 $0x10, s22;
	[tilespmem:$0x1920] =	vst v5  }
0x3d: {  	v7 =	vor.u32 s8, v7;
	[tilespmem:$0x1900] =	vst v6  }
0x3e: {  	s7 =	sadd.s32 $0xF43400, s7;
	s8 =	simm.s32 $0x1980;
	[tilespmem:$0x1910] =	vst v7  }
0x3f: {  	[tilespmem:s8], [sflag:$0x1] =	stream.indirect.gather [hbm4b:s7+s5], $0x40, s3, s5, $0xb8;
	[tilespmem:$0xB980] =	vst v63  }
0x40: {  	s9 =	simm.s32 $0x3980  }
0x41: {  	[tilespmem:s9], [sflag:$0x2] =	stream.indirect.gather [hbm4b:s7+s5], $0x40, s5, s5, $0xb8;
	[tilespmem:$0xB980] =	vst v63  }
0x42: {  	s10 =	simm.s32 $0x5980;
	s11 =	rddreg [dreg:$0x5]  }
0x43: {  	[tilespmem:s10], [sflag:$0x3] =	stream.indirect.gather [hbm4b:s7+s5], $0x40, s11, s5, $0xb8;
	[tilespmem:$0xB980] =	vst v63  }
0x44: {  	s12 =	simm.s32 $0x7980;
	s13 =	simm.s32 $0x1;
	s14 =	rddreg [dreg:$0x6]  }
0x45: {  	[tilespmem:s12], [sflag:$0x4] =	stream.indirect.gather [hbm4b:s7+s5], $0x40, s14, s5, $0xb8;
	[tilespmem:$0xB980] =	vst v63  }
0x46: {  	_ =	swait.ge [sflag:s13], $0x2000  }
0x47: {  	s30 =	sshll.u32 s0, $0xD;
	[sflag:s13] =	ssyncset.done $0x0  }
0x48: {  	s11 =	sadd.s32 s30, s2;
	s14 =	simm.s32 $0x5;
	[sflag:s13] =	ssyncadd.s32 $0xFFFFE000  }
0x49: {  	[spmem:s11] =	stream.linear.scatter [tilespmem:s8], [sflag:$0x5], $0x2000, $0x38;
	[tilespmem:$0xB980] =	vst v63  }
0x4a: {  	_ =	swait.ge [sflag:s14], $0x2000  }
0x4b: {  	[sflag:s14] =	ssyncset.done $0x0  }
0x4c: {  	s15 =	simm.s32 $0x2;
	s16 =	rddreg [dreg:$0x7];
	[sflag:s14] =	ssyncadd.s32 $0xFFFFE000  }
0x4d: {  	[tilespmem:s8], [sflag:$0x1] =	stream.indirect.gather [hbm4b:s7+s5], $0x40, s16, s5, $0xb8;
	[tilespmem:$0xB980] =	vst v63  }
0x4e: {  	_ =	swait.ge [sflag:s15], $0x2000  }
0x4f: {  	[sflag:s15] =	ssyncset.done $0x0  }
0x50: {  	s18 =	simm.s32 $0x3;
	s16 =	simm.s32 $0x1900;
	[sflag:s15] =	ssyncadd.s32 $0xFFFFE000  }
0x51: {  	[spmem:s2] =	stream.indirect.scatter.add.f32 [tilespmem:s9], [sflag:$0x6], $0x40, s16, s5, $0xb8;
	[tilespmem:$0xB980] =	vst v63  }
0x52: {  	_ =	swait.ge [sflag:s18], $0x2000  }
0x53: {  	[sflag:s18] =	ssyncset.done $0x0  }
0x54: {  	s17 =	simm.s32 $0x6;
	[sflag:s18] =	ssyncadd.s32 $0xFFFFE000  }
0x55: {  	[spmem:s2] =	stream.indirect.scatter.add.f32 [tilespmem:s10], [sflag:$0x7], $0x40, s16, s5, $0xb8;
	[tilespmem:$0xB980] =	vst v63  }
0x56: {  	_ =	swait.ge [sflag:s17], $0x2000  }
0x57: {  	[sflag:s17] =	ssyncset.done $0x0  }
0x58: {  	s19 =	simm.s32 $0x4;
	s20 =	rddreg [dreg:$0x8];
	[sflag:s17] =	ssyncadd.s32 $0xFFFFE000  }
0x59: {  	[tilespmem:s9], [sflag:$0x2] =	stream.indirect.gather [hbm4b:s7+s5], $0x40, s20, s5, $0xb8;
	[tilespmem:$0xB980] =	vst v63  }
0x5a: {  	_ =	swait.ge [sflag:s19], $0x2000  }
0x5b: {  	[sflag:s19] =	ssyncset.done $0x0  }
0x5c: {  	s20 =	simm.s32 $0x7;
	[sflag:s19] =	ssyncadd.s32 $0xFFFFE000  }
0x5d: {  	[spmem:s2] =	stream.indirect.scatter.add.f32 [tilespmem:s12], [sflag:$0x8], $0x40, s16, s5, $0xb8;
	[tilespmem:$0xB980] =	vst v63  }
0x5e: {  	_ =	swait.ge [sflag:s20], $0x2000  }
0x5f: {  	[sflag:s20] =	ssyncset.done $0x0  }
0x60: {  	s21 =	rddreg [dreg:$0x9];
	[sflag:s20] =	ssyncadd.s32 $0xFFFFE000  }
0x61: {  	[tilespmem:s10], [sflag:$0x3] =	stream.indirect.gather [hbm4b:s7+s5], $0x40, s21, s5, $0xb8;
	[tilespmem:$0xB980] =	vst v63  }
0x62: {  	_ =	swait.ge [sflag:s13], $0x2000  }
0x63: {  	[sflag:s13] =	ssyncset.done $0x0  }
0x64: {  	s21 =	simm.s32 $0x8;
	[sflag:s13] =	ssyncadd.s32 $0xFFFFE000  }
0x65: {  	[spmem:s2] =	stream.indirect.scatter.add.f32 [tilespmem:s8], [sflag:$0x5], $0x40, s16, s5, $0xb8;
	[tilespmem:$0xB980] =	vst v63  }
0x66: {  	_ =	swait.ge [sflag:s21], $0x2000  }
0x67: {  	[sflag:s21] =	ssyncset.done $0x0  }
0x68: {  	s22 =	rddreg [dreg:$0xa];
	[sflag:s21] =	ssyncadd.s32 $0xFFFFE000  }
0x69: {  	[tilespmem:s12], [sflag:$0x4] =	stream.indirect.gather [hbm4b:s7+s5], $0x40, s22, s5, $0xb8;
	[tilespmem:$0xB980] =	vst v63  }
0x6a: {  	_ =	swait.ge [sflag:s15], $0x2000  }
0x6b: {  	[sflag:s15] =	ssyncset.done $0x0  }
0x6c: {  	[sflag:s15] =	ssyncadd.s32 $0xFFFFE000  }
0x6d: {  	[spmem:s2] =	stream.indirect.scatter.add.f32 [tilespmem:s9], [sflag:$0x6], $0x40, s16, s5, $0xb8;
	[tilespmem:$0xB980] =	vst v63  }
0x6e: {  	_ =	swait.ge [sflag:s14], $0x2000  }
0x6f: {  	[sflag:s14] =	ssyncset.done $0x0  }
0x70: {  	s31 =	rddreg [dreg:$0xb];
	[sflag:s14] =	ssyncadd.s32 $0xFFFFE000  }
0x71: {  	[tilespmem:s8], [sflag:$0x1] =	stream.indirect.gather [hbm4b:s7+s5], $0x40, s31, s5, $0xb8;
	[tilespmem:$0xB980] =	vst v63  }
0x72: {  	_ =	swait.ge [sflag:s18], $0x2000  }
0x73: {  	[sflag:s18] =	ssyncset.done $0x0  }
0x74: {  	[sflag:s18] =	ssyncadd.s32 $0xFFFFE000  }
0x75: {  	[spmem:s2] =	stream.indirect.scatter.add.f32 [tilespmem:s10], [sflag:$0x7], $0x40, s16, s5, $0xb8;
	[tilespmem:$0xB980] =	vst v63  }
0x76: {  	_ =	swait.ge [sflag:s17], $0x2000  }
0x77: {  	[sflag:s17] =	ssyncset.done $0x0  }
0x78: {  	s23 =	rddreg [dreg:$0xc];
	[sflag:s17] =	ssyncadd.s32 $0xFFFFE000  }
0x79: {  	[tilespmem:s9], [sflag:$0x2] =	stream.indirect.gather [hbm4b:s7+s5], $0x40, s23, s5, $0xb8;
	[tilespmem:$0xB980] =	vst v63  }
0x7a: {  	_ =	swait.ge [sflag:s19], $0x2000  }
0x7b: {  	[sflag:s19] =	ssyncset.done $0x0  }
0x7c: {  	[sflag:s19] =	ssyncadd.s32 $0xFFFFE000  }
0x7d: {  	[spmem:s2] =	stream.indirect.scatter.add.f32 [tilespmem:s12], [sflag:$0x8], $0x40, s16, s5, $0xb8;
	[tilespmem:$0xB980] =	vst v63  }
0x7e: {  	_ =	swait.ge [sflag:s20], $0x2000  }
0x7f: {  	[sflag:s20] =	ssyncset.done $0x0  }
0x80: {  	s24 =	rddreg [dreg:$0xd];
	[sflag:s20] =	ssyncadd.s32 $0xFFFFE000  }
0x81: {  	[tilespmem:s10], [sflag:$0x3] =	stream.indirect.gather [hbm4b:s7+s5], $0x40, s24, s5, $0xb8;
	[tilespmem:$0xB980] =	vst v63  }
0x82: {  	_ =	swait.ge [sflag:s13], $0x2000  }
0x83: {  	[sflag:s13] =	ssyncset.done $0x0  }
0x84: {  	[sflag:s13] =	ssyncadd.s32 $0xFFFFE000  }
0x85: {  	[spmem:s2] =	stream.indirect.scatter.add.f32 [tilespmem:s8], [sflag:$0x5], $0x40, s16, s5, $0xb8;
	[tilespmem:$0xB980] =	vst v63  }
0x86: {  	_ =	swait.ge [sflag:s21], $0x2000  }
0x87: {  	[sflag:s21] =	ssyncset.done $0x0  }
0x88: {  	s25 =	rddreg [dreg:$0xe];
	[sflag:s21] =	ssyncadd.s32 $0xFFFFE000  }
0x89: {  	[tilespmem:s12], [sflag:$0x4] =	stream.indirect.gather [hbm4b:s7+s5], $0x40, s25, s5, $0xb8;
	[tilespmem:$0xB980] =	vst v63  }
0x8a: {  	_ =	swait.ge [sflag:s15], $0x2000  }
0x8b: {  	[sflag:s15] =	ssyncset.done $0x0  }
0x8c: {  	[sflag:s15] =	ssyncadd.s32 $0xFFFFE000  }
0x8d: {  	[spmem:s2] =	stream.indirect.scatter.add.f32 [tilespmem:s9], [sflag:$0x6], $0x40, s16, s5, $0xb8;
	[tilespmem:$0xB980] =	vst v63  }
0x8e: {  	_ =	swait.ge [sflag:s14], $0x2000  }
0x8f: {  	[sflag:s14] =	ssyncset.done $0x0  }
0x90: {  	s26 =	rddreg [dreg:$0xf];
	[sflag:s14] =	ssyncadd.s32 $0xFFFFE000  }
0x91: {  	[tilespmem:s8], [sflag:$0x1] =	stream.indirect.gather [hbm4b:s7+s5], $0x40, s26, s5, $0xb8;
	[tilespmem:$0xB980] =	vst v63  }
0x92: {  	_ =	swait.ge [sflag:s18], $0x2000  }
0x93: {  	[sflag:s18] =	ssyncset.done $0x0  }
0x94: {  	[sflag:s18] =	ssyncadd.s32 $0xFFFFE000  }
0x95: {  	[spmem:s2] =	stream.indirect.scatter.add.f32 [tilespmem:s10], [sflag:$0x7], $0x40, s16, s5, $0xb8;
	[tilespmem:$0xB980] =	vst v63  }
0x96: {  	_ =	swait.ge [sflag:s17], $0x2000  }
0x97: {  	[sflag:s17] =	ssyncset.done $0x0  }
0x98: {  	s29 =	rddreg [dreg:$0x10];
	[sflag:s17] =	ssyncadd.s32 $0xFFFFE000  }
0x99: {  	[tilespmem:s9], [sflag:$0x2] =	stream.indirect.gather [hbm4b:s7+s5], $0x40, s29, s5, $0xb8;
	[tilespmem:$0xB980] =	vst v63  }
0x9a: {  	_ =	swait.ge [sflag:s19], $0x2000  }
0x9b: {  	[sflag:s19] =	ssyncset.done $0x0  }
0x9c: {  	[sflag:s19] =	ssyncadd.s32 $0xFFFFE000  }
0x9d: {  	[spmem:s2] =	stream.indirect.scatter.add.f32 [tilespmem:s12], [sflag:$0x8], $0x40, s16, s5, $0xb8;
	[tilespmem:$0xB980] =	vst v63  }
0x9e: {  	_ =	swait.ge [sflag:s20], $0x2000  }
0x9f: {  	[sflag:s20] =	ssyncset.done $0x0  }
0xa0: {  	s30 =	rddreg [dreg:$0x11];
	[sflag:s20] =	ssyncadd.s32 $0xFFFFE000  }
0xa1: {  	[tilespmem:s10], [sflag:$0x3] =	stream.indirect.gather [hbm4b:s7+s5], $0x40, s30, s5, $0xb8;
	[tilespmem:$0xB980] =	vst v63  }
0xa2: {  	_ =	swait.ge [sflag:s13], $0x2000  }
0xa3: {  	[sflag:s13] =	ssyncset.done $0x0  }
0xa4: {  	[sflag:s13] =	ssyncadd.s32 $0xFFFFE000  }
0xa5: {  	[spmem:s2] =	stream.indirect.scatter.add.f32 [tilespmem:s8], [sflag:$0x5], $0x40, s16, s5, $0xb8;
	[tilespmem:$0xB980] =	vst v63  }
0xa6: {  	_ =	swait.ge [sflag:s21], $0x2000  }
0xa7: {  	[sflag:s21] =	ssyncset.done $0x0  }
0xa8: {  	s31 =	rddreg [dreg:$0x12];
	[sflag:s21] =	ssyncadd.s32 $0xFFFFE000  }
0xa9: {  	[tilespmem:s12], [sflag:$0x4] =	stream.indirect.gather [hbm4b:s7+s5], $0x40, s31, s5, $0xb8;
	[tilespmem:$0xB980] =	vst v63  }
0xaa: {  	_ =	swait.ge [sflag:s15], $0x2000  }
0xab: {  	[sflag:s15] =	ssyncset.done $0x0  }
0xac: {  	[sflag:s15] =	ssyncadd.s32 $0xFFFFE000  }
0xad: {  	[spmem:s2] =	stream.indirect.scatter.add.f32 [tilespmem:s9], [sflag:$0x6], $0x40, s16, s5, $0xb8;
	[tilespmem:$0xB980] =	vst v63  }
0xae: {  	_ =	swait.ge [sflag:s14], $0x2000  }
0xaf: {  	[sflag:s14] =	ssyncset.done $0x0  }
0xb0: {  	s23 =	rddreg [dreg:$0x13];
	[sflag:s14] =	ssyncadd.s32 $0xFFFFE000  }
0xb1: {  	[tilespmem:s8], [sflag:$0x1] =	stream.indirect.gather [hbm4b:s7+s5], $0x40, s23, s5, $0xb8;
	[tilespmem:$0xB980] =	vst v63  }
0xb2: {  	_ =	swait.ge [sflag:s18], $0x2000  }
0xb3: {  	[sflag:s18] =	ssyncset.done $0x0  }
0xb4: {  	[sflag:s18] =	ssyncadd.s32 $0xFFFFE000  }
0xb5: {  	[spmem:s2] =	stream.indirect.scatter.add.f32 [tilespmem:s10], [sflag:$0x7], $0x40, s16, s5, $0xb8;
	[tilespmem:$0xB980] =	vst v63  }
0xb6: {  	_ =	swait.ge [sflag:s17], $0x2000  }
0xb7: {  	[sflag:s17] =	ssyncset.done $0x0  }
0xb8: {  	s24 =	rddreg [dreg:$0x14];
	[sflag:s17] =	ssyncadd.s32 $0xFFFFE000  }
0xb9: {  	[tilespmem:s9], [sflag:$0x2] =	stream.indirect.gather [hbm4b:s7+s5], $0x40, s24, s5, $0xb8;
	[tilespmem:$0xB980] =	vst v63  }
0xba: {  	_ =	swait.ge [sflag:s19], $0x2000  }
0xbb: {  	[sflag:s19] =	ssyncset.done $0x0  }
0xbc: {  	[sflag:s19] =	ssyncadd.s32 $0xFFFFE000  }
0xbd: {  	[spmem:s2] =	stream.indirect.scatter.add.f32 [tilespmem:s12], [sflag:$0x8], $0x40, s16, s5, $0xb8;
	[tilespmem:$0xB980] =	vst v63  }
0xbe: {  	_ =	swait.ge [sflag:s20], $0x2000  }
0xbf: {  	[sflag:s20] =	ssyncset.done $0x0  }
0xc0: {  	s25 =	rddreg [dreg:$0x15];
	[sflag:s20] =	ssyncadd.s32 $0xFFFFE000  }
0xc1: {  	[tilespmem:s10], [sflag:$0x3] =	stream.indirect.gather [hbm4b:s7+s5], $0x40, s25, s5, $0xb8;
	[tilespmem:$0xB980] =	vst v63  }
0xc2: {  	_ =	swait.ge [sflag:s13], $0x2000  }
0xc3: {  	[sflag:s13] =	ssyncset.done $0x0  }
0xc4: {  	[sflag:s13] =	ssyncadd.s32 $0xFFFFE000  }
0xc5: {  	[spmem:s2] =	stream.indirect.scatter.add.f32 [tilespmem:s8], [sflag:$0x5], $0x40, s16, s5, $0xb8;
	[tilespmem:$0xB980] =	vst v63  }
0xc6: {  	_ =	swait.ge [sflag:s21], $0x2000  }
0xc7: {  	[sflag:s21] =	ssyncset.done $0x0  }
0xc8: {  	s26 =	rddreg [dreg:$0x16];
	[sflag:s21] =	ssyncadd.s32 $0xFFFFE000  }
0xc9: {  	[tilespmem:s12], [sflag:$0x4] =	stream.indirect.gather [hbm4b:s7+s5], $0x40, s26, s5, $0xb8;
	[tilespmem:$0xB980] =	vst v63  }
0xca: {  	_ =	swait.ge [sflag:s15], $0x2000  }
0xcb: {  	[sflag:s15] =	ssyncset.done $0x0  }
0xcc: {  	[sflag:s15] =	ssyncadd.s32 $0xFFFFE000  }
0xcd: {  	[spmem:s2] =	stream.indirect.scatter.add.f32 [tilespmem:s9], [sflag:$0x6], $0x40, s16, s5, $0xb8;
	[tilespmem:$0xB980] =	vst v63  }
0xce: {  	_ =	swait.ge [sflag:s14], $0x2000  }
0xcf: {  	[sflag:s14] =	ssyncset.done $0x0  }
0xd0: {  	s29 =	rddreg [dreg:$0x17];
	[sflag:s14] =	ssyncadd.s32 $0xFFFFE000  }
0xd1: {  	[tilespmem:s8], [sflag:$0x1] =	stream.indirect.gather [hbm4b:s7+s5], $0x40, s29, s5, $0xb8;
	[tilespmem:$0xB980] =	vst v63  }
0xd2: {  	_ =	swait.ge [sflag:s18], $0x2000  }
0xd3: {  	[sflag:s18] =	ssyncset.done $0x0  }
0xd4: {  	[sflag:s18] =	ssyncadd.s32 $0xFFFFE000  }
0xd5: {  	[spmem:s2] =	stream.indirect.scatter.add.f32 [tilespmem:s10], [sflag:$0x7], $0x40, s16, s5, $0xb8;
	[tilespmem:$0xB980] =	vst v63  }
0xd6: {  	_ =	swait.ge [sflag:s17], $0x2000  }
0xd7: {  	[sflag:s17] =	ssyncset.done $0x0  }
0xd8: {  	s30 =	rddreg [dreg:$0x18];
	[sflag:s17] =	ssyncadd.s32 $0xFFFFE000  }
0xd9: {  	[tilespmem:s9], [sflag:$0x2] =	stream.indirect.gather [hbm4b:s7+s5], $0x40, s30, s5, $0xb8;
	[tilespmem:$0xB980] =	vst v63  }
0xda: {  	_ =	swait.ge [sflag:s19], $0x2000  }
0xdb: {  	[sflag:s19] =	ssyncset.done $0x0  }
0xdc: {  	[sflag:s19] =	ssyncadd.s32 $0xFFFFE000  }
0xdd: {  	[spmem:s2] =	stream.indirect.scatter.add.f32 [tilespmem:s12], [sflag:$0x8], $0x40, s16, s5, $0xb8;
	[tilespmem:$0xB980] =	vst v63  }
0xde: {  	_ =	swait.ge [sflag:s20], $0x2000  }
0xdf: {  	[sflag:s20] =	ssyncset.done $0x0  }
0xe0: {  	s31 =	rddreg [dreg:$0x19];
	[sflag:s20] =	ssyncadd.s32 $0xFFFFE000  }
0xe1: {  	[tilespmem:s10], [sflag:$0x3] =	stream.indirect.gather [hbm4b:s7+s5], $0x40, s31, s5, $0xb8;
	[tilespmem:$0xB980] =	vst v63  }
0xe2: {  	_ =	swait.ge [sflag:s13], $0x2000  }
0xe3: {  	[sflag:s13] =	ssyncset.done $0x0  }
0xe4: {  	[sflag:s13] =	ssyncadd.s32 $0xFFFFE000  }
0xe5: {  	[spmem:s2] =	stream.indirect.scatter.add.f32 [tilespmem:s8], [sflag:$0x5], $0x40, s16, s5, $0xb8;
	[tilespmem:$0xB980] =	vst v63  }
0xe6: {  	_ =	swait.ge [sflag:s21], $0x2000  }
0xe7: {  	[sflag:s21] =	ssyncset.done $0x0  }
0xe8: {  	s23 =	rddreg [dreg:$0x1a];
	[sflag:s21] =	ssyncadd.s32 $0xFFFFE000  }
0xe9: {  	[tilespmem:s12], [sflag:$0x4] =	stream.indirect.gather [hbm4b:s7+s5], $0x40, s23, s5, $0xb8;
	[tilespmem:$0xB980] =	vst v63  }
0xea: {  	_ =	swait.ge [sflag:s15], $0x2000  }
0xeb: {  	[sflag:s15] =	ssyncset.done $0x0  }
0xec: {  	[sflag:s15] =	ssyncadd.s32 $0xFFFFE000  }
0xed: {  	[spmem:s2] =	stream.indirect.scatter.add.f32 [tilespmem:s9], [sflag:$0x6], $0x40, s16, s5, $0xb8;
	[tilespmem:$0xB980] =	vst v63  }
0xee: {  	_ =	swait.ge [sflag:s14], $0x2000  }
0xef: {  	[sflag:s14] =	ssyncset.done $0x0  }
0xf0: {  	s24 =	rddreg [dreg:$0x1b];
	[sflag:s14] =	ssyncadd.s32 $0xFFFFE000  }
0xf1: {  	[tilespmem:s8], [sflag:$0x1] =	stream.indirect.gather [hbm4b:s7+s5], $0x40, s24, s5, $0xb8;
	[tilespmem:$0xB980] =	vst v63  }
0xf2: {  	_ =	swait.ge [sflag:s18], $0x2000  }
0xf3: {  	[sflag:s18] =	ssyncset.done $0x0  }
0xf4: {  	[sflag:s18] =	ssyncadd.s32 $0xFFFFE000  }
0xf5: {  	[spmem:s2] =	stream.indirect.scatter.add.f32 [tilespmem:s10], [sflag:$0x7], $0x40, s16, s5, $0xb8;
	[tilespmem:$0xB980] =	vst v63  }
0xf6: {  	_ =	swait.ge [sflag:s17], $0x2000  }
0xf7: {  	[sflag:s17] =	ssyncset.done $0x0  }
0xf8: {  	s25 =	rddreg [dreg:$0x1c];
	[sflag:s17] =	ssyncadd.s32 $0xFFFFE000  }
0xf9: {  	[tilespmem:s9], [sflag:$0x2] =	stream.indirect.gather [hbm4b:s7+s5], $0x40, s25, s5, $0xb8;
	[tilespmem:$0xB980] =	vst v63  }
0xfa: {  	_ =	swait.ge [sflag:s19], $0x2000  }
0xfb: {  	[sflag:s19] =	ssyncset.done $0x0  }
0xfc: {  	[sflag:s19] =	ssyncadd.s32 $0xFFFFE000  }
0xfd: {  	[spmem:s2] =	stream.indirect.scatter.add.f32 [tilespmem:s12], [sflag:$0x8], $0x40, s16, s5, $0xb8;
	[tilespmem:$0xB980] =	vst v63  }
0xfe: {  	_ =	swait.ge [sflag:s20], $0x2000  }
0xff: {  	[sflag:s20] =	ssyncset.done $0x0  }
0x100: {  	s26 =	rddreg [dreg:$0x1d];
	[sflag:s20] =	ssyncadd.s32 $0xFFFFE000  }
0x101: {  	[tilespmem:s10], [sflag:$0x3] =	stream.indirect.gather [hbm4b:s7+s5], $0x40, s26, s5, $0xb8;
	[tilespmem:$0xB980] =	vst v63  }
0x102: {  	_ =	swait.ge [sflag:s13], $0x2000  }
0x103: {  	[sflag:s13] =	ssyncset.done $0x0  }
0x104: {  	[sflag:s13] =	ssyncadd.s32 $0xFFFFE000  }
0x105: {  	[spmem:s2] =	stream.indirect.scatter.add.f32 [tilespmem:s8], [sflag:$0x5], $0x40, s16, s5, $0xb8;
	[tilespmem:$0xB980] =	vst v63  }
0x106: {  	_ =	swait.ge [sflag:s21], $0x2000  }
0x107: {  	[sflag:s21] =	ssyncset.done $0x0  }
0x108: {  	s29 =	rddreg [dreg:$0x1e];
	[sflag:s21] =	ssyncadd.s32 $0xFFFFE000  }
0x109: {  	[tilespmem:s12], [sflag:$0x4] =	stream.indirect.gather [hbm4b:s7+s5], $0x40, s29, s5, $0xb8;
	[tilespmem:$0xB980] =	vst v63  }
0x10a: {  	_ =	swait.ge [sflag:s15], $0x2000  }
0x10b: {  	[sflag:s15] =	ssyncset.done $0x0  }
0x10c: {  	[sflag:s15] =	ssyncadd.s32 $0xFFFFE000  }
0x10d: {  	[spmem:s2] =	stream.indirect.scatter.add.f32 [tilespmem:s9], [sflag:$0x6], $0x40, s16, s5, $0xb8;
	[tilespmem:$0xB980] =	vst v63  }
0x10e: {  	_ =	swait.ge [sflag:s14], $0x2000  }
0x10f: {  	[sflag:s14] =	ssyncset.done $0x0  }
0x110: {  	s30 =	rddreg [dreg:$0x1f];
	[sflag:s14] =	ssyncadd.s32 $0xFFFFE000  }
0x111: {  	[tilespmem:s8], [sflag:$0x1] =	stream.indirect.gather [hbm4b:s7+s5], $0x40, s30, s5, $0xb8;
	[tilespmem:$0xB980] =	vst v63  }
0x112: {  	_ =	swait.ge [sflag:s18], $0x2000  }
0x113: {  	[sflag:s18] =	ssyncset.done $0x0  }
0x114: {  	[sflag:s18] =	ssyncadd.s32 $0xFFFFE000  }
0x115: {  	[spmem:s2] =	stream.indirect.scatter.add.f32 [tilespmem:s10], [sflag:$0x7], $0x40, s16, s5, $0xb8;
	[tilespmem:$0xB980] =	vst v63  }
0x116: {  	_ =	swait.ge [sflag:s17], $0x2000  }
0x117: {  	s31 =	sld [smem:$0x7EF]  }
0x118: {  	[sflag:s17] =	ssyncset.done $0x0  }
0x119: {  	[sflag:s17] =	ssyncadd.s32 $0xFFFFE000  }
0x11a: {  	[tilespmem:s9], [sflag:$0x2] =	stream.indirect.gather [hbm4b:s7+s5], $0x40, s31, s5, $0xb8;
	[tilespmem:$0xB980] =	vst v63  }
0x11b: {  	_ =	swait.ge [sflag:s19], $0x2000  }
0x11c: {  	[sflag:s19] =	ssyncset.done $0x0  }
0x11d: {  	[sflag:s19] =	ssyncadd.s32 $0xFFFFE000  }
0x11e: {  	[spmem:s2] =	stream.indirect.scatter.add.f32 [tilespmem:s12], [sflag:$0x8], $0x40, s16, s5, $0xb8;
	[tilespmem:$0xB980] =	vst v63  }
0x11f: {  	_ =	swait.ge [sflag:s20], $0x2000  }
0x120: {  	s23 =	sld [smem:$0x7F0]  }
0x121: {  	[sflag:s20] =	ssyncset.done $0x0  }
0x122: {  	[sflag:s20] =	ssyncadd.s32 $0xFFFFE000  }
0x123: {  	[tilespmem:s10], [sflag:$0x3] =	stream.indirect.gather [hbm4b:s7+s5], $0x40, s23, s5, $0xb8;
	[tilespmem:$0xB980] =	vst v63  }
0x124: {  	_ =	swait.ge [sflag:s13], $0x2000  }
0x125: {  	[sflag:s13] =	ssyncset.done $0x0  }
0x126: {  	[sflag:s13] =	ssyncadd.s32 $0xFFFFE000  }
0x127: {  	[spmem:s2] =	stream.indirect.scatter.add.f32 [tilespmem:s8], [sflag:$0x5], $0x40, s16, s5, $0xb8;
	[tilespmem:$0xB980] =	vst v63  }
0x128: {  	_ =	swait.ge [sflag:s21], $0x2000  }
0x129: {  	s24 =	sld [smem:$0x7F1]  }
0x12a: {  	[sflag:s21] =	ssyncset.done $0x0  }
0x12b: {  	[sflag:s21] =	ssyncadd.s32 $0xFFFFE000  }
0x12c: {  	[tilespmem:s12], [sflag:$0x4] =	stream.indirect.gather [hbm4b:s7+s5], $0x40, s24, s5, $0xb8;
	[tilespmem:$0xB980] =	vst v63  }
0x12d: {  	_ =	swait.ge [sflag:s15], $0x2000  }
0x12e: {  	[sflag:s15] =	ssyncset.done $0x0  }
0x12f: {  	[sflag:s15] =	ssyncadd.s32 $0xFFFFE000  }
0x130: {  	[spmem:s2] =	stream.indirect.scatter.add.f32 [tilespmem:s9], [sflag:$0x6], $0x40, s16, s5, $0xb8;
	[tilespmem:$0xB980] =	vst v63  }
0x131: {  	_ =	swait.ge [sflag:s14], $0x2000  }
0x132: {  	[sflag:s14] =	ssyncset.done $0x0  }
0x133: {  	[sflag:s14] =	ssyncadd.s32 $0xFFFFE000  }
0x134: {  	[tilespmem:s8], [sflag:$0x1] =	stream.indirect.gather [hbm4b:s7+s5], $0x40, s6, s5, $0xb8;
	[tilespmem:$0xB980] =	vst v63  }
0x135: {  	_ =	swait.ge [sflag:s18], $0x2000  }
0x136: {  	[sflag:s18] =	ssyncset.done $0x0  }
0x137: {  	[sflag:s18] =	ssyncadd.s32 $0xFFFFE000  }
0x138: {  	[spmem:s2] =	stream.indirect.scatter.add.f32 [tilespmem:s10], [sflag:$0x7], $0x40, s16, s5, $0xb8;
	[tilespmem:$0xB980] =	vst v63  }
0x139: {  	_ =	swait.ge [sflag:s17], $0x2000  }
0x13a: {  	s25 =	sld [smem:$0x7F2]  }
0x13b: {  	[sflag:s17] =	ssyncset.done $0x0  }
0x13c: {  	[sflag:s17] =	ssyncadd.s32 $0xFFFFE000  }
0x13d: {  	[tilespmem:s9], [sflag:$0x2] =	stream.indirect.gather [hbm4b:s7+s5], $0x40, s25, s5, $0xb8;
	[tilespmem:$0xB980] =	vst v63  }
0x13e: {  	_ =	swait.ge [sflag:s19], $0x2000  }
0x13f: {  	[sflag:s19] =	ssyncset.done $0x0  }
0x140: {  	[sflag:s19] =	ssyncadd.s32 $0xFFFFE000  }
0x141: {  	[spmem:s2] =	stream.indirect.scatter.add.f32 [tilespmem:s12], [sflag:$0x8], $0x40, s16, s5, $0xb8;
	[tilespmem:$0xB980] =	vst v63  }
0x142: {  	_ =	swait.ge [sflag:s20], $0x2000  }
0x143: {  	s26 =	sld [smem:$0x7F3]  }
0x144: {  	[sflag:s20] =	ssyncset.done $0x0  }
0x145: {  	[sflag:s20] =	ssyncadd.s32 $0xFFFFE000  }
0x146: {  	[tilespmem:s10], [sflag:$0x3] =	stream.indirect.gather [hbm4b:s7+s5], $0x40, s26, s5, $0xb8;
	[tilespmem:$0xB980] =	vst v63  }
0x147: {  	_ =	swait.ge [sflag:s13], $0x2000  }
0x148: {  	[sflag:s13] =	ssyncset.done $0x0  }
0x149: {  	[sflag:s13] =	ssyncadd.s32 $0xFFFFE000  }
0x14a: {  	[spmem:s2] =	stream.indirect.scatter.add.f32 [tilespmem:s8], [sflag:$0x5], $0x40, s16, s5, $0xb8;
	[tilespmem:$0xB980] =	vst v63  }
0x14b: {  	_ =	swait.ge [sflag:s21], $0x2000  }
0x14c: {  	s29 =	sld [smem:$0x7F4]  }
0x14d: {  	[sflag:s21] =	ssyncset.done $0x0  }
0x14e: {  	[sflag:s21] =	ssyncadd.s32 $0xFFFFE000  }
0x14f: {  	[tilespmem:s12], [sflag:$0x4] =	stream.indirect.gather [hbm4b:s7+s5], $0x40, s29, s5, $0xb8;
	[tilespmem:$0xB980] =	vst v63  }
0x150: {  	_ =	swait.ge [sflag:s15], $0x2000  }
0x151: {  	[sflag:s15] =	ssyncset.done $0x0  }
0x152: {  	[sflag:s15] =	ssyncadd.s32 $0xFFFFE000  }
0x153: {  	[spmem:s2] =	stream.indirect.scatter.add.f32 [tilespmem:s9], [sflag:$0x6], $0x40, s16, s5, $0xb8;
	[tilespmem:$0xB980] =	vst v63  }
0x154: {  	_ =	swait.ge [sflag:s14], $0x2000  }
0x155: {  	s30 =	sld [smem:$0x7F5]  }
0x156: {  	[sflag:s14] =	ssyncset.done $0x0  }
0x157: {  	[sflag:s14] =	ssyncadd.s32 $0xFFFFE000  }
0x158: {  	[tilespmem:s8], [sflag:$0x1] =	stream.indirect.gather [hbm4b:s7+s5], $0x40, s30, s5, $0xb8;
	[tilespmem:$0xB980] =	vst v63  }
0x159: {  	_ =	swait.ge [sflag:s18], $0x2000  }
0x15a: {  	[sflag:s18] =	ssyncset.done $0x0  }
0x15b: {  	[sflag:s18] =	ssyncadd.s32 $0xFFFFE000  }
0x15c: {  	[spmem:s2] =	stream.indirect.scatter.add.f32 [tilespmem:s10], [sflag:$0x7], $0x40, s16, s5, $0xb8;
	[tilespmem:$0xB980] =	vst v63  }
0x15d: {  	_ =	swait.ge [sflag:s17], $0x2000  }
0x15e: {  	s31 =	sld [smem:$0x7F6]  }
0x15f: {  	[sflag:s17] =	ssyncset.done $0x0  }
0x160: {  	[sflag:s17] =	ssyncadd.s32 $0xFFFFE000  }
0x161: {  	[tilespmem:s9], [sflag:$0x2] =	stream.indirect.gather [hbm4b:s7+s5], $0x40, s31, s5, $0xb8;
	[tilespmem:$0xB980] =	vst v63  }
0x162: {  	_ =	swait.ge [sflag:s19], $0x2000  }
0x163: {  	[sflag:s19] =	ssyncset.done $0x0  }
0x164: {  	[sflag:s19] =	ssyncadd.s32 $0xFFFFE000  }
0x165: {  	[spmem:s2] =	stream.indirect.scatter.add.f32 [tilespmem:s12], [sflag:$0x8], $0x40, s16, s5, $0xb8;
	[tilespmem:$0xB980] =	vst v63  }
0x166: {  	_ =	swait.ge [sflag:s20], $0x2000  }
0x167: {  	s23 =	sld [smem:$0x7F7]  }
0x168: {  	[sflag:s20] =	ssyncset.done $0x0  }
0x169: {  	[sflag:s20] =	ssyncadd.s32 $0xFFFFE000  }
0x16a: {  	[tilespmem:s10], [sflag:$0x3] =	stream.indirect.gather [hbm4b:s7+s5], $0x40, s23, s5, $0xb8;
	[tilespmem:$0xB980] =	vst v63  }
0x16b: {  	_ =	swait.ge [sflag:s13], $0x2000  }
0x16c: {  	[sflag:s13] =	ssyncset.done $0x0  }
0x16d: {  	[sflag:s13] =	ssyncadd.s32 $0xFFFFE000  }
0x16e: {  	[spmem:s2] =	stream.indirect.scatter.add.f32 [tilespmem:s8], [sflag:$0x5], $0x40, s16, s5, $0xb8;
	[tilespmem:$0xB980] =	vst v63  }
0x16f: {  	_ =	swait.ge [sflag:s21], $0x2000  }
0x170: {  	s24 =	sld [smem:$0x7F8]  }
0x171: {  	[sflag:s21] =	ssyncset.done $0x0  }
0x172: {  	[sflag:s21] =	ssyncadd.s32 $0xFFFFE000  }
0x173: {  	[tilespmem:s12], [sflag:$0x4] =	stream.indirect.gather [hbm4b:s7+s5], $0x40, s24, s5, $0xb8;
	[tilespmem:$0xB980] =	vst v63  }
0x174: {  	_ =	swait.ge [sflag:s15], $0x2000  }
0x175: {  	[sflag:s15] =	ssyncset.done $0x0  }
0x176: {  	[sflag:s15] =	ssyncadd.s32 $0xFFFFE000  }
0x177: {  	[spmem:s2] =	stream.indirect.scatter.add.f32 [tilespmem:s9], [sflag:$0x6], $0x40, s16, s5, $0xb8;
	[tilespmem:$0xB980] =	vst v63  }
0x178: {  	_ =	swait.ge [sflag:s14], $0x2000  }
0x179: {  	s25 =	sld [smem:$0x7F9]  }
0x17a: {  	[sflag:s14] =	ssyncset.done $0x0  }
0x17b: {  	[sflag:s14] =	ssyncadd.s32 $0xFFFFE000  }
0x17c: {  	[tilespmem:s8], [sflag:$0x1] =	stream.indirect.gather [hbm4b:s7+s5], $0x40, s25, s5, $0xb8;
	[tilespmem:$0xB980] =	vst v63  }
0x17d: {  	_ =	swait.ge [sflag:s18], $0x2000  }
0x17e: {  	[sflag:s18] =	ssyncset.done $0x0  }
0x17f: {  	[sflag:s18] =	ssyncadd.s32 $0xFFFFE000  }
0x180: {  	[spmem:s2] =	stream.indirect.scatter.add.f32 [tilespmem:s10], [sflag:$0x7], $0x40, s16, s5, $0xb8;
	[tilespmem:$0xB980] =	vst v63  }
0x181: {  	_ =	swait.ge [sflag:s17], $0x2000  }
0x182: {  	s26 =	sld [smem:$0x7FA]  }
0x183: {  	[sflag:s17] =	ssyncset.done $0x0  }
0x184: {  	[sflag:s17] =	ssyncadd.s32 $0xFFFFE000  }
0x185: {  	[tilespmem:s9], [sflag:$0x2] =	stream.indirect.gather [hbm4b:s7+s5], $0x40, s26, s5, $0xb8;
	[tilespmem:$0xB980] =	vst v63  }
0x186: {  	_ =	swait.ge [sflag:s19], $0x2000  }
0x187: {  	[sflag:s19] =	ssyncset.done $0x0  }
0x188: {  	[sflag:s19] =	ssyncadd.s32 $0xFFFFE000  }
0x189: {  	[spmem:s2] =	stream.indirect.scatter.add.f32 [tilespmem:s12], [sflag:$0x8], $0x40, s16, s5, $0xb8;
	[tilespmem:$0xB980] =	vst v63  }
0x18a: {  	_ =	swait.ge [sflag:s20], $0x2000  }
0x18b: {  	s29 =	sld [smem:$0x7FB]  }
0x18c: {  	[sflag:s20] =	ssyncset.done $0x0  }
0x18d: {  	[sflag:s20] =	ssyncadd.s32 $0xFFFFE000  }
0x18e: {  	[tilespmem:s10], [sflag:$0x3] =	stream.indirect.gather [hbm4b:s7+s5], $0x40, s29, s5, $0xb8;
	[tilespmem:$0xB980] =	vst v63  }
0x18f: {  	_ =	swait.ge [sflag:s13], $0x2000  }
0x190: {  	[sflag:s13] =	ssyncset.done $0x0  }
0x191: {  	[sflag:s13] =	ssyncadd.s32 $0xFFFFE000  }
0x192: {  	[spmem:s2] =	stream.indirect.scatter.add.f32 [tilespmem:s8], [sflag:$0x5], $0x40, s16, s5, $0xb8;
	[tilespmem:$0xB980] =	vst v63  }
0x193: {  	_ =	swait.ge [sflag:s21], $0x2000  }
0x194: {  	s30 =	sld [smem:$0x7FC]  }
0x195: {  	[sflag:s21] =	ssyncset.done $0x0  }
0x196: {  	[sflag:s21] =	ssyncadd.s32 $0xFFFFE000  }
0x197: {  	[tilespmem:s12], [sflag:$0x4] =	stream.indirect.gather [hbm4b:s7+s5], $0x40, s30, s5, $0xb8;
	[tilespmem:$0xB980] =	vst v63  }
0x198: {  	_ =	swait.ge [sflag:s15], $0x2000  }
0x199: {  	[sflag:s15] =	ssyncset.done $0x0  }
0x19a: {  	[sflag:s15] =	ssyncadd.s32 $0xFFFFE000  }
0x19b: {  	[spmem:s2] =	stream.indirect.scatter.add.f32 [tilespmem:s9], [sflag:$0x6], $0x40, s16, s5, $0xb8;
	[tilespmem:$0xB980] =	vst v63  }
0x19c: {  	_ =	swait.ge [sflag:s14], $0x2000  }
0x19d: {  	s31 =	sld [smem:$0x7FD]  }
0x19e: {  	[sflag:s14] =	ssyncset.done $0x0  }
0x19f: {  	[sflag:s14] =	ssyncadd.s32 $0xFFFFE000  }
0x1a0: {  	[tilespmem:s8], [sflag:$0x1] =	stream.indirect.gather [hbm4b:s7+s5], $0x40, s31, s5, $0xb8;
	[tilespmem:$0xB980] =	vst v63  }
0x1a1: {  	_ =	swait.ge [sflag:s18], $0x2000  }
0x1a2: {  	[sflag:s18] =	ssyncset.done $0x0  }
0x1a3: {  	[sflag:s18] =	ssyncadd.s32 $0xFFFFE000  }
0x1a4: {  	[spmem:s2] =	stream.indirect.scatter.add.f32 [tilespmem:s10], [sflag:$0x7], $0x40, s16, s5, $0xb8;
	[tilespmem:$0xB980] =	vst v63  }
0x1a5: {  	_ =	swait.ge [sflag:s17], $0x2000  }
0x1a6: {  	[sflag:s17] =	ssyncset.done $0x0  }
0x1a7: {  	s22 =	simm.s32 $0x1680;
	[sflag:s17] =	ssyncadd.s32 $0xFFFFE000  }
0x1a8: {  	[tilespmem:s9], [sflag:$0x2] =	stream.indirect.gather [hbm4b:s7+s5], $0x40, s22, s5, $0xb8;
	[tilespmem:$0xB980] =	vst v63  }
0x1a9: {  	_ =	swait.ge [sflag:s19], $0x2000  }
0x1aa: {  	[sflag:s19] =	ssyncset.done $0x0  }
0x1ab: {  	[sflag:s19] =	ssyncadd.s32 $0xFFFFE000  }
0x1ac: {  	[spmem:s2] =	stream.indirect.scatter.add.f32 [tilespmem:s12], [sflag:$0x8], $0x40, s16, s5, $0xb8;
	[tilespmem:$0xB980] =	vst v63  }
0x1ad: {  	_ =	swait.ge [sflag:s20], $0x2000  }
0x1ae: {  	[sflag:s20] =	ssyncset.done $0x0  }
0x1af: {  	s23 =	simm.s32 $0x1700;
	[sflag:s20] =	ssyncadd.s32 $0xFFFFE000  }
0x1b0: {  	[tilespmem:s10], [sflag:$0x3] =	stream.indirect.gather [hbm4b:s7+s5], $0x40, s23, s5, $0xb8;
	[tilespmem:$0xB980] =	vst v63  }
0x1b1: {  	_ =	swait.ge [sflag:s13], $0x2000  }
0x1b2: {  	[sflag:s13] =	ssyncset.done $0x0  }
0x1b3: {  	[sflag:s13] =	ssyncadd.s32 $0xFFFFE000  }
0x1b4: {  	[spmem:s2] =	stream.indirect.scatter.add.f32 [tilespmem:s8], [sflag:$0x5], $0x40, s16, s5, $0xb8;
	[tilespmem:$0xB980] =	vst v63  }
0x1b5: {  	_ =	swait.ge [sflag:s21], $0x2000  }
0x1b6: {  	[sflag:s21] =	ssyncset.done $0x0  }
0x1b7: {  	s24 =	simm.s32 $0x1780;
	[sflag:s21] =	ssyncadd.s32 $0xFFFFE000  }
0x1b8: {  	[tilespmem:s12], [sflag:$0x4] =	stream.indirect.gather [hbm4b:s7+s5], $0x40, s24, s5, $0xb8;
	[tilespmem:$0xB980] =	vst v63  }
0x1b9: {  	_ =	swait.ge [sflag:s15], $0x2000  }
0x1ba: {  	[sflag:s15] =	ssyncset.done $0x0  }
0x1bb: {  	[sflag:s15] =	ssyncadd.s32 $0xFFFFE000  }
0x1bc: {  	[spmem:s2] =	stream.indirect.scatter.add.f32 [tilespmem:s9], [sflag:$0x6], $0x40, s16, s5, $0xb8;
	[tilespmem:$0xB980] =	vst v63  }
0x1bd: {  	_ =	swait.ge [sflag:s14], $0x2000  }
0x1be: {  	[sflag:s14] =	ssyncset.done $0x0  }
0x1bf: {  	s25 =	simm.s32 $0x1800;
	[sflag:s14] =	ssyncadd.s32 $0xFFFFE000  }
0x1c0: {  	[tilespmem:s8], [sflag:$0x1] =	stream.indirect.gather [hbm4b:s7+s5], $0x40, s25, s5, $0xb8;
	[tilespmem:$0xB980] =	vst v63  }
0x1c1: {  	_ =	swait.ge [sflag:s18], $0x2000  }
0x1c2: {  	[sflag:s18] =	ssyncset.done $0x0  }
0x1c3: {  	[sflag:s18] =	ssyncadd.s32 $0xFFFFE000  }
0x1c4: {  	[spmem:s2] =	stream.indirect.scatter.add.f32 [tilespmem:s10], [sflag:$0x7], $0x40, s16, s5, $0xb8;
	[tilespmem:$0xB980] =	vst v63  }
0x1c5: {  	_ =	swait.ge [sflag:s17], $0x2000  }
0x1c6: {  	[sflag:s17] =	ssyncset.done $0x0  }
0x1c7: {  	s26 =	simm.s32 $0x1880;
	[sflag:s17] =	ssyncadd.s32 $0xFFFFE000  }
0x1c8: {  	[tilespmem:s9], [sflag:$0x2] =	stream.indirect.gather [hbm4b:s7+s5], $0x40, s26, s5, $0xb8;
	[tilespmem:$0xB980] =	vst v63  }
0x1c9: {  	_ =	swait.ge [sflag:s19], $0x2000  }
0x1ca: {  	[sflag:s19] =	ssyncset.done $0x0  }
0x1cb: {  	[sflag:s19] =	ssyncadd.s32 $0xFFFFE000  }
0x1cc: {  	[spmem:s2] =	stream.indirect.scatter.add.f32 [tilespmem:s12], [sflag:$0x8], $0x40, s16, s5, $0xb8;
	[tilespmem:$0xB980] =	vst v63  }
0x1cd: {  	_ =	swait.ge [sflag:s20], $0x2000  }
0x1ce: {  	[sflag:s20] =	ssyncset.done $0x0  }
0x1cf: {  	[sflag:s20] =	ssyncadd.s32 $0xFFFFE000  }
0x1d0: {  	_ =	swait.ge [sflag:s13], $0x2000  }
0x1d1: {  	[sflag:s13] =	ssyncset.done $0x0  }
0x1d2: {  	[sflag:s13] =	ssyncadd.s32 $0xFFFFE000  }
0x1d3: {  	[spmem:s2] =	stream.indirect.scatter.add.f32 [tilespmem:s8], [sflag:$0x5], $0x40, s16, s5, $0xb8;
	[tilespmem:$0xB980] =	vst v63  }
0x1d4: {  	s28 =	ssub.s32 $0x2, s28;
	_ =	swait.ge [sflag:s21], $0x2000  }
0x1d5: {  	s29 =	sshrl.u32 s28, $0x1;
	[sflag:s21] =	ssyncset.done $0x0  }
0x1d6: {  	s28 =	ssub.s32 s28, s29;
	[sflag:s21] =	ssyncadd.s32 $0xFFFFE000  }
0x1d7: {  	s28 =	smax.u32 s28, $0x1;
	_ =	swait.ge [sflag:s15], $0x2000  }
0x1d8: {  	p0 =	sne.s32 s28, $0x1;
	[sflag:s15] =	ssyncset.done $0x0  }
.Ltmp0:
0x1d9: {  	[sflag:s15] =	ssyncadd.s32 $0xFFFFE000;
	(pc) =	sbr.rel @!p0 .LBB2_2-.Ltmp0, $4  }
0x1da: {  	[spmem:s2] =	stream.indirect.scatter.add.f32 [tilespmem:s9], [sflag:$0x6], $0x40, s16, s5, $0xb8;
	[tilespmem:$0xB980] =	vst v63  }
0x1db: {  	_ =	swait.ge [sflag:s14], $0x2000  }
0x1dc: {  	[sflag:s14] =	ssyncset.done $0x0  }
0x1dd: {  	s28 =	sadd.s32 $0xFFFFFFFF, s28;
	[sflag:s14] =	ssyncadd.s32 $0xFFFFE000  }
.LBB2_1:
0x1de: {  	_ =	swait.ge [sflag:s17], $0x2000  }
0x1df: {  	s29 =	sshll.u32 s0, $0x6;
	s31 =	sshrl.u32 s11, $0x3;
	[sflag:s17] =	ssyncset.done $0x0  }
0x1e0: {  	s30 =	rddreg [dreg:$0x4];
	s29 =	sor.u32 $0x1C09, s29;
	[sflag:s17] =	ssyncadd.s32 $0xFFFFE000  }
0x1e1: {  	[hbm:s30], [sflag:s29] =	dma.local [spmem:s31], $0x400  }
0x1e2: {  	_ =	swait.ge [sflag:s4], $0x400  }
0x1e3: {  	[sflag:s4] =	ssyncset.done $0x0  }
0x1e4: {  	s30 =	rddreg [dreg:$0x3];
	[sflag:s4] =	ssyncadd.s32 $0xFFFFFC00  }
0x1e5: {  	[tilespmem:s3], [sflag:$0x9] =	stream.strided.gather [hbm4b:s30+s5], $0x1900, s6, s5, $0x38;
	[tilespmem:$0xB980] =	vst v63  }
0x1e6: {  	_ =	swait.ge [sflag:s4], $0x1900  }
0x1e7: {  	[sflag:s4] =	ssyncset.done $0x0  }
0x1e8: {  	[sflag:s4] =	ssyncadd.s32 $0xFFFFE700  }
0x1e9: {  	[tilespmem:$0x1970] =	vst v0  }
0x1ea: {  	[tilespmem:$0x1960] =	vst v1  }
0x1eb: {  	[tilespmem:$0x1950] =	vst v2  }
0x1ec: {  	[tilespmem:$0x1940] =	vst v3  }
0x1ed: {  	[tilespmem:$0x1930] =	vst v4  }
0x1ee: {  	[tilespmem:$0x1920] =	vst v5  }
0x1ef: {  	[tilespmem:$0x1900] =	vst v6  }
0x1f0: {  	[tilespmem:$0x1910] =	vst v7  }
0x1f1: {  	[tilespmem:s8], [sflag:$0x1] =	stream.indirect.gather [hbm4b:s7+s5], $0x40, s3, s5, $0xb8;
	[tilespmem:$0xB980] =	vst v63  }
0x1f2: {  	_ = 	snop  }
0x1f3: {  	[tilespmem:s9], [sflag:$0x2] =	stream.indirect.gather [hbm4b:s7+s5], $0x40, s5, s5, $0xb8;
	[tilespmem:$0xB980] =	vst v63  }
0x1f4: {  	s29 =	rddreg [dreg:$0x5]  }
0x1f5: {  	[tilespmem:s10], [sflag:$0x3] =	stream.indirect.gather [hbm4b:s7+s5], $0x40, s29, s5, $0xb8;
	[tilespmem:$0xB980] =	vst v63  }
0x1f6: {  	s31 =	rddreg [dreg:$0x6]  }
0x1f7: {  	[tilespmem:s12], [sflag:$0x4] =	stream.indirect.gather [hbm4b:s7+s5], $0x40, s31, s5, $0xb8;
	[tilespmem:$0xB980] =	vst v63  }
0x1f8: {  	_ =	swait.ge [sflag:s13], $0x2000  }
0x1f9: {  	[sflag:s13] =	ssyncset.done $0x0  }
0x1fa: {  	[sflag:s13] =	ssyncadd.s32 $0xFFFFE000  }
0x1fb: {  	[spmem:s11] =	stream.linear.scatter [tilespmem:s8], [sflag:$0x5], $0x2000, $0x38;
	[tilespmem:$0xB980] =	vst v63  }
0x1fc: {  	_ =	swait.ge [sflag:s14], $0x2000  }
0x1fd: {  	[sflag:s14] =	ssyncset.done $0x0  }
0x1fe: {  	s30 =	rddreg [dreg:$0x7];
	[sflag:s14] =	ssyncadd.s32 $0xFFFFE000  }
0x1ff: {  	[tilespmem:s8], [sflag:$0x1] =	stream.indirect.gather [hbm4b:s7+s5], $0x40, s30, s5, $0xb8;
	[tilespmem:$0xB980] =	vst v63  }
0x200: {  	_ =	swait.ge [sflag:s15], $0x2000  }
0x201: {  	[sflag:s15] =	ssyncset.done $0x0  }
0x202: {  	[sflag:s15] =	ssyncadd.s32 $0xFFFFE000  }
0x203: {  	[spmem:s2] =	stream.indirect.scatter.add.f32 [tilespmem:s9], [sflag:$0x6], $0x40, s16, s5, $0xb8;
	[tilespmem:$0xB980] =	vst v63  }
0x204: {  	_ =	swait.ge [sflag:s18], $0x2000  }
0x205: {  	[sflag:s18] =	ssyncset.done $0x0  }
0x206: {  	[sflag:s18] =	ssyncadd.s32 $0xFFFFE000  }
0x207: {  	[spmem:s2] =	stream.indirect.scatter.add.f32 [tilespmem:s10], [sflag:$0x7], $0x40, s16, s5, $0xb8;
	[tilespmem:$0xB980] =	vst v63  }
0x208: {  	_ =	swait.ge [sflag:s17], $0x2000  }
0x209: {  	[sflag:s17] =	ssyncset.done $0x0  }
0x20a: {  	s31 =	rddreg [dreg:$0x8];
	[sflag:s17] =	ssyncadd.s32 $0xFFFFE000  }
0x20b: {  	[tilespmem:s9], [sflag:$0x2] =	stream.indirect.gather [hbm4b:s7+s5], $0x40, s31, s5, $0xb8;
	[tilespmem:$0xB980] =	vst v63  }
0x20c: {  	_ =	swait.ge [sflag:s19], $0x2000  }
0x20d: {  	[sflag:s19] =	ssyncset.done $0x0  }
0x20e: {  	[sflag:s19] =	ssyncadd.s32 $0xFFFFE000  }
0x20f: {  	[spmem:s2] =	stream.indirect.scatter.add.f32 [tilespmem:s12], [sflag:$0x8], $0x40, s16, s5, $0xb8;
	[tilespmem:$0xB980] =	vst v63  }
0x210: {  	_ =	swait.ge [sflag:s20], $0x2000  }
0x211: {  	[sflag:s20] =	ssyncset.done $0x0  }
0x212: {  	s30 =	rddreg [dreg:$0x9];
	[sflag:s20] =	ssyncadd.s32 $0xFFFFE000  }
0x213: {  	[tilespmem:s10], [sflag:$0x3] =	stream.indirect.gather [hbm4b:s7+s5], $0x40, s30, s5, $0xb8;
	[tilespmem:$0xB980] =	vst v63  }
0x214: {  	_ =	swait.ge [sflag:s13], $0x2000  }
0x215: {  	[sflag:s13] =	ssyncset.done $0x0  }
0x216: {  	[sflag:s13] =	ssyncadd.s32 $0xFFFFE000  }
0x217: {  	[spmem:s2] =	stream.indirect.scatter.add.f32 [tilespmem:s8], [sflag:$0x5], $0x40, s16, s5, $0xb8;
	[tilespmem:$0xB980] =	vst v63  }
0x218: {  	_ =	swait.ge [sflag:s21], $0x2000  }
0x219: {  	[sflag:s21] =	ssyncset.done $0x0  }
0x21a: {  	s31 =	rddreg [dreg:$0xa];
	[sflag:s21] =	ssyncadd.s32 $0xFFFFE000  }
0x21b: {  	[tilespmem:s12], [sflag:$0x4] =	stream.indirect.gather [hbm4b:s7+s5], $0x40, s31, s5, $0xb8;
	[tilespmem:$0xB980] =	vst v63  }
0x21c: {  	_ =	swait.ge [sflag:s15], $0x2000  }
0x21d: {  	[sflag:s15] =	ssyncset.done $0x0  }
0x21e: {  	[sflag:s15] =	ssyncadd.s32 $0xFFFFE000  }
0x21f: {  	[spmem:s2] =	stream.indirect.scatter.add.f32 [tilespmem:s9], [sflag:$0x6], $0x40, s16, s5, $0xb8;
	[tilespmem:$0xB980] =	vst v63  }
0x220: {  	_ =	swait.ge [sflag:s14], $0x2000  }
0x221: {  	[sflag:s14] =	ssyncset.done $0x0  }
0x222: {  	s30 =	rddreg [dreg:$0xb];
	[sflag:s14] =	ssyncadd.s32 $0xFFFFE000  }
0x223: {  	[tilespmem:s8], [sflag:$0x1] =	stream.indirect.gather [hbm4b:s7+s5], $0x40, s30, s5, $0xb8;
	[tilespmem:$0xB980] =	vst v63  }
0x224: {  	_ =	swait.ge [sflag:s18], $0x2000  }
0x225: {  	[sflag:s18] =	ssyncset.done $0x0  }
0x226: {  	[sflag:s18] =	ssyncadd.s32 $0xFFFFE000  }
0x227: {  	[spmem:s2] =	stream.indirect.scatter.add.f32 [tilespmem:s10], [sflag:$0x7], $0x40, s16, s5, $0xb8;
	[tilespmem:$0xB980] =	vst v63  }
0x228: {  	_ =	swait.ge [sflag:s17], $0x2000  }
0x229: {  	[sflag:s17] =	ssyncset.done $0x0  }
0x22a: {  	s31 =	rddreg [dreg:$0xc];
	[sflag:s17] =	ssyncadd.s32 $0xFFFFE000  }
0x22b: {  	[tilespmem:s9], [sflag:$0x2] =	stream.indirect.gather [hbm4b:s7+s5], $0x40, s31, s5, $0xb8;
	[tilespmem:$0xB980] =	vst v63  }
0x22c: {  	_ =	swait.ge [sflag:s19], $0x2000  }
0x22d: {  	[sflag:s19] =	ssyncset.done $0x0  }
0x22e: {  	[sflag:s19] =	ssyncadd.s32 $0xFFFFE000  }
0x22f: {  	[spmem:s2] =	stream.indirect.scatter.add.f32 [tilespmem:s12], [sflag:$0x8], $0x40, s16, s5, $0xb8;
	[tilespmem:$0xB980] =	vst v63  }
0x230: {  	_ =	swait.ge [sflag:s20], $0x2000  }
0x231: {  	[sflag:s20] =	ssyncset.done $0x0  }
0x232: {  	s30 =	rddreg [dreg:$0xd];
	[sflag:s20] =	ssyncadd.s32 $0xFFFFE000  }
0x233: {  	[tilespmem:s10], [sflag:$0x3] =	stream.indirect.gather [hbm4b:s7+s5], $0x40, s30, s5, $0xb8;
	[tilespmem:$0xB980] =	vst v63  }
0x234: {  	_ =	swait.ge [sflag:s13], $0x2000  }
0x235: {  	[sflag:s13] =	ssyncset.done $0x0  }
0x236: {  	[sflag:s13] =	ssyncadd.s32 $0xFFFFE000  }
0x237: {  	[spmem:s2] =	stream.indirect.scatter.add.f32 [tilespmem:s8], [sflag:$0x5], $0x40, s16, s5, $0xb8;
	[tilespmem:$0xB980] =	vst v63  }
0x238: {  	_ =	swait.ge [sflag:s21], $0x2000  }
0x239: {  	[sflag:s21] =	ssyncset.done $0x0  }
0x23a: {  	s31 =	rddreg [dreg:$0xe];
	[sflag:s21] =	ssyncadd.s32 $0xFFFFE000  }
0x23b: {  	[tilespmem:s12], [sflag:$0x4] =	stream.indirect.gather [hbm4b:s7+s5], $0x40, s31, s5, $0xb8;
	[tilespmem:$0xB980] =	vst v63  }
0x23c: {  	_ =	swait.ge [sflag:s15], $0x2000  }
0x23d: {  	[sflag:s15] =	ssyncset.done $0x0  }
0x23e: {  	[sflag:s15] =	ssyncadd.s32 $0xFFFFE000  }
0x23f: {  	[spmem:s2] =	stream.indirect.scatter.add.f32 [tilespmem:s9], [sflag:$0x6], $0x40, s16, s5, $0xb8;
	[tilespmem:$0xB980] =	vst v63  }
0x240: {  	_ =	swait.ge [sflag:s14], $0x2000  }
0x241: {  	[sflag:s14] =	ssyncset.done $0x0  }
0x242: {  	s30 =	rddreg [dreg:$0xf];
	[sflag:s14] =	ssyncadd.s32 $0xFFFFE000  }
0x243: {  	[tilespmem:s8], [sflag:$0x1] =	stream.indirect.gather [hbm4b:s7+s5], $0x40, s30, s5, $0xb8;
	[tilespmem:$0xB980] =	vst v63  }
0x244: {  	_ =	swait.ge [sflag:s18], $0x2000  }
0x245: {  	[sflag:s18] =	ssyncset.done $0x0  }
0x246: {  	[sflag:s18] =	ssyncadd.s32 $0xFFFFE000  }
0x247: {  	[spmem:s2] =	stream.indirect.scatter.add.f32 [tilespmem:s10], [sflag:$0x7], $0x40, s16, s5, $0xb8;
	[tilespmem:$0xB980] =	vst v63  }
0x248: {  	_ =	swait.ge [sflag:s17], $0x2000  }
0x249: {  	[sflag:s17] =	ssyncset.done $0x0  }
0x24a: {  	s31 =	rddreg [dreg:$0x10];
	[sflag:s17] =	ssyncadd.s32 $0xFFFFE000  }
0x24b: {  	[tilespmem:s9], [sflag:$0x2] =	stream.indirect.gather [hbm4b:s7+s5], $0x40, s31, s5, $0xb8;
	[tilespmem:$0xB980] =	vst v63  }
0x24c: {  	_ =	swait.ge [sflag:s19], $0x2000  }
0x24d: {  	[sflag:s19] =	ssyncset.done $0x0  }
0x24e: {  	[sflag:s19] =	ssyncadd.s32 $0xFFFFE000  }
0x24f: {  	[spmem:s2] =	stream.indirect.scatter.add.f32 [tilespmem:s12], [sflag:$0x8], $0x40, s16, s5, $0xb8;
	[tilespmem:$0xB980] =	vst v63  }
0x250: {  	_ =	swait.ge [sflag:s20], $0x2000  }
0x251: {  	[sflag:s20] =	ssyncset.done $0x0  }
0x252: {  	s30 =	rddreg [dreg:$0x11];
	[sflag:s20] =	ssyncadd.s32 $0xFFFFE000  }
0x253: {  	[tilespmem:s10], [sflag:$0x3] =	stream.indirect.gather [hbm4b:s7+s5], $0x40, s30, s5, $0xb8;
	[tilespmem:$0xB980] =	vst v63  }
0x254: {  	_ =	swait.ge [sflag:s13], $0x2000  }
0x255: {  	[sflag:s13] =	ssyncset.done $0x0  }
0x256: {  	[sflag:s13] =	ssyncadd.s32 $0xFFFFE000  }
0x257: {  	[spmem:s2] =	stream.indirect.scatter.add.f32 [tilespmem:s8], [sflag:$0x5], $0x40, s16, s5, $0xb8;
	[tilespmem:$0xB980] =	vst v63  }
0x258: {  	_ =	swait.ge [sflag:s21], $0x2000  }
0x259: {  	[sflag:s21] =	ssyncset.done $0x0  }
0x25a: {  	s31 =	rddreg [dreg:$0x12];
	[sflag:s21] =	ssyncadd.s32 $0xFFFFE000  }
0x25b: {  	[tilespmem:s12], [sflag:$0x4] =	stream.indirect.gather [hbm4b:s7+s5], $0x40, s31, s5, $0xb8;
	[tilespmem:$0xB980] =	vst v63  }
0x25c: {  	_ =	swait.ge [sflag:s15], $0x2000  }
0x25d: {  	[sflag:s15] =	ssyncset.done $0x0  }
0x25e: {  	[sflag:s15] =	ssyncadd.s32 $0xFFFFE000  }
0x25f: {  	[spmem:s2] =	stream.indirect.scatter.add.f32 [tilespmem:s9], [sflag:$0x6], $0x40, s16, s5, $0xb8;
	[tilespmem:$0xB980] =	vst v63  }
0x260: {  	_ =	swait.ge [sflag:s14], $0x2000  }
0x261: {  	[sflag:s14] =	ssyncset.done $0x0  }
0x262: {  	s30 =	rddreg [dreg:$0x13];
	[sflag:s14] =	ssyncadd.s32 $0xFFFFE000  }
0x263: {  	[tilespmem:s8], [sflag:$0x1] =	stream.indirect.gather [hbm4b:s7+s5], $0x40, s30, s5, $0xb8;
	[tilespmem:$0xB980] =	vst v63  }
0x264: {  	_ =	swait.ge [sflag:s18], $0x2000  }
0x265: {  	[sflag:s18] =	ssyncset.done $0x0  }
0x266: {  	[sflag:s18] =	ssyncadd.s32 $0xFFFFE000  }
0x267: {  	[spmem:s2] =	stream.indirect.scatter.add.f32 [tilespmem:s10], [sflag:$0x7], $0x40, s16, s5, $0xb8;
	[tilespmem:$0xB980] =	vst v63  }
0x268: {  	_ =	swait.ge [sflag:s17], $0x2000  }
0x269: {  	[sflag:s17] =	ssyncset.done $0x0  }
0x26a: {  	s31 =	rddreg [dreg:$0x14];
	[sflag:s17] =	ssyncadd.s32 $0xFFFFE000  }
0x26b: {  	[tilespmem:s9], [sflag:$0x2] =	stream.indirect.gather [hbm4b:s7+s5], $0x40, s31, s5, $0xb8;
	[tilespmem:$0xB980] =	vst v63  }
0x26c: {  	_ =	swait.ge [sflag:s19], $0x2000  }
0x26d: {  	[sflag:s19] =	ssyncset.done $0x0  }
0x26e: {  	[sflag:s19] =	ssyncadd.s32 $0xFFFFE000  }
0x26f: {  	[spmem:s2] =	stream.indirect.scatter.add.f32 [tilespmem:s12], [sflag:$0x8], $0x40, s16, s5, $0xb8;
	[tilespmem:$0xB980] =	vst v63  }
0x270: {  	_ =	swait.ge [sflag:s20], $0x2000  }
0x271: {  	[sflag:s20] =	ssyncset.done $0x0  }
0x272: {  	s30 =	rddreg [dreg:$0x15];
	[sflag:s20] =	ssyncadd.s32 $0xFFFFE000  }
0x273: {  	[tilespmem:s10], [sflag:$0x3] =	stream.indirect.gather [hbm4b:s7+s5], $0x40, s30, s5, $0xb8;
	[tilespmem:$0xB980] =	vst v63  }
0x274: {  	_ =	swait.ge [sflag:s13], $0x2000  }
0x275: {  	[sflag:s13] =	ssyncset.done $0x0  }
0x276: {  	[sflag:s13] =	ssyncadd.s32 $0xFFFFE000  }
0x277: {  	[spmem:s2] =	stream.indirect.scatter.add.f32 [tilespmem:s8], [sflag:$0x5], $0x40, s16, s5, $0xb8;
	[tilespmem:$0xB980] =	vst v63  }
0x278: {  	_ =	swait.ge [sflag:s21], $0x2000  }
0x279: {  	[sflag:s21] =	ssyncset.done $0x0  }
0x27a: {  	s31 =	rddreg [dreg:$0x16];
	[sflag:s21] =	ssyncadd.s32 $0xFFFFE000  }
0x27b: {  	[tilespmem:s12], [sflag:$0x4] =	stream.indirect.gather [hbm4b:s7+s5], $0x40, s31, s5, $0xb8;
	[tilespmem:$0xB980] =	vst v63  }
0x27c: {  	_ =	swait.ge [sflag:s15], $0x2000  }
0x27d: {  	[sflag:s15] =	ssyncset.done $0x0  }
0x27e: {  	[sflag:s15] =	ssyncadd.s32 $0xFFFFE000  }
0x27f: {  	[spmem:s2] =	stream.indirect.scatter.add.f32 [tilespmem:s9], [sflag:$0x6], $0x40, s16, s5, $0xb8;
	[tilespmem:$0xB980] =	vst v63  }
0x280: {  	_ =	swait.ge [sflag:s14], $0x2000  }
0x281: {  	[sflag:s14] =	ssyncset.done $0x0  }
0x282: {  	s30 =	rddreg [dreg:$0x17];
	[sflag:s14] =	ssyncadd.s32 $0xFFFFE000  }
0x283: {  	[tilespmem:s8], [sflag:$0x1] =	stream.indirect.gather [hbm4b:s7+s5], $0x40, s30, s5, $0xb8;
	[tilespmem:$0xB980] =	vst v63  }
0x284: {  	_ =	swait.ge [sflag:s18], $0x2000  }
0x285: {  	[sflag:s18] =	ssyncset.done $0x0  }
0x286: {  	[sflag:s18] =	ssyncadd.s32 $0xFFFFE000  }
0x287: {  	[spmem:s2] =	stream.indirect.scatter.add.f32 [tilespmem:s10], [sflag:$0x7], $0x40, s16, s5, $0xb8;
	[tilespmem:$0xB980] =	vst v63  }
0x288: {  	_ =	swait.ge [sflag:s17], $0x2000  }
0x289: {  	[sflag:s17] =	ssyncset.done $0x0  }
0x28a: {  	s31 =	rddreg [dreg:$0x18];
	[sflag:s17] =	ssyncadd.s32 $0xFFFFE000  }
0x28b: {  	[tilespmem:s9], [sflag:$0x2] =	stream.indirect.gather [hbm4b:s7+s5], $0x40, s31, s5, $0xb8;
	[tilespmem:$0xB980] =	vst v63  }
0x28c: {  	_ =	swait.ge [sflag:s19], $0x2000  }
0x28d: {  	[sflag:s19] =	ssyncset.done $0x0  }
0x28e: {  	[sflag:s19] =	ssyncadd.s32 $0xFFFFE000  }
0x28f: {  	[spmem:s2] =	stream.indirect.scatter.add.f32 [tilespmem:s12], [sflag:$0x8], $0x40, s16, s5, $0xb8;
	[tilespmem:$0xB980] =	vst v63  }
0x290: {  	_ =	swait.ge [sflag:s20], $0x2000  }
0x291: {  	[sflag:s20] =	ssyncset.done $0x0  }
0x292: {  	s30 =	rddreg [dreg:$0x19];
	[sflag:s20] =	ssyncadd.s32 $0xFFFFE000  }
0x293: {  	[tilespmem:s10], [sflag:$0x3] =	stream.indirect.gather [hbm4b:s7+s5], $0x40, s30, s5, $0xb8;
	[tilespmem:$0xB980] =	vst v63  }
0x294: {  	_ =	swait.ge [sflag:s13], $0x2000  }
0x295: {  	[sflag:s13] =	ssyncset.done $0x0  }
0x296: {  	[sflag:s13] =	ssyncadd.s32 $0xFFFFE000  }
0x297: {  	[spmem:s2] =	stream.indirect.scatter.add.f32 [tilespmem:s8], [sflag:$0x5], $0x40, s16, s5, $0xb8;
	[tilespmem:$0xB980] =	vst v63  }
0x298: {  	_ =	swait.ge [sflag:s21], $0x2000  }
0x299: {  	[sflag:s21] =	ssyncset.done $0x0  }
0x29a: {  	s31 =	rddreg [dreg:$0x1a];
	[sflag:s21] =	ssyncadd.s32 $0xFFFFE000  }
0x29b: {  	[tilespmem:s12], [sflag:$0x4] =	stream.indirect.gather [hbm4b:s7+s5], $0x40, s31, s5, $0xb8;
	[tilespmem:$0xB980] =	vst v63  }
0x29c: {  	_ =	swait.ge [sflag:s15], $0x2000  }
0x29d: {  	[sflag:s15] =	ssyncset.done $0x0  }
0x29e: {  	[sflag:s15] =	ssyncadd.s32 $0xFFFFE000  }
0x29f: {  	[spmem:s2] =	stream.indirect.scatter.add.f32 [tilespmem:s9], [sflag:$0x6], $0x40, s16, s5, $0xb8;
	[tilespmem:$0xB980] =	vst v63  }
0x2a0: {  	_ =	swait.ge [sflag:s14], $0x2000  }
0x2a1: {  	[sflag:s14] =	ssyncset.done $0x0  }
0x2a2: {  	s30 =	rddreg [dreg:$0x1b];
	[sflag:s14] =	ssyncadd.s32 $0xFFFFE000  }
0x2a3: {  	[tilespmem:s8], [sflag:$0x1] =	stream.indirect.gather [hbm4b:s7+s5], $0x40, s30, s5, $0xb8;
	[tilespmem:$0xB980] =	vst v63  }
0x2a4: {  	_ =	swait.ge [sflag:s18], $0x2000  }
0x2a5: {  	[sflag:s18] =	ssyncset.done $0x0  }
0x2a6: {  	[sflag:s18] =	ssyncadd.s32 $0xFFFFE000  }
0x2a7: {  	[spmem:s2] =	stream.indirect.scatter.add.f32 [tilespmem:s10], [sflag:$0x7], $0x40, s16, s5, $0xb8;
	[tilespmem:$0xB980] =	vst v63  }
0x2a8: {  	_ =	swait.ge [sflag:s17], $0x2000  }
0x2a9: {  	[sflag:s17] =	ssyncset.done $0x0  }
0x2aa: {  	s31 =	rddreg [dreg:$0x1c];
	[sflag:s17] =	ssyncadd.s32 $0xFFFFE000  }
0x2ab: {  	[tilespmem:s9], [sflag:$0x2] =	stream.indirect.gather [hbm4b:s7+s5], $0x40, s31, s5, $0xb8;
	[tilespmem:$0xB980] =	vst v63  }
0x2ac: {  	_ =	swait.ge [sflag:s19], $0x2000  }
0x2ad: {  	[sflag:s19] =	ssyncset.done $0x0  }
0x2ae: {  	[sflag:s19] =	ssyncadd.s32 $0xFFFFE000  }
0x2af: {  	[spmem:s2] =	stream.indirect.scatter.add.f32 [tilespmem:s12], [sflag:$0x8], $0x40, s16, s5, $0xb8;
	[tilespmem:$0xB980] =	vst v63  }
0x2b0: {  	_ =	swait.ge [sflag:s20], $0x2000  }
0x2b1: {  	[sflag:s20] =	ssyncset.done $0x0  }
0x2b2: {  	s30 =	rddreg [dreg:$0x1d];
	[sflag:s20] =	ssyncadd.s32 $0xFFFFE000  }
0x2b3: {  	[tilespmem:s10], [sflag:$0x3] =	stream.indirect.gather [hbm4b:s7+s5], $0x40, s30, s5, $0xb8;
	[tilespmem:$0xB980] =	vst v63  }
0x2b4: {  	_ =	swait.ge [sflag:s13], $0x2000  }
0x2b5: {  	[sflag:s13] =	ssyncset.done $0x0  }
0x2b6: {  	[sflag:s13] =	ssyncadd.s32 $0xFFFFE000  }
0x2b7: {  	[spmem:s2] =	stream.indirect.scatter.add.f32 [tilespmem:s8], [sflag:$0x5], $0x40, s16, s5, $0xb8;
	[tilespmem:$0xB980] =	vst v63  }
0x2b8: {  	_ =	swait.ge [sflag:s21], $0x2000  }
0x2b9: {  	[sflag:s21] =	ssyncset.done $0x0  }
0x2ba: {  	s31 =	rddreg [dreg:$0x1e];
	[sflag:s21] =	ssyncadd.s32 $0xFFFFE000  }
0x2bb: {  	[tilespmem:s12], [sflag:$0x4] =	stream.indirect.gather [hbm4b:s7+s5], $0x40, s31, s5, $0xb8;
	[tilespmem:$0xB980] =	vst v63  }
0x2bc: {  	_ =	swait.ge [sflag:s15], $0x2000  }
0x2bd: {  	[sflag:s15] =	ssyncset.done $0x0  }
0x2be: {  	[sflag:s15] =	ssyncadd.s32 $0xFFFFE000  }
0x2bf: {  	[spmem:s2] =	stream.indirect.scatter.add.f32 [tilespmem:s9], [sflag:$0x6], $0x40, s16, s5, $0xb8;
	[tilespmem:$0xB980] =	vst v63  }
0x2c0: {  	_ =	swait.ge [sflag:s14], $0x2000  }
0x2c1: {  	[sflag:s14] =	ssyncset.done $0x0  }
0x2c2: {  	s30 =	rddreg [dreg:$0x1f];
	[sflag:s14] =	ssyncadd.s32 $0xFFFFE000  }
0x2c3: {  	[tilespmem:s8], [sflag:$0x1] =	stream.indirect.gather [hbm4b:s7+s5], $0x40, s30, s5, $0xb8;
	[tilespmem:$0xB980] =	vst v63  }
0x2c4: {  	_ =	swait.ge [sflag:s18], $0x2000  }
0x2c5: {  	[sflag:s18] =	ssyncset.done $0x0  }
0x2c6: {  	[sflag:s18] =	ssyncadd.s32 $0xFFFFE000  }
0x2c7: {  	[spmem:s2] =	stream.indirect.scatter.add.f32 [tilespmem:s10], [sflag:$0x7], $0x40, s16, s5, $0xb8;
	[tilespmem:$0xB980] =	vst v63  }
0x2c8: {  	_ =	swait.ge [sflag:s17], $0x2000  }
0x2c9: {  	s31 =	sld [smem:$0x7EF]  }
0x2ca: {  	[sflag:s17] =	ssyncset.done $0x0  }
0x2cb: {  	[sflag:s17] =	ssyncadd.s32 $0xFFFFE000  }
0x2cc: {  	[tilespmem:s9], [sflag:$0x2] =	stream.indirect.gather [hbm4b:s7+s5], $0x40, s31, s5, $0xb8;
	[tilespmem:$0xB980] =	vst v63  }
0x2cd: {  	_ =	swait.ge [sflag:s19], $0x2000  }
0x2ce: {  	[sflag:s19] =	ssyncset.done $0x0  }
0x2cf: {  	[sflag:s19] =	ssyncadd.s32 $0xFFFFE000  }
0x2d0: {  	[spmem:s2] =	stream.indirect.scatter.add.f32 [tilespmem:s12], [sflag:$0x8], $0x40, s16, s5, $0xb8;
	[tilespmem:$0xB980] =	vst v63  }
0x2d1: {  	_ =	swait.ge [sflag:s20], $0x2000  }
0x2d2: {  	s30 =	sld [smem:$0x7F0]  }
0x2d3: {  	[sflag:s20] =	ssyncset.done $0x0  }
0x2d4: {  	[sflag:s20] =	ssyncadd.s32 $0xFFFFE000  }
0x2d5: {  	[tilespmem:s10], [sflag:$0x3] =	stream.indirect.gather [hbm4b:s7+s5], $0x40, s30, s5, $0xb8;
	[tilespmem:$0xB980] =	vst v63  }
0x2d6: {  	_ =	swait.ge [sflag:s13], $0x2000  }
0x2d7: {  	[sflag:s13] =	ssyncset.done $0x0  }
0x2d8: {  	[sflag:s13] =	ssyncadd.s32 $0xFFFFE000  }
0x2d9: {  	[spmem:s2] =	stream.indirect.scatter.add.f32 [tilespmem:s8], [sflag:$0x5], $0x40, s16, s5, $0xb8;
	[tilespmem:$0xB980] =	vst v63  }
0x2da: {  	_ =	swait.ge [sflag:s21], $0x2000  }
0x2db: {  	s31 =	sld [smem:$0x7F1]  }
0x2dc: {  	[sflag:s21] =	ssyncset.done $0x0  }
0x2dd: {  	[sflag:s21] =	ssyncadd.s32 $0xFFFFE000  }
0x2de: {  	[tilespmem:s12], [sflag:$0x4] =	stream.indirect.gather [hbm4b:s7+s5], $0x40, s31, s5, $0xb8;
	[tilespmem:$0xB980] =	vst v63  }
0x2df: {  	_ =	swait.ge [sflag:s15], $0x2000  }
0x2e0: {  	[sflag:s15] =	ssyncset.done $0x0  }
0x2e1: {  	[sflag:s15] =	ssyncadd.s32 $0xFFFFE000  }
0x2e2: {  	[spmem:s2] =	stream.indirect.scatter.add.f32 [tilespmem:s9], [sflag:$0x6], $0x40, s16, s5, $0xb8;
	[tilespmem:$0xB980] =	vst v63  }
0x2e3: {  	_ =	swait.ge [sflag:s14], $0x2000  }
0x2e4: {  	[sflag:s14] =	ssyncset.done $0x0  }
0x2e5: {  	[sflag:s14] =	ssyncadd.s32 $0xFFFFE000  }
0x2e6: {  	[tilespmem:s8], [sflag:$0x1] =	stream.indirect.gather [hbm4b:s7+s5], $0x40, s6, s5, $0xb8;
	[tilespmem:$0xB980] =	vst v63  }
0x2e7: {  	_ =	swait.ge [sflag:s18], $0x2000  }
0x2e8: {  	[sflag:s18] =	ssyncset.done $0x0  }
0x2e9: {  	[sflag:s18] =	ssyncadd.s32 $0xFFFFE000  }
0x2ea: {  	[spmem:s2] =	stream.indirect.scatter.add.f32 [tilespmem:s10], [sflag:$0x7], $0x40, s16, s5, $0xb8;
	[tilespmem:$0xB980] =	vst v63  }
0x2eb: {  	_ =	swait.ge [sflag:s17], $0x2000  }
0x2ec: {  	s30 =	sld [smem:$0x7F2]  }
0x2ed: {  	[sflag:s17] =	ssyncset.done $0x0  }
0x2ee: {  	[sflag:s17] =	ssyncadd.s32 $0xFFFFE000  }
0x2ef: {  	[tilespmem:s9], [sflag:$0x2] =	stream.indirect.gather [hbm4b:s7+s5], $0x40, s30, s5, $0xb8;
	[tilespmem:$0xB980] =	vst v63  }
0x2f0: {  	_ =	swait.ge [sflag:s19], $0x2000  }
0x2f1: {  	[sflag:s19] =	ssyncset.done $0x0  }
0x2f2: {  	[sflag:s19] =	ssyncadd.s32 $0xFFFFE000  }
0x2f3: {  	[spmem:s2] =	stream.indirect.scatter.add.f32 [tilespmem:s12], [sflag:$0x8], $0x40, s16, s5, $0xb8;
	[tilespmem:$0xB980] =	vst v63  }
0x2f4: {  	_ =	swait.ge [sflag:s20], $0x2000  }
0x2f5: {  	s31 =	sld [smem:$0x7F3]  }
0x2f6: {  	[sflag:s20] =	ssyncset.done $0x0  }
0x2f7: {  	[sflag:s20] =	ssyncadd.s32 $0xFFFFE000  }
0x2f8: {  	[tilespmem:s10], [sflag:$0x3] =	stream.indirect.gather [hbm4b:s7+s5], $0x40, s31, s5, $0xb8;
	[tilespmem:$0xB980] =	vst v63  }
0x2f9: {  	_ =	swait.ge [sflag:s13], $0x2000  }
0x2fa: {  	[sflag:s13] =	ssyncset.done $0x0  }
0x2fb: {  	[sflag:s13] =	ssyncadd.s32 $0xFFFFE000  }
0x2fc: {  	[spmem:s2] =	stream.indirect.scatter.add.f32 [tilespmem:s8], [sflag:$0x5], $0x40, s16, s5, $0xb8;
	[tilespmem:$0xB980] =	vst v63  }
0x2fd: {  	_ =	swait.ge [sflag:s21], $0x2000  }
0x2fe: {  	s30 =	sld [smem:$0x7F4]  }
0x2ff: {  	[sflag:s21] =	ssyncset.done $0x0  }
0x300: {  	[sflag:s21] =	ssyncadd.s32 $0xFFFFE000  }
0x301: {  	[tilespmem:s12], [sflag:$0x4] =	stream.indirect.gather [hbm4b:s7+s5], $0x40, s30, s5, $0xb8;
	[tilespmem:$0xB980] =	vst v63  }
0x302: {  	_ =	swait.ge [sflag:s15], $0x2000  }
0x303: {  	[sflag:s15] =	ssyncset.done $0x0  }
0x304: {  	[sflag:s15] =	ssyncadd.s32 $0xFFFFE000  }
0x305: {  	[spmem:s2] =	stream.indirect.scatter.add.f32 [tilespmem:s9], [sflag:$0x6], $0x40, s16, s5, $0xb8;
	[tilespmem:$0xB980] =	vst v63  }
0x306: {  	_ =	swait.ge [sflag:s14], $0x2000  }
0x307: {  	s31 =	sld [smem:$0x7F5]  }
0x308: {  	[sflag:s14] =	ssyncset.done $0x0  }
0x309: {  	[sflag:s14] =	ssyncadd.s32 $0xFFFFE000  }
0x30a: {  	[tilespmem:s8], [sflag:$0x1] =	stream.indirect.gather [hbm4b:s7+s5], $0x40, s31, s5, $0xb8;
	[tilespmem:$0xB980] =	vst v63  }
0x30b: {  	_ =	swait.ge [sflag:s18], $0x2000  }
0x30c: {  	[sflag:s18] =	ssyncset.done $0x0  }
0x30d: {  	[sflag:s18] =	ssyncadd.s32 $0xFFFFE000  }
0x30e: {  	[spmem:s2] =	stream.indirect.scatter.add.f32 [tilespmem:s10], [sflag:$0x7], $0x40, s16, s5, $0xb8;
	[tilespmem:$0xB980] =	vst v63  }
0x30f: {  	_ =	swait.ge [sflag:s17], $0x2000  }
0x310: {  	s30 =	sld [smem:$0x7F6]  }
0x311: {  	[sflag:s17] =	ssyncset.done $0x0  }
0x312: {  	[sflag:s17] =	ssyncadd.s32 $0xFFFFE000  }
0x313: {  	[tilespmem:s9], [sflag:$0x2] =	stream.indirect.gather [hbm4b:s7+s5], $0x40, s30, s5, $0xb8;
	[tilespmem:$0xB980] =	vst v63  }
0x314: {  	_ =	swait.ge [sflag:s19], $0x2000  }
0x315: {  	[sflag:s19] =	ssyncset.done $0x0  }
0x316: {  	[sflag:s19] =	ssyncadd.s32 $0xFFFFE000  }
0x317: {  	[spmem:s2] =	stream.indirect.scatter.add.f32 [tilespmem:s12], [sflag:$0x8], $0x40, s16, s5, $0xb8;
	[tilespmem:$0xB980] =	vst v63  }
0x318: {  	_ =	swait.ge [sflag:s20], $0x2000  }
0x319: {  	s31 =	sld [smem:$0x7F7]  }
0x31a: {  	[sflag:s20] =	ssyncset.done $0x0  }
0x31b: {  	[sflag:s20] =	ssyncadd.s32 $0xFFFFE000  }
0x31c: {  	[tilespmem:s10], [sflag:$0x3] =	stream.indirect.gather [hbm4b:s7+s5], $0x40, s31, s5, $0xb8;
	[tilespmem:$0xB980] =	vst v63  }
0x31d: {  	_ =	swait.ge [sflag:s13], $0x2000  }
0x31e: {  	[sflag:s13] =	ssyncset.done $0x0  }
0x31f: {  	[sflag:s13] =	ssyncadd.s32 $0xFFFFE000  }
0x320: {  	[spmem:s2] =	stream.indirect.scatter.add.f32 [tilespmem:s8], [sflag:$0x5], $0x40, s16, s5, $0xb8;
	[tilespmem:$0xB980] =	vst v63  }
0x321: {  	_ =	swait.ge [sflag:s21], $0x2000  }
0x322: {  	s30 =	sld [smem:$0x7F8]  }
0x323: {  	[sflag:s21] =	ssyncset.done $0x0  }
0x324: {  	[sflag:s21] =	ssyncadd.s32 $0xFFFFE000  }
0x325: {  	[tilespmem:s12], [sflag:$0x4] =	stream.indirect.gather [hbm4b:s7+s5], $0x40, s30, s5, $0xb8;
	[tilespmem:$0xB980] =	vst v63  }
0x326: {  	_ =	swait.ge [sflag:s15], $0x2000  }
0x327: {  	[sflag:s15] =	ssyncset.done $0x0  }
0x328: {  	[sflag:s15] =	ssyncadd.s32 $0xFFFFE000  }
0x329: {  	[spmem:s2] =	stream.indirect.scatter.add.f32 [tilespmem:s9], [sflag:$0x6], $0x40, s16, s5, $0xb8;
	[tilespmem:$0xB980] =	vst v63  }
0x32a: {  	_ =	swait.ge [sflag:s14], $0x2000  }
0x32b: {  	s31 =	sld [smem:$0x7F9]  }
0x32c: {  	[sflag:s14] =	ssyncset.done $0x0  }
0x32d: {  	[sflag:s14] =	ssyncadd.s32 $0xFFFFE000  }
0x32e: {  	[tilespmem:s8], [sflag:$0x1] =	stream.indirect.gather [hbm4b:s7+s5], $0x40, s31, s5, $0xb8;
	[tilespmem:$0xB980] =	vst v63  }
0x32f: {  	_ =	swait.ge [sflag:s18], $0x2000  }
0x330: {  	[sflag:s18] =	ssyncset.done $0x0  }
0x331: {  	[sflag:s18] =	ssyncadd.s32 $0xFFFFE000  }
0x332: {  	[spmem:s2] =	stream.indirect.scatter.add.f32 [tilespmem:s10], [sflag:$0x7], $0x40, s16, s5, $0xb8;
	[tilespmem:$0xB980] =	vst v63  }
0x333: {  	_ =	swait.ge [sflag:s17], $0x2000  }
0x334: {  	s30 =	sld [smem:$0x7FA]  }
0x335: {  	[sflag:s17] =	ssyncset.done $0x0  }
0x336: {  	[sflag:s17] =	ssyncadd.s32 $0xFFFFE000  }
0x337: {  	[tilespmem:s9], [sflag:$0x2] =	stream.indirect.gather [hbm4b:s7+s5], $0x40, s30, s5, $0xb8;
	[tilespmem:$0xB980] =	vst v63  }
0x338: {  	_ =	swait.ge [sflag:s19], $0x2000  }
0x339: {  	[sflag:s19] =	ssyncset.done $0x0  }
0x33a: {  	[sflag:s19] =	ssyncadd.s32 $0xFFFFE000  }
0x33b: {  	[spmem:s2] =	stream.indirect.scatter.add.f32 [tilespmem:s12], [sflag:$0x8], $0x40, s16, s5, $0xb8;
	[tilespmem:$0xB980] =	vst v63  }
0x33c: {  	_ =	swait.ge [sflag:s20], $0x2000  }
0x33d: {  	s31 =	sld [smem:$0x7FB]  }
0x33e: {  	[sflag:s20] =	ssyncset.done $0x0  }
0x33f: {  	[sflag:s20] =	ssyncadd.s32 $0xFFFFE000  }
0x340: {  	[tilespmem:s10], [sflag:$0x3] =	stream.indirect.gather [hbm4b:s7+s5], $0x40, s31, s5, $0xb8;
	[tilespmem:$0xB980] =	vst v63  }
0x341: {  	_ =	swait.ge [sflag:s13], $0x2000  }
0x342: {  	[sflag:s13] =	ssyncset.done $0x0  }
0x343: {  	[sflag:s13] =	ssyncadd.s32 $0xFFFFE000  }
0x344: {  	[spmem:s2] =	stream.indirect.scatter.add.f32 [tilespmem:s8], [sflag:$0x5], $0x40, s16, s5, $0xb8;
	[tilespmem:$0xB980] =	vst v63  }
0x345: {  	_ =	swait.ge [sflag:s21], $0x2000  }
0x346: {  	s30 =	sld [smem:$0x7FC]  }
0x347: {  	[sflag:s21] =	ssyncset.done $0x0  }
0x348: {  	[sflag:s21] =	ssyncadd.s32 $0xFFFFE000  }
0x349: {  	[tilespmem:s12], [sflag:$0x4] =	stream.indirect.gather [hbm4b:s7+s5], $0x40, s30, s5, $0xb8;
	[tilespmem:$0xB980] =	vst v63  }
0x34a: {  	_ =	swait.ge [sflag:s15], $0x2000  }
0x34b: {  	[sflag:s15] =	ssyncset.done $0x0  }
0x34c: {  	[sflag:s15] =	ssyncadd.s32 $0xFFFFE000  }
0x34d: {  	[spmem:s2] =	stream.indirect.scatter.add.f32 [tilespmem:s9], [sflag:$0x6], $0x40, s16, s5, $0xb8;
	[tilespmem:$0xB980] =	vst v63  }
0x34e: {  	_ =	swait.ge [sflag:s14], $0x2000  }
0x34f: {  	s31 =	sld [smem:$0x7FD]  }
0x350: {  	[sflag:s14] =	ssyncset.done $0x0  }
0x351: {  	[sflag:s14] =	ssyncadd.s32 $0xFFFFE000  }
0x352: {  	[tilespmem:s8], [sflag:$0x1] =	stream.indirect.gather [hbm4b:s7+s5], $0x40, s31, s5, $0xb8;
	[tilespmem:$0xB980] =	vst v63  }
0x353: {  	_ =	swait.ge [sflag:s18], $0x2000  }
0x354: {  	[sflag:s18] =	ssyncset.done $0x0  }
0x355: {  	[sflag:s18] =	ssyncadd.s32 $0xFFFFE000  }
0x356: {  	[spmem:s2] =	stream.indirect.scatter.add.f32 [tilespmem:s10], [sflag:$0x7], $0x40, s16, s5, $0xb8;
	[tilespmem:$0xB980] =	vst v63  }
0x357: {  	_ =	swait.ge [sflag:s17], $0x2000  }
0x358: {  	[sflag:s17] =	ssyncset.done $0x0  }
0x359: {  	[sflag:s17] =	ssyncadd.s32 $0xFFFFE000  }
0x35a: {  	[tilespmem:s9], [sflag:$0x2] =	stream.indirect.gather [hbm4b:s7+s5], $0x40, s22, s5, $0xb8;
	[tilespmem:$0xB980] =	vst v63  }
0x35b: {  	_ =	swait.ge [sflag:s19], $0x2000  }
0x35c: {  	[sflag:s19] =	ssyncset.done $0x0  }
0x35d: {  	[sflag:s19] =	ssyncadd.s32 $0xFFFFE000  }
0x35e: {  	[spmem:s2] =	stream.indirect.scatter.add.f32 [tilespmem:s12], [sflag:$0x8], $0x40, s16, s5, $0xb8;
	[tilespmem:$0xB980] =	vst v63  }
0x35f: {  	_ =	swait.ge [sflag:s20], $0x2000  }
0x360: {  	[sflag:s20] =	ssyncset.done $0x0  }
0x361: {  	[sflag:s20] =	ssyncadd.s32 $0xFFFFE000  }
0x362: {  	[tilespmem:s10], [sflag:$0x3] =	stream.indirect.gather [hbm4b:s7+s5], $0x40, s23, s5, $0xb8;
	[tilespmem:$0xB980] =	vst v63  }
0x363: {  	_ =	swait.ge [sflag:s13], $0x2000  }
0x364: {  	[sflag:s13] =	ssyncset.done $0x0  }
0x365: {  	[sflag:s13] =	ssyncadd.s32 $0xFFFFE000  }
0x366: {  	[spmem:s2] =	stream.indirect.scatter.add.f32 [tilespmem:s8], [sflag:$0x5], $0x40, s16, s5, $0xb8;
	[tilespmem:$0xB980] =	vst v63  }
0x367: {  	_ =	swait.ge [sflag:s21], $0x2000  }
0x368: {  	[sflag:s21] =	ssyncset.done $0x0  }
0x369: {  	[sflag:s21] =	ssyncadd.s32 $0xFFFFE000  }
0x36a: {  	[tilespmem:s12], [sflag:$0x4] =	stream.indirect.gather [hbm4b:s7+s5], $0x40, s24, s5, $0xb8;
	[tilespmem:$0xB980] =	vst v63  }
0x36b: {  	_ =	swait.ge [sflag:s15], $0x2000  }
0x36c: {  	[sflag:s15] =	ssyncset.done $0x0  }
0x36d: {  	[sflag:s15] =	ssyncadd.s32 $0xFFFFE000  }
0x36e: {  	[spmem:s2] =	stream.indirect.scatter.add.f32 [tilespmem:s9], [sflag:$0x6], $0x40, s16, s5, $0xb8;
	[tilespmem:$0xB980] =	vst v63  }
0x36f: {  	_ =	swait.ge [sflag:s14], $0x2000  }
0x370: {  	[sflag:s14] =	ssyncset.done $0x0  }
0x371: {  	[sflag:s14] =	ssyncadd.s32 $0xFFFFE000  }
0x372: {  	[tilespmem:s8], [sflag:$0x1] =	stream.indirect.gather [hbm4b:s7+s5], $0x40, s25, s5, $0xb8;
	[tilespmem:$0xB980] =	vst v63  }
0x373: {  	_ =	swait.ge [sflag:s18], $0x2000  }
0x374: {  	[sflag:s18] =	ssyncset.done $0x0  }
0x375: {  	[sflag:s18] =	ssyncadd.s32 $0xFFFFE000  }
0x376: {  	[spmem:s2] =	stream.indirect.scatter.add.f32 [tilespmem:s10], [sflag:$0x7], $0x40, s16, s5, $0xb8;
	[tilespmem:$0xB980] =	vst v63  }
0x377: {  	_ =	swait.ge [sflag:s17], $0x2000  }
0x378: {  	[sflag:s17] =	ssyncset.done $0x0  }
0x379: {  	[sflag:s17] =	ssyncadd.s32 $0xFFFFE000  }
0x37a: {  	[tilespmem:s9], [sflag:$0x2] =	stream.indirect.gather [hbm4b:s7+s5], $0x40, s26, s5, $0xb8;
	[tilespmem:$0xB980] =	vst v63  }
0x37b: {  	_ =	swait.ge [sflag:s19], $0x2000  }
0x37c: {  	[sflag:s19] =	ssyncset.done $0x0  }
0x37d: {  	[sflag:s19] =	ssyncadd.s32 $0xFFFFE000  }
0x37e: {  	[spmem:s2] =	stream.indirect.scatter.add.f32 [tilespmem:s12], [sflag:$0x8], $0x40, s16, s5, $0xb8;
	[tilespmem:$0xB980] =	vst v63  }
0x37f: {  	_ =	swait.ge [sflag:s20], $0x2000  }
0x380: {  	[sflag:s20] =	ssyncset.done $0x0  }
0x381: {  	[sflag:s20] =	ssyncadd.s32 $0xFFFFE000  }
0x382: {  	_ =	swait.ge [sflag:s13], $0x2000  }
0x383: {  	[sflag:s13] =	ssyncset.done $0x0  }
0x384: {  	[sflag:s13] =	ssyncadd.s32 $0xFFFFE000  }
0x385: {  	[spmem:s2] =	stream.indirect.scatter.add.f32 [tilespmem:s8], [sflag:$0x5], $0x40, s16, s5, $0xb8;
	[tilespmem:$0xB980] =	vst v63  }
0x386: {  	_ =	swait.ge [sflag:s21], $0x2000  }
0x387: {  	[sflag:s21] =	ssyncset.done $0x0  }
0x388: {  	[sflag:s21] =	ssyncadd.s32 $0xFFFFE000  }
0x389: {  	_ =	swait.ge [sflag:s15], $0x2000  }
0x38a: {  	p0 =	sne.s32 s28, $0x1;
	[sflag:s15] =	ssyncset.done $0x0  }
.Ltmp1:
0x38b: {  	[sflag:s15] =	ssyncadd.s32 $0xFFFFE000;
	(pc) =	sbr.rel @p0 .LBB2_1-.Ltmp1, $4  }
0x38c: {  	[spmem:s2] =	stream.indirect.scatter.add.f32 [tilespmem:s9], [sflag:$0x6], $0x40, s16, s5, $0xb8;
	[tilespmem:$0xB980] =	vst v63  }
0x38d: {  	_ =	swait.ge [sflag:s14], $0x2000  }
0x38e: {  	[sflag:s14] =	ssyncset.done $0x0  }
0x38f: {  	s28 =	sadd.s32 $0xFFFFFFFF, s28;
	[sflag:s14] =	ssyncadd.s32 $0xFFFFE000  }
.LBB2_2:
0x390: {  	_ =	swait.ge [sflag:s17], $0x2000  }
0x391: {  	s3 =	sshll.u32 s0, $0x6;
	s5 =	sshrl.u32 s11, $0x3;
	[sflag:s17] =	ssyncset.done $0x0  }
0x392: {  	s2 =	rddreg [dreg:$0x4];
	s3 =	sor.u32 $0x1C09, s3;
	[sflag:s17] =	ssyncadd.s32 $0xFFFFE000  }
0x393: {  	[hbm:s2], [sflag:s3] =	dma.local [spmem:s5], $0x400  }
0x394: {  	_ =	swait.ge [sflag:s4], $0x400  }
0x395: {  	[sflag:s4] =	ssyncset.done $0x0  }
0x396: {  	[sflag:s4] =	ssyncadd.s32 $0xFFFFFC00  }
0x397: {  	_ =	sfence.sel $0x180000  }
0x398: {  	[bflag:$0x0] =	sbarrier.arrive $0xFFFF  }
0x399: {  	p0 =	sne.s32 s0, $0x0;
	_ =	strace $0x90000047  }
0x39a: {  	s0 =	sadd.s32 @!p0 $0x100000, s1;
	[bflag:$0x2] =	sbarrier.arrive $0xFFFF  }
0x39b: {  	[sflag:s0] =	ssyncadd.tile.s32 @!p0 $0x1;
	_ =	shalt  }
.Lfunc_end2:
_tile_overlayer_lowered:
.L_overlay_start_2:
0x39c: {  	(tag) =	ssettag $0x2  }
0x39d: {  	s0 =	rddreg [dreg:$0x0];
	s2 =	stileid.u32  }
0x39e: {  	s1 =	rddreg [dreg:$0x1];
	p0 =	sne.s32 s2, $0x0  }
0x39f: {  	s3 =	rddreg [dreg:$0x2];
	[bflag:$0x3] =	sbarrier.arrive $0xFFFF;
	s2 =	simm.s32 @!p0 $0x1C09  }
0x3a0: {  	[timem:s3], [sflag:s2] =	dma.local @!p0 [hbm:s0], s1  }
0x3a1: {  	s0 =	simm.s32 @!p0 $0x9  }
0x3a2: {  	_ =	swait.ge @!p0 [sflag:s0], s1  }
0x3a3: {  	s1 =	ssub.s32 @!p0 $0x0, s1;
	[sflag:s0] =	ssyncset.done @!p0 $0x0  }
0x3a4: {  	[sflag:s0] =	ssyncadd.s32 @!p0 s1  }
0x3a5: {  	[bflag:$0x3] =	sbarrier.arrive $0xFFFF  }
0x3a6: {  	_ =	shalt  }

</sc_bundles>
